<compile_context>
chip_gen: v7x
topology: tpu7x:2x2x1
jax: 0.10.2.dev20260603
libtpu: 0.0.44.dev20260713+nightly
codegen_flags: <defaults>
</compile_context>

<pallas_src>
import functools

import jax
import jax.numpy as jnp
from jax import lax
from jax.experimental import pallas as pl
from jax.experimental.pallas import tpu as pltpu
from jax.experimental.pallas import tpu_sc as plsc

B, Q, D, H, L, P = 2, 5440, 512, 16, 4, 4
HD = D // H
LEVEL_SHAPES = ((64, 64), (32, 32), (16, 16), (8, 8))
V = sum(h * w for h, w in LEVEL_SHAPES)
C = H * L * P
N = B * Q * H
NCORN = 4 * L * P

QB = 680
MB = 680

_HP = lax.Precision.HIGHEST


def _dot(a, b):
    return lax.dot_general(a, b, (((1,), (0,)), ((), ())),
                           precision=_HP, preferred_element_type=jnp.float32)


def _dot_bf(a, b):
    return lax.dot_general(a.astype(jnp.bfloat16), b.astype(jnp.bfloat16),
                           (((1,), (0,)), ((), ())),
                           preferred_element_type=jnp.float32)


def _prep_body(q_ref, rx_ref, ry_ref, woxT_ref, woyT_ref, waT_ref, bias_ref,
               i00_ref, i01_ref, i10_ref, i11_ref,
               w00_ref, w01_ref, w10_ref, w11_ref):
    q = q_ref[0]
    bx = bias_ref[0:1, :]
    by = bias_ref[1:2, :]
    ba = bias_ref[2:3, :]

    offx = jnp.tanh(_dot_bf(q, woxT_ref[...]) + bx)
    offy = jnp.tanh(_dot_bf(q, woyT_ref[...]) + by)

    logits = _dot_bf(q, waT_ref[...]) + ba
    m = jnp.max(logits, axis=-1, keepdims=True)
    e = jnp.exp(logits - m)
    gi = lax.broadcasted_iota(jnp.int32, (C, C), 0)
    gj = lax.broadcasted_iota(jnp.int32, (C, C), 1)
    G = ((gi >> 4) == (gj >> 4)).astype(jnp.float32)
    denom = _dot(e, G)
    attn = e / denom

    li = lax.broadcasted_iota(jnp.int32, (L, C), 0)
    lc = lax.broadcasted_iota(jnp.int32, (L, C), 1)
    E = (li == ((lc >> 2) & 3)).astype(jnp.float32)
    rx = _dot(rx_ref[0], E)
    ry = _dot(ry_ref[0], E)

    ch = lax.broadcasted_iota(jnp.int32, (1, C), 1)
    lvl = (ch >> 2) & 3
    head = ch >> 4
    wl = 64 >> lvl
    start = jnp.where(lvl == 0, 0,
            jnp.where(lvl == 1, 4096,
            jnp.where(lvl == 2, 5120, 5376)))
    base = (pl.program_id(0) * H + head) * V + start
    scale = 0.5 * (wl.astype(jnp.float32) - 1.0)

    ix = (jnp.clip(rx + offx, -1.0, 1.0) + 1.0) * scale
    iy = (jnp.clip(ry + offy, -1.0, 1.0) + 1.0) * scale
    x0 = jnp.floor(ix)
    y0 = jnp.floor(iy)
    fx = ix - x0
    fy = iy - y0
    x0i = x0.astype(jnp.int32)
    y0i = y0.astype(jnp.int32)
    x1i = jnp.minimum(x0i + 1, wl - 1)
    y1i = jnp.minimum(y0i + 1, wl - 1)

    i00_ref[0] = base + y0i * wl + x0i
    i01_ref[0] = base + y0i * wl + x1i
    i10_ref[0] = base + y1i * wl + x0i
    i11_ref[0] = base + y1i * wl + x1i
    gx = 1.0 - fx
    gy = 1.0 - fy
    w00_ref[0] = gx * gy * attn
    w01_ref[0] = fx * gy * attn
    w10_ref[0] = gx * fy * attn
    w11_ref[0] = fx * fy * attn


def _prep(queries, refx, refy, woxT, woyT, waT, bias, interpret=False):
    iS = jax.ShapeDtypeStruct((B, Q, C), jnp.int32)
    fS = jax.ShapeDtypeStruct((B, Q, C), jnp.float32)
    qspec = pl.BlockSpec((1, QB, D), lambda b, i: (b, i, 0))
    rspec = pl.BlockSpec((1, QB, L), lambda b, i: (b, i, 0))
    wspec = pl.BlockSpec((D, C), lambda b, i: (0, 0))
    bspec = pl.BlockSpec((8, C), lambda b, i: (0, 0))
    ospec = pl.BlockSpec((1, QB, C), lambda b, i: (b, i, 0))
    return pl.pallas_call(
        _prep_body,
        grid=(B, Q // QB),
        in_specs=[qspec, rspec, rspec, wspec, wspec, wspec, bspec],
        out_specs=[ospec] * 8,
        out_shape=[iS, iS, iS, iS, fS, fS, fS, fS],
        interpret=interpret,
    )(queries, refx, refy, woxT, woyT, waT, bias)


def _mm_body(a_ref, b_ref, o_ref):
    o_ref[...] = _dot_bf(a_ref[...], b_ref[...])


def _vproj_body(a_ref, b_ref, o_ref):
    x = _dot_bf(a_ref[0], b_ref[...])
    for h in range(H):
        o_ref[0, h] = x[:, h * HD:(h + 1) * HD]


def _vproj(value, wvT):
    return pl.pallas_call(
        _vproj_body,
        grid=(B, V // MB),
        in_specs=[pl.BlockSpec((1, MB, D), lambda b, i: (b, i, 0)),
                  pl.BlockSpec((D, D), lambda b, i: (0, 0))],
        out_specs=pl.BlockSpec((1, H, MB, HD), lambda b, i: (b, 0, i, 0)),
        out_shape=jax.ShapeDtypeStruct((B, H, V, HD), jnp.float32),
    )(value, wvT)


def _matmul(a, bt, interpret=False):
    M, K = a.shape
    Nn = bt.shape[1]
    return pl.pallas_call(
        _mm_body,
        grid=(M // MB,),
        in_specs=[pl.BlockSpec((MB, K), lambda i: (i, 0)),
                  pl.BlockSpec((K, Nn), lambda i: (0, 0))],
        out_specs=pl.BlockSpec((MB, Nn), lambda i: (i, 0)),
        out_shape=jax.ShapeDtypeStruct((M, Nn), jnp.float32),
        interpret=interpret,
    )(a, bt)


NW = 32
ROWS_W = N // NW
RCH = 16
GN = RCH * NCORN
NIT = ROWS_W // RCH


def _sc_body(i00, i01, i10, i11, w00, w01, w10, w11, tab_hbm, out_hbm,
             idx_v0, idx_v1, w_v0, w_v1, rows_v0, rows_v1, out_v0, out_v1,
             sem_i0, sem_i1, sem_g0, sem_g1):
    wid = lax.axis_index("s") * 2 + lax.axis_index("c")
    row_base = wid * ROWS_W
    idx_in = (i00, i01, i10, i11)
    w_in = (w00, w01, w10, w11)
    idx_v = (idx_v0, idx_v1)
    w_v = (w_v0, w_v1)
    rows_v = (rows_v0, rows_v1)
    out_v = (out_v0, out_v1)
    sem_i = (sem_i0, sem_i1)
    sem_g = (sem_g0, sem_g1)
    QR = RCH * 16

    def stage_idxw(it, s):
        e0 = pl.multiple_of((row_base + it * RCH) * 16, QR)
        cps = []
        for c in range(4):
            cps.append(pltpu.async_copy(idx_in[c].at[pl.ds(e0, QR)],
                                        idx_v[s].at[pl.ds(c * QR, QR)],
                                        sem_i[s]))
            cps.append(pltpu.async_copy(w_in[c].at[pl.ds(e0, QR)],
                                        w_v[s].at[pl.ds(c * QR, QR)],
                                        sem_i[s]))
        return cps

    def start_gathers(s):
        return [pltpu.async_copy(tab_hbm.at[idx_v[s].at[pl.ds(j * 128, 128)]],
                                 rows_v[s].at[pl.ds(j * 128, 128)], sem_g[s])
                for j in range(GN // 128)]

    def drain_gathers(s):
        for j in range(GN // 128):
            pltpu.make_async_copy(tab_hbm.at[pl.ds(0, 128)],
                                  rows_v[s].at[pl.ds(j * 128, 128)],
                                  sem_g[s]).wait()

    def compute(it, s):
        row0 = pl.multiple_of(row_base + it * RCH, RCH)

        def row(r, rc):
            acc0 = jnp.zeros((16,), jnp.float32)
            acc1 = jnp.zeros((16,), jnp.float32)
            for c in range(4):
                k0 = c * QR + r * 16
                wv = w_v[s][pl.ds(k0, 16)]
                for jj in range(16):
                    ws = wv[jj]
                    acc0 = acc0 + rows_v[s][k0 + jj, pl.ds(0, 16)] * ws
                    acc1 = acc1 + rows_v[s][k0 + jj, pl.ds(16, 16)] * ws
            out_v[s][0, pl.ds(r * HD, 16)] = acc0
            out_v[s][0, pl.ds(r * HD + 16, 16)] = acc1
            return rc

        lax.fori_loop(0, RCH, row, 0)
        pltpu.sync_copy(out_v[s], out_hbm.at[pl.ds(row0 // RCH, 1)])

    for cp in stage_idxw(0, 0):
        cp.wait()
    start_gathers(0)

    def pair(tt, carry):
        it0 = tt * 2
        for s in range(2):
            it = it0 + s
            nxt = 1 - s
            it_n = jnp.minimum(it + 1, NIT - 1)
            drain_gathers(s)
            pre = stage_idxw(it_n, nxt)
            compute(it, s)
            for cp in pre:
                cp.wait()
            start_gathers(nxt)
        return carry

    lax.fori_loop(0, NIT // 2, pair, 0)
    drain_gathers(0)


def _sc_gather(idx4, w4, table):
    mesh = plsc.VectorSubcoreMesh(core_axis_name="c", subcore_axis_name="s")
    f = functools.partial(
        pl.kernel, _sc_body, mesh=mesh,
        compiler_params=pltpu.CompilerParams(use_tc_tiling_on_sc=False),
        out_type=jax.ShapeDtypeStruct((B * Q, D), jnp.float32),
        scratch_types=(
            [pltpu.VMEM((GN,), jnp.int32)] * 2
            + [pltpu.VMEM((GN,), jnp.float32)] * 2
            + [pltpu.VMEM((GN, HD), jnp.float32)] * 2
            + [pltpu.VMEM((1, RCH * HD), jnp.float32)] * 2
            + [pltpu.SemaphoreType.DMA] * 4
        ),
    )()
    return f(*idx4, *w4, table)


def kernel(queries, ref_points, value, value_spatial_shapes,
           W_v, W_off, b_off, W_attn, b_attn, W_out):
    del value_spatial_shapes
    woxT = W_off[0::2].T
    woyT = W_off[1::2].T
    waT = W_attn.T
    bias = jnp.zeros((8, C), jnp.float32)
    bias = bias.at[0].set(b_off[0::2]).at[1].set(b_off[1::2]).at[2].set(b_attn)
    refx = ref_points[..., 0]
    refy = ref_points[..., 1]

    i00, i01, i10, i11, w00, w01, w10, w11 = _prep(
        queries, refx, refy, woxT, woyT, waT, bias)

    table = _vproj(value, W_v.T).reshape(B * H * V, HD)

    idx4 = [a.reshape(-1) for a in (i00, i01, i10, i11)]
    w4 = [a.reshape(-1) for a in (w00, w01, w10, w11)]

    sc_out = _sc_gather(idx4, w4, table)

    out = _matmul(sc_out, W_out.T)
    return out.reshape(B, Q, D)

# --- scband reference (transcript-rebuilt; emitter-appended) ---
"""Pipeline reference for scband-deformable-attention-45337674776967 (READ-ONLY COPY).

The authoritative reference and input builder live on the scoring server;
editing this copy changes nothing except your own understanding.
"""

import jax, jax.numpy as jnp
import numpy as np

B, Q, D, H, L, P = 2, 5440, 512, 16, 4, 4
HD = D // H
LEVEL_SHAPES = [(64, 64), (32, 32), (16, 16), (8, 8)]
V = sum(h * w for h, w in LEVEL_SHAPES)


def _bilinear_sample(fmap, grid):
    # fmap: (N, C, Hh, Ww); grid: (N, Gq, Gp, 2) with xy in [-1, 1]
    # Matches torch.nn.functional.grid_sample(mode='bilinear', align_corners=True, padding_mode='zeros')
    N, C, Hh, Ww = fmap.shape
    x = grid[..., 0]
    y = grid[..., 1]
    ix = (x + 1.0) * 0.5 * (Ww - 1)
    iy = (y + 1.0) * 0.5 * (Hh - 1)
    x0 = jnp.floor(ix)
    y0 = jnp.floor(iy)
    x1 = x0 + 1.0
    y1 = y0 + 1.0
    wx1 = ix - x0
    wx0 = 1.0 - wx1
    wy1 = iy - y0
    wy0 = 1.0 - wy1
    flat = fmap.reshape(N, C, Hh * Ww)

    def gather(xc, yc):
        mask = ((xc >= 0) & (xc <= Ww - 1) & (yc >= 0) & (yc <= Hh - 1)).astype(fmap.dtype)
        xi = jnp.clip(xc, 0, Ww - 1).astype(jnp.int32)
        yi = jnp.clip(yc, 0, Hh - 1).astype(jnp.int32)
        lin = (yi * Ww + xi).reshape(N, 1, -1)
        g = jnp.take_along_axis(flat, jnp.broadcast_to(lin, (N, C, lin.shape[-1])), axis=2)
        return g.reshape(N, C, *xc.shape[1:]), mask

    v00, m00 = gather(x0, y0)
    v01, m01 = gather(x1, y0)
    v10, m10 = gather(x0, y1)
    v11, m11 = gather(x1, y1)
    w00 = (wx0 * wy0 * m00)[:, None]
    w01 = (wx1 * wy0 * m01)[:, None]
    w10 = (wx0 * wy1 * m10)[:, None]
    w11 = (wx1 * wy1 * m11)[:, None]
    return v00 * w00 + v01 * w01 + v10 * w10 + v11 * w11


def _forward(queries, ref_points, value, W_v, W_off, b_off, W_attn, b_attn, W_out):
    Bq, Qq, Dq = queries.shape
    Vv = value.shape[1]
    # offsets_fc = Linear + Tanh; offset_scale = 1.0
    offsets = jnp.tanh(queries @ W_off.T + b_off)
    offsets = offsets.reshape(Bq, Qq, H, L, P, 2)
    val = (value @ W_v.T).reshape(Bq, Vv, H, HD)
    attn = (queries @ W_attn.T + b_attn).reshape(Bq, Qq, H, L * P)
    attn = jax.nn.softmax(attn, axis=-1).reshape(Bq, Qq, H, L, P)
    sample_locs = jnp.clip(ref_points[:, :, None, :, None, :] + offsets, -1.0, 1.0)
    val = val.transpose(0, 2, 3, 1).reshape(Bq * H, HD, Vv)
    attn_p = attn.transpose(0, 2, 3, 1, 4).reshape(Bq * H, L, Qq, P)
    locs = sample_locs.transpose(0, 2, 3, 1, 4, 5).reshape(Bq * H, L, Qq, P, 2)
    output = jnp.zeros((Bq * H, HD, Qq, P), dtype=queries.dtype)
    start = 0
    for lvl, (Hl, Wl) in enumerate(LEVEL_SHAPES):
        fmap = val[:, :, start:start + Hl * Wl].reshape(Bq * H, HD, Hl, Wl)
        sampled = _bilinear_sample(fmap, locs[:, lvl])
        output = output + sampled * attn_p[:, lvl][:, None]
        start += Hl * Wl
    output = output.reshape(Bq, D, Qq, P).sum(axis=-1).transpose(0, 2, 1)
    # out_fc = Linear(no bias) + Dropout (eval mode -> identity)
    return output @ W_out.T


def setup_inputs(seed: int = 0) -> dict:
    key = jax.random.key(seed)
    ks = jax.random.split(key, 8)
    s = float(1.0 / np.sqrt(D))
    return {
        "queries": jax.random.normal(ks[0], (B, Q, D), jnp.float32),
        "ref_points": jax.random.uniform(ks[1], (B, Q, L, 2), jnp.float32),  # already in [-1, 1]
        "value": jax.random.normal(ks[2], (B, V, D), jnp.float32),
        "value_spatial_shapes": jnp.array(LEVEL_SHAPES, dtype=jnp.int64),
        "W_v": jax.random.uniform(ks[3], (D, D), jnp.float32, -s, s),
        "W_off": jax.random.uniform(ks[4], (H * L * P * 2, D), jnp.float32, -s, s),
        "b_off": jnp.zeros((H * L * P * 2,), jnp.float32),
        "W_attn": jax.random.uniform(ks[5], (H * L * P, D), jnp.float32, -s, s),
        "b_attn": jnp.zeros((H * L * P,), jnp.float32),
        "W_out": jax.random.uniform(ks[6], (D, D), jnp.float32, -s, s),
    }


def reference(queries, ref_points, value, value_spatial_shapes, W_v, W_off, b_off, W_attn, b_attn, W_out):
    del value_spatial_shapes  # static level shapes closed over via LEVEL_SHAPES
    return _forward(queries, ref_points, value, W_v, W_off, b_off, W_attn, b_attn, W_out)

if __name__ == "__main__":
    import jax
    _d = setup_inputs()
    print(jax.jit(kernel)(*tuple(_d.values())))

</pallas_src>

<mosaic_0001>
#map = affine_map<(d0, d1) -> (0)>
#map1 = affine_map<(d0, d1) -> (0, 0)>
module attributes {stable_mosaic.version = 14 : i64} {
  func.func @_sc_body(%arg0: i32, %arg1: i32, %arg2: memref<2785280xi32, #tpu.memory_space<hbm>>, %arg3: memref<2785280xi32, #tpu.memory_space<hbm>>, %arg4: memref<2785280xi32, #tpu.memory_space<hbm>>, %arg5: memref<2785280xi32, #tpu.memory_space<hbm>>, %arg6: memref<2785280xf32, #tpu.memory_space<hbm>>, %arg7: memref<2785280xf32, #tpu.memory_space<hbm>>, %arg8: memref<2785280xf32, #tpu.memory_space<hbm>>, %arg9: memref<2785280xf32, #tpu.memory_space<hbm>>, %arg10: memref<174080x32xf32, #tpu.memory_space<hbm>>, %arg11: memref<10880x512xf32, #tpu.memory_space<hbm>>, %arg12: memref<1024xi32, #tpu.memory_space<vmem>>, %arg13: memref<1024xi32, #tpu.memory_space<vmem>>, %arg14: memref<1024xf32, #tpu.memory_space<vmem>>, %arg15: memref<1024xf32, #tpu.memory_space<vmem>>, %arg16: memref<1024x32xf32, #tpu.memory_space<vmem>>, %arg17: memref<1024x32xf32, #tpu.memory_space<vmem>>, %arg18: memref<1x512xf32, #tpu.memory_space<vmem>>, %arg19: memref<1x512xf32, #tpu.memory_space<vmem>>, %arg20: memref<!tpu.dma_semaphore, #tpu.memory_space<semaphore_mem>>, %arg21: memref<!tpu.dma_semaphore, #tpu.memory_space<semaphore_mem>>, %arg22: memref<!tpu.dma_semaphore, #tpu.memory_space<semaphore_mem>>, %arg23: memref<!tpu.dma_semaphore, #tpu.memory_space<semaphore_mem>>) attributes {dimension_semantics = [#tpu.dimension_semantics<core_parallel>, #tpu.dimension_semantics<subcore_parallel>], iteration_bounds = array<i64: 2, 16>, scalar_prefetch = 0 : i64, scratch_operands = 12 : i64, tpu.core_type = #tpu.core_type<sc_vector_subcore>, window_params = [{transform_indices = #map}, {transform_indices = #map}, {transform_indices = #map}, {transform_indices = #map}, {transform_indices = #map}, {transform_indices = #map}, {transform_indices = #map}, {transform_indices = #map}, {transform_indices = #map1}, {transform_indices = #map1}]} {
    %mul3A = arith.constant 2 : i32
    %mul3A_0 = arith.muli %arg1, %mul3A : i32
    %add3A = arith.addi %mul3A_0, %arg0 : i32
    %mul3A_1 = arith.constant 5440 : i32
    %mul3A_2 = arith.muli %add3A, %mul3A_1 : i32
    %add3A_3 = arith.constant 0 : i32
    %add3A_4 = arith.addi %mul3A_2, %add3A_3 : i32
    %mul3A_5 = arith.constant 16 : i32
    %mul3A_6 = arith.muli %add3A_4, %mul3A_5 : i32
    %multiple_of3A = tpu.assume_multiple %mul3A_6, 256 : i32
    %dma_start3A = arith.constant 0 : i32
    %dma_start3A_7 = tpu.memref_slice %arg12[%dma_start3A] : memref<1024xi32, #tpu.memory_space<vmem>> -> memref<256xi32, #tpu.memory_space<vmem>>
    %dma_start3A_8 = tpu.memref_slice %arg2[%multiple_of3A] : memref<2785280xi32, #tpu.memory_space<hbm>> -> memref<256xi32, #tpu.memory_space<hbm>>
    %dma_start3A_9 = arith.constant 0 : i32
    %dma_start3A_10 = tpu.memref_slice %arg12[%dma_start3A_9] : memref<1024xi32, #tpu.memory_space<vmem>> -> memref<256xi32, #tpu.memory_space<vmem>>
    %dma_start3A_11 = tpu.memref_slice %arg2[%multiple_of3A] : memref<2785280xi32, #tpu.memory_space<hbm>> -> memref<256xi32, #tpu.memory_space<hbm>>
    tpu.enqueue_dma source(%dma_start3A_11 : memref<256xi32, #tpu.memory_space<hbm>>) target(%dma_start3A_10 : memref<256xi32, #tpu.memory_space<vmem>>) target_semaphore(%arg20 : memref<!tpu.dma_semaphore, #tpu.memory_space<semaphore_mem>>)
    %dma_start3A_12 = arith.constant 0 : i32
    %dma_start3A_13 = tpu.memref_slice %arg14[%dma_start3A_12] : memref<1024xf32, #tpu.memory_space<vmem>> -> memref<256xf32, #tpu.memory_space<vmem>>
    %dma_start3A_14 = tpu.memref_slice %arg6[%multiple_of3A] : memref<2785280xf32, #tpu.memory_space<hbm>> -> memref<256xf32, #tpu.memory_space<hbm>>
    %dma_start3A_15 = arith.constant 0 : i32
    %dma_start3A_16 = tpu.memref_slice %arg14[%dma_start3A_15] : memref<1024xf32, #tpu.memory_space<vmem>> -> memref<256xf32, #tpu.memory_space<vmem>>
    %dma_start3A_17 = tpu.memref_slice %arg6[%multiple_of3A] : memref<2785280xf32, #tpu.memory_space<hbm>> -> memref<256xf32, #tpu.memory_space<hbm>>
    tpu.enqueue_dma source(%dma_start3A_17 : memref<256xf32, #tpu.memory_space<hbm>>) target(%dma_start3A_16 : memref<256xf32, #tpu.memory_space<vmem>>) target_semaphore(%arg20 : memref<!tpu.dma_semaphore, #tpu.memory_space<semaphore_mem>>)
    %dma_start3A_18 = arith.constant 256 : i32
    %dma_start3A_19 = tpu.memref_slice %arg12[%dma_start3A_18] : memref<1024xi32, #tpu.memory_space<vmem>> -> memref<256xi32, #tpu.memory_space<vmem>>
    %dma_start3A_20 = tpu.memref_slice %arg3[%multiple_of3A] : memref<2785280xi32, #tpu.memory_space<hbm>> -> memref<256xi32, #tpu.memory_space<hbm>>
    %dma_start3A_21 = arith.constant 256 : i32
    %dma_start3A_22 = tpu.memref_slice %arg12[%dma_start3A_21] : memref<1024xi32, #tpu.memory_space<vmem>> -> memref<256xi32, #tpu.memory_space<vmem>>
    %dma_start3A_23 = tpu.memref_slice %arg3[%multiple_of3A] : memref<2785280xi32, #tpu.memory_space<hbm>> -> memref<256xi32, #tpu.memory_space<hbm>>
    tpu.enqueue_dma source(%dma_start3A_23 : memref<256xi32, #tpu.memory_space<hbm>>) target(%dma_start3A_22 : memref<256xi32, #tpu.memory_space<vmem>>) target_semaphore(%arg20 : memref<!tpu.dma_semaphore, #tpu.memory_space<semaphore_mem>>)
    %dma_start3A_24 = arith.constant 256 : i32
    %dma_start3A_25 = tpu.memref_slice %arg14[%dma_start3A_24] : memref<1024xf32, #tpu.memory_space<vmem>> -> memref<256xf32, #tpu.memory_space<vmem>>
    %dma_start3A_26 = tpu.memref_slice %arg7[%multiple_of3A] : memref<2785280xf32, #tpu.memory_space<hbm>> -> memref<256xf32, #tpu.memory_space<hbm>>
    %dma_start3A_27 = arith.constant 256 : i32
    %dma_start3A_28 = tpu.memref_slice %arg14[%dma_start3A_27] : memref<1024xf32, #tpu.memory_space<vmem>> -> memref<256xf32, #tpu.memory_space<vmem>>
    %dma_start3A_29 = tpu.memref_slice %arg7[%multiple_of3A] : memref<2785280xf32, #tpu.memory_space<hbm>> -> memref<256xf32, #tpu.memory_space<hbm>>
    tpu.enqueue_dma source(%dma_start3A_29 : memref<256xf32, #tpu.memory_space<hbm>>) target(%dma_start3A_28 : memref<256xf32, #tpu.memory_space<vmem>>) target_semaphore(%arg20 : memref<!tpu.dma_semaphore, #tpu.memory_space<semaphore_mem>>)
    %dma_start3A_30 = arith.constant 512 : i32
    %dma_start3A_31 = tpu.memref_slice %arg12[%dma_start3A_30] : memref<1024xi32, #tpu.memory_space<vmem>> -> memref<256xi32, #tpu.memory_space<vmem>>
    %dma_start3A_32 = tpu.memref_slice %arg4[%multiple_of3A] : memref<2785280xi32, #tpu.memory_space<hbm>> -> memref<256xi32, #tpu.memory_space<hbm>>
    %dma_start3A_33 = arith.constant 512 : i32
    %dma_start3A_34 = tpu.memref_slice %arg12[%dma_start3A_33] : memref<1024xi32, #tpu.memory_space<vmem>> -> memref<256xi32, #tpu.memory_space<vmem>>
    %dma_start3A_35 = tpu.memref_slice %arg4[%multiple_of3A] : memref<2785280xi32, #tpu.memory_space<hbm>> -> memref<256xi32, #tpu.memory_space<hbm>>
    tpu.enqueue_dma source(%dma_start3A_35 : memref<256xi32, #tpu.memory_space<hbm>>) target(%dma_start3A_34 : memref<256xi32, #tpu.memory_space<vmem>>) target_semaphore(%arg20 : memref<!tpu.dma_semaphore, #tpu.memory_space<semaphore_mem>>)
    %dma_start3A_36 = arith.constant 512 : i32
    %dma_start3A_37 = tpu.memref_slice %arg14[%dma_start3A_36] : memref<1024xf32, #tpu.memory_space<vmem>> -> memref<256xf32, #tpu.memory_space<vmem>>
    %dma_start3A_38 = tpu.memref_slice %arg8[%multiple_of3A] : memref<2785280xf32, #tpu.memory_space<hbm>> -> memref<256xf32, #tpu.memory_space<hbm>>
    %dma_start3A_39 = arith.constant 512 : i32
    %dma_start3A_40 = tpu.memref_slice %arg14[%dma_start3A_39] : memref<1024xf32, #tpu.memory_space<vmem>> -> memref<256xf32, #tpu.memory_space<vmem>>
    %dma_start3A_41 = tpu.memref_slice %arg8[%multiple_of3A] : memref<2785280xf32, #tpu.memory_space<hbm>> -> memref<256xf32, #tpu.memory_space<hbm>>
    tpu.enqueue_dma source(%dma_start3A_41 : memref<256xf32, #tpu.memory_space<hbm>>) target(%dma_start3A_40 : memref<256xf32, #tpu.memory_space<vmem>>) target_semaphore(%arg20 : memref<!tpu.dma_semaphore, #tpu.memory_space<semaphore_mem>>)
    %dma_start3A_42 = arith.constant 768 : i32
    %dma_start3A_43 = tpu.memref_slice %arg12[%dma_start3A_42] : memref<1024xi32, #tpu.memory_space<vmem>> -> memref<256xi32, #tpu.memory_space<vmem>>
    %dma_start3A_44 = tpu.memref_slice %arg5[%multiple_of3A] : memref<2785280xi32, #tpu.memory_space<hbm>> -> memref<256xi32, #tpu.memory_space<hbm>>
    %dma_start3A_45 = arith.constant 768 : i32
    %dma_start3A_46 = tpu.memref_slice %arg12[%dma_start3A_45] : memref<1024xi32, #tpu.memory_space<vmem>> -> memref<256xi32, #tpu.memory_space<vmem>>
    %dma_start3A_47 = tpu.memref_slice %arg5[%multiple_of3A] : memref<2785280xi32, #tpu.memory_space<hbm>> -> memref<256xi32, #tpu.memory_space<hbm>>
    tpu.enqueue_dma source(%dma_start3A_47 : memref<256xi32, #tpu.memory_space<hbm>>) target(%dma_start3A_46 : memref<256xi32, #tpu.memory_space<vmem>>) target_semaphore(%arg20 : memref<!tpu.dma_semaphore, #tpu.memory_space<semaphore_mem>>)
    %dma_start3A_48 = arith.constant 768 : i32
    %dma_start3A_49 = tpu.memref_slice %arg14[%dma_start3A_48] : memref<1024xf32, #tpu.memory_space<vmem>> -> memref<256xf32, #tpu.memory_space<vmem>>
    %dma_start3A_50 = tpu.memref_slice %arg9[%multiple_of3A] : memref<2785280xf32, #tpu.memory_space<hbm>> -> memref<256xf32, #tpu.memory_space<hbm>>
    %dma_start3A_51 = arith.constant 768 : i32
    %dma_start3A_52 = tpu.memref_slice %arg14[%dma_start3A_51] : memref<1024xf32, #tpu.memory_space<vmem>> -> memref<256xf32, #tpu.memory_space<vmem>>
    %dma_start3A_53 = tpu.memref_slice %arg9[%multiple_of3A] : memref<2785280xf32, #tpu.memory_space<hbm>> -> memref<256xf32, #tpu.memory_space<hbm>>
    tpu.enqueue_dma source(%dma_start3A_53 : memref<256xf32, #tpu.memory_space<hbm>>) target(%dma_start3A_52 : memref<256xf32, #tpu.memory_space<vmem>>) target_semaphore(%arg20 : memref<!tpu.dma_semaphore, #tpu.memory_space<semaphore_mem>>)
    %dma_wait3A = arith.constant 0 : i32
    %dma_wait3A_54 = tpu.memref_slice %arg12[%dma_wait3A] : memref<1024xi32, #tpu.memory_space<vmem>> -> memref<256xi32, #tpu.memory_space<vmem>>
    %dma_wait3A_55 = tpu.memref_slice %arg2[%multiple_of3A] : memref<2785280xi32, #tpu.memory_space<hbm>> -> memref<256xi32, #tpu.memory_space<hbm>>
    %dma_wait3A_56 = arith.constant 0 : i32
    %dma_wait3A_57 = tpu.memref_slice %arg12[%dma_wait3A_56] : memref<1024xi32, #tpu.memory_space<vmem>> -> memref<256xi32, #tpu.memory_space<vmem>>
    %dma_wait3A_58 = tpu.memref_slice %arg2[%multiple_of3A] : memref<2785280xi32, #tpu.memory_space<hbm>> -> memref<256xi32, #tpu.memory_space<hbm>>
    tpu.wait_dma2 semaphore(%arg20 : memref<!tpu.dma_semaphore, #tpu.memory_space<semaphore_mem>>) src(%dma_wait3A_58 : memref<256xi32, #tpu.memory_space<hbm>>) dst(%dma_wait3A_57 : memref<256xi32, #tpu.memory_space<vmem>>)
    %dma_wait3A_59 = arith.constant 0 : i32
    %dma_wait3A_60 = tpu.memref_slice %arg14[%dma_wait3A_59] : memref<1024xf32, #tpu.memory_space<vmem>> -> memref<256xf32, #tpu.memory_space<vmem>>
    %dma_wait3A_61 = tpu.memref_slice %arg6[%multiple_of3A] : memref<2785280xf32, #tpu.memory_space<hbm>> -> memref<256xf32, #tpu.memory_space<hbm>>
    %dma_wait3A_62 = arith.constant 0 : i32
    %dma_wait3A_63 = tpu.memref_slice %arg14[%dma_wait3A_62] : memref<1024xf32, #tpu.memory_space<vmem>> -> memref<256xf32, #tpu.memory_space<vmem>>
    %dma_wait3A_64 = tpu.memref_slice %arg6[%multiple_of3A] : memref<2785280xf32, #tpu.memory_space<hbm>> -> memref<256xf32, #tpu.memory_space<hbm>>
    tpu.wait_dma2 semaphore(%arg20 : memref<!tpu.dma_semaphore, #tpu.memory_space<semaphore_mem>>) src(%dma_wait3A_64 : memref<256xf32, #tpu.memory_space<hbm>>) dst(%dma_wait3A_63 : memref<256xf32, #tpu.memory_space<vmem>>)
    %dma_wait3A_65 = arith.constant 256 : i32
    %dma_wait3A_66 = tpu.memref_slice %arg12[%dma_wait3A_65] : memref<1024xi32, #tpu.memory_space<vmem>> -> memref<256xi32, #tpu.memory_space<vmem>>
    %dma_wait3A_67 = tpu.memref_slice %arg3[%multiple_of3A] : memref<2785280xi32, #tpu.memory_space<hbm>> -> memref<256xi32, #tpu.memory_space<hbm>>
    %dma_wait3A_68 = arith.constant 256 : i32
    %dma_wait3A_69 = tpu.memref_slice %arg12[%dma_wait3A_68] : memref<1024xi32, #tpu.memory_space<vmem>> -> memref<256xi32, #tpu.memory_space<vmem>>
    %dma_wait3A_70 = tpu.memref_slice %arg3[%multiple_of3A] : memref<2785280xi32, #tpu.memory_space<hbm>> -> memref<256xi32, #tpu.memory_space<hbm>>
    tpu.wait_dma2 semaphore(%arg20 : memref<!tpu.dma_semaphore, #tpu.memory_space<semaphore_mem>>) src(%dma_wait3A_70 : memref<256xi32, #tpu.memory_space<hbm>>) dst(%dma_wait3A_69 : memref<256xi32, #tpu.memory_space<vmem>>)
    %dma_wait3A_71 = arith.constant 256 : i32
    %dma_wait3A_72 = tpu.memref_slice %arg14[%dma_wait3A_71] : memref<1024xf32, #tpu.memory_space<vmem>> -> memref<256xf32, #tpu.memory_space<vmem>>
    %dma_wait3A_73 = tpu.memref_slice %arg7[%multiple_of3A] : memref<2785280xf32, #tpu.memory_space<hbm>> -> memref<256xf32, #tpu.memory_space<hbm>>
    %dma_wait3A_74 = arith.constant 256 : i32
    %dma_wait3A_75 = tpu.memref_slice %arg14[%dma_wait3A_74] : memref<1024xf32, #tpu.memory_space<vmem>> -> memref<256xf32, #tpu.memory_space<vmem>>
    %dma_wait3A_76 = tpu.memref_slice %arg7[%multiple_of3A] : memref<2785280xf32, #tpu.memory_space<hbm>> -> memref<256xf32, #tpu.memory_space<hbm>>
    tpu.wait_dma2 semaphore(%arg20 : memref<!tpu.dma_semaphore, #tpu.memory_space<semaphore_mem>>) src(%dma_wait3A_76 : memref<256xf32, #tpu.memory_space<hbm>>) dst(%dma_wait3A_75 : memref<256xf32, #tpu.memory_space<vmem>>)
    %dma_wait3A_77 = arith.constant 512 : i32
    %dma_wait3A_78 = tpu.memref_slice %arg12[%dma_wait3A_77] : memref<1024xi32, #tpu.memory_space<vmem>> -> memref<256xi32, #tpu.memory_space<vmem>>
    %dma_wait3A_79 = tpu.memref_slice %arg4[%multiple_of3A] : memref<2785280xi32, #tpu.memory_space<hbm>> -> memref<256xi32, #tpu.memory_space<hbm>>
    %dma_wait3A_80 = arith.constant 512 : i32
    %dma_wait3A_81 = tpu.memref_slice %arg12[%dma_wait3A_80] : memref<1024xi32, #tpu.memory_space<vmem>> -> memref<256xi32, #tpu.memory_space<vmem>>
    %dma_wait3A_82 = tpu.memref_slice %arg4[%multiple_of3A] : memref<2785280xi32, #tpu.memory_space<hbm>> -> memref<256xi32, #tpu.memory_space<hbm>>
    tpu.wait_dma2 semaphore(%arg20 : memref<!tpu.dma_semaphore, #tpu.memory_space<semaphore_mem>>) src(%dma_wait3A_82 : memref<256xi32, #tpu.memory_space<hbm>>) dst(%dma_wait3A_81 : memref<256xi32, #tpu.memory_space<vmem>>)
    %dma_wait3A_83 = arith.constant 512 : i32
    %dma_wait3A_84 = tpu.memref_slice %arg14[%dma_wait3A_83] : memref<1024xf32, #tpu.memory_space<vmem>> -> memref<256xf32, #tpu.memory_space<vmem>>
    %dma_wait3A_85 = tpu.memref_slice %arg8[%multiple_of3A] : memref<2785280xf32, #tpu.memory_space<hbm>> -> memref<256xf32, #tpu.memory_space<hbm>>
    %dma_wait3A_86 = arith.constant 512 : i32
    %dma_wait3A_87 = tpu.memref_slice %arg14[%dma_wait3A_86] : memref<1024xf32, #tpu.memory_space<vmem>> -> memref<256xf32, #tpu.memory_space<vmem>>
    %dma_wait3A_88 = tpu.memref_slice %arg8[%multiple_of3A] : memref<2785280xf32, #tpu.memory_space<hbm>> -> memref<256xf32, #tpu.memory_space<hbm>>
    tpu.wait_dma2 semaphore(%arg20 : memref<!tpu.dma_semaphore, #tpu.memory_space<semaphore_mem>>) src(%dma_wait3A_88 : memref<256xf32, #tpu.memory_space<hbm>>) dst(%dma_wait3A_87 : memref<256xf32, #tpu.memory_space<vmem>>)
    %dma_wait3A_89 = arith.constant 768 : i32
    %dma_wait3A_90 = tpu.memref_slice %arg12[%dma_wait3A_89] : memref<1024xi32, #tpu.memory_space<vmem>> -> memref<256xi32, #tpu.memory_space<vmem>>
    %dma_wait3A_91 = tpu.memref_slice %arg5[%multiple_of3A] : memref<2785280xi32, #tpu.memory_space<hbm>> -> memref<256xi32, #tpu.memory_space<hbm>>
    %dma_wait3A_92 = arith.constant 768 : i32
    %dma_wait3A_93 = tpu.memref_slice %arg12[%dma_wait3A_92] : memref<1024xi32, #tpu.memory_space<vmem>> -> memref<256xi32, #tpu.memory_space<vmem>>
    %dma_wait3A_94 = tpu.memref_slice %arg5[%multiple_of3A] : memref<2785280xi32, #tpu.memory_space<hbm>> -> memref<256xi32, #tpu.memory_space<hbm>>
    tpu.wait_dma2 semaphore(%arg20 : memref<!tpu.dma_semaphore, #tpu.memory_space<semaphore_mem>>) src(%dma_wait3A_94 : memref<256xi32, #tpu.memory_space<hbm>>) dst(%dma_wait3A_93 : memref<256xi32, #tpu.memory_space<vmem>>)
    %dma_wait3A_95 = arith.constant 768 : i32
    %dma_wait3A_96 = tpu.memref_slice %arg14[%dma_wait3A_95] : memref<1024xf32, #tpu.memory_space<vmem>> -> memref<256xf32, #tpu.memory_space<vmem>>
    %dma_wait3A_97 = tpu.memref_slice %arg9[%multiple_of3A] : memref<2785280xf32, #tpu.memory_space<hbm>> -> memref<256xf32, #tpu.memory_space<hbm>>
    %dma_wait3A_98 = arith.constant 768 : i32
    %dma_wait3A_99 = tpu.memref_slice %arg14[%dma_wait3A_98] : memref<1024xf32, #tpu.memory_space<vmem>> -> memref<256xf32, #tpu.memory_space<vmem>>
    %dma_wait3A_100 = tpu.memref_slice %arg9[%multiple_of3A] : memref<2785280xf32, #tpu.memory_space<hbm>> -> memref<256xf32, #tpu.memory_space<hbm>>
    tpu.wait_dma2 semaphore(%arg20 : memref<!tpu.dma_semaphore, #tpu.memory_space<semaphore_mem>>) src(%dma_wait3A_100 : memref<256xf32, #tpu.memory_space<hbm>>) dst(%dma_wait3A_99 : memref<256xf32, #tpu.memory_space<vmem>>)
    %dma_start3A_101 = arith.constant 0 : i32
    %dma_start3A_102 = arith.constant 0 : i32
    %dma_start3A_103 = tpu.memref_slice %arg16[%dma_start3A_101, %dma_start3A_102] : memref<1024x32xf32, #tpu.memory_space<vmem>> -> memref<128x32xf32, #tpu.memory_space<vmem>>
    %dma_start3A_104 = arith.constant 0 : i32
    %dma_start3A_105 = tpu.memref_slice %arg12[%dma_start3A_104] : memref<1024xi32, #tpu.memory_space<vmem>> -> memref<128xi32, #tpu.memory_space<vmem>>
    %dma_start3A_106 = arith.constant 0 : i32
    %dma_start3A_107 = arith.constant 0 : i32
    %dma_start3A_108 = tpu.memref_slice %arg10[%dma_start3A_106, %dma_start3A_107] : memref<174080x32xf32, #tpu.memory_space<hbm>> -> memref<174080x32xf32, #tpu.memory_space<hbm>>
    tpu.enqueue_indirect_dma source(%dma_start3A_108 : memref<174080x32xf32, #tpu.memory_space<hbm>>) target(%dma_start3A_103 : memref<128x32xf32, #tpu.memory_space<vmem>>) offsets(%dma_start3A_105 : memref<128xi32, #tpu.memory_space<vmem>>) semaphore(%arg22 : memref<!tpu.dma_semaphore, #tpu.memory_space<semaphore_mem>>)
    %dma_start3A_109 = arith.constant 128 : i32
    %dma_start3A_110 = arith.constant 0 : i32
    %dma_start3A_111 = tpu.memref_slice %arg16[%dma_start3A_109, %dma_start3A_110] : memref<1024x32xf32, #tpu.memory_space<vmem>> -> memref<128x32xf32, #tpu.memory_space<vmem>>
    %dma_start3A_112 = arith.constant 128 : i32
    %dma_start3A_113 = tpu.memref_slice %arg12[%dma_start3A_112] : memref<1024xi32, #tpu.memory_space<vmem>> -> memref<128xi32, #tpu.memory_space<vmem>>
    %dma_start3A_114 = arith.constant 0 : i32
    %dma_start3A_115 = arith.constant 0 : i32
    %dma_start3A_116 = tpu.memref_slice %arg10[%dma_start3A_114, %dma_start3A_115] : memref<174080x32xf32, #tpu.memory_space<hbm>> -> memref<174080x32xf32, #tpu.memory_space<hbm>>
    tpu.enqueue_indirect_dma source(%dma_start3A_116 : memref<174080x32xf32, #tpu.memory_space<hbm>>) target(%dma_start3A_111 : memref<128x32xf32, #tpu.memory_space<vmem>>) offsets(%dma_start3A_113 : memref<128xi32, #tpu.memory_space<vmem>>) semaphore(%arg22 : memref<!tpu.dma_semaphore, #tpu.memory_space<semaphore_mem>>)
    %dma_start3A_117 = arith.constant 256 : i32
    %dma_start3A_118 = arith.constant 0 : i32
    %dma_start3A_119 = tpu.memref_slice %arg16[%dma_start3A_117, %dma_start3A_118] : memref<1024x32xf32, #tpu.memory_space<vmem>> -> memref<128x32xf32, #tpu.memory_space<vmem>>
    %dma_start3A_120 = arith.constant 256 : i32
    %dma_start3A_121 = tpu.memref_slice %arg12[%dma_start3A_120] : memref<1024xi32, #tpu.memory_space<vmem>> -> memref<128xi32, #tpu.memory_space<vmem>>
    %dma_start3A_122 = arith.constant 0 : i32
    %dma_start3A_123 = arith.constant 0 : i32
    %dma_start3A_124 = tpu.memref_slice %arg10[%dma_start3A_122, %dma_start3A_123] : memref<174080x32xf32, #tpu.memory_space<hbm>> -> memref<174080x32xf32, #tpu.memory_space<hbm>>
    tpu.enqueue_indirect_dma source(%dma_start3A_124 : memref<174080x32xf32, #tpu.memory_space<hbm>>) target(%dma_start3A_119 : memref<128x32xf32, #tpu.memory_space<vmem>>) offsets(%dma_start3A_121 : memref<128xi32, #tpu.memory_space<vmem>>) semaphore(%arg22 : memref<!tpu.dma_semaphore, #tpu.memory_space<semaphore_mem>>)
    %dma_start3A_125 = arith.constant 384 : i32
    %dma_start3A_126 = arith.constant 0 : i32
    %dma_start3A_127 = tpu.memref_slice %arg16[%dma_start3A_125, %dma_start3A_126] : memref<1024x32xf32, #tpu.memory_space<vmem>> -> memref<128x32xf32, #tpu.memory_space<vmem>>
    %dma_start3A_128 = arith.constant 384 : i32
    %dma_start3A_129 = tpu.memref_slice %arg12[%dma_start3A_128] : memref<1024xi32, #tpu.memory_space<vmem>> -> memref<128xi32, #tpu.memory_space<vmem>>
    %dma_start3A_130 = arith.constant 0 : i32
    %dma_start3A_131 = arith.constant 0 : i32
    %dma_start3A_132 = tpu.memref_slice %arg10[%dma_start3A_130, %dma_start3A_131] : memref<174080x32xf32, #tpu.memory_space<hbm>> -> memref<174080x32xf32, #tpu.memory_space<hbm>>
    tpu.enqueue_indirect_dma source(%dma_start3A_132 : memref<174080x32xf32, #tpu.memory_space<hbm>>) target(%dma_start3A_127 : memref<128x32xf32, #tpu.memory_space<vmem>>) offsets(%dma_start3A_129 : memref<128xi32, #tpu.memory_space<vmem>>) semaphore(%arg22 : memref<!tpu.dma_semaphore, #tpu.memory_space<semaphore_mem>>)
    %dma_start3A_133 = arith.constant 512 : i32
    %dma_start3A_134 = arith.constant 0 : i32
    %dma_start3A_135 = tpu.memref_slice %arg16[%dma_start3A_133, %dma_start3A_134] : memref<1024x32xf32, #tpu.memory_space<vmem>> -> memref<128x32xf32, #tpu.memory_space<vmem>>
    %dma_start3A_136 = arith.constant 512 : i32
    %dma_start3A_137 = tpu.memref_slice %arg12[%dma_start3A_136] : memref<1024xi32, #tpu.memory_space<vmem>> -> memref<128xi32, #tpu.memory_space<vmem>>
    %dma_start3A_138 = arith.constant 0 : i32
    %dma_start3A_139 = arith.constant 0 : i32
    %dma_start3A_140 = tpu.memref_slice %arg10[%dma_start3A_138, %dma_start3A_139] : memref<174080x32xf32, #tpu.memory_space<hbm>> -> memref<174080x32xf32, #tpu.memory_space<hbm>>
    tpu.enqueue_indirect_dma source(%dma_start3A_140 : memref<174080x32xf32, #tpu.memory_space<hbm>>) target(%dma_start3A_135 : memref<128x32xf32, #tpu.memory_space<vmem>>) offsets(%dma_start3A_137 : memref<128xi32, #tpu.memory_space<vmem>>) semaphore(%arg22 : memref<!tpu.dma_semaphore, #tpu.memory_space<semaphore_mem>>)
    %dma_start3A_141 = arith.constant 640 : i32
    %dma_start3A_142 = arith.constant 0 : i32
    %dma_start3A_143 = tpu.memref_slice %arg16[%dma_start3A_141, %dma_start3A_142] : memref<1024x32xf32, #tpu.memory_space<vmem>> -> memref<128x32xf32, #tpu.memory_space<vmem>>
    %dma_start3A_144 = arith.constant 640 : i32
    %dma_start3A_145 = tpu.memref_slice %arg12[%dma_start3A_144] : memref<1024xi32, #tpu.memory_space<vmem>> -> memref<128xi32, #tpu.memory_space<vmem>>
    %dma_start3A_146 = arith.constant 0 : i32
    %dma_start3A_147 = arith.constant 0 : i32
    %dma_start3A_148 = tpu.memref_slice %arg10[%dma_start3A_146, %dma_start3A_147] : memref<174080x32xf32, #tpu.memory_space<hbm>> -> memref<174080x32xf32, #tpu.memory_space<hbm>>
    tpu.enqueue_indirect_dma source(%dma_start3A_148 : memref<174080x32xf32, #tpu.memory_space<hbm>>) target(%dma_start3A_143 : memref<128x32xf32, #tpu.memory_space<vmem>>) offsets(%dma_start3A_145 : memref<128xi32, #tpu.memory_space<vmem>>) semaphore(%arg22 : memref<!tpu.dma_semaphore, #tpu.memory_space<semaphore_mem>>)
    %dma_start3A_149 = arith.constant 768 : i32
    %dma_start3A_150 = arith.constant 0 : i32
    %dma_start3A_151 = tpu.memref_slice %arg16[%dma_start3A_149, %dma_start3A_150] : memref<1024x32xf32, #tpu.memory_space<vmem>> -> memref<128x32xf32, #tpu.memory_space<vmem>>
    %dma_start3A_152 = arith.constant 768 : i32
    %dma_start3A_153 = tpu.memref_slice %arg12[%dma_start3A_152] : memref<1024xi32, #tpu.memory_space<vmem>> -> memref<128xi32, #tpu.memory_space<vmem>>
    %dma_start3A_154 = arith.constant 0 : i32
    %dma_start3A_155 = arith.constant 0 : i32
    %dma_start3A_156 = tpu.memref_slice %arg10[%dma_start3A_154, %dma_start3A_155] : memref<174080x32xf32, #tpu.memory_space<hbm>> -> memref<174080x32xf32, #tpu.memory_space<hbm>>
    tpu.enqueue_indirect_dma source(%dma_start3A_156 : memref<174080x32xf32, #tpu.memory_space<hbm>>) target(%dma_start3A_151 : memref<128x32xf32, #tpu.memory_space<vmem>>) offsets(%dma_start3A_153 : memref<128xi32, #tpu.memory_space<vmem>>) semaphore(%arg22 : memref<!tpu.dma_semaphore, #tpu.memory_space<semaphore_mem>>)
    %dma_start3A_157 = arith.constant 896 : i32
    %dma_start3A_158 = arith.constant 0 : i32
    %dma_start3A_159 = tpu.memref_slice %arg16[%dma_start3A_157, %dma_start3A_158] : memref<1024x32xf32, #tpu.memory_space<vmem>> -> memref<128x32xf32, #tpu.memory_space<vmem>>
    %dma_start3A_160 = arith.constant 896 : i32
    %dma_start3A_161 = tpu.memref_slice %arg12[%dma_start3A_160] : memref<1024xi32, #tpu.memory_space<vmem>> -> memref<128xi32, #tpu.memory_space<vmem>>
    %dma_start3A_162 = arith.constant 0 : i32
    %dma_start3A_163 = arith.constant 0 : i32
    %dma_start3A_164 = tpu.memref_slice %arg10[%dma_start3A_162, %dma_start3A_163] : memref<174080x32xf32, #tpu.memory_space<hbm>> -> memref<174080x32xf32, #tpu.memory_space<hbm>>
    tpu.enqueue_indirect_dma source(%dma_start3A_164 : memref<174080x32xf32, #tpu.memory_space<hbm>>) target(%dma_start3A_159 : memref<128x32xf32, #tpu.memory_space<vmem>>) offsets(%dma_start3A_161 : memref<128xi32, #tpu.memory_space<vmem>>) semaphore(%arg22 : memref<!tpu.dma_semaphore, #tpu.memory_space<semaphore_mem>>)
    %scan3A = arith.constant 0 : i32
    %scan3A_165 = arith.constant 0 : i32
    %scan3A_166 = arith.constant 170 : i32
    %scan3A_167 = arith.addi %scan3A_165, %scan3A_166 : i32
    %scan3A_168 = arith.constant 1 : i32
    scf.for %scan3A_266 = %scan3A_165 to %scan3A_167 step %scan3A_168  : i32 {
      %mul3A_267 = arith.constant 2 : i32
      %mul3A_268 = arith.muli %scan3A_266, %mul3A_267 : i32
      %add3A_269 = arith.constant 0 : i32
      %add3A_270 = arith.addi %mul3A_268, %add3A_269 : i32
      %add3A_271 = arith.constant 1 : i32
      %add3A_272 = arith.addi %add3A_270, %add3A_271 : i32
      %min3A = arith.constant 339 : i32
      %min3A_273 = arith.minsi %add3A_272, %min3A : i32
      %dma_wait3A_274 = arith.constant 0 : i32
      %dma_wait3A_275 = arith.constant 0 : i32
      %dma_wait3A_276 = tpu.memref_slice %arg16[%dma_wait3A_274, %dma_wait3A_275] : memref<1024x32xf32, #tpu.memory_space<vmem>> -> memref<128x32xf32, #tpu.memory_space<vmem>>
      %dma_wait3A_277 = arith.constant 0 : i32
      %dma_wait3A_278 = arith.constant 0 : i32
      %dma_wait3A_279 = tpu.memref_slice %arg10[%dma_wait3A_277, %dma_wait3A_278] : memref<174080x32xf32, #tpu.memory_space<hbm>> -> memref<128x32xf32, #tpu.memory_space<hbm>>
      %dma_wait3A_280 = arith.constant 0 : i32
      %dma_wait3A_281 = arith.constant 0 : i32
      %dma_wait3A_282 = tpu.memref_slice %arg16[%dma_wait3A_280, %dma_wait3A_281] : memref<1024x32xf32, #tpu.memory_space<vmem>> -> memref<128x32xf32, #tpu.memory_space<vmem>>
      %dma_wait3A_283 = arith.constant 0 : i32
      %dma_wait3A_284 = arith.constant 0 : i32
      %dma_wait3A_285 = tpu.memref_slice %arg10[%dma_wait3A_283, %dma_wait3A_284] : memref<174080x32xf32, #tpu.memory_space<hbm>> -> memref<128x32xf32, #tpu.memory_space<hbm>>
      tpu.wait_dma2 semaphore(%arg22 : memref<!tpu.dma_semaphore, #tpu.memory_space<semaphore_mem>>) src(%dma_wait3A_285 : memref<128x32xf32, #tpu.memory_space<hbm>>) dst(%dma_wait3A_282 : memref<128x32xf32, #tpu.memory_space<vmem>>)
      %dma_wait3A_286 = arith.constant 128 : i32
      %dma_wait3A_287 = arith.constant 0 : i32
      %dma_wait3A_288 = tpu.memref_slice %arg16[%dma_wait3A_286, %dma_wait3A_287] : memref<1024x32xf32, #tpu.memory_space<vmem>> -> memref<128x32xf32, #tpu.memory_space<vmem>>
      %dma_wait3A_289 = arith.constant 0 : i32
      %dma_wait3A_290 = arith.constant 0 : i32
      %dma_wait3A_291 = tpu.memref_slice %arg10[%dma_wait3A_289, %dma_wait3A_290] : memref<174080x32xf32, #tpu.memory_space<hbm>> -> memref<128x32xf32, #tpu.memory_space<hbm>>
      %dma_wait3A_292 = arith.constant 128 : i32
      %dma_wait3A_293 = arith.constant 0 : i32
      %dma_wait3A_294 = tpu.memref_slice %arg16[%dma_wait3A_292, %dma_wait3A_293] : memref<1024x32xf32, #tpu.memory_space<vmem>> -> memref<128x32xf32, #tpu.memory_space<vmem>>
      %dma_wait3A_295 = arith.constant 0 : i32
      %dma_wait3A_296 = arith.constant 0 : i32
      %dma_wait3A_297 = tpu.memref_slice %arg10[%dma_wait3A_295, %dma_wait3A_296] : memref<174080x32xf32, #tpu.memory_space<hbm>> -> memref<128x32xf32, #tpu.memory_space<hbm>>
      tpu.wait_dma2 semaphore(%arg22 : memref<!tpu.dma_semaphore, #tpu.memory_space<semaphore_mem>>) src(%dma_wait3A_297 : memref<128x32xf32, #tpu.memory_space<hbm>>) dst(%dma_wait3A_294 : memref<128x32xf32, #tpu.memory_space<vmem>>)
      %dma_wait3A_298 = arith.constant 256 : i32
      %dma_wait3A_299 = arith.constant 0 : i32
      %dma_wait3A_300 = tpu.memref_slice %arg16[%dma_wait3A_298, %dma_wait3A_299] : memref<1024x32xf32, #tpu.memory_space<vmem>> -> memref<128x32xf32, #tpu.memory_space<vmem>>
      %dma_wait3A_301 = arith.constant 0 : i32
      %dma_wait3A_302 = arith.constant 0 : i32
      %dma_wait3A_303 = tpu.memref_slice %arg10[%dma_wait3A_301, %dma_wait3A_302] : memref<174080x32xf32, #tpu.memory_space<hbm>> -> memref<128x32xf32, #tpu.memory_space<hbm>>
      %dma_wait3A_304 = arith.constant 256 : i32
      %dma_wait3A_305 = arith.constant 0 : i32
      %dma_wait3A_306 = tpu.memref_slice %arg16[%dma_wait3A_304, %dma_wait3A_305] : memref<1024x32xf32, #tpu.memory_space<vmem>> -> memref<128x32xf32, #tpu.memory_space<vmem>>
      %dma_wait3A_307 = arith.constant 0 : i32
      %dma_wait3A_308 = arith.constant 0 : i32
      %dma_wait3A_309 = tpu.memref_slice %arg10[%dma_wait3A_307, %dma_wait3A_308] : memref<174080x32xf32, #tpu.memory_space<hbm>> -> memref<128x32xf32, #tpu.memory_space<hbm>>
      tpu.wait_dma2 semaphore(%arg22 : memref<!tpu.dma_semaphore, #tpu.memory_space<semaphore_mem>>) src(%dma_wait3A_309 : memref<128x32xf32, #tpu.memory_space<hbm>>) dst(%dma_wait3A_306 : memref<128x32xf32, #tpu.memory_space<vmem>>)
      %dma_wait3A_310 = arith.constant 384 : i32
      %dma_wait3A_311 = arith.constant 0 : i32
      %dma_wait3A_312 = tpu.memref_slice %arg16[%dma_wait3A_310, %dma_wait3A_311] : memref<1024x32xf32, #tpu.memory_space<vmem>> -> memref<128x32xf32, #tpu.memory_space<vmem>>
      %dma_wait3A_313 = arith.constant 0 : i32
      %dma_wait3A_314 = arith.constant 0 : i32
      %dma_wait3A_315 = tpu.memref_slice %arg10[%dma_wait3A_313, %dma_wait3A_314] : memref<174080x32xf32, #tpu.memory_space<hbm>> -> memref<128x32xf32, #tpu.memory_space<hbm>>
      %dma_wait3A_316 = arith.constant 384 : i32
      %dma_wait3A_317 = arith.constant 0 : i32
      %dma_wait3A_318 = tpu.memref_slice %arg16[%dma_wait3A_316, %dma_wait3A_317] : memref<1024x32xf32, #tpu.memory_space<vmem>> -> memref<128x32xf32, #tpu.memory_space<vmem>>
      %dma_wait3A_319 = arith.constant 0 : i32
      %dma_wait3A_320 = arith.constant 0 : i32
      %dma_wait3A_321 = tpu.memref_slice %arg10[%dma_wait3A_319, %dma_wait3A_320] : memref<174080x32xf32, #tpu.memory_space<hbm>> -> memref<128x32xf32, #tpu.memory_space<hbm>>
      tpu.wait_dma2 semaphore(%arg22 : memref<!tpu.dma_semaphore, #tpu.memory_space<semaphore_mem>>) src(%dma_wait3A_321 : memref<128x32xf32, #tpu.memory_space<hbm>>) dst(%dma_wait3A_318 : memref<128x32xf32, #tpu.memory_space<vmem>>)
      %dma_wait3A_322 = arith.constant 512 : i32
      %dma_wait3A_323 = arith.constant 0 : i32
      %dma_wait3A_324 = tpu.memref_slice %arg16[%dma_wait3A_322, %dma_wait3A_323] : memref<1024x32xf32, #tpu.memory_space<vmem>> -> memref<128x32xf32, #tpu.memory_space<vmem>>
      %dma_wait3A_325 = arith.constant 0 : i32
      %dma_wait3A_326 = arith.constant 0 : i32
      %dma_wait3A_327 = tpu.memref_slice %arg10[%dma_wait3A_325, %dma_wait3A_326] : memref<174080x32xf32, #tpu.memory_space<hbm>> -> memref<128x32xf32, #tpu.memory_space<hbm>>
      %dma_wait3A_328 = arith.constant 512 : i32
      %dma_wait3A_329 = arith.constant 0 : i32
      %dma_wait3A_330 = tpu.memref_slice %arg16[%dma_wait3A_328, %dma_wait3A_329] : memref<1024x32xf32, #tpu.memory_space<vmem>> -> memref<128x32xf32, #tpu.memory_space<vmem>>
      %dma_wait3A_331 = arith.constant 0 : i32
      %dma_wait3A_332 = arith.constant 0 : i32
      %dma_wait3A_333 = tpu.memref_slice %arg10[%dma_wait3A_331, %dma_wait3A_332] : memref<174080x32xf32, #tpu.memory_space<hbm>> -> memref<128x32xf32, #tpu.memory_space<hbm>>
      tpu.wait_dma2 semaphore(%arg22 : memref<!tpu.dma_semaphore, #tpu.memory_space<semaphore_mem>>) src(%dma_wait3A_333 : memref<128x32xf32, #tpu.memory_space<hbm>>) dst(%dma_wait3A_330 : memref<128x32xf32, #tpu.memory_space<vmem>>)
      %dma_wait3A_334 = arith.constant 640 : i32
      %dma_wait3A_335 = arith.constant 0 : i32
      %dma_wait3A_336 = tpu.memref_slice %arg16[%dma_wait3A_334, %dma_wait3A_335] : memref<1024x32xf32, #tpu.memory_space<vmem>> -> memref<128x32xf32, #tpu.memory_space<vmem>>
      %dma_wait3A_337 = arith.constant 0 : i32
      %dma_wait3A_338 = arith.constant 0 : i32
      %dma_wait3A_339 = tpu.memref_slice %arg10[%dma_wait3A_337, %dma_wait3A_338] : memref<174080x32xf32, #tpu.memory_space<hbm>> -> memref<128x32xf32, #tpu.memory_space<hbm>>
      %dma_wait3A_340 = arith.constant 640 : i32
      %dma_wait3A_341 = arith.constant 0 : i32
      %dma_wait3A_342 = tpu.memref_slice %arg16[%dma_wait3A_340, %dma_wait3A_341] : memref<1024x32xf32, #tpu.memory_space<vmem>> -> memref<128x32xf32, #tpu.memory_space<vmem>>
      %dma_wait3A_343 = arith.constant 0 : i32
      %dma_wait3A_344 = arith.constant 0 : i32
      %dma_wait3A_345 = tpu.memref_slice %arg10[%dma_wait3A_343, %dma_wait3A_344] : memref<174080x32xf32, #tpu.memory_space<hbm>> -> memref<128x32xf32, #tpu.memory_space<hbm>>
      tpu.wait_dma2 semaphore(%arg22 : memref<!tpu.dma_semaphore, #tpu.memory_space<semaphore_mem>>) src(%dma_wait3A_345 : memref<128x32xf32, #tpu.memory_space<hbm>>) dst(%dma_wait3A_342 : memref<128x32xf32, #tpu.memory_space<vmem>>)
      %dma_wait3A_346 = arith.constant 768 : i32
      %dma_wait3A_347 = arith.constant 0 : i32
      %dma_wait3A_348 = tpu.memref_slice %arg16[%dma_wait3A_346, %dma_wait3A_347] : memref<1024x32xf32, #tpu.memory_space<vmem>> -> memref<128x32xf32, #tpu.memory_space<vmem>>
      %dma_wait3A_349 = arith.constant 0 : i32
      %dma_wait3A_350 = arith.constant 0 : i32
      %dma_wait3A_351 = tpu.memref_slice %arg10[%dma_wait3A_349, %dma_wait3A_350] : memref<174080x32xf32, #tpu.memory_space<hbm>> -> memref<128x32xf32, #tpu.memory_space<hbm>>
      %dma_wait3A_352 = arith.constant 768 : i32
      %dma_wait3A_353 = arith.constant 0 : i32
      %dma_wait3A_354 = tpu.memref_slice %arg16[%dma_wait3A_352, %dma_wait3A_353] : memref<1024x32xf32, #tpu.memory_space<vmem>> -> memref<128x32xf32, #tpu.memory_space<vmem>>
      %dma_wait3A_355 = arith.constant 0 : i32
      %dma_wait3A_356 = arith.constant 0 : i32
      %dma_wait3A_357 = tpu.memref_slice %arg10[%dma_wait3A_355, %dma_wait3A_356] : memref<174080x32xf32, #tpu.memory_space<hbm>> -> memref<128x32xf32, #tpu.memory_space<hbm>>
      tpu.wait_dma2 semaphore(%arg22 : memref<!tpu.dma_semaphore, #tpu.memory_space<semaphore_mem>>) src(%dma_wait3A_357 : memref<128x32xf32, #tpu.memory_space<hbm>>) dst(%dma_wait3A_354 : memref<128x32xf32, #tpu.memory_space<vmem>>)
      %dma_wait3A_358 = arith.constant 896 : i32
      %dma_wait3A_359 = arith.constant 0 : i32
      %dma_wait3A_360 = tpu.memref_slice %arg16[%dma_wait3A_358, %dma_wait3A_359] : memref<1024x32xf32, #tpu.memory_space<vmem>> -> memref<128x32xf32, #tpu.memory_space<vmem>>
      %dma_wait3A_361 = arith.constant 0 : i32
      %dma_wait3A_362 = arith.constant 0 : i32
      %dma_wait3A_363 = tpu.memref_slice %arg10[%dma_wait3A_361, %dma_wait3A_362] : memref<174080x32xf32, #tpu.memory_space<hbm>> -> memref<128x32xf32, #tpu.memory_space<hbm>>
      %dma_wait3A_364 = arith.constant 896 : i32
      %dma_wait3A_365 = arith.constant 0 : i32
      %dma_wait3A_366 = tpu.memref_slice %arg16[%dma_wait3A_364, %dma_wait3A_365] : memref<1024x32xf32, #tpu.memory_space<vmem>> -> memref<128x32xf32, #tpu.memory_space<vmem>>
      %dma_wait3A_367 = arith.constant 0 : i32
      %dma_wait3A_368 = arith.constant 0 : i32
      %dma_wait3A_369 = tpu.memref_slice %arg10[%dma_wait3A_367, %dma_wait3A_368] : memref<174080x32xf32, #tpu.memory_space<hbm>> -> memref<128x32xf32, #tpu.memory_space<hbm>>
      tpu.wait_dma2 semaphore(%arg22 : memref<!tpu.dma_semaphore, #tpu.memory_space<semaphore_mem>>) src(%dma_wait3A_369 : memref<128x32xf32, #tpu.memory_space<hbm>>) dst(%dma_wait3A_366 : memref<128x32xf32, #tpu.memory_space<vmem>>)
      %mul3A_370 = arith.constant 16 : i32
      %mul3A_371 = arith.muli %min3A_273, %mul3A_370 : i32
      %add3A_372 = arith.addi %mul3A_2, %mul3A_371 : i32
      %mul3A_373 = arith.constant 16 : i32
      %mul3A_374 = arith.muli %add3A_372, %mul3A_373 : i32
      %multiple_of3A_375 = tpu.assume_multiple %mul3A_374, 256 : i32
      %dma_start3A_376 = arith.constant 0 : i32
      %dma_start3A_377 = tpu.memref_slice %arg13[%dma_start3A_376] : memref<1024xi32, #tpu.memory_space<vmem>> -> memref<256xi32, #tpu.memory_space<vmem>>
      %dma_start3A_378 = tpu.memref_slice %arg2[%multiple_of3A_375] : memref<2785280xi32, #tpu.memory_space<hbm>> -> memref<256xi32, #tpu.memory_space<hbm>>
      %dma_start3A_379 = arith.constant 0 : i32
      %dma_start3A_380 = tpu.memref_slice %arg13[%dma_start3A_379] : memref<1024xi32, #tpu.memory_space<vmem>> -> memref<256xi32, #tpu.memory_space<vmem>>
      %dma_start3A_381 = tpu.memref_slice %arg2[%multiple_of3A_375] : memref<2785280xi32, #tpu.memory_space<hbm>> -> memref<256xi32, #tpu.memory_space<hbm>>
      tpu.enqueue_dma source(%dma_start3A_381 : memref<256xi32, #tpu.memory_space<hbm>>) target(%dma_start3A_380 : memref<256xi32, #tpu.memory_space<vmem>>) target_semaphore(%arg21 : memref<!tpu.dma_semaphore, #tpu.memory_space<semaphore_mem>>)
      %dma_start3A_382 = arith.constant 0 : i32
      %dma_start3A_383 = tpu.memref_slice %arg15[%dma_start3A_382] : memref<1024xf32, #tpu.memory_space<vmem>> -> memref<256xf32, #tpu.memory_space<vmem>>
      %dma_start3A_384 = tpu.memref_slice %arg6[%multiple_of3A_375] : memref<2785280xf32, #tpu.memory_space<hbm>> -> memref<256xf32, #tpu.memory_space<hbm>>
      %dma_start3A_385 = arith.constant 0 : i32
      %dma_start3A_386 = tpu.memref_slice %arg15[%dma_start3A_385] : memref<1024xf32, #tpu.memory_space<vmem>> -> memref<256xf32, #tpu.memory_space<vmem>>
      %dma_start3A_387 = tpu.memref_slice %arg6[%multiple_of3A_375] : memref<2785280xf32, #tpu.memory_space<hbm>> -> memref<256xf32, #tpu.memory_space<hbm>>
      tpu.enqueue_dma source(%dma_start3A_387 : memref<256xf32, #tpu.memory_space<hbm>>) target(%dma_start3A_386 : memref<256xf32, #tpu.memory_space<vmem>>) target_semaphore(%arg21 : memref<!tpu.dma_semaphore, #tpu.memory_space<semaphore_mem>>)
      %dma_start3A_388 = arith.constant 256 : i32
      %dma_start3A_389 = tpu.memref_slice %arg13[%dma_start3A_388] : memref<1024xi32, #tpu.memory_space<vmem>> -> memref<256xi32, #tpu.memory_space<vmem>>
      %dma_start3A_390 = tpu.memref_slice %arg3[%multiple_of3A_375] : memref<2785280xi32, #tpu.memory_space<hbm>> -> memref<256xi32, #tpu.memory_space<hbm>>
      %dma_start3A_391 = arith.constant 256 : i32
      %dma_start3A_392 = tpu.memref_slice %arg13[%dma_start3A_391] : memref<1024xi32, #tpu.memory_space<vmem>> -> memref<256xi32, #tpu.memory_space<vmem>>
      %dma_start3A_393 = tpu.memref_slice %arg3[%multiple_of3A_375] : memref<2785280xi32, #tpu.memory_space<hbm>> -> memref<256xi32, #tpu.memory_space<hbm>>
      tpu.enqueue_dma source(%dma_start3A_393 : memref<256xi32, #tpu.memory_space<hbm>>) target(%dma_start3A_392 : memref<256xi32, #tpu.memory_space<vmem>>) target_semaphore(%arg21 : memref<!tpu.dma_semaphore, #tpu.memory_space<semaphore_mem>>)
      %dma_start3A_394 = arith.constant 256 : i32
      %dma_start3A_395 = tpu.memref_slice %arg15[%dma_start3A_394] : memref<1024xf32, #tpu.memory_space<vmem>> -> memref<256xf32, #tpu.memory_space<vmem>>
      %dma_start3A_396 = tpu.memref_slice %arg7[%multiple_of3A_375] : memref<2785280xf32, #tpu.memory_space<hbm>> -> memref<256xf32, #tpu.memory_space<hbm>>
      %dma_start3A_397 = arith.constant 256 : i32
      %dma_start3A_398 = tpu.memref_slice %arg15[%dma_start3A_397] : memref<1024xf32, #tpu.memory_space<vmem>> -> memref<256xf32, #tpu.memory_space<vmem>>
      %dma_start3A_399 = tpu.memref_slice %arg7[%multiple_of3A_375] : memref<2785280xf32, #tpu.memory_space<hbm>> -> memref<256xf32, #tpu.memory_space<hbm>>
      tpu.enqueue_dma source(%dma_start3A_399 : memref<256xf32, #tpu.memory_space<hbm>>) target(%dma_start3A_398 : memref<256xf32, #tpu.memory_space<vmem>>) target_semaphore(%arg21 : memref<!tpu.dma_semaphore, #tpu.memory_space<semaphore_mem>>)
      %dma_start3A_400 = arith.constant 512 : i32
      %dma_start3A_401 = tpu.memref_slice %arg13[%dma_start3A_400] : memref<1024xi32, #tpu.memory_space<vmem>> -> memref<256xi32, #tpu.memory_space<vmem>>
      %dma_start3A_402 = tpu.memref_slice %arg4[%multiple_of3A_375] : memref<2785280xi32, #tpu.memory_space<hbm>> -> memref<256xi32, #tpu.memory_space<hbm>>
      %dma_start3A_403 = arith.constant 512 : i32
      %dma_start3A_404 = tpu.memref_slice %arg13[%dma_start3A_403] : memref<1024xi32, #tpu.memory_space<vmem>> -> memref<256xi32, #tpu.memory_space<vmem>>
      %dma_start3A_405 = tpu.memref_slice %arg4[%multiple_of3A_375] : memref<2785280xi32, #tpu.memory_space<hbm>> -> memref<256xi32, #tpu.memory_space<hbm>>
      tpu.enqueue_dma source(%dma_start3A_405 : memref<256xi32, #tpu.memory_space<hbm>>) target(%dma_start3A_404 : memref<256xi32, #tpu.memory_space<vmem>>) target_semaphore(%arg21 : memref<!tpu.dma_semaphore, #tpu.memory_space<semaphore_mem>>)
      %dma_start3A_406 = arith.constant 512 : i32
      %dma_start3A_407 = tpu.memref_slice %arg15[%dma_start3A_406] : memref<1024xf32, #tpu.memory_space<vmem>> -> memref<256xf32, #tpu.memory_space<vmem>>
      %dma_start3A_408 = tpu.memref_slice %arg8[%multiple_of3A_375] : memref<2785280xf32, #tpu.memory_space<hbm>> -> memref<256xf32, #tpu.memory_space<hbm>>
      %dma_start3A_409 = arith.constant 512 : i32
      %dma_start3A_410 = tpu.memref_slice %arg15[%dma_start3A_409] : memref<1024xf32, #tpu.memory_space<vmem>> -> memref<256xf32, #tpu.memory_space<vmem>>
      %dma_start3A_411 = tpu.memref_slice %arg8[%multiple_of3A_375] : memref<2785280xf32, #tpu.memory_space<hbm>> -> memref<256xf32, #tpu.memory_space<hbm>>
      tpu.enqueue_dma source(%dma_start3A_411 : memref<256xf32, #tpu.memory_space<hbm>>) target(%dma_start3A_410 : memref<256xf32, #tpu.memory_space<vmem>>) target_semaphore(%arg21 : memref<!tpu.dma_semaphore, #tpu.memory_space<semaphore_mem>>)
      %dma_start3A_412 = arith.constant 768 : i32
      %dma_start3A_413 = tpu.memref_slice %arg13[%dma_start3A_412] : memref<1024xi32, #tpu.memory_space<vmem>> -> memref<256xi32, #tpu.memory_space<vmem>>
      %dma_start3A_414 = tpu.memref_slice %arg5[%multiple_of3A_375] : memref<2785280xi32, #tpu.memory_space<hbm>> -> memref<256xi32, #tpu.memory_space<hbm>>
      %dma_start3A_415 = arith.constant 768 : i32
      %dma_start3A_416 = tpu.memref_slice %arg13[%dma_start3A_415] : memref<1024xi32, #tpu.memory_space<vmem>> -> memref<256xi32, #tpu.memory_space<vmem>>
      %dma_start3A_417 = tpu.memref_slice %arg5[%multiple_of3A_375] : memref<2785280xi32, #tpu.memory_space<hbm>> -> memref<256xi32, #tpu.memory_space<hbm>>
      tpu.enqueue_dma source(%dma_start3A_417 : memref<256xi32, #tpu.memory_space<hbm>>) target(%dma_start3A_416 : memref<256xi32, #tpu.memory_space<vmem>>) target_semaphore(%arg21 : memref<!tpu.dma_semaphore, #tpu.memory_space<semaphore_mem>>)
      %dma_start3A_418 = arith.constant 768 : i32
      %dma_start3A_419 = tpu.memref_slice %arg15[%dma_start3A_418] : memref<1024xf32, #tpu.memory_space<vmem>> -> memref<256xf32, #tpu.memory_space<vmem>>
      %dma_start3A_420 = tpu.memref_slice %arg9[%multiple_of3A_375] : memref<2785280xf32, #tpu.memory_space<hbm>> -> memref<256xf32, #tpu.memory_space<hbm>>
      %dma_start3A_421 = arith.constant 768 : i32
      %dma_start3A_422 = tpu.memref_slice %arg15[%dma_start3A_421] : memref<1024xf32, #tpu.memory_space<vmem>> -> memref<256xf32, #tpu.memory_space<vmem>>
      %dma_start3A_423 = tpu.memref_slice %arg9[%multiple_of3A_375] : memref<2785280xf32, #tpu.memory_space<hbm>> -> memref<256xf32, #tpu.memory_space<hbm>>
      tpu.enqueue_dma source(%dma_start3A_423 : memref<256xf32, #tpu.memory_space<hbm>>) target(%dma_start3A_422 : memref<256xf32, #tpu.memory_space<vmem>>) target_semaphore(%arg21 : memref<!tpu.dma_semaphore, #tpu.memory_space<semaphore_mem>>)
      %mul3A_424 = arith.constant 16 : i32
      %mul3A_425 = arith.muli %add3A_270, %mul3A_424 : i32
      %add3A_426 = arith.addi %mul3A_2, %mul3A_425 : i32
      %multiple_of3A_427 = tpu.assume_multiple %add3A_426, 16 : i32
      %scan3A_428 = arith.constant 0 : i32
      %scan3A_429 = arith.constant 0 : i32
      %scan3A_430 = arith.constant 16 : i32
      %scan3A_431 = arith.addi %scan3A_429, %scan3A_430 : i32
      %scan3A_432 = arith.constant 1 : i32
      scf.for %scan3A_864 = %scan3A_429 to %scan3A_431 step %scan3A_432  : i32 {
        %broadcast_in_dim3A = arith.constant 0.000000e+00 : f32
        %broadcast_in_dim3A_865 = vector.broadcast %broadcast_in_dim3A : f32 to vector<16xf32>
        %broadcast_in_dim3A_866 = arith.constant 0.000000e+00 : f32
        %broadcast_in_dim3A_867 = vector.broadcast %broadcast_in_dim3A_866 : f32 to vector<16xf32>
        %mul3A_868 = arith.constant 16 : i32
        %mul3A_869 = arith.muli %scan3A_864, %mul3A_868 : i32
        %add3A_870 = arith.constant 0 : i32
        %add3A_871 = arith.addi %add3A_870, %mul3A_869 : i32
        %get3A = arith.index_cast %add3A_871 : i32 to index
        %get3A_872 = tpu.vector_load %arg14[%get3A] {strides = array<i32>} : memref<1024xf32, #tpu.memory_space<vmem>>, vector<16xf32>,
        %get3A_873 = vector.shape_cast %get3A_872 : vector<16xf32> to vector<16xf32>
        %slice3A = vector.extract_strided_slice %get3A_873 {offsets = [0], sizes = [1], strides = [1]} : vector<16xf32> to vector<1xf32>
        %squeeze3A = vector.extract %slice3A[0] : f32 from vector<1xf32>
        %add3A_874 = arith.constant 0 : i32
        %add3A_875 = arith.addi %add3A_871, %add3A_874 : i32
        %get3A_876 = arith.index_cast %add3A_875 : i32 to index
        %get3A_877 = arith.constant 0 : index
        %get3A_878 = tpu.vector_load %arg16[%get3A_876, %get3A_877] {strides = array<i32>} : memref<1024x32xf32, #tpu.memory_space<vmem>>, vector<1x16xf32>,
        %get3A_879 = vector.shape_cast %get3A_878 : vector<1x16xf32> to vector<16xf32>
        %mul3A_880 = vector.broadcast %squeeze3A : f32 to vector<16xf32>
        %mul3A_881 = arith.mulf %get3A_879, %mul3A_880 : vector<16xf32>
        %add3A_882 = arith.addf %broadcast_in_dim3A_865, %mul3A_881 : vector<16xf32>
        %add3A_883 = arith.constant 0 : i32
        %add3A_884 = arith.addi %add3A_871, %add3A_883 : i32
        %get3A_885 = arith.index_cast %add3A_884 : i32 to index
        %get3A_886 = arith.constant 16 : index
        %get3A_887 = tpu.vector_load %arg16[%get3A_885, %get3A_886] {strides = array<i32>} : memref<1024x32xf32, #tpu.memory_space<vmem>>, vector<1x16xf32>,
        %get3A_888 = vector.shape_cast %get3A_887 : vector<1x16xf32> to vector<16xf32>
        %mul3A_889 = vector.broadcast %squeeze3A : f32 to vector<16xf32>
        %mul3A_890 = arith.mulf %get3A_888, %mul3A_889 : vector<16xf32>
        %add3A_891 = arith.addf %broadcast_in_dim3A_867, %mul3A_890 : vector<16xf32>
        %slice3A_892 = vector.extract_strided_slice %get3A_873 {offsets = [1], sizes = [1], strides = [1]} : vector<16xf32> to vector<1xf32>
        %squeeze3A_893 = vector.extract %slice3A_892[0] : f32 from vector<1xf32>
        %add3A_894 = arith.constant 1 : i32
        %add3A_895 = arith.addi %add3A_871, %add3A_894 : i32
        %get3A_896 = arith.index_cast %add3A_895 : i32 to index
        %get3A_897 = arith.constant 0 : index
        %get3A_898 = tpu.vector_load %arg16[%get3A_896, %get3A_897] {strides = array<i32>} : memref<1024x32xf32, #tpu.memory_space<vmem>>, vector<1x16xf32>,
        %get3A_899 = vector.shape_cast %get3A_898 : vector<1x16xf32> to vector<16xf32>
        %mul3A_900 = vector.broadcast %squeeze3A_893 : f32 to vector<16xf32>
        %mul3A_901 = arith.mulf %get3A_899, %mul3A_900 : vector<16xf32>
        %add3A_902 = arith.addf %add3A_882, %mul3A_901 : vector<16xf32>
        %add3A_903 = arith.constant 1 : i32
        %add3A_904 = arith.addi %add3A_871, %add3A_903 : i32
        %get3A_905 = arith.index_cast %add3A_904 : i32 to index
        %get3A_906 = arith.constant 16 : index
        %get3A_907 = tpu.vector_load %arg16[%get3A_905, %get3A_906] {strides = array<i32>} : memref<1024x32xf32, #tpu.memory_space<vmem>>, vector<1x16xf32>,
        %get3A_908 = vector.shape_cast %get3A_907 : vector<1x16xf32> to vector<16xf32>
        %mul3A_909 = vector.broadcast %squeeze3A_893 : f32 to vector<16xf32>
        %mul3A_910 = arith.mulf %get3A_908, %mul3A_909 : vector<16xf32>
        %add3A_911 = arith.addf %add3A_891, %mul3A_910 : vector<16xf32>
        %slice3A_912 = vector.extract_strided_slice %get3A_873 {offsets = [2], sizes = [1], strides = [1]} : vector<16xf32> to vector<1xf32>
        %squeeze3A_913 = vector.extract %slice3A_912[0] : f32 from vector<1xf32>
        %add3A_914 = arith.constant 2 : i32
        %add3A_915 = arith.addi %add3A_871, %add3A_914 : i32
        %get3A_916 = arith.index_cast %add3A_915 : i32 to index
        %get3A_917 = arith.constant 0 : index
        %get3A_918 = tpu.vector_load %arg16[%get3A_916, %get3A_917] {strides = array<i32>} : memref<1024x32xf32, #tpu.memory_space<vmem>>, vector<1x16xf32>,
        %get3A_919 = vector.shape_cast %get3A_918 : vector<1x16xf32> to vector<16xf32>
        %mul3A_920 = vector.broadcast %squeeze3A_913 : f32 to vector<16xf32>
        %mul3A_921 = arith.mulf %get3A_919, %mul3A_920 : vector<16xf32>
        %add3A_922 = arith.addf %add3A_902, %mul3A_921 : vector<16xf32>
        %add3A_923 = arith.constant 2 : i32
        %add3A_924 = arith.addi %add3A_871, %add3A_923 : i32
        %get3A_925 = arith.index_cast %add3A_924 : i32 to index
        %get3A_926 = arith.constant 16 : index
        %get3A_927 = tpu.vector_load %arg16[%get3A_925, %get3A_926] {strides = array<i32>} : memref<1024x32xf32, #tpu.memory_space<vmem>>, vector<1x16xf32>,
        %get3A_928 = vector.shape_cast %get3A_927 : vector<1x16xf32> to vector<16xf32>
        %mul3A_929 = vector.broadcast %squeeze3A_913 : f32 to vector<16xf32>
        %mul3A_930 = arith.mulf %get3A_928, %mul3A_929 : vector<16xf32>
        %add3A_931 = arith.addf %add3A_911, %mul3A_930 : vector<16xf32>
        %slice3A_932 = vector.extract_strided_slice %get3A_873 {offsets = [3], sizes = [1], strides = [1]} : vector<16xf32> to vector<1xf32>
        %squeeze3A_933 = vector.extract %slice3A_932[0] : f32 from vector<1xf32>
        %add3A_934 = arith.constant 3 : i32
        %add3A_935 = arith.addi %add3A_871, %add3A_934 : i32
        %get3A_936 = arith.index_cast %add3A_935 : i32 to index
        %get3A_937 = arith.constant 0 : index
        %get3A_938 = tpu.vector_load %arg16[%get3A_936, %get3A_937] {strides = array<i32>} : memref<1024x32xf32, #tpu.memory_space<vmem>>, vector<1x16xf32>,
        %get3A_939 = vector.shape_cast %get3A_938 : vector<1x16xf32> to vector<16xf32>
        %mul3A_940 = vector.broadcast %squeeze3A_933 : f32 to vector<16xf32>
        %mul3A_941 = arith.mulf %get3A_939, %mul3A_940 : vector<16xf32>
        %add3A_942 = arith.addf %add3A_922, %mul3A_941 : vector<16xf32>
        %add3A_943 = arith.constant 3 : i32
        %add3A_944 = arith.addi %add3A_871, %add3A_943 : i32
        %get3A_945 = arith.index_cast %add3A_944 : i32 to index
        %get3A_946 = arith.constant 16 : index
        %get3A_947 = tpu.vector_load %arg16[%get3A_945, %get3A_946] {strides = array<i32>} : memref<1024x32xf32, #tpu.memory_space<vmem>>, vector<1x16xf32>,
        %get3A_948 = vector.shape_cast %get3A_947 : vector<1x16xf32> to vector<16xf32>
        %mul3A_949 = vector.broadcast %squeeze3A_933 : f32 to vector<16xf32>
        %mul3A_950 = arith.mulf %get3A_948, %mul3A_949 : vector<16xf32>
        %add3A_951 = arith.addf %add3A_931, %mul3A_950 : vector<16xf32>
        %slice3A_952 = vector.extract_strided_slice %get3A_873 {offsets = [4], sizes = [1], strides = [1]} : vector<16xf32> to vector<1xf32>
        %squeeze3A_953 = vector.extract %slice3A_952[0] : f32 from vector<1xf32>
        %add3A_954 = arith.constant 4 : i32
        %add3A_955 = arith.addi %add3A_871, %add3A_954 : i32
        %get3A_956 = arith.index_cast %add3A_955 : i32 to index
        %get3A_957 = arith.constant 0 : index
        %get3A_958 = tpu.vector_load %arg16[%get3A_956, %get3A_957] {strides = array<i32>} : memref<1024x32xf32, #tpu.memory_space<vmem>>, vector<1x16xf32>,
        %get3A_959 = vector.shape_cast %get3A_958 : vector<1x16xf32> to vector<16xf32>
        %mul3A_960 = vector.broadcast %squeeze3A_953 : f32 to vector<16xf32>
        %mul3A_961 = arith.mulf %get3A_959, %mul3A_960 : vector<16xf32>
        %add3A_962 = arith.addf %add3A_942, %mul3A_961 : vector<16xf32>
        %add3A_963 = arith.constant 4 : i32
        %add3A_964 = arith.addi %add3A_871, %add3A_963 : i32
        %get3A_965 = arith.index_cast %add3A_964 : i32 to index
        %get3A_966 = arith.constant 16 : index
        %get3A_967 = tpu.vector_load %arg16[%get3A_965, %get3A_966] {strides = array<i32>} : memref<1024x32xf32, #tpu.memory_space<vmem>>, vector<1x16xf32>,
        %get3A_968 = vector.shape_cast %get3A_967 : vector<1x16xf32> to vector<16xf32>
        %mul3A_969 = vector.broadcast %squeeze3A_953 : f32 to vector<16xf32>
        %mul3A_970 = arith.mulf %get3A_968, %mul3A_969 : vector<16xf32>
        %add3A_971 = arith.addf %add3A_951, %mul3A_970 : vector<16xf32>
        %slice3A_972 = vector.extract_strided_slice %get3A_873 {offsets = [5], sizes = [1], strides = [1]} : vector<16xf32> to vector<1xf32>
        %squeeze3A_973 = vector.extract %slice3A_972[0] : f32 from vector<1xf32>
        %add3A_974 = arith.constant 5 : i32
        %add3A_975 = arith.addi %add3A_871, %add3A_974 : i32
        %get3A_976 = arith.index_cast %add3A_975 : i32 to index
        %get3A_977 = arith.constant 0 : index
        %get3A_978 = tpu.vector_load %arg16[%get3A_976, %get3A_977] {strides = array<i32>} : memref<1024x32xf32, #tpu.memory_space<vmem>>, vector<1x16xf32>,
        %get3A_979 = vector.shape_cast %get3A_978 : vector<1x16xf32> to vector<16xf32>
        %mul3A_980 = vector.broadcast %squeeze3A_973 : f32 to vector<16xf32>
        %mul3A_981 = arith.mulf %get3A_979, %mul3A_980 : vector<16xf32>
        %add3A_982 = arith.addf %add3A_962, %mul3A_981 : vector<16xf32>
        %add3A_983 = arith.constant 5 : i32
        %add3A_984 = arith.addi %add3A_871, %add3A_983 : i32
        %get3A_985 = arith.index_cast %add3A_984 : i32 to index
        %get3A_986 = arith.constant 16 : index
        %get3A_987 = tpu.vector_load %arg16[%get3A_985, %get3A_986] {strides = array<i32>} : memref<1024x32xf32, #tpu.memory_space<vmem>>, vector<1x16xf32>,
        %get3A_988 = vector.shape_cast %get3A_987 : vector<1x16xf32> to vector<16xf32>
        %mul3A_989 = vector.broadcast %squeeze3A_973 : f32 to vector<16xf32>
        %mul3A_990 = arith.mulf %get3A_988, %mul3A_989 : vector<16xf32>
        %add3A_991 = arith.addf %add3A_971, %mul3A_990 : vector<16xf32>
        %slice3A_992 = vector.extract_strided_slice %get3A_873 {offsets = [6], sizes = [1], strides = [1]} : vector<16xf32> to vector<1xf32>
        %squeeze3A_993 = vector.extract %slice3A_992[0] : f32 from vector<1xf32>
        %add3A_994 = arith.constant 6 : i32
        %add3A_995 = arith.addi %add3A_871, %add3A_994 : i32
        %get3A_996 = arith.index_cast %add3A_995 : i32 to index
        %get3A_997 = arith.constant 0 : index
        %get3A_998 = tpu.vector_load %arg16[%get3A_996, %get3A_997] {strides = array<i32>} : memref<1024x32xf32, #tpu.memory_space<vmem>>, vector<1x16xf32>,
        %get3A_999 = vector.shape_cast %get3A_998 : vector<1x16xf32> to vector<16xf32>
        %mul3A_1000 = vector.broadcast %squeeze3A_993 : f32 to vector<16xf32>
        %mul3A_1001 = arith.mulf %get3A_999, %mul3A_1000 : vector<16xf32>
        %add3A_1002 = arith.addf %add3A_982, %mul3A_1001 : vector<16xf32>
        %add3A_1003 = arith.constant 6 : i32
        %add3A_1004 = arith.addi %add3A_871, %add3A_1003 : i32
        %get3A_1005 = arith.index_cast %add3A_1004 : i32 to index
        %get3A_1006 = arith.constant 16 : index
        %get3A_1007 = tpu.vector_load %arg16[%get3A_1005, %get3A_1006] {strides = array<i32>} : memref<1024x32xf32, #tpu.memory_space<vmem>>, vector<1x16xf32>,
        %get3A_1008 = vector.shape_cast %get3A_1007 : vector<1x16xf32> to vector<16xf32>
        %mul3A_1009 = vector.broadcast %squeeze3A_993 : f32 to vector<16xf32>
        %mul3A_1010 = arith.mulf %get3A_1008, %mul3A_1009 : vector<16xf32>
        %add3A_1011 = arith.addf %add3A_991, %mul3A_1010 : vector<16xf32>
        %slice3A_1012 = vector.extract_strided_slice %get3A_873 {offsets = [7], sizes = [1], strides = [1]} : vector<16xf32> to vector<1xf32>
        %squeeze3A_1013 = vector.extract %slice3A_1012[0] : f32 from vector<1xf32>
        %add3A_1014 = arith.constant 7 : i32
        %add3A_1015 = arith.addi %add3A_871, %add3A_1014 : i32
        %get3A_1016 = arith.index_cast %add3A_1015 : i32 to index
        %get3A_1017 = arith.constant 0 : index
        %get3A_1018 = tpu.vector_load %arg16[%get3A_1016, %get3A_1017] {strides = array<i32>} : memref<1024x32xf32, #tpu.memory_space<vmem>>, vector<1x16xf32>,
        %get3A_1019 = vector.shape_cast %get3A_1018 : vector<1x16xf32> to vector<16xf32>
        %mul3A_1020 = vector.broadcast %squeeze3A_1013 : f32 to vector<16xf32>
        %mul3A_1021 = arith.mulf %get3A_1019, %mul3A_1020 : vector<16xf32>
        %add3A_1022 = arith.addf %add3A_1002, %mul3A_1021 : vector<16xf32>
        %add3A_1023 = arith.constant 7 : i32
        %add3A_1024 = arith.addi %add3A_871, %add3A_1023 : i32
        %get3A_1025 = arith.index_cast %add3A_1024 : i32 to index
        %get3A_1026 = arith.constant 16 : index
        %get3A_1027 = tpu.vector_load %arg16[%get3A_1025, %get3A_1026] {strides = array<i32>} : memref<1024x32xf32, #tpu.memory_space<vmem>>, vector<1x16xf32>,
        %get3A_1028 = vector.shape_cast %get3A_1027 : vector<1x16xf32> to vector<16xf32>
        %mul3A_1029 = vector.broadcast %squeeze3A_1013 : f32 to vector<16xf32>
        %mul3A_1030 = arith.mulf %get3A_1028, %mul3A_1029 : vector<16xf32>
        %add3A_1031 = arith.addf %add3A_1011, %mul3A_1030 : vector<16xf32>
        %slice3A_1032 = vector.extract_strided_slice %get3A_873 {offsets = [8], sizes = [1], strides = [1]} : vector<16xf32> to vector<1xf32>
        %squeeze3A_1033 = vector.extract %slice3A_1032[0] : f32 from vector<1xf32>
        %add3A_1034 = arith.constant 8 : i32
        %add3A_1035 = arith.addi %add3A_871, %add3A_1034 : i32
        %get3A_1036 = arith.index_cast %add3A_1035 : i32 to index
        %get3A_1037 = arith.constant 0 : index
        %get3A_1038 = tpu.vector_load %arg16[%get3A_1036, %get3A_1037] {strides = array<i32>} : memref<1024x32xf32, #tpu.memory_space<vmem>>, vector<1x16xf32>,
        %get3A_1039 = vector.shape_cast %get3A_1038 : vector<1x16xf32> to vector<16xf32>
        %mul3A_1040 = vector.broadcast %squeeze3A_1033 : f32 to vector<16xf32>
        %mul3A_1041 = arith.mulf %get3A_1039, %mul3A_1040 : vector<16xf32>
        %add3A_1042 = arith.addf %add3A_1022, %mul3A_1041 : vector<16xf32>
        %add3A_1043 = arith.constant 8 : i32
        %add3A_1044 = arith.addi %add3A_871, %add3A_1043 : i32
        %get3A_1045 = arith.index_cast %add3A_1044 : i32 to index
        %get3A_1046 = arith.constant 16 : index
        %get3A_1047 = tpu.vector_load %arg16[%get3A_1045, %get3A_1046] {strides = array<i32>} : memref<1024x32xf32, #tpu.memory_space<vmem>>, vector<1x16xf32>,
        %get3A_1048 = vector.shape_cast %get3A_1047 : vector<1x16xf32> to vector<16xf32>
        %mul3A_1049 = vector.broadcast %squeeze3A_1033 : f32 to vector<16xf32>
        %mul3A_1050 = arith.mulf %get3A_1048, %mul3A_1049 : vector<16xf32>
        %add3A_1051 = arith.addf %add3A_1031, %mul3A_1050 : vector<16xf32>
        %slice3A_1052 = vector.extract_strided_slice %get3A_873 {offsets = [9], sizes = [1], strides = [1]} : vector<16xf32> to vector<1xf32>
        %squeeze3A_1053 = vector.extract %slice3A_1052[0] : f32 from vector<1xf32>
        %add3A_1054 = arith.constant 9 : i32
        %add3A_1055 = arith.addi %add3A_871, %add3A_1054 : i32
        %get3A_1056 = arith.index_cast %add3A_1055 : i32 to index
        %get3A_1057 = arith.constant 0 : index
        %get3A_1058 = tpu.vector_load %arg16[%get3A_1056, %get3A_1057] {strides = array<i32>} : memref<1024x32xf32, #tpu.memory_space<vmem>>, vector<1x16xf32>,
        %get3A_1059 = vector.shape_cast %get3A_1058 : vector<1x16xf32> to vector<16xf32>
        %mul3A_1060 = vector.broadcast %squeeze3A_1053 : f32 to vector<16xf32>
        %mul3A_1061 = arith.mulf %get3A_1059, %mul3A_1060 : vector<16xf32>
        %add3A_1062 = arith.addf %add3A_1042, %mul3A_1061 : vector<16xf32>
        %add3A_1063 = arith.constant 9 : i32
        %add3A_1064 = arith.addi %add3A_871, %add3A_1063 : i32
        %get3A_1065 = arith.index_cast %add3A_1064 : i32 to index
        %get3A_1066 = arith.constant 16 : index
        %get3A_1067 = tpu.vector_load %arg16[%get3A_1065, %get3A_1066] {strides = array<i32>} : memref<1024x32xf32, #tpu.memory_space<vmem>>, vector<1x16xf32>,
        %get3A_1068 = vector.shape_cast %get3A_1067 : vector<1x16xf32> to vector<16xf32>
        %mul3A_1069 = vector.broadcast %squeeze3A_1053 : f32 to vector<16xf32>
        %mul3A_1070 = arith.mulf %get3A_1068, %mul3A_1069 : vector<16xf32>
        %add3A_1071 = arith.addf %add3A_1051, %mul3A_1070 : vector<16xf32>
        %slice3A_1072 = vector.extract_strided_slice %get3A_873 {offsets = [10], sizes = [1], strides = [1]} : vector<16xf32> to vector<1xf32>
        %squeeze3A_1073 = vector.extract %slice3A_1072[0] : f32 from vector<1xf32>
        %add3A_1074 = arith.constant 10 : i32
        %add3A_1075 = arith.addi %add3A_871, %add3A_1074 : i32
        %get3A_1076 = arith.index_cast %add3A_1075 : i32 to index
        %get3A_1077 = arith.constant 0 : index
        %get3A_1078 = tpu.vector_load %arg16[%get3A_1076, %get3A_1077] {strides = array<i32>} : memref<1024x32xf32, #tpu.memory_space<vmem>>, vector<1x16xf32>,
        %get3A_1079 = vector.shape_cast %get3A_1078 : vector<1x16xf32> to vector<16xf32>
        %mul3A_1080 = vector.broadcast %squeeze3A_1073 : f32 to vector<16xf32>
        %mul3A_1081 = arith.mulf %get3A_1079, %mul3A_1080 : vector<16xf32>
        %add3A_1082 = arith.addf %add3A_1062, %mul3A_1081 : vector<16xf32>
        %add3A_1083 = arith.constant 10 : i32
        %add3A_1084 = arith.addi %add3A_871, %add3A_1083 : i32
        %get3A_1085 = arith.index_cast %add3A_1084 : i32 to index
        %get3A_1086 = arith.constant 16 : index
        %get3A_1087 = tpu.vector_load %arg16[%get3A_1085, %get3A_1086] {strides = array<i32>} : memref<1024x32xf32, #tpu.memory_space<vmem>>, vector<1x16xf32>,
        %get3A_1088 = vector.shape_cast %get3A_1087 : vector<1x16xf32> to vector<16xf32>
        %mul3A_1089 = vector.broadcast %squeeze3A_1073 : f32 to vector<16xf32>
        %mul3A_1090 = arith.mulf %get3A_1088, %mul3A_1089 : vector<16xf32>
        %add3A_1091 = arith.addf %add3A_1071, %mul3A_1090 : vector<16xf32>
        %slice3A_1092 = vector.extract_strided_slice %get3A_873 {offsets = [11], sizes = [1], strides = [1]} : vector<16xf32> to vector<1xf32>
        %squeeze3A_1093 = vector.extract %slice3A_1092[0] : f32 from vector<1xf32>
        %add3A_1094 = arith.constant 11 : i32
        %add3A_1095 = arith.addi %add3A_871, %add3A_1094 : i32
        %get3A_1096 = arith.index_cast %add3A_1095 : i32 to index
        %get3A_1097 = arith.constant 0 : index
        %get3A_1098 = tpu.vector_load %arg16[%get3A_1096, %get3A_1097] {strides = array<i32>} : memref<1024x32xf32, #tpu.memory_space<vmem>>, vector<1x16xf32>,
        %get3A_1099 = vector.shape_cast %get3A_1098 : vector<1x16xf32> to vector<16xf32>
        %mul3A_1100 = vector.broadcast %squeeze3A_1093 : f32 to vector<16xf32>
        %mul3A_1101 = arith.mulf %get3A_1099, %mul3A_1100 : vector<16xf32>
        %add3A_1102 = arith.addf %add3A_1082, %mul3A_1101 : vector<16xf32>
        %add3A_1103 = arith.constant 11 : i32
        %add3A_1104 = arith.addi %add3A_871, %add3A_1103 : i32
        %get3A_1105 = arith.index_cast %add3A_1104 : i32 to index
        %get3A_1106 = arith.constant 16 : index
        %get3A_1107 = tpu.vector_load %arg16[%get3A_1105, %get3A_1106] {strides = array<i32>} : memref<1024x32xf32, #tpu.memory_space<vmem>>, vector<1x16xf32>,
        %get3A_1108 = vector.shape_cast %get3A_1107 : vector<1x16xf32> to vector<16xf32>
        %mul3A_1109 = vector.broadcast %squeeze3A_1093 : f32 to vector<16xf32>
        %mul3A_1110 = arith.mulf %get3A_1108, %mul3A_1109 : vector<16xf32>
        %add3A_1111 = arith.addf %add3A_1091, %mul3A_1110 : vector<16xf32>
        %slice3A_1112 = vector.extract_strided_slice %get3A_873 {offsets = [12], sizes = [1], strides = [1]} : vector<16xf32> to vector<1xf32>
        %squeeze3A_1113 = vector.extract %slice3A_1112[0] : f32 from vector<1xf32>
        %add3A_1114 = arith.constant 12 : i32
        %add3A_1115 = arith.addi %add3A_871, %add3A_1114 : i32
        %get3A_1116 = arith.index_cast %add3A_1115 : i32 to index
        %get3A_1117 = arith.constant 0 : index
        %get3A_1118 = tpu.vector_load %arg16[%get3A_1116, %get3A_1117] {strides = array<i32>} : memref<1024x32xf32, #tpu.memory_space<vmem>>, vector<1x16xf32>,
        %get3A_1119 = vector.shape_cast %get3A_1118 : vector<1x16xf32> to vector<16xf32>
        %mul3A_1120 = vector.broadcast %squeeze3A_1113 : f32 to vector<16xf32>
        %mul3A_1121 = arith.mulf %get3A_1119, %mul3A_1120 : vector<16xf32>
        %add3A_1122 = arith.addf %add3A_1102, %mul3A_1121 : vector<16xf32>
        %add3A_1123 = arith.constant 12 : i32
        %add3A_1124 = arith.addi %add3A_871, %add3A_1123 : i32
        %get3A_1125 = arith.index_cast %add3A_1124 : i32 to index
        %get3A_1126 = arith.constant 16 : index
        %get3A_1127 = tpu.vector_load %arg16[%get3A_1125, %get3A_1126] {strides = array<i32>} : memref<1024x32xf32, #tpu.memory_space<vmem>>, vector<1x16xf32>,
        %get3A_1128 = vector.shape_cast %get3A_1127 : vector<1x16xf32> to vector<16xf32>
        %mul3A_1129 = vector.broadcast %squeeze3A_1113 : f32 to vector<16xf32>
        %mul3A_1130 = arith.mulf %get3A_1128, %mul3A_1129 : vector<16xf32>
        %add3A_1131 = arith.addf %add3A_1111, %mul3A_1130 : vector<16xf32>
        %slice3A_1132 = vector.extract_strided_slice %get3A_873 {offsets = [13], sizes = [1], strides = [1]} : vector<16xf32> to vector<1xf32>
        %squeeze3A_1133 = vector.extract %slice3A_1132[0] : f32 from vector<1xf32>
        %add3A_1134 = arith.constant 13 : i32
        %add3A_1135 = arith.addi %add3A_871, %add3A_1134 : i32
        %get3A_1136 = arith.index_cast %add3A_1135 : i32 to index
        %get3A_1137 = arith.constant 0 : index
        %get3A_1138 = tpu.vector_load %arg16[%get3A_1136, %get3A_1137] {strides = array<i32>} : memref<1024x32xf32, #tpu.memory_space<vmem>>, vector<1x16xf32>,
        %get3A_1139 = vector.shape_cast %get3A_1138 : vector<1x16xf32> to vector<16xf32>
        %mul3A_1140 = vector.broadcast %squeeze3A_1133 : f32 to vector<16xf32>
        %mul3A_1141 = arith.mulf %get3A_1139, %mul3A_1140 : vector<16xf32>
        %add3A_1142 = arith.addf %add3A_1122, %mul3A_1141 : vector<16xf32>
        %add3A_1143 = arith.constant 13 : i32
        %add3A_1144 = arith.addi %add3A_871, %add3A_1143 : i32
        %get3A_1145 = arith.index_cast %add3A_1144 : i32 to index
        %get3A_1146 = arith.constant 16 : index
        %get3A_1147 = tpu.vector_load %arg16[%get3A_1145, %get3A_1146] {strides = array<i32>} : memref<1024x32xf32, #tpu.memory_space<vmem>>, vector<1x16xf32>,
        %get3A_1148 = vector.shape_cast %get3A_1147 : vector<1x16xf32> to vector<16xf32>
        %mul3A_1149 = vector.broadcast %squeeze3A_1133 : f32 to vector<16xf32>
        %mul3A_1150 = arith.mulf %get3A_1148, %mul3A_1149 : vector<16xf32>
        %add3A_1151 = arith.addf %add3A_1131, %mul3A_1150 : vector<16xf32>
        %slice3A_1152 = vector.extract_strided_slice %get3A_873 {offsets = [14], sizes = [1], strides = [1]} : vector<16xf32> to vector<1xf32>
        %squeeze3A_1153 = vector.extract %slice3A_1152[0] : f32 from vector<1xf32>
        %add3A_1154 = arith.constant 14 : i32
        %add3A_1155 = arith.addi %add3A_871, %add3A_1154 : i32
        %get3A_1156 = arith.index_cast %add3A_1155 : i32 to index
        %get3A_1157 = arith.constant 0 : index
        %get3A_1158 = tpu.vector_load %arg16[%get3A_1156, %get3A_1157] {strides = array<i32>} : memref<1024x32xf32, #tpu.memory_space<vmem>>, vector<1x16xf32>,
        %get3A_1159 = vector.shape_cast %get3A_1158 : vector<1x16xf32> to vector<16xf32>
        %mul3A_1160 = vector.broadcast %squeeze3A_1153 : f32 to vector<16xf32>
        %mul3A_1161 = arith.mulf %get3A_1159, %mul3A_1160 : vector<16xf32>
        %add3A_1162 = arith.addf %add3A_1142, %mul3A_1161 : vector<16xf32>
        %add3A_1163 = arith.constant 14 : i32
        %add3A_1164 = arith.addi %add3A_871, %add3A_1163 : i32
        %get3A_1165 = arith.index_cast %add3A_1164 : i32 to index
        %get3A_1166 = arith.constant 16 : index
        %get3A_1167 = tpu.vector_load %arg16[%get3A_1165, %get3A_1166] {strides = array<i32>} : memref<1024x32xf32, #tpu.memory_space<vmem>>, vector<1x16xf32>,
        %get3A_1168 = vector.shape_cast %get3A_1167 : vector<1x16xf32> to vector<16xf32>
        %mul3A_1169 = vector.broadcast %squeeze3A_1153 : f32 to vector<16xf32>
        %mul3A_1170 = arith.mulf %get3A_1168, %mul3A_1169 : vector<16xf32>
        %add3A_1171 = arith.addf %add3A_1151, %mul3A_1170 : vector<16xf32>
        %slice3A_1172 = vector.extract_strided_slice %get3A_873 {offsets = [15], sizes = [1], strides = [1]} : vector<16xf32> to vector<1xf32>
        %squeeze3A_1173 = vector.extract %slice3A_1172[0] : f32 from vector<1xf32>
        %add3A_1174 = arith.constant 15 : i32
        %add3A_1175 = arith.addi %add3A_871, %add3A_1174 : i32
        %get3A_1176 = arith.index_cast %add3A_1175 : i32 to index
        %get3A_1177 = arith.constant 0 : index
        %get3A_1178 = tpu.vector_load %arg16[%get3A_1176, %get3A_1177] {strides = array<i32>} : memref<1024x32xf32, #tpu.memory_space<vmem>>, vector<1x16xf32>,
        %get3A_1179 = vector.shape_cast %get3A_1178 : vector<1x16xf32> to vector<16xf32>
        %mul3A_1180 = vector.broadcast %squeeze3A_1173 : f32 to vector<16xf32>
        %mul3A_1181 = arith.mulf %get3A_1179, %mul3A_1180 : vector<16xf32>
        %add3A_1182 = arith.addf %add3A_1162, %mul3A_1181 : vector<16xf32>
        %add3A_1183 = arith.constant 15 : i32
        %add3A_1184 = arith.addi %add3A_871, %add3A_1183 : i32
        %get3A_1185 = arith.index_cast %add3A_1184 : i32 to index
        %get3A_1186 = arith.constant 16 : index
        %get3A_1187 = tpu.vector_load %arg16[%get3A_1185, %get3A_1186] {strides = array<i32>} : memref<1024x32xf32, #tpu.memory_space<vmem>>, vector<1x16xf32>,
        %get3A_1188 = vector.shape_cast %get3A_1187 : vector<1x16xf32> to vector<16xf32>
        %mul3A_1189 = vector.broadcast %squeeze3A_1173 : f32 to vector<16xf32>
        %mul3A_1190 = arith.mulf %get3A_1188, %mul3A_1189 : vector<16xf32>
        %add3A_1191 = arith.addf %add3A_1171, %mul3A_1190 : vector<16xf32>
        %mul3A_1192 = arith.constant 16 : i32
        %mul3A_1193 = arith.muli %scan3A_864, %mul3A_1192 : i32
        %add3A_1194 = arith.constant 256 : i32
        %add3A_1195 = arith.addi %add3A_1194, %mul3A_1193 : i32
        %get3A_1196 = arith.index_cast %add3A_1195 : i32 to index
        %get3A_1197 = tpu.vector_load %arg14[%get3A_1196] {strides = array<i32>} : memref<1024xf32, #tpu.memory_space<vmem>>, vector<16xf32>,
        %get3A_1198 = vector.shape_cast %get3A_1197 : vector<16xf32> to vector<16xf32>
        %slice3A_1199 = vector.extract_strided_slice %get3A_1198 {offsets = [0], sizes = [1], strides = [1]} : vector<16xf32> to vector<1xf32>
        %squeeze3A_1200 = vector.extract %slice3A_1199[0] : f32 from vector<1xf32>
        %add3A_1201 = arith.constant 0 : i32
        %add3A_1202 = arith.addi %add3A_1195, %add3A_1201 : i32
        %get3A_1203 = arith.index_cast %add3A_1202 : i32 to index
        %get3A_1204 = arith.constant 0 : index
        %get3A_1205 = tpu.vector_load %arg16[%get3A_1203, %get3A_1204] {strides = array<i32>} : memref<1024x32xf32, #tpu.memory_space<vmem>>, vector<1x16xf32>,
        %get3A_1206 = vector.shape_cast %get3A_1205 : vector<1x16xf32> to vector<16xf32>
        %mul3A_1207 = vector.broadcast %squeeze3A_1200 : f32 to vector<16xf32>
        %mul3A_1208 = arith.mulf %get3A_1206, %mul3A_1207 : vector<16xf32>
        %add3A_1209 = arith.addf %add3A_1182, %mul3A_1208 : vector<16xf32>
        %add3A_1210 = arith.constant 0 : i32
        %add3A_1211 = arith.addi %add3A_1195, %add3A_1210 : i32
        %get3A_1212 = arith.index_cast %add3A_1211 : i32 to index
        %get3A_1213 = arith.constant 16 : index
        %get3A_1214 = tpu.vector_load %arg16[%get3A_1212, %get3A_1213] {strides = array<i32>} : memref<1024x32xf32, #tpu.memory_space<vmem>>, vector<1x16xf32>,
        %get3A_1215 = vector.shape_cast %get3A_1214 : vector<1x16xf32> to vector<16xf32>
        %mul3A_1216 = vector.broadcast %squeeze3A_1200 : f32 to vector<16xf32>
        %mul3A_1217 = arith.mulf %get3A_1215, %mul3A_1216 : vector<16xf32>
        %add3A_1218 = arith.addf %add3A_1191, %mul3A_1217 : vector<16xf32>
        %slice3A_1219 = vector.extract_strided_slice %get3A_1198 {offsets = [1], sizes = [1], strides = [1]} : vector<16xf32> to vector<1xf32>
        %squeeze3A_1220 = vector.extract %slice3A_1219[0] : f32 from vector<1xf32>
        %add3A_1221 = arith.constant 1 : i32
        %add3A_1222 = arith.addi %add3A_1195, %add3A_1221 : i32
        %get3A_1223 = arith.index_cast %add3A_1222 : i32 to index
        %get3A_1224 = arith.constant 0 : index
        %get3A_1225 = tpu.vector_load %arg16[%get3A_1223, %get3A_1224] {strides = array<i32>} : memref<1024x32xf32, #tpu.memory_space<vmem>>, vector<1x16xf32>,
        %get3A_1226 = vector.shape_cast %get3A_1225 : vector<1x16xf32> to vector<16xf32>
        %mul3A_1227 = vector.broadcast %squeeze3A_1220 : f32 to vector<16xf32>
        %mul3A_1228 = arith.mulf %get3A_1226, %mul3A_1227 : vector<16xf32>
        %add3A_1229 = arith.addf %add3A_1209, %mul3A_1228 : vector<16xf32>
        %add3A_1230 = arith.constant 1 : i32
        %add3A_1231 = arith.addi %add3A_1195, %add3A_1230 : i32
        %get3A_1232 = arith.index_cast %add3A_1231 : i32 to index
        %get3A_1233 = arith.constant 16 : index
        %get3A_1234 = tpu.vector_load %arg16[%get3A_1232, %get3A_1233] {strides = array<i32>} : memref<1024x32xf32, #tpu.memory_space<vmem>>, vector<1x16xf32>,
        %get3A_1235 = vector.shape_cast %get3A_1234 : vector<1x16xf32> to vector<16xf32>
        %mul3A_1236 = vector.broadcast %squeeze3A_1220 : f32 to vector<16xf32>
        %mul3A_1237 = arith.mulf %get3A_1235, %mul3A_1236 : vector<16xf32>
        %add3A_1238 = arith.addf %add3A_1218, %mul3A_1237 : vector<16xf32>
        %slice3A_1239 = vector.extract_strided_slice %get3A_1198 {offsets = [2], sizes = [1], strides = [1]} : vector<16xf32> to vector<1xf32>
        %squeeze3A_1240 = vector.extract %slice3A_1239[0] : f32 from vector<1xf32>
        %add3A_1241 = arith.constant 2 : i32
        %add3A_1242 = arith.addi %add3A_1195, %add3A_1241 : i32
        %get3A_1243 = arith.index_cast %add3A_1242 : i32 to index
        %get3A_1244 = arith.constant 0 : index
        %get3A_1245 = tpu.vector_load %arg16[%get3A_1243, %get3A_1244] {strides = array<i32>} : memref<1024x32xf32, #tpu.memory_space<vmem>>, vector<1x16xf32>,
        %get3A_1246 = vector.shape_cast %get3A_1245 : vector<1x16xf32> to vector<16xf32>
        %mul3A_1247 = vector.broadcast %squeeze3A_1240 : f32 to vector<16xf32>
        %mul3A_1248 = arith.mulf %get3A_1246, %mul3A_1247 : vector<16xf32>
        %add3A_1249 = arith.addf %add3A_1229, %mul3A_1248 : vector<16xf32>
        %add3A_1250 = arith.constant 2 : i32
        %add3A_1251 = arith.addi %add3A_1195, %add3A_1250 : i32
        %get3A_1252 = arith.index_cast %add3A_1251 : i32 to index
        %get3A_1253 = arith.constant 16 : index
        %get3A_1254 = tpu.vector_load %arg16[%get3A_1252, %get3A_1253] {strides = array<i32>} : memref<1024x32xf32, #tpu.memory_space<vmem>>, vector<1x16xf32>,
        %get3A_1255 = vector.shape_cast %get3A_1254 : vector<1x16xf32> to vector<16xf32>
        %mul3A_1256 = vector.broadcast %squeeze3A_1240 : f32 to vector<16xf32>
        %mul3A_1257 = arith.mulf %get3A_1255, %mul3A_1256 : vector<16xf32>
        %add3A_1258 = arith.addf %add3A_1238, %mul3A_1257 : vector<16xf32>
        %slice3A_1259 = vector.extract_strided_slice %get3A_1198 {offsets = [3], sizes = [1], strides = [1]} : vector<16xf32> to vector<1xf32>
        %squeeze3A_1260 = vector.extract %slice3A_1259[0] : f32 from vector<1xf32>
        %add3A_1261 = arith.constant 3 : i32
        %add3A_1262 = arith.addi %add3A_1195, %add3A_1261 : i32
        %get3A_1263 = arith.index_cast %add3A_1262 : i32 to index
        %get3A_1264 = arith.constant 0 : index
        %get3A_1265 = tpu.vector_load %arg16[%get3A_1263, %get3A_1264] {strides = array<i32>} : memref<1024x32xf32, #tpu.memory_space<vmem>>, vector<1x16xf32>,
        %get3A_1266 = vector.shape_cast %get3A_1265 : vector<1x16xf32> to vector<16xf32>
        %mul3A_1267 = vector.broadcast %squeeze3A_1260 : f32 to vector<16xf32>
        %mul3A_1268 = arith.mulf %get3A_1266, %mul3A_1267 : vector<16xf32>
        %add3A_1269 = arith.addf %add3A_1249, %mul3A_1268 : vector<16xf32>
        %add3A_1270 = arith.constant 3 : i32
        %add3A_1271 = arith.addi %add3A_1195, %add3A_1270 : i32
        %get3A_1272 = arith.index_cast %add3A_1271 : i32 to index
        %get3A_1273 = arith.constant 16 : index
        %get3A_1274 = tpu.vector_load %arg16[%get3A_1272, %get3A_1273] {strides = array<i32>} : memref<1024x32xf32, #tpu.memory_space<vmem>>, vector<1x16xf32>,
        %get3A_1275 = vector.shape_cast %get3A_1274 : vector<1x16xf32> to vector<16xf32>
        %mul3A_1276 = vector.broadcast %squeeze3A_1260 : f32 to vector<16xf32>
        %mul3A_1277 = arith.mulf %get3A_1275, %mul3A_1276 : vector<16xf32>
        %add3A_1278 = arith.addf %add3A_1258, %mul3A_1277 : vector<16xf32>
        %slice3A_1279 = vector.extract_strided_slice %get3A_1198 {offsets = [4], sizes = [1], strides = [1]} : vector<16xf32> to vector<1xf32>
        %squeeze3A_1280 = vector.extract %slice3A_1279[0] : f32 from vector<1xf32>
        %add3A_1281 = arith.constant 4 : i32
        %add3A_1282 = arith.addi %add3A_1195, %add3A_1281 : i32
        %get3A_1283 = arith.index_cast %add3A_1282 : i32 to index
        %get3A_1284 = arith.constant 0 : index
        %get3A_1285 = tpu.vector_load %arg16[%get3A_1283, %get3A_1284] {strides = array<i32>} : memref<1024x32xf32, #tpu.memory_space<vmem>>, vector<1x16xf32>,
        %get3A_1286 = vector.shape_cast %get3A_1285 : vector<1x16xf32> to vector<16xf32>
        %mul3A_1287 = vector.broadcast %squeeze3A_1280 : f32 to vector<16xf32>
        %mul3A_1288 = arith.mulf %get3A_1286, %mul3A_1287 : vector<16xf32>
        %add3A_1289 = arith.addf %add3A_1269, %mul3A_1288 : vector<16xf32>
        %add3A_1290 = arith.constant 4 : i32
        %add3A_1291 = arith.addi %add3A_1195, %add3A_1290 : i32
        %get3A_1292 = arith.index_cast %add3A_1291 : i32 to index
        %get3A_1293 = arith.constant 16 : index
        %get3A_1294 = tpu.vector_load %arg16[%get3A_1292, %get3A_1293] {strides = array<i32>} : memref<1024x32xf32, #tpu.memory_space<vmem>>, vector<1x16xf32>,
        %get3A_1295 = vector.shape_cast %get3A_1294 : vector<1x16xf32> to vector<16xf32>
        %mul3A_1296 = vector.broadcast %squeeze3A_1280 : f32 to vector<16xf32>
        %mul3A_1297 = arith.mulf %get3A_1295, %mul3A_1296 : vector<16xf32>
        %add3A_1298 = arith.addf %add3A_1278, %mul3A_1297 : vector<16xf32>
        %slice3A_1299 = vector.extract_strided_slice %get3A_1198 {offsets = [5], sizes = [1], strides = [1]} : vector<16xf32> to vector<1xf32>
        %squeeze3A_1300 = vector.extract %slice3A_1299[0] : f32 from vector<1xf32>
        %add3A_1301 = arith.constant 5 : i32
        %add3A_1302 = arith.addi %add3A_1195, %add3A_1301 : i32
        %get3A_1303 = arith.index_cast %add3A_1302 : i32 to index
        %get3A_1304 = arith.constant 0 : index
        %get3A_1305 = tpu.vector_load %arg16[%get3A_1303, %get3A_1304] {strides = array<i32>} : memref<1024x32xf32, #tpu.memory_space<vmem>>, vector<1x16xf32>,
        %get3A_1306 = vector.shape_cast %get3A_1305 : vector<1x16xf32> to vector<16xf32>
        %mul3A_1307 = vector.broadcast %squeeze3A_1300 : f32 to vector<16xf32>
        %mul3A_1308 = arith.mulf %get3A_1306, %mul3A_1307 : vector<16xf32>
        %add3A_1309 = arith.addf %add3A_1289, %mul3A_1308 : vector<16xf32>
        %add3A_1310 = arith.constant 5 : i32
        %add3A_1311 = arith.addi %add3A_1195, %add3A_1310 : i32
        %get3A_1312 = arith.index_cast %add3A_1311 : i32 to index
        %get3A_1313 = arith.constant 16 : index
        %get3A_1314 = tpu.vector_load %arg16[%get3A_1312, %get3A_1313] {strides = array<i32>} : memref<1024x32xf32, #tpu.memory_space<vmem>>, vector<1x16xf32>,
        %get3A_1315 = vector.shape_cast %get3A_1314 : vector<1x16xf32> to vector<16xf32>
        %mul3A_1316 = vector.broadcast %squeeze3A_1300 : f32 to vector<16xf32>
        %mul3A_1317 = arith.mulf %get3A_1315, %mul3A_1316 : vector<16xf32>
        %add3A_1318 = arith.addf %add3A_1298, %mul3A_1317 : vector<16xf32>
        %slice3A_1319 = vector.extract_strided_slice %get3A_1198 {offsets = [6], sizes = [1], strides = [1]} : vector<16xf32> to vector<1xf32>
        %squeeze3A_1320 = vector.extract %slice3A_1319[0] : f32 from vector<1xf32>
        %add3A_1321 = arith.constant 6 : i32
        %add3A_1322 = arith.addi %add3A_1195, %add3A_1321 : i32
        %get3A_1323 = arith.index_cast %add3A_1322 : i32 to index
        %get3A_1324 = arith.constant 0 : index
        %get3A_1325 = tpu.vector_load %arg16[%get3A_1323, %get3A_1324] {strides = array<i32>} : memref<1024x32xf32, #tpu.memory_space<vmem>>, vector<1x16xf32>,
        %get3A_1326 = vector.shape_cast %get3A_1325 : vector<1x16xf32> to vector<16xf32>
        %mul3A_1327 = vector.broadcast %squeeze3A_1320 : f32 to vector<16xf32>
        %mul3A_1328 = arith.mulf %get3A_1326, %mul3A_1327 : vector<16xf32>
        %add3A_1329 = arith.addf %add3A_1309, %mul3A_1328 : vector<16xf32>
        %add3A_1330 = arith.constant 6 : i32
        %add3A_1331 = arith.addi %add3A_1195, %add3A_1330 : i32
        %get3A_1332 = arith.index_cast %add3A_1331 : i32 to index
        %get3A_1333 = arith.constant 16 : index
        %get3A_1334 = tpu.vector_load %arg16[%get3A_1332, %get3A_1333] {strides = array<i32>} : memref<1024x32xf32, #tpu.memory_space<vmem>>, vector<1x16xf32>,
        %get3A_1335 = vector.shape_cast %get3A_1334 : vector<1x16xf32> to vector<16xf32>
        %mul3A_1336 = vector.broadcast %squeeze3A_1320 : f32 to vector<16xf32>
        %mul3A_1337 = arith.mulf %get3A_1335, %mul3A_1336 : vector<16xf32>
        %add3A_1338 = arith.addf %add3A_1318, %mul3A_1337 : vector<16xf32>
        %slice3A_1339 = vector.extract_strided_slice %get3A_1198 {offsets = [7], sizes = [1], strides = [1]} : vector<16xf32> to vector<1xf32>
        %squeeze3A_1340 = vector.extract %slice3A_1339[0] : f32 from vector<1xf32>
        %add3A_1341 = arith.constant 7 : i32
        %add3A_1342 = arith.addi %add3A_1195, %add3A_1341 : i32
        %get3A_1343 = arith.index_cast %add3A_1342 : i32 to index
        %get3A_1344 = arith.constant 0 : index
        %get3A_1345 = tpu.vector_load %arg16[%get3A_1343, %get3A_1344] {strides = array<i32>} : memref<1024x32xf32, #tpu.memory_space<vmem>>, vector<1x16xf32>,
        %get3A_1346 = vector.shape_cast %get3A_1345 : vector<1x16xf32> to vector<16xf32>
        %mul3A_1347 = vector.broadcast %squeeze3A_1340 : f32 to vector<16xf32>
        %mul3A_1348 = arith.mulf %get3A_1346, %mul3A_1347 : vector<16xf32>
        %add3A_1349 = arith.addf %add3A_1329, %mul3A_1348 : vector<16xf32>
        %add3A_1350 = arith.constant 7 : i32
        %add3A_1351 = arith.addi %add3A_1195, %add3A_1350 : i32
        %get3A_1352 = arith.index_cast %add3A_1351 : i32 to index
        %get3A_1353 = arith.constant 16 : index
        %get3A_1354 = tpu.vector_load %arg16[%get3A_1352, %get3A_1353] {strides = array<i32>} : memref<1024x32xf32, #tpu.memory_space<vmem>>, vector<1x16xf32>,
        %get3A_1355 = vector.shape_cast %get3A_1354 : vector<1x16xf32> to vector<16xf32>
        %mul3A_1356 = vector.broadcast %squeeze3A_1340 : f32 to vector<16xf32>
        %mul3A_1357 = arith.mulf %get3A_1355, %mul3A_1356 : vector<16xf32>
        %add3A_1358 = arith.addf %add3A_1338, %mul3A_1357 : vector<16xf32>
        %slice3A_1359 = vector.extract_strided_slice %get3A_1198 {offsets = [8], sizes = [1], strides = [1]} : vector<16xf32> to vector<1xf32>
        %squeeze3A_1360 = vector.extract %slice3A_1359[0] : f32 from vector<1xf32>
        %add3A_1361 = arith.constant 8 : i32
        %add3A_1362 = arith.addi %add3A_1195, %add3A_1361 : i32
        %get3A_1363 = arith.index_cast %add3A_1362 : i32 to index
        %get3A_1364 = arith.constant 0 : index
        %get3A_1365 = tpu.vector_load %arg16[%get3A_1363, %get3A_1364] {strides = array<i32>} : memref<1024x32xf32, #tpu.memory_space<vmem>>, vector<1x16xf32>,
        %get3A_1366 = vector.shape_cast %get3A_1365 : vector<1x16xf32> to vector<16xf32>
        %mul3A_1367 = vector.broadcast %squeeze3A_1360 : f32 to vector<16xf32>
        %mul3A_1368 = arith.mulf %get3A_1366, %mul3A_1367 : vector<16xf32>
        %add3A_1369 = arith.addf %add3A_1349, %mul3A_1368 : vector<16xf32>
        %add3A_1370 = arith.constant 8 : i32
        %add3A_1371 = arith.addi %add3A_1195, %add3A_1370 : i32
        %get3A_1372 = arith.index_cast %add3A_1371 : i32 to index
        %get3A_1373 = arith.constant 16 : index
        %get3A_1374 = tpu.vector_load %arg16[%get3A_1372, %get3A_1373] {strides = array<i32>} : memref<1024x32xf32, #tpu.memory_space<vmem>>, vector<1x16xf32>,
        %get3A_1375 = vector.shape_cast %get3A_1374 : vector<1x16xf32> to vector<16xf32>
        %mul3A_1376 = vector.broadcast %squeeze3A_1360 : f32 to vector<16xf32>
        %mul3A_1377 = arith.mulf %get3A_1375, %mul3A_1376 : vector<16xf32>
        %add3A_1378 = arith.addf %add3A_1358, %mul3A_1377 : vector<16xf32>
        %slice3A_1379 = vector.extract_strided_slice %get3A_1198 {offsets = [9], sizes = [1], strides = [1]} : vector<16xf32> to vector<1xf32>
        %squeeze3A_1380 = vector.extract %slice3A_1379[0] : f32 from vector<1xf32>
        %add3A_1381 = arith.constant 9 : i32
        %add3A_1382 = arith.addi %add3A_1195, %add3A_1381 : i32
        %get3A_1383 = arith.index_cast %add3A_1382 : i32 to index
        %get3A_1384 = arith.constant 0 : index
        %get3A_1385 = tpu.vector_load %arg16[%get3A_1383, %get3A_1384] {strides = array<i32>} : memref<1024x32xf32, #tpu.memory_space<vmem>>, vector<1x16xf32>,
        %get3A_1386 = vector.shape_cast %get3A_1385 : vector<1x16xf32> to vector<16xf32>
        %mul3A_1387 = vector.broadcast %squeeze3A_1380 : f32 to vector<16xf32>
        %mul3A_1388 = arith.mulf %get3A_1386, %mul3A_1387 : vector<16xf32>
        %add3A_1389 = arith.addf %add3A_1369, %mul3A_1388 : vector<16xf32>
        %add3A_1390 = arith.constant 9 : i32
        %add3A_1391 = arith.addi %add3A_1195, %add3A_1390 : i32
        %get3A_1392 = arith.index_cast %add3A_1391 : i32 to index
        %get3A_1393 = arith.constant 16 : index
        %get3A_1394 = tpu.vector_load %arg16[%get3A_1392, %get3A_1393] {strides = array<i32>} : memref<1024x32xf32, #tpu.memory_space<vmem>>, vector<1x16xf32>,
        %get3A_1395 = vector.shape_cast %get3A_1394 : vector<1x16xf32> to vector<16xf32>
        %mul3A_1396 = vector.broadcast %squeeze3A_1380 : f32 to vector<16xf32>
        %mul3A_1397 = arith.mulf %get3A_1395, %mul3A_1396 : vector<16xf32>
        %add3A_1398 = arith.addf %add3A_1378, %mul3A_1397 : vector<16xf32>
        %slice3A_1399 = vector.extract_strided_slice %get3A_1198 {offsets = [10], sizes = [1], strides = [1]} : vector<16xf32> to vector<1xf32>
        %squeeze3A_1400 = vector.extract %slice3A_1399[0] : f32 from vector<1xf32>
        %add3A_1401 = arith.constant 10 : i32
        %add3A_1402 = arith.addi %add3A_1195, %add3A_1401 : i32
        %get3A_1403 = arith.index_cast %add3A_1402 : i32 to index
        %get3A_1404 = arith.constant 0 : index
        %get3A_1405 = tpu.vector_load %arg16[%get3A_1403, %get3A_1404] {strides = array<i32>} : memref<1024x32xf32, #tpu.memory_space<vmem>>, vector<1x16xf32>,
        %get3A_1406 = vector.shape_cast %get3A_1405 : vector<1x16xf32> to vector<16xf32>
        %mul3A_1407 = vector.broadcast %squeeze3A_1400 : f32 to vector<16xf32>
        %mul3A_1408 = arith.mulf %get3A_1406, %mul3A_1407 : vector<16xf32>
        %add3A_1409 = arith.addf %add3A_1389, %mul3A_1408 : vector<16xf32>
        %add3A_1410 = arith.constant 10 : i32
        %add3A_1411 = arith.addi %add3A_1195, %add3A_1410 : i32
        %get3A_1412 = arith.index_cast %add3A_1411 : i32 to index
        %get3A_1413 = arith.constant 16 : index
        %get3A_1414 = tpu.vector_load %arg16[%get3A_1412, %get3A_1413] {strides = array<i32>} : memref<1024x32xf32, #tpu.memory_space<vmem>>, vector<1x16xf32>,
        %get3A_1415 = vector.shape_cast %get3A_1414 : vector<1x16xf32> to vector<16xf32>
        %mul3A_1416 = vector.broadcast %squeeze3A_1400 : f32 to vector<16xf32>
        %mul3A_1417 = arith.mulf %get3A_1415, %mul3A_1416 : vector<16xf32>
        %add3A_1418 = arith.addf %add3A_1398, %mul3A_1417 : vector<16xf32>
        %slice3A_1419 = vector.extract_strided_slice %get3A_1198 {offsets = [11], sizes = [1], strides = [1]} : vector<16xf32> to vector<1xf32>
        %squeeze3A_1420 = vector.extract %slice3A_1419[0] : f32 from vector<1xf32>
        %add3A_1421 = arith.constant 11 : i32
        %add3A_1422 = arith.addi %add3A_1195, %add3A_1421 : i32
        %get3A_1423 = arith.index_cast %add3A_1422 : i32 to index
        %get3A_1424 = arith.constant 0 : index
        %get3A_1425 = tpu.vector_load %arg16[%get3A_1423, %get3A_1424] {strides = array<i32>} : memref<1024x32xf32, #tpu.memory_space<vmem>>, vector<1x16xf32>,
        %get3A_1426 = vector.shape_cast %get3A_1425 : vector<1x16xf32> to vector<16xf32>
        %mul3A_1427 = vector.broadcast %squeeze3A_1420 : f32 to vector<16xf32>
        %mul3A_1428 = arith.mulf %get3A_1426, %mul3A_1427 : vector<16xf32>
        %add3A_1429 = arith.addf %add3A_1409, %mul3A_1428 : vector<16xf32>
        %add3A_1430 = arith.constant 11 : i32
        %add3A_1431 = arith.addi %add3A_1195, %add3A_1430 : i32
        %get3A_1432 = arith.index_cast %add3A_1431 : i32 to index
        %get3A_1433 = arith.constant 16 : index
        %get3A_1434 = tpu.vector_load %arg16[%get3A_1432, %get3A_1433] {strides = array<i32>} : memref<1024x32xf32, #tpu.memory_space<vmem>>, vector<1x16xf32>,
        %get3A_1435 = vector.shape_cast %get3A_1434 : vector<1x16xf32> to vector<16xf32>
        %mul3A_1436 = vector.broadcast %squeeze3A_1420 : f32 to vector<16xf32>
        %mul3A_1437 = arith.mulf %get3A_1435, %mul3A_1436 : vector<16xf32>
        %add3A_1438 = arith.addf %add3A_1418, %mul3A_1437 : vector<16xf32>
        %slice3A_1439 = vector.extract_strided_slice %get3A_1198 {offsets = [12], sizes = [1], strides = [1]} : vector<16xf32> to vector<1xf32>
        %squeeze3A_1440 = vector.extract %slice3A_1439[0] : f32 from vector<1xf32>
        %add3A_1441 = arith.constant 12 : i32
        %add3A_1442 = arith.addi %add3A_1195, %add3A_1441 : i32
        %get3A_1443 = arith.index_cast %add3A_1442 : i32 to index
        %get3A_1444 = arith.constant 0 : index
        %get3A_1445 = tpu.vector_load %arg16[%get3A_1443, %get3A_1444] {strides = array<i32>} : memref<1024x32xf32, #tpu.memory_space<vmem>>, vector<1x16xf32>,
        %get3A_1446 = vector.shape_cast %get3A_1445 : vector<1x16xf32> to vector<16xf32>
        %mul3A_1447 = vector.broadcast %squeeze3A_1440 : f32 to vector<16xf32>
        %mul3A_1448 = arith.mulf %get3A_1446, %mul3A_1447 : vector<16xf32>
        %add3A_1449 = arith.addf %add3A_1429, %mul3A_1448 : vector<16xf32>
        %add3A_1450 = arith.constant 12 : i32
        %add3A_1451 = arith.addi %add3A_1195, %add3A_1450 : i32
        %get3A_1452 = arith.index_cast %add3A_1451 : i32 to index
        %get3A_1453 = arith.constant 16 : index
        %get3A_1454 = tpu.vector_load %arg16[%get3A_1452, %get3A_1453] {strides = array<i32>} : memref<1024x32xf32, #tpu.memory_space<vmem>>, vector<1x16xf32>,
        %get3A_1455 = vector.shape_cast %get3A_1454 : vector<1x16xf32> to vector<16xf32>
        %mul3A_1456 = vector.broadcast %squeeze3A_1440 : f32 to vector<16xf32>
        %mul3A_1457 = arith.mulf %get3A_1455, %mul3A_1456 : vector<16xf32>
        %add3A_1458 = arith.addf %add3A_1438, %mul3A_1457 : vector<16xf32>
        %slice3A_1459 = vector.extract_strided_slice %get3A_1198 {offsets = [13], sizes = [1], strides = [1]} : vector<16xf32> to vector<1xf32>
        %squeeze3A_1460 = vector.extract %slice3A_1459[0] : f32 from vector<1xf32>
        %add3A_1461 = arith.constant 13 : i32
        %add3A_1462 = arith.addi %add3A_1195, %add3A_1461 : i32
        %get3A_1463 = arith.index_cast %add3A_1462 : i32 to index
        %get3A_1464 = arith.constant 0 : index
        %get3A_1465 = tpu.vector_load %arg16[%get3A_1463, %get3A_1464] {strides = array<i32>} : memref<1024x32xf32, #tpu.memory_space<vmem>>, vector<1x16xf32>,
        %get3A_1466 = vector.shape_cast %get3A_1465 : vector<1x16xf32> to vector<16xf32>
        %mul3A_1467 = vector.broadcast %squeeze3A_1460 : f32 to vector<16xf32>
        %mul3A_1468 = arith.mulf %get3A_1466, %mul3A_1467 : vector<16xf32>
        %add3A_1469 = arith.addf %add3A_1449, %mul3A_1468 : vector<16xf32>
        %add3A_1470 = arith.constant 13 : i32
        %add3A_1471 = arith.addi %add3A_1195, %add3A_1470 : i32
        %get3A_1472 = arith.index_cast %add3A_1471 : i32 to index
        %get3A_1473 = arith.constant 16 : index
        %get3A_1474 = tpu.vector_load %arg16[%get3A_1472, %get3A_1473] {strides = array<i32>} : memref<1024x32xf32, #tpu.memory_space<vmem>>, vector<1x16xf32>,
        %get3A_1475 = vector.shape_cast %get3A_1474 : vector<1x16xf32> to vector<16xf32>
        %mul3A_1476 = vector.broadcast %squeeze3A_1460 : f32 to vector<16xf32>
        %mul3A_1477 = arith.mulf %get3A_1475, %mul3A_1476 : vector<16xf32>
        %add3A_1478 = arith.addf %add3A_1458, %mul3A_1477 : vector<16xf32>
        %slice3A_1479 = vector.extract_strided_slice %get3A_1198 {offsets = [14], sizes = [1], strides = [1]} : vector<16xf32> to vector<1xf32>
        %squeeze3A_1480 = vector.extract %slice3A_1479[0] : f32 from vector<1xf32>
        %add3A_1481 = arith.constant 14 : i32
        %add3A_1482 = arith.addi %add3A_1195, %add3A_1481 : i32
        %get3A_1483 = arith.index_cast %add3A_1482 : i32 to index
        %get3A_1484 = arith.constant 0 : index
        %get3A_1485 = tpu.vector_load %arg16[%get3A_1483, %get3A_1484] {strides = array<i32>} : memref<1024x32xf32, #tpu.memory_space<vmem>>, vector<1x16xf32>,
        %get3A_1486 = vector.shape_cast %get3A_1485 : vector<1x16xf32> to vector<16xf32>
        %mul3A_1487 = vector.broadcast %squeeze3A_1480 : f32 to vector<16xf32>
        %mul3A_1488 = arith.mulf %get3A_1486, %mul3A_1487 : vector<16xf32>
        %add3A_1489 = arith.addf %add3A_1469, %mul3A_1488 : vector<16xf32>
        %add3A_1490 = arith.constant 14 : i32
        %add3A_1491 = arith.addi %add3A_1195, %add3A_1490 : i32
        %get3A_1492 = arith.index_cast %add3A_1491 : i32 to index
        %get3A_1493 = arith.constant 16 : index
        %get3A_1494 = tpu.vector_load %arg16[%get3A_1492, %get3A_1493] {strides = array<i32>} : memref<1024x32xf32, #tpu.memory_space<vmem>>, vector<1x16xf32>,
        %get3A_1495 = vector.shape_cast %get3A_1494 : vector<1x16xf32> to vector<16xf32>
        %mul3A_1496 = vector.broadcast %squeeze3A_1480 : f32 to vector<16xf32>
        %mul3A_1497 = arith.mulf %get3A_1495, %mul3A_1496 : vector<16xf32>
        %add3A_1498 = arith.addf %add3A_1478, %mul3A_1497 : vector<16xf32>
        %slice3A_1499 = vector.extract_strided_slice %get3A_1198 {offsets = [15], sizes = [1], strides = [1]} : vector<16xf32> to vector<1xf32>
        %squeeze3A_1500 = vector.extract %slice3A_1499[0] : f32 from vector<1xf32>
        %add3A_1501 = arith.constant 15 : i32
        %add3A_1502 = arith.addi %add3A_1195, %add3A_1501 : i32
        %get3A_1503 = arith.index_cast %add3A_1502 : i32 to index
        %get3A_1504 = arith.constant 0 : index
        %get3A_1505 = tpu.vector_load %arg16[%get3A_1503, %get3A_1504] {strides = array<i32>} : memref<1024x32xf32, #tpu.memory_space<vmem>>, vector<1x16xf32>,
        %get3A_1506 = vector.shape_cast %get3A_1505 : vector<1x16xf32> to vector<16xf32>
        %mul3A_1507 = vector.broadcast %squeeze3A_1500 : f32 to vector<16xf32>
        %mul3A_1508 = arith.mulf %get3A_1506, %mul3A_1507 : vector<16xf32>
        %add3A_1509 = arith.addf %add3A_1489, %mul3A_1508 : vector<16xf32>
        %add3A_1510 = arith.constant 15 : i32
        %add3A_1511 = arith.addi %add3A_1195, %add3A_1510 : i32
        %get3A_1512 = arith.index_cast %add3A_1511 : i32 to index
        %get3A_1513 = arith.constant 16 : index
        %get3A_1514 = tpu.vector_load %arg16[%get3A_1512, %get3A_1513] {strides = array<i32>} : memref<1024x32xf32, #tpu.memory_space<vmem>>, vector<1x16xf32>,
        %get3A_1515 = vector.shape_cast %get3A_1514 : vector<1x16xf32> to vector<16xf32>
        %mul3A_1516 = vector.broadcast %squeeze3A_1500 : f32 to vector<16xf32>
        %mul3A_1517 = arith.mulf %get3A_1515, %mul3A_1516 : vector<16xf32>
        %add3A_1518 = arith.addf %add3A_1498, %mul3A_1517 : vector<16xf32>
        %mul3A_1519 = arith.constant 16 : i32
        %mul3A_1520 = arith.muli %scan3A_864, %mul3A_1519 : i32
        %add3A_1521 = arith.constant 512 : i32
        %add3A_1522 = arith.addi %add3A_1521, %mul3A_1520 : i32
        %get3A_1523 = arith.index_cast %add3A_1522 : i32 to index
        %get3A_1524 = tpu.vector_load %arg14[%get3A_1523] {strides = array<i32>} : memref<1024xf32, #tpu.memory_space<vmem>>, vector<16xf32>,
        %get3A_1525 = vector.shape_cast %get3A_1524 : vector<16xf32> to vector<16xf32>
        %slice3A_1526 = vector.extract_strided_slice %get3A_1525 {offsets = [0], sizes = [1], strides = [1]} : vector<16xf32> to vector<1xf32>
        %squeeze3A_1527 = vector.extract %slice3A_1526[0] : f32 from vector<1xf32>
        %add3A_1528 = arith.constant 0 : i32
        %add3A_1529 = arith.addi %add3A_1522, %add3A_1528 : i32
        %get3A_1530 = arith.index_cast %add3A_1529 : i32 to index
        %get3A_1531 = arith.constant 0 : index
        %get3A_1532 = tpu.vector_load %arg16[%get3A_1530, %get3A_1531] {strides = array<i32>} : memref<1024x32xf32, #tpu.memory_space<vmem>>, vector<1x16xf32>,
        %get3A_1533 = vector.shape_cast %get3A_1532 : vector<1x16xf32> to vector<16xf32>
        %mul3A_1534 = vector.broadcast %squeeze3A_1527 : f32 to vector<16xf32>
        %mul3A_1535 = arith.mulf %get3A_1533, %mul3A_1534 : vector<16xf32>
        %add3A_1536 = arith.addf %add3A_1509, %mul3A_1535 : vector<16xf32>
        %add3A_1537 = arith.constant 0 : i32
        %add3A_1538 = arith.addi %add3A_1522, %add3A_1537 : i32
        %get3A_1539 = arith.index_cast %add3A_1538 : i32 to index
        %get3A_1540 = arith.constant 16 : index
        %get3A_1541 = tpu.vector_load %arg16[%get3A_1539, %get3A_1540] {strides = array<i32>} : memref<1024x32xf32, #tpu.memory_space<vmem>>, vector<1x16xf32>,
        %get3A_1542 = vector.shape_cast %get3A_1541 : vector<1x16xf32> to vector<16xf32>
        %mul3A_1543 = vector.broadcast %squeeze3A_1527 : f32 to vector<16xf32>
        %mul3A_1544 = arith.mulf %get3A_1542, %mul3A_1543 : vector<16xf32>
        %add3A_1545 = arith.addf %add3A_1518, %mul3A_1544 : vector<16xf32>
        %slice3A_1546 = vector.extract_strided_slice %get3A_1525 {offsets = [1], sizes = [1], strides = [1]} : vector<16xf32> to vector<1xf32>
        %squeeze3A_1547 = vector.extract %slice3A_1546[0] : f32 from vector<1xf32>
        %add3A_1548 = arith.constant 1 : i32
        %add3A_1549 = arith.addi %add3A_1522, %add3A_1548 : i32
        %get3A_1550 = arith.index_cast %add3A_1549 : i32 to index
        %get3A_1551 = arith.constant 0 : index
        %get3A_1552 = tpu.vector_load %arg16[%get3A_1550, %get3A_1551] {strides = array<i32>} : memref<1024x32xf32, #tpu.memory_space<vmem>>, vector<1x16xf32>,
        %get3A_1553 = vector.shape_cast %get3A_1552 : vector<1x16xf32> to vector<16xf32>
        %mul3A_1554 = vector.broadcast %squeeze3A_1547 : f32 to vector<16xf32>
        %mul3A_1555 = arith.mulf %get3A_1553, %mul3A_1554 : vector<16xf32>
        %add3A_1556 = arith.addf %add3A_1536, %mul3A_1555 : vector<16xf32>
        %add3A_1557 = arith.constant 1 : i32
        %add3A_1558 = arith.addi %add3A_1522, %add3A_1557 : i32
        %get3A_1559 = arith.index_cast %add3A_1558 : i32 to index
        %get3A_1560 = arith.constant 16 : index
        %get3A_1561 = tpu.vector_load %arg16[%get3A_1559, %get3A_1560] {strides = array<i32>} : memref<1024x32xf32, #tpu.memory_space<vmem>>, vector<1x16xf32>,
        %get3A_1562 = vector.shape_cast %get3A_1561 : vector<1x16xf32> to vector<16xf32>
        %mul3A_1563 = vector.broadcast %squeeze3A_1547 : f32 to vector<16xf32>
        %mul3A_1564 = arith.mulf %get3A_1562, %mul3A_1563 : vector<16xf32>
        %add3A_1565 = arith.addf %add3A_1545, %mul3A_1564 : vector<16xf32>
        %slice3A_1566 = vector.extract_strided_slice %get3A_1525 {offsets = [2], sizes = [1], strides = [1]} : vector<16xf32> to vector<1xf32>
        %squeeze3A_1567 = vector.extract %slice3A_1566[0] : f32 from vector<1xf32>
        %add3A_1568 = arith.constant 2 : i32
        %add3A_1569 = arith.addi %add3A_1522, %add3A_1568 : i32
        %get3A_1570 = arith.index_cast %add3A_1569 : i32 to index
        %get3A_1571 = arith.constant 0 : index
        %get3A_1572 = tpu.vector_load %arg16[%get3A_1570, %get3A_1571] {strides = array<i32>} : memref<1024x32xf32, #tpu.memory_space<vmem>>, vector<1x16xf32>,
        %get3A_1573 = vector.shape_cast %get3A_1572 : vector<1x16xf32> to vector<16xf32>
        %mul3A_1574 = vector.broadcast %squeeze3A_1567 : f32 to vector<16xf32>
        %mul3A_1575 = arith.mulf %get3A_1573, %mul3A_1574 : vector<16xf32>
        %add3A_1576 = arith.addf %add3A_1556, %mul3A_1575 : vector<16xf32>
        %add3A_1577 = arith.constant 2 : i32
        %add3A_1578 = arith.addi %add3A_1522, %add3A_1577 : i32
        %get3A_1579 = arith.index_cast %add3A_1578 : i32 to index
        %get3A_1580 = arith.constant 16 : index
        %get3A_1581 = tpu.vector_load %arg16[%get3A_1579, %get3A_1580] {strides = array<i32>} : memref<1024x32xf32, #tpu.memory_space<vmem>>, vector<1x16xf32>,
        %get3A_1582 = vector.shape_cast %get3A_1581 : vector<1x16xf32> to vector<16xf32>
        %mul3A_1583 = vector.broadcast %squeeze3A_1567 : f32 to vector<16xf32>
        %mul3A_1584 = arith.mulf %get3A_1582, %mul3A_1583 : vector<16xf32>
        %add3A_1585 = arith.addf %add3A_1565, %mul3A_1584 : vector<16xf32>
        %slice3A_1586 = vector.extract_strided_slice %get3A_1525 {offsets = [3], sizes = [1], strides = [1]} : vector<16xf32> to vector<1xf32>
        %squeeze3A_1587 = vector.extract %slice3A_1586[0] : f32 from vector<1xf32>
        %add3A_1588 = arith.constant 3 : i32
        %add3A_1589 = arith.addi %add3A_1522, %add3A_1588 : i32
        %get3A_1590 = arith.index_cast %add3A_1589 : i32 to index
        %get3A_1591 = arith.constant 0 : index
        %get3A_1592 = tpu.vector_load %arg16[%get3A_1590, %get3A_1591] {strides = array<i32>} : memref<1024x32xf32, #tpu.memory_space<vmem>>, vector<1x16xf32>,
        %get3A_1593 = vector.shape_cast %get3A_1592 : vector<1x16xf32> to vector<16xf32>
        %mul3A_1594 = vector.broadcast %squeeze3A_1587 : f32 to vector<16xf32>
        %mul3A_1595 = arith.mulf %get3A_1593, %mul3A_1594 : vector<16xf32>
        %add3A_1596 = arith.addf %add3A_1576, %mul3A_1595 : vector<16xf32>
        %add3A_1597 = arith.constant 3 : i32
        %add3A_1598 = arith.addi %add3A_1522, %add3A_1597 : i32
        %get3A_1599 = arith.index_cast %add3A_1598 : i32 to index
        %get3A_1600 = arith.constant 16 : index
        %get3A_1601 = tpu.vector_load %arg16[%get3A_1599, %get3A_1600] {strides = array<i32>} : memref<1024x32xf32, #tpu.memory_space<vmem>>, vector<1x16xf32>,
        %get3A_1602 = vector.shape_cast %get3A_1601 : vector<1x16xf32> to vector<16xf32>
        %mul3A_1603 = vector.broadcast %squeeze3A_1587 : f32 to vector<16xf32>
        %mul3A_1604 = arith.mulf %get3A_1602, %mul3A_1603 : vector<16xf32>
        %add3A_1605 = arith.addf %add3A_1585, %mul3A_1604 : vector<16xf32>
        %slice3A_1606 = vector.extract_strided_slice %get3A_1525 {offsets = [4], sizes = [1], strides = [1]} : vector<16xf32> to vector<1xf32>
        %squeeze3A_1607 = vector.extract %slice3A_1606[0] : f32 from vector<1xf32>
        %add3A_1608 = arith.constant 4 : i32
        %add3A_1609 = arith.addi %add3A_1522, %add3A_1608 : i32
        %get3A_1610 = arith.index_cast %add3A_1609 : i32 to index
        %get3A_1611 = arith.constant 0 : index
        %get3A_1612 = tpu.vector_load %arg16[%get3A_1610, %get3A_1611] {strides = array<i32>} : memref<1024x32xf32, #tpu.memory_space<vmem>>, vector<1x16xf32>,
        %get3A_1613 = vector.shape_cast %get3A_1612 : vector<1x16xf32> to vector<16xf32>
        %mul3A_1614 = vector.broadcast %squeeze3A_1607 : f32 to vector<16xf32>
        %mul3A_1615 = arith.mulf %get3A_1613, %mul3A_1614 : vector<16xf32>
        %add3A_1616 = arith.addf %add3A_1596, %mul3A_1615 : vector<16xf32>
        %add3A_1617 = arith.constant 4 : i32
        %add3A_1618 = arith.addi %add3A_1522, %add3A_1617 : i32
        %get3A_1619 = arith.index_cast %add3A_1618 : i32 to index
        %get3A_1620 = arith.constant 16 : index
        %get3A_1621 = tpu.vector_load %arg16[%get3A_1619, %get3A_1620] {strides = array<i32>} : memref<1024x32xf32, #tpu.memory_space<vmem>>, vector<1x16xf32>,
        %get3A_1622 = vector.shape_cast %get3A_1621 : vector<1x16xf32> to vector<16xf32>
        %mul3A_1623 = vector.broadcast %squeeze3A_1607 : f32 to vector<16xf32>
        %mul3A_1624 = arith.mulf %get3A_1622, %mul3A_1623 : vector<16xf32>
        %add3A_1625 = arith.addf %add3A_1605, %mul3A_1624 : vector<16xf32>
        %slice3A_1626 = vector.extract_strided_slice %get3A_1525 {offsets = [5], sizes = [1], strides = [1]} : vector<16xf32> to vector<1xf32>
        %squeeze3A_1627 = vector.extract %slice3A_1626[0] : f32 from vector<1xf32>
        %add3A_1628 = arith.constant 5 : i32
        %add3A_1629 = arith.addi %add3A_1522, %add3A_1628 : i32
        %get3A_1630 = arith.index_cast %add3A_1629 : i32 to index
        %get3A_1631 = arith.constant 0 : index
        %get3A_1632 = tpu.vector_load %arg16[%get3A_1630, %get3A_1631] {strides = array<i32>} : memref<1024x32xf32, #tpu.memory_space<vmem>>, vector<1x16xf32>,
        %get3A_1633 = vector.shape_cast %get3A_1632 : vector<1x16xf32> to vector<16xf32>
        %mul3A_1634 = vector.broadcast %squeeze3A_1627 : f32 to vector<16xf32>
        %mul3A_1635 = arith.mulf %get3A_1633, %mul3A_1634 : vector<16xf32>
        %add3A_1636 = arith.addf %add3A_1616, %mul3A_1635 : vector<16xf32>
        %add3A_1637 = arith.constant 5 : i32
        %add3A_1638 = arith.addi %add3A_1522, %add3A_1637 : i32
        %get3A_1639 = arith.index_cast %add3A_1638 : i32 to index
        %get3A_1640 = arith.constant 16 : index
        %get3A_1641 = tpu.vector_load %arg16[%get3A_1639, %get3A_1640] {strides = array<i32>} : memref<1024x32xf32, #tpu.memory_space<vmem>>, vector<1x16xf32>,
        %get3A_1642 = vector.shape_cast %get3A_1641 : vector<1x16xf32> to vector<16xf32>
        %mul3A_1643 = vector.broadcast %squeeze3A_1627 : f32 to vector<16xf32>
        %mul3A_1644 = arith.mulf %get3A_1642, %mul3A_1643 : vector<16xf32>
        %add3A_1645 = arith.addf %add3A_1625, %mul3A_1644 : vector<16xf32>
        %slice3A_1646 = vector.extract_strided_slice %get3A_1525 {offsets = [6], sizes = [1], strides = [1]} : vector<16xf32> to vector<1xf32>
        %squeeze3A_1647 = vector.extract %slice3A_1646[0] : f32 from vector<1xf32>
        %add3A_1648 = arith.constant 6 : i32
        %add3A_1649 = arith.addi %add3A_1522, %add3A_1648 : i32
        %get3A_1650 = arith.index_cast %add3A_1649 : i32 to index
        %get3A_1651 = arith.constant 0 : index
        %get3A_1652 = tpu.vector_load %arg16[%get3A_1650, %get3A_1651] {strides = array<i32>} : memref<1024x32xf32, #tpu.memory_space<vmem>>, vector<1x16xf32>,
        %get3A_1653 = vector.shape_cast %get3A_1652 : vector<1x16xf32> to vector<16xf32>
        %mul3A_1654 = vector.broadcast %squeeze3A_1647 : f32 to vector<16xf32>
        %mul3A_1655 = arith.mulf %get3A_1653, %mul3A_1654 : vector<16xf32>
        %add3A_1656 = arith.addf %add3A_1636, %mul3A_1655 : vector<16xf32>
        %add3A_1657 = arith.constant 6 : i32
        %add3A_1658 = arith.addi %add3A_1522, %add3A_1657 : i32
        %get3A_1659 = arith.index_cast %add3A_1658 : i32 to index
        %get3A_1660 = arith.constant 16 : index
        %get3A_1661 = tpu.vector_load %arg16[%get3A_1659, %get3A_1660] {strides = array<i32>} : memref<1024x32xf32, #tpu.memory_space<vmem>>, vector<1x16xf32>,
        %get3A_1662 = vector.shape_cast %get3A_1661 : vector<1x16xf32> to vector<16xf32>
        %mul3A_1663 = vector.broadcast %squeeze3A_1647 : f32 to vector<16xf32>
        %mul3A_1664 = arith.mulf %get3A_1662, %mul3A_1663 : vector<16xf32>
        %add3A_1665 = arith.addf %add3A_1645, %mul3A_1664 : vector<16xf32>
        %slice3A_1666 = vector.extract_strided_slice %get3A_1525 {offsets = [7], sizes = [1], strides = [1]} : vector<16xf32> to vector<1xf32>
        %squeeze3A_1667 = vector.extract %slice3A_1666[0] : f32 from vector<1xf32>
        %add3A_1668 = arith.constant 7 : i32
        %add3A_1669 = arith.addi %add3A_1522, %add3A_1668 : i32
        %get3A_1670 = arith.index_cast %add3A_1669 : i32 to index
        %get3A_1671 = arith.constant 0 : index
        %get3A_1672 = tpu.vector_load %arg16[%get3A_1670, %get3A_1671] {strides = array<i32>} : memref<1024x32xf32, #tpu.memory_space<vmem>>, vector<1x16xf32>,
        %get3A_1673 = vector.shape_cast %get3A_1672 : vector<1x16xf32> to vector<16xf32>
        %mul3A_1674 = vector.broadcast %squeeze3A_1667 : f32 to vector<16xf32>
        %mul3A_1675 = arith.mulf %get3A_1673, %mul3A_1674 : vector<16xf32>
        %add3A_1676 = arith.addf %add3A_1656, %mul3A_1675 : vector<16xf32>
        %add3A_1677 = arith.constant 7 : i32
        %add3A_1678 = arith.addi %add3A_1522, %add3A_1677 : i32
        %get3A_1679 = arith.index_cast %add3A_1678 : i32 to index
        %get3A_1680 = arith.constant 16 : index
        %get3A_1681 = tpu.vector_load %arg16[%get3A_1679, %get3A_1680] {strides = array<i32>} : memref<1024x32xf32, #tpu.memory_space<vmem>>, vector<1x16xf32>,
        %get3A_1682 = vector.shape_cast %get3A_1681 : vector<1x16xf32> to vector<16xf32>
        %mul3A_1683 = vector.broadcast %squeeze3A_1667 : f32 to vector<16xf32>
        %mul3A_1684 = arith.mulf %get3A_1682, %mul3A_1683 : vector<16xf32>
        %add3A_1685 = arith.addf %add3A_1665, %mul3A_1684 : vector<16xf32>
        %slice3A_1686 = vector.extract_strided_slice %get3A_1525 {offsets = [8], sizes = [1], strides = [1]} : vector<16xf32> to vector<1xf32>
        %squeeze3A_1687 = vector.extract %slice3A_1686[0] : f32 from vector<1xf32>
        %add3A_1688 = arith.constant 8 : i32
        %add3A_1689 = arith.addi %add3A_1522, %add3A_1688 : i32
        %get3A_1690 = arith.index_cast %add3A_1689 : i32 to index
        %get3A_1691 = arith.constant 0 : index
        %get3A_1692 = tpu.vector_load %arg16[%get3A_1690, %get3A_1691] {strides = array<i32>} : memref<1024x32xf32, #tpu.memory_space<vmem>>, vector<1x16xf32>,
        %get3A_1693 = vector.shape_cast %get3A_1692 : vector<1x16xf32> to vector<16xf32>
        %mul3A_1694 = vector.broadcast %squeeze3A_1687 : f32 to vector<16xf32>
        %mul3A_1695 = arith.mulf %get3A_1693, %mul3A_1694 : vector<16xf32>
        %add3A_1696 = arith.addf %add3A_1676, %mul3A_1695 : vector<16xf32>
        %add3A_1697 = arith.constant 8 : i32
        %add3A_1698 = arith.addi %add3A_1522, %add3A_1697 : i32
        %get3A_1699 = arith.index_cast %add3A_1698 : i32 to index
        %get3A_1700 = arith.constant 16 : index
        %get3A_1701 = tpu.vector_load %arg16[%get3A_1699, %get3A_1700] {strides = array<i32>} : memref<1024x32xf32, #tpu.memory_space<vmem>>, vector<1x16xf32>,
        %get3A_1702 = vector.shape_cast %get3A_1701 : vector<1x16xf32> to vector<16xf32>
        %mul3A_1703 = vector.broadcast %squeeze3A_1687 : f32 to vector<16xf32>
        %mul3A_1704 = arith.mulf %get3A_1702, %mul3A_1703 : vector<16xf32>
        %add3A_1705 = arith.addf %add3A_1685, %mul3A_1704 : vector<16xf32>
        %slice3A_1706 = vector.extract_strided_slice %get3A_1525 {offsets = [9], sizes = [1], strides = [1]} : vector<16xf32> to vector<1xf32>
        %squeeze3A_1707 = vector.extract %slice3A_1706[0] : f32 from vector<1xf32>
        %add3A_1708 = arith.constant 9 : i32
        %add3A_1709 = arith.addi %add3A_1522, %add3A_1708 : i32
        %get3A_1710 = arith.index_cast %add3A_1709 : i32 to index
        %get3A_1711 = arith.constant 0 : index
        %get3A_1712 = tpu.vector_load %arg16[%get3A_1710, %get3A_1711] {strides = array<i32>} : memref<1024x32xf32, #tpu.memory_space<vmem>>, vector<1x16xf32>,
        %get3A_1713 = vector.shape_cast %get3A_1712 : vector<1x16xf32> to vector<16xf32>
        %mul3A_1714 = vector.broadcast %squeeze3A_1707 : f32 to vector<16xf32>
        %mul3A_1715 = arith.mulf %get3A_1713, %mul3A_1714 : vector<16xf32>
        %add3A_1716 = arith.addf %add3A_1696, %mul3A_1715 : vector<16xf32>
        %add3A_1717 = arith.constant 9 : i32
        %add3A_1718 = arith.addi %add3A_1522, %add3A_1717 : i32
        %get3A_1719 = arith.index_cast %add3A_1718 : i32 to index
        %get3A_1720 = arith.constant 16 : index
        %get3A_1721 = tpu.vector_load %arg16[%get3A_1719, %get3A_1720] {strides = array<i32>} : memref<1024x32xf32, #tpu.memory_space<vmem>>, vector<1x16xf32>,
        %get3A_1722 = vector.shape_cast %get3A_1721 : vector<1x16xf32> to vector<16xf32>
        %mul3A_1723 = vector.broadcast %squeeze3A_1707 : f32 to vector<16xf32>
        %mul3A_1724 = arith.mulf %get3A_1722, %mul3A_1723 : vector<16xf32>
        %add3A_1725 = arith.addf %add3A_1705, %mul3A_1724 : vector<16xf32>
        %slice3A_1726 = vector.extract_strided_slice %get3A_1525 {offsets = [10], sizes = [1], strides = [1]} : vector<16xf32> to vector<1xf32>
        %squeeze3A_1727 = vector.extract %slice3A_1726[0] : f32 from vector<1xf32>
        %add3A_1728 = arith.constant 10 : i32
        %add3A_1729 = arith.addi %add3A_1522, %add3A_1728 : i32
        %get3A_1730 = arith.index_cast %add3A_1729 : i32 to index
        %get3A_1731 = arith.constant 0 : index
        %get3A_1732 = tpu.vector_load %arg16[%get3A_1730, %get3A_1731] {strides = array<i32>} : memref<1024x32xf32, #tpu.memory_space<vmem>>, vector<1x16xf32>,
        %get3A_1733 = vector.shape_cast %get3A_1732 : vector<1x16xf32> to vector<16xf32>
        %mul3A_1734 = vector.broadcast %squeeze3A_1727 : f32 to vector<16xf32>
        %mul3A_1735 = arith.mulf %get3A_1733, %mul3A_1734 : vector<16xf32>
        %add3A_1736 = arith.addf %add3A_1716, %mul3A_1735 : vector<16xf32>
        %add3A_1737 = arith.constant 10 : i32
        %add3A_1738 = arith.addi %add3A_1522, %add3A_1737 : i32
        %get3A_1739 = arith.index_cast %add3A_1738 : i32 to index
        %get3A_1740 = arith.constant 16 : index
        %get3A_1741 = tpu.vector_load %arg16[%get3A_1739, %get3A_1740] {strides = array<i32>} : memref<1024x32xf32, #tpu.memory_space<vmem>>, vector<1x16xf32>,
        %get3A_1742 = vector.shape_cast %get3A_1741 : vector<1x16xf32> to vector<16xf32>
        %mul3A_1743 = vector.broadcast %squeeze3A_1727 : f32 to vector<16xf32>
        %mul3A_1744 = arith.mulf %get3A_1742, %mul3A_1743 : vector<16xf32>
        %add3A_1745 = arith.addf %add3A_1725, %mul3A_1744 : vector<16xf32>
        %slice3A_1746 = vector.extract_strided_slice %get3A_1525 {offsets = [11], sizes = [1], strides = [1]} : vector<16xf32> to vector<1xf32>
        %squeeze3A_1747 = vector.extract %slice3A_1746[0] : f32 from vector<1xf32>
        %add3A_1748 = arith.constant 11 : i32
        %add3A_1749 = arith.addi %add3A_1522, %add3A_1748 : i32
        %get3A_1750 = arith.index_cast %add3A_1749 : i32 to index
        %get3A_1751 = arith.constant 0 : index
        %get3A_1752 = tpu.vector_load %arg16[%get3A_1750, %get3A_1751] {strides = array<i32>} : memref<1024x32xf32, #tpu.memory_space<vmem>>, vector<1x16xf32>,
        %get3A_1753 = vector.shape_cast %get3A_1752 : vector<1x16xf32> to vector<16xf32>
        %mul3A_1754 = vector.broadcast %squeeze3A_1747 : f32 to vector<16xf32>
        %mul3A_1755 = arith.mulf %get3A_1753, %mul3A_1754 : vector<16xf32>
        %add3A_1756 = arith.addf %add3A_1736, %mul3A_1755 : vector<16xf32>
        %add3A_1757 = arith.constant 11 : i32
        %add3A_1758 = arith.addi %add3A_1522, %add3A_1757 : i32
        %get3A_1759 = arith.index_cast %add3A_1758 : i32 to index
        %get3A_1760 = arith.constant 16 : index
        %get3A_1761 = tpu.vector_load %arg16[%get3A_1759, %get3A_1760] {strides = array<i32>} : memref<1024x32xf32, #tpu.memory_space<vmem>>, vector<1x16xf32>,
        %get3A_1762 = vector.shape_cast %get3A_1761 : vector<1x16xf32> to vector<16xf32>
        %mul3A_1763 = vector.broadcast %squeeze3A_1747 : f32 to vector<16xf32>
        %mul3A_1764 = arith.mulf %get3A_1762, %mul3A_1763 : vector<16xf32>
        %add3A_1765 = arith.addf %add3A_1745, %mul3A_1764 : vector<16xf32>
        %slice3A_1766 = vector.extract_strided_slice %get3A_1525 {offsets = [12], sizes = [1], strides = [1]} : vector<16xf32> to vector<1xf32>
        %squeeze3A_1767 = vector.extract %slice3A_1766[0] : f32 from vector<1xf32>
        %add3A_1768 = arith.constant 12 : i32
        %add3A_1769 = arith.addi %add3A_1522, %add3A_1768 : i32
        %get3A_1770 = arith.index_cast %add3A_1769 : i32 to index
        %get3A_1771 = arith.constant 0 : index
        %get3A_1772 = tpu.vector_load %arg16[%get3A_1770, %get3A_1771] {strides = array<i32>} : memref<1024x32xf32, #tpu.memory_space<vmem>>, vector<1x16xf32>,
        %get3A_1773 = vector.shape_cast %get3A_1772 : vector<1x16xf32> to vector<16xf32>
        %mul3A_1774 = vector.broadcast %squeeze3A_1767 : f32 to vector<16xf32>
        %mul3A_1775 = arith.mulf %get3A_1773, %mul3A_1774 : vector<16xf32>
        %add3A_1776 = arith.addf %add3A_1756, %mul3A_1775 : vector<16xf32>
        %add3A_1777 = arith.constant 12 : i32
        %add3A_1778 = arith.addi %add3A_1522, %add3A_1777 : i32
        %get3A_1779 = arith.index_cast %add3A_1778 : i32 to index
        %get3A_1780 = arith.constant 16 : index
        %get3A_1781 = tpu.vector_load %arg16[%get3A_1779, %get3A_1780] {strides = array<i32>} : memref<1024x32xf32, #tpu.memory_space<vmem>>, vector<1x16xf32>,
        %get3A_1782 = vector.shape_cast %get3A_1781 : vector<1x16xf32> to vector<16xf32>
        %mul3A_1783 = vector.broadcast %squeeze3A_1767 : f32 to vector<16xf32>
        %mul3A_1784 = arith.mulf %get3A_1782, %mul3A_1783 : vector<16xf32>
        %add3A_1785 = arith.addf %add3A_1765, %mul3A_1784 : vector<16xf32>
        %slice3A_1786 = vector.extract_strided_slice %get3A_1525 {offsets = [13], sizes = [1], strides = [1]} : vector<16xf32> to vector<1xf32>
        %squeeze3A_1787 = vector.extract %slice3A_1786[0] : f32 from vector<1xf32>
        %add3A_1788 = arith.constant 13 : i32
        %add3A_1789 = arith.addi %add3A_1522, %add3A_1788 : i32
        %get3A_1790 = arith.index_cast %add3A_1789 : i32 to index
        %get3A_1791 = arith.constant 0 : index
        %get3A_1792 = tpu.vector_load %arg16[%get3A_1790, %get3A_1791] {strides = array<i32>} : memref<1024x32xf32, #tpu.memory_space<vmem>>, vector<1x16xf32>,
        %get3A_1793 = vector.shape_cast %get3A_1792 : vector<1x16xf32> to vector<16xf32>
        %mul3A_1794 = vector.broadcast %squeeze3A_1787 : f32 to vector<16xf32>
        %mul3A_1795 = arith.mulf %get3A_1793, %mul3A_1794 : vector<16xf32>
        %add3A_1796 = arith.addf %add3A_1776, %mul3A_1795 : vector<16xf32>
        %add3A_1797 = arith.constant 13 : i32
        %add3A_1798 = arith.addi %add3A_1522, %add3A_1797 : i32
        %get3A_1799 = arith.index_cast %add3A_1798 : i32 to index
        %get3A_1800 = arith.constant 16 : index
        %get3A_1801 = tpu.vector_load %arg16[%get3A_1799, %get3A_1800] {strides = array<i32>} : memref<1024x32xf32, #tpu.memory_space<vmem>>, vector<1x16xf32>,
        %get3A_1802 = vector.shape_cast %get3A_1801 : vector<1x16xf32> to vector<16xf32>
        %mul3A_1803 = vector.broadcast %squeeze3A_1787 : f32 to vector<16xf32>
        %mul3A_1804 = arith.mulf %get3A_1802, %mul3A_1803 : vector<16xf32>
        %add3A_1805 = arith.addf %add3A_1785, %mul3A_1804 : vector<16xf32>
        %slice3A_1806 = vector.extract_strided_slice %get3A_1525 {offsets = [14], sizes = [1], strides = [1]} : vector<16xf32> to vector<1xf32>
        %squeeze3A_1807 = vector.extract %slice3A_1806[0] : f32 from vector<1xf32>
        %add3A_1808 = arith.constant 14 : i32
        %add3A_1809 = arith.addi %add3A_1522, %add3A_1808 : i32
        %get3A_1810 = arith.index_cast %add3A_1809 : i32 to index
        %get3A_1811 = arith.constant 0 : index
        %get3A_1812 = tpu.vector_load %arg16[%get3A_1810, %get3A_1811] {strides = array<i32>} : memref<1024x32xf32, #tpu.memory_space<vmem>>, vector<1x16xf32>,
        %get3A_1813 = vector.shape_cast %get3A_1812 : vector<1x16xf32> to vector<16xf32>
        %mul3A_1814 = vector.broadcast %squeeze3A_1807 : f32 to vector<16xf32>
        %mul3A_1815 = arith.mulf %get3A_1813, %mul3A_1814 : vector<16xf32>
        %add3A_1816 = arith.addf %add3A_1796, %mul3A_1815 : vector<16xf32>
        %add3A_1817 = arith.constant 14 : i32
        %add3A_1818 = arith.addi %add3A_1522, %add3A_1817 : i32
        %get3A_1819 = arith.index_cast %add3A_1818 : i32 to index
        %get3A_1820 = arith.constant 16 : index
        %get3A_1821 = tpu.vector_load %arg16[%get3A_1819, %get3A_1820] {strides = array<i32>} : memref<1024x32xf32, #tpu.memory_space<vmem>>, vector<1x16xf32>,
        %get3A_1822 = vector.shape_cast %get3A_1821 : vector<1x16xf32> to vector<16xf32>
        %mul3A_1823 = vector.broadcast %squeeze3A_1807 : f32 to vector<16xf32>
        %mul3A_1824 = arith.mulf %get3A_1822, %mul3A_1823 : vector<16xf32>
        %add3A_1825 = arith.addf %add3A_1805, %mul3A_1824 : vector<16xf32>
        %slice3A_1826 = vector.extract_strided_slice %get3A_1525 {offsets = [15], sizes = [1], strides = [1]} : vector<16xf32> to vector<1xf32>
        %squeeze3A_1827 = vector.extract %slice3A_1826[0] : f32 from vector<1xf32>
        %add3A_1828 = arith.constant 15 : i32
        %add3A_1829 = arith.addi %add3A_1522, %add3A_1828 : i32
        %get3A_1830 = arith.index_cast %add3A_1829 : i32 to index
        %get3A_1831 = arith.constant 0 : index
        %get3A_1832 = tpu.vector_load %arg16[%get3A_1830, %get3A_1831] {strides = array<i32>} : memref<1024x32xf32, #tpu.memory_space<vmem>>, vector<1x16xf32>,
        %get3A_1833 = vector.shape_cast %get3A_1832 : vector<1x16xf32> to vector<16xf32>
        %mul3A_1834 = vector.broadcast %squeeze3A_1827 : f32 to vector<16xf32>
        %mul3A_1835 = arith.mulf %get3A_1833, %mul3A_1834 : vector<16xf32>
        %add3A_1836 = arith.addf %add3A_1816, %mul3A_1835 : vector<16xf32>
        %add3A_1837 = arith.constant 15 : i32
        %add3A_1838 = arith.addi %add3A_1522, %add3A_1837 : i32
        %get3A_1839 = arith.index_cast %add3A_1838 : i32 to index
        %get3A_1840 = arith.constant 16 : index
        %get3A_1841 = tpu.vector_load %arg16[%get3A_1839, %get3A_1840] {strides = array<i32>} : memref<1024x32xf32, #tpu.memory_space<vmem>>, vector<1x16xf32>,
        %get3A_1842 = vector.shape_cast %get3A_1841 : vector<1x16xf32> to vector<16xf32>
        %mul3A_1843 = vector.broadcast %squeeze3A_1827 : f32 to vector<16xf32>
        %mul3A_1844 = arith.mulf %get3A_1842, %mul3A_1843 : vector<16xf32>
        %add3A_1845 = arith.addf %add3A_1825, %mul3A_1844 : vector<16xf32>
        %mul3A_1846 = arith.constant 16 : i32
        %mul3A_1847 = arith.muli %scan3A_864, %mul3A_1846 : i32
        %add3A_1848 = arith.constant 768 : i32
        %add3A_1849 = arith.addi %add3A_1848, %mul3A_1847 : i32
        %get3A_1850 = arith.index_cast %add3A_1849 : i32 to index
        %get3A_1851 = tpu.vector_load %arg14[%get3A_1850] {strides = array<i32>} : memref<1024xf32, #tpu.memory_space<vmem>>, vector<16xf32>,
        %get3A_1852 = vector.shape_cast %get3A_1851 : vector<16xf32> to vector<16xf32>
        %slice3A_1853 = vector.extract_strided_slice %get3A_1852 {offsets = [0], sizes = [1], strides = [1]} : vector<16xf32> to vector<1xf32>
        %squeeze3A_1854 = vector.extract %slice3A_1853[0] : f32 from vector<1xf32>
        %add3A_1855 = arith.constant 0 : i32
        %add3A_1856 = arith.addi %add3A_1849, %add3A_1855 : i32
        %get3A_1857 = arith.index_cast %add3A_1856 : i32 to index
        %get3A_1858 = arith.constant 0 : index
        %get3A_1859 = tpu.vector_load %arg16[%get3A_1857, %get3A_1858] {strides = array<i32>} : memref<1024x32xf32, #tpu.memory_space<vmem>>, vector<1x16xf32>,
        %get3A_1860 = vector.shape_cast %get3A_1859 : vector<1x16xf32> to vector<16xf32>
        %mul3A_1861 = vector.broadcast %squeeze3A_1854 : f32 to vector<16xf32>
        %mul3A_1862 = arith.mulf %get3A_1860, %mul3A_1861 : vector<16xf32>
        %add3A_1863 = arith.addf %add3A_1836, %mul3A_1862 : vector<16xf32>
        %add3A_1864 = arith.constant 0 : i32
        %add3A_1865 = arith.addi %add3A_1849, %add3A_1864 : i32
        %get3A_1866 = arith.index_cast %add3A_1865 : i32 to index
        %get3A_1867 = arith.constant 16 : index
        %get3A_1868 = tpu.vector_load %arg16[%get3A_1866, %get3A_1867] {strides = array<i32>} : memref<1024x32xf32, #tpu.memory_space<vmem>>, vector<1x16xf32>,
        %get3A_1869 = vector.shape_cast %get3A_1868 : vector<1x16xf32> to vector<16xf32>
        %mul3A_1870 = vector.broadcast %squeeze3A_1854 : f32 to vector<16xf32>
        %mul3A_1871 = arith.mulf %get3A_1869, %mul3A_1870 : vector<16xf32>
        %add3A_1872 = arith.addf %add3A_1845, %mul3A_1871 : vector<16xf32>
        %slice3A_1873 = vector.extract_strided_slice %get3A_1852 {offsets = [1], sizes = [1], strides = [1]} : vector<16xf32> to vector<1xf32>
        %squeeze3A_1874 = vector.extract %slice3A_1873[0] : f32 from vector<1xf32>
        %add3A_1875 = arith.constant 1 : i32
        %add3A_1876 = arith.addi %add3A_1849, %add3A_1875 : i32
        %get3A_1877 = arith.index_cast %add3A_1876 : i32 to index
        %get3A_1878 = arith.constant 0 : index
        %get3A_1879 = tpu.vector_load %arg16[%get3A_1877, %get3A_1878] {strides = array<i32>} : memref<1024x32xf32, #tpu.memory_space<vmem>>, vector<1x16xf32>,
        %get3A_1880 = vector.shape_cast %get3A_1879 : vector<1x16xf32> to vector<16xf32>
        %mul3A_1881 = vector.broadcast %squeeze3A_1874 : f32 to vector<16xf32>
        %mul3A_1882 = arith.mulf %get3A_1880, %mul3A_1881 : vector<16xf32>
        %add3A_1883 = arith.addf %add3A_1863, %mul3A_1882 : vector<16xf32>
        %add3A_1884 = arith.constant 1 : i32
        %add3A_1885 = arith.addi %add3A_1849, %add3A_1884 : i32
        %get3A_1886 = arith.index_cast %add3A_1885 : i32 to index
        %get3A_1887 = arith.constant 16 : index
        %get3A_1888 = tpu.vector_load %arg16[%get3A_1886, %get3A_1887] {strides = array<i32>} : memref<1024x32xf32, #tpu.memory_space<vmem>>, vector<1x16xf32>,
        %get3A_1889 = vector.shape_cast %get3A_1888 : vector<1x16xf32> to vector<16xf32>
        %mul3A_1890 = vector.broadcast %squeeze3A_1874 : f32 to vector<16xf32>
        %mul3A_1891 = arith.mulf %get3A_1889, %mul3A_1890 : vector<16xf32>
        %add3A_1892 = arith.addf %add3A_1872, %mul3A_1891 : vector<16xf32>
        %slice3A_1893 = vector.extract_strided_slice %get3A_1852 {offsets = [2], sizes = [1], strides = [1]} : vector<16xf32> to vector<1xf32>
        %squeeze3A_1894 = vector.extract %slice3A_1893[0] : f32 from vector<1xf32>
        %add3A_1895 = arith.constant 2 : i32
        %add3A_1896 = arith.addi %add3A_1849, %add3A_1895 : i32
        %get3A_1897 = arith.index_cast %add3A_1896 : i32 to index
        %get3A_1898 = arith.constant 0 : index
        %get3A_1899 = tpu.vector_load %arg16[%get3A_1897, %get3A_1898] {strides = array<i32>} : memref<1024x32xf32, #tpu.memory_space<vmem>>, vector<1x16xf32>,
        %get3A_1900 = vector.shape_cast %get3A_1899 : vector<1x16xf32> to vector<16xf32>
        %mul3A_1901 = vector.broadcast %squeeze3A_1894 : f32 to vector<16xf32>
        %mul3A_1902 = arith.mulf %get3A_1900, %mul3A_1901 : vector<16xf32>
        %add3A_1903 = arith.addf %add3A_1883, %mul3A_1902 : vector<16xf32>
        %add3A_1904 = arith.constant 2 : i32
        %add3A_1905 = arith.addi %add3A_1849, %add3A_1904 : i32
        %get3A_1906 = arith.index_cast %add3A_1905 : i32 to index
        %get3A_1907 = arith.constant 16 : index
        %get3A_1908 = tpu.vector_load %arg16[%get3A_1906, %get3A_1907] {strides = array<i32>} : memref<1024x32xf32, #tpu.memory_space<vmem>>, vector<1x16xf32>,
        %get3A_1909 = vector.shape_cast %get3A_1908 : vector<1x16xf32> to vector<16xf32>
        %mul3A_1910 = vector.broadcast %squeeze3A_1894 : f32 to vector<16xf32>
        %mul3A_1911 = arith.mulf %get3A_1909, %mul3A_1910 : vector<16xf32>
        %add3A_1912 = arith.addf %add3A_1892, %mul3A_1911 : vector<16xf32>
        %slice3A_1913 = vector.extract_strided_slice %get3A_1852 {offsets = [3], sizes = [1], strides = [1]} : vector<16xf32> to vector<1xf32>
        %squeeze3A_1914 = vector.extract %slice3A_1913[0] : f32 from vector<1xf32>
        %add3A_1915 = arith.constant 3 : i32
        %add3A_1916 = arith.addi %add3A_1849, %add3A_1915 : i32
        %get3A_1917 = arith.index_cast %add3A_1916 : i32 to index
        %get3A_1918 = arith.constant 0 : index
        %get3A_1919 = tpu.vector_load %arg16[%get3A_1917, %get3A_1918] {strides = array<i32>} : memref<1024x32xf32, #tpu.memory_space<vmem>>, vector<1x16xf32>,
        %get3A_1920 = vector.shape_cast %get3A_1919 : vector<1x16xf32> to vector<16xf32>
        %mul3A_1921 = vector.broadcast %squeeze3A_1914 : f32 to vector<16xf32>
        %mul3A_1922 = arith.mulf %get3A_1920, %mul3A_1921 : vector<16xf32>
        %add3A_1923 = arith.addf %add3A_1903, %mul3A_1922 : vector<16xf32>
        %add3A_1924 = arith.constant 3 : i32
        %add3A_1925 = arith.addi %add3A_1849, %add3A_1924 : i32
        %get3A_1926 = arith.index_cast %add3A_1925 : i32 to index
        %get3A_1927 = arith.constant 16 : index
        %get3A_1928 = tpu.vector_load %arg16[%get3A_1926, %get3A_1927] {strides = array<i32>} : memref<1024x32xf32, #tpu.memory_space<vmem>>, vector<1x16xf32>,
        %get3A_1929 = vector.shape_cast %get3A_1928 : vector<1x16xf32> to vector<16xf32>
        %mul3A_1930 = vector.broadcast %squeeze3A_1914 : f32 to vector<16xf32>
        %mul3A_1931 = arith.mulf %get3A_1929, %mul3A_1930 : vector<16xf32>
        %add3A_1932 = arith.addf %add3A_1912, %mul3A_1931 : vector<16xf32>
        %slice3A_1933 = vector.extract_strided_slice %get3A_1852 {offsets = [4], sizes = [1], strides = [1]} : vector<16xf32> to vector<1xf32>
        %squeeze3A_1934 = vector.extract %slice3A_1933[0] : f32 from vector<1xf32>
        %add3A_1935 = arith.constant 4 : i32
        %add3A_1936 = arith.addi %add3A_1849, %add3A_1935 : i32
        %get3A_1937 = arith.index_cast %add3A_1936 : i32 to index
        %get3A_1938 = arith.constant 0 : index
        %get3A_1939 = tpu.vector_load %arg16[%get3A_1937, %get3A_1938] {strides = array<i32>} : memref<1024x32xf32, #tpu.memory_space<vmem>>, vector<1x16xf32>,
        %get3A_1940 = vector.shape_cast %get3A_1939 : vector<1x16xf32> to vector<16xf32>
        %mul3A_1941 = vector.broadcast %squeeze3A_1934 : f32 to vector<16xf32>
        %mul3A_1942 = arith.mulf %get3A_1940, %mul3A_1941 : vector<16xf32>
        %add3A_1943 = arith.addf %add3A_1923, %mul3A_1942 : vector<16xf32>
        %add3A_1944 = arith.constant 4 : i32
        %add3A_1945 = arith.addi %add3A_1849, %add3A_1944 : i32
        %get3A_1946 = arith.index_cast %add3A_1945 : i32 to index
        %get3A_1947 = arith.constant 16 : index
        %get3A_1948 = tpu.vector_load %arg16[%get3A_1946, %get3A_1947] {strides = array<i32>} : memref<1024x32xf32, #tpu.memory_space<vmem>>, vector<1x16xf32>,
        %get3A_1949 = vector.shape_cast %get3A_1948 : vector<1x16xf32> to vector<16xf32>
        %mul3A_1950 = vector.broadcast %squeeze3A_1934 : f32 to vector<16xf32>
        %mul3A_1951 = arith.mulf %get3A_1949, %mul3A_1950 : vector<16xf32>
        %add3A_1952 = arith.addf %add3A_1932, %mul3A_1951 : vector<16xf32>
        %slice3A_1953 = vector.extract_strided_slice %get3A_1852 {offsets = [5], sizes = [1], strides = [1]} : vector<16xf32> to vector<1xf32>
        %squeeze3A_1954 = vector.extract %slice3A_1953[0] : f32 from vector<1xf32>
        %add3A_1955 = arith.constant 5 : i32
        %add3A_1956 = arith.addi %add3A_1849, %add3A_1955 : i32
        %get3A_1957 = arith.index_cast %add3A_1956 : i32 to index
        %get3A_1958 = arith.constant 0 : index
        %get3A_1959 = tpu.vector_load %arg16[%get3A_1957, %get3A_1958] {strides = array<i32>} : memref<1024x32xf32, #tpu.memory_space<vmem>>, vector<1x16xf32>,
        %get3A_1960 = vector.shape_cast %get3A_1959 : vector<1x16xf32> to vector<16xf32>
        %mul3A_1961 = vector.broadcast %squeeze3A_1954 : f32 to vector<16xf32>
        %mul3A_1962 = arith.mulf %get3A_1960, %mul3A_1961 : vector<16xf32>
        %add3A_1963 = arith.addf %add3A_1943, %mul3A_1962 : vector<16xf32>
        %add3A_1964 = arith.constant 5 : i32
        %add3A_1965 = arith.addi %add3A_1849, %add3A_1964 : i32
        %get3A_1966 = arith.index_cast %add3A_1965 : i32 to index
        %get3A_1967 = arith.constant 16 : index
        %get3A_1968 = tpu.vector_load %arg16[%get3A_1966, %get3A_1967] {strides = array<i32>} : memref<1024x32xf32, #tpu.memory_space<vmem>>, vector<1x16xf32>,
        %get3A_1969 = vector.shape_cast %get3A_1968 : vector<1x16xf32> to vector<16xf32>
        %mul3A_1970 = vector.broadcast %squeeze3A_1954 : f32 to vector<16xf32>
        %mul3A_1971 = arith.mulf %get3A_1969, %mul3A_1970 : vector<16xf32>
        %add3A_1972 = arith.addf %add3A_1952, %mul3A_1971 : vector<16xf32>
        %slice3A_1973 = vector.extract_strided_slice %get3A_1852 {offsets = [6], sizes = [1], strides = [1]} : vector<16xf32> to vector<1xf32>
        %squeeze3A_1974 = vector.extract %slice3A_1973[0] : f32 from vector<1xf32>
        %add3A_1975 = arith.constant 6 : i32
        %add3A_1976 = arith.addi %add3A_1849, %add3A_1975 : i32
        %get3A_1977 = arith.index_cast %add3A_1976 : i32 to index
        %get3A_1978 = arith.constant 0 : index
        %get3A_1979 = tpu.vector_load %arg16[%get3A_1977, %get3A_1978] {strides = array<i32>} : memref<1024x32xf32, #tpu.memory_space<vmem>>, vector<1x16xf32>,
        %get3A_1980 = vector.shape_cast %get3A_1979 : vector<1x16xf32> to vector<16xf32>
        %mul3A_1981 = vector.broadcast %squeeze3A_1974 : f32 to vector<16xf32>
        %mul3A_1982 = arith.mulf %get3A_1980, %mul3A_1981 : vector<16xf32>
        %add3A_1983 = arith.addf %add3A_1963, %mul3A_1982 : vector<16xf32>
        %add3A_1984 = arith.constant 6 : i32
        %add3A_1985 = arith.addi %add3A_1849, %add3A_1984 : i32
        %get3A_1986 = arith.index_cast %add3A_1985 : i32 to index
        %get3A_1987 = arith.constant 16 : index
        %get3A_1988 = tpu.vector_load %arg16[%get3A_1986, %get3A_1987] {strides = array<i32>} : memref<1024x32xf32, #tpu.memory_space<vmem>>, vector<1x16xf32>,
        %get3A_1989 = vector.shape_cast %get3A_1988 : vector<1x16xf32> to vector<16xf32>
        %mul3A_1990 = vector.broadcast %squeeze3A_1974 : f32 to vector<16xf32>
        %mul3A_1991 = arith.mulf %get3A_1989, %mul3A_1990 : vector<16xf32>
        %add3A_1992 = arith.addf %add3A_1972, %mul3A_1991 : vector<16xf32>
        %slice3A_1993 = vector.extract_strided_slice %get3A_1852 {offsets = [7], sizes = [1], strides = [1]} : vector<16xf32> to vector<1xf32>
        %squeeze3A_1994 = vector.extract %slice3A_1993[0] : f32 from vector<1xf32>
        %add3A_1995 = arith.constant 7 : i32
        %add3A_1996 = arith.addi %add3A_1849, %add3A_1995 : i32
        %get3A_1997 = arith.index_cast %add3A_1996 : i32 to index
        %get3A_1998 = arith.constant 0 : index
        %get3A_1999 = tpu.vector_load %arg16[%get3A_1997, %get3A_1998] {strides = array<i32>} : memref<1024x32xf32, #tpu.memory_space<vmem>>, vector<1x16xf32>,
        %get3A_2000 = vector.shape_cast %get3A_1999 : vector<1x16xf32> to vector<16xf32>
        %mul3A_2001 = vector.broadcast %squeeze3A_1994 : f32 to vector<16xf32>
        %mul3A_2002 = arith.mulf %get3A_2000, %mul3A_2001 : vector<16xf32>
        %add3A_2003 = arith.addf %add3A_1983, %mul3A_2002 : vector<16xf32>
        %add3A_2004 = arith.constant 7 : i32
        %add3A_2005 = arith.addi %add3A_1849, %add3A_2004 : i32
        %get3A_2006 = arith.index_cast %add3A_2005 : i32 to index
        %get3A_2007 = arith.constant 16 : index
        %get3A_2008 = tpu.vector_load %arg16[%get3A_2006, %get3A_2007] {strides = array<i32>} : memref<1024x32xf32, #tpu.memory_space<vmem>>, vector<1x16xf32>,
        %get3A_2009 = vector.shape_cast %get3A_2008 : vector<1x16xf32> to vector<16xf32>
        %mul3A_2010 = vector.broadcast %squeeze3A_1994 : f32 to vector<16xf32>
        %mul3A_2011 = arith.mulf %get3A_2009, %mul3A_2010 : vector<16xf32>
        %add3A_2012 = arith.addf %add3A_1992, %mul3A_2011 : vector<16xf32>
        %slice3A_2013 = vector.extract_strided_slice %get3A_1852 {offsets = [8], sizes = [1], strides = [1]} : vector<16xf32> to vector<1xf32>
        %squeeze3A_2014 = vector.extract %slice3A_2013[0] : f32 from vector<1xf32>
        %add3A_2015 = arith.constant 8 : i32
        %add3A_2016 = arith.addi %add3A_1849, %add3A_2015 : i32
        %get3A_2017 = arith.index_cast %add3A_2016 : i32 to index
        %get3A_2018 = arith.constant 0 : index
        %get3A_2019 = tpu.vector_load %arg16[%get3A_2017, %get3A_2018] {strides = array<i32>} : memref<1024x32xf32, #tpu.memory_space<vmem>>, vector<1x16xf32>,
        %get3A_2020 = vector.shape_cast %get3A_2019 : vector<1x16xf32> to vector<16xf32>
        %mul3A_2021 = vector.broadcast %squeeze3A_2014 : f32 to vector<16xf32>
        %mul3A_2022 = arith.mulf %get3A_2020, %mul3A_2021 : vector<16xf32>
        %add3A_2023 = arith.addf %add3A_2003, %mul3A_2022 : vector<16xf32>
        %add3A_2024 = arith.constant 8 : i32
        %add3A_2025 = arith.addi %add3A_1849, %add3A_2024 : i32
        %get3A_2026 = arith.index_cast %add3A_2025 : i32 to index
        %get3A_2027 = arith.constant 16 : index
        %get3A_2028 = tpu.vector_load %arg16[%get3A_2026, %get3A_2027] {strides = array<i32>} : memref<1024x32xf32, #tpu.memory_space<vmem>>, vector<1x16xf32>,
        %get3A_2029 = vector.shape_cast %get3A_2028 : vector<1x16xf32> to vector<16xf32>
        %mul3A_2030 = vector.broadcast %squeeze3A_2014 : f32 to vector<16xf32>
        %mul3A_2031 = arith.mulf %get3A_2029, %mul3A_2030 : vector<16xf32>
        %add3A_2032 = arith.addf %add3A_2012, %mul3A_2031 : vector<16xf32>
        %slice3A_2033 = vector.extract_strided_slice %get3A_1852 {offsets = [9], sizes = [1], strides = [1]} : vector<16xf32> to vector<1xf32>
        %squeeze3A_2034 = vector.extract %slice3A_2033[0] : f32 from vector<1xf32>
        %add3A_2035 = arith.constant 9 : i32
        %add3A_2036 = arith.addi %add3A_1849, %add3A_2035 : i32
        %get3A_2037 = arith.index_cast %add3A_2036 : i32 to index
        %get3A_2038 = arith.constant 0 : index
        %get3A_2039 = tpu.vector_load %arg16[%get3A_2037, %get3A_2038] {strides = array<i32>} : memref<1024x32xf32, #tpu.memory_space<vmem>>, vector<1x16xf32>,
        %get3A_2040 = vector.shape_cast %get3A_2039 : vector<1x16xf32> to vector<16xf32>
        %mul3A_2041 = vector.broadcast %squeeze3A_2034 : f32 to vector<16xf32>
        %mul3A_2042 = arith.mulf %get3A_2040, %mul3A_2041 : vector<16xf32>
        %add3A_2043 = arith.addf %add3A_2023, %mul3A_2042 : vector<16xf32>
        %add3A_2044 = arith.constant 9 : i32
        %add3A_2045 = arith.addi %add3A_1849, %add3A_2044 : i32
        %get3A_2046 = arith.index_cast %add3A_2045 : i32 to index
        %get3A_2047 = arith.constant 16 : index
        %get3A_2048 = tpu.vector_load %arg16[%get3A_2046, %get3A_2047] {strides = array<i32>} : memref<1024x32xf32, #tpu.memory_space<vmem>>, vector<1x16xf32>,
        %get3A_2049 = vector.shape_cast %get3A_2048 : vector<1x16xf32> to vector<16xf32>
        %mul3A_2050 = vector.broadcast %squeeze3A_2034 : f32 to vector<16xf32>
        %mul3A_2051 = arith.mulf %get3A_2049, %mul3A_2050 : vector<16xf32>
        %add3A_2052 = arith.addf %add3A_2032, %mul3A_2051 : vector<16xf32>
        %slice3A_2053 = vector.extract_strided_slice %get3A_1852 {offsets = [10], sizes = [1], strides = [1]} : vector<16xf32> to vector<1xf32>
        %squeeze3A_2054 = vector.extract %slice3A_2053[0] : f32 from vector<1xf32>
        %add3A_2055 = arith.constant 10 : i32
        %add3A_2056 = arith.addi %add3A_1849, %add3A_2055 : i32
        %get3A_2057 = arith.index_cast %add3A_2056 : i32 to index
        %get3A_2058 = arith.constant 0 : index
        %get3A_2059 = tpu.vector_load %arg16[%get3A_2057, %get3A_2058] {strides = array<i32>} : memref<1024x32xf32, #tpu.memory_space<vmem>>, vector<1x16xf32>,
        %get3A_2060 = vector.shape_cast %get3A_2059 : vector<1x16xf32> to vector<16xf32>
        %mul3A_2061 = vector.broadcast %squeeze3A_2054 : f32 to vector<16xf32>
        %mul3A_2062 = arith.mulf %get3A_2060, %mul3A_2061 : vector<16xf32>
        %add3A_2063 = arith.addf %add3A_2043, %mul3A_2062 : vector<16xf32>
        %add3A_2064 = arith.constant 10 : i32
        %add3A_2065 = arith.addi %add3A_1849, %add3A_2064 : i32
        %get3A_2066 = arith.index_cast %add3A_2065 : i32 to index
        %get3A_2067 = arith.constant 16 : index
        %get3A_2068 = tpu.vector_load %arg16[%get3A_2066, %get3A_2067] {strides = array<i32>} : memref<1024x32xf32, #tpu.memory_space<vmem>>, vector<1x16xf32>,
        %get3A_2069 = vector.shape_cast %get3A_2068 : vector<1x16xf32> to vector<16xf32>
        %mul3A_2070 = vector.broadcast %squeeze3A_2054 : f32 to vector<16xf32>
        %mul3A_2071 = arith.mulf %get3A_2069, %mul3A_2070 : vector<16xf32>
        %add3A_2072 = arith.addf %add3A_2052, %mul3A_2071 : vector<16xf32>
        %slice3A_2073 = vector.extract_strided_slice %get3A_1852 {offsets = [11], sizes = [1], strides = [1]} : vector<16xf32> to vector<1xf32>
        %squeeze3A_2074 = vector.extract %slice3A_2073[0] : f32 from vector<1xf32>
        %add3A_2075 = arith.constant 11 : i32
        %add3A_2076 = arith.addi %add3A_1849, %add3A_2075 : i32
        %get3A_2077 = arith.index_cast %add3A_2076 : i32 to index
        %get3A_2078 = arith.constant 0 : index
        %get3A_2079 = tpu.vector_load %arg16[%get3A_2077, %get3A_2078] {strides = array<i32>} : memref<1024x32xf32, #tpu.memory_space<vmem>>, vector<1x16xf32>,
        %get3A_2080 = vector.shape_cast %get3A_2079 : vector<1x16xf32> to vector<16xf32>
        %mul3A_2081 = vector.broadcast %squeeze3A_2074 : f32 to vector<16xf32>
        %mul3A_2082 = arith.mulf %get3A_2080, %mul3A_2081 : vector<16xf32>
        %add3A_2083 = arith.addf %add3A_2063, %mul3A_2082 : vector<16xf32>
        %add3A_2084 = arith.constant 11 : i32
        %add3A_2085 = arith.addi %add3A_1849, %add3A_2084 : i32
        %get3A_2086 = arith.index_cast %add3A_2085 : i32 to index
        %get3A_2087 = arith.constant 16 : index
        %get3A_2088 = tpu.vector_load %arg16[%get3A_2086, %get3A_2087] {strides = array<i32>} : memref<1024x32xf32, #tpu.memory_space<vmem>>, vector<1x16xf32>,
        %get3A_2089 = vector.shape_cast %get3A_2088 : vector<1x16xf32> to vector<16xf32>
        %mul3A_2090 = vector.broadcast %squeeze3A_2074 : f32 to vector<16xf32>
        %mul3A_2091 = arith.mulf %get3A_2089, %mul3A_2090 : vector<16xf32>
        %add3A_2092 = arith.addf %add3A_2072, %mul3A_2091 : vector<16xf32>
        %slice3A_2093 = vector.extract_strided_slice %get3A_1852 {offsets = [12], sizes = [1], strides = [1]} : vector<16xf32> to vector<1xf32>
        %squeeze3A_2094 = vector.extract %slice3A_2093[0] : f32 from vector<1xf32>
        %add3A_2095 = arith.constant 12 : i32
        %add3A_2096 = arith.addi %add3A_1849, %add3A_2095 : i32
        %get3A_2097 = arith.index_cast %add3A_2096 : i32 to index
        %get3A_2098 = arith.constant 0 : index
        %get3A_2099 = tpu.vector_load %arg16[%get3A_2097, %get3A_2098] {strides = array<i32>} : memref<1024x32xf32, #tpu.memory_space<vmem>>, vector<1x16xf32>,
        %get3A_2100 = vector.shape_cast %get3A_2099 : vector<1x16xf32> to vector<16xf32>
        %mul3A_2101 = vector.broadcast %squeeze3A_2094 : f32 to vector<16xf32>
        %mul3A_2102 = arith.mulf %get3A_2100, %mul3A_2101 : vector<16xf32>
        %add3A_2103 = arith.addf %add3A_2083, %mul3A_2102 : vector<16xf32>
        %add3A_2104 = arith.constant 12 : i32
        %add3A_2105 = arith.addi %add3A_1849, %add3A_2104 : i32
        %get3A_2106 = arith.index_cast %add3A_2105 : i32 to index
        %get3A_2107 = arith.constant 16 : index
        %get3A_2108 = tpu.vector_load %arg16[%get3A_2106, %get3A_2107] {strides = array<i32>} : memref<1024x32xf32, #tpu.memory_space<vmem>>, vector<1x16xf32>,
        %get3A_2109 = vector.shape_cast %get3A_2108 : vector<1x16xf32> to vector<16xf32>
        %mul3A_2110 = vector.broadcast %squeeze3A_2094 : f32 to vector<16xf32>
        %mul3A_2111 = arith.mulf %get3A_2109, %mul3A_2110 : vector<16xf32>
        %add3A_2112 = arith.addf %add3A_2092, %mul3A_2111 : vector<16xf32>
        %slice3A_2113 = vector.extract_strided_slice %get3A_1852 {offsets = [13], sizes = [1], strides = [1]} : vector<16xf32> to vector<1xf32>
        %squeeze3A_2114 = vector.extract %slice3A_2113[0] : f32 from vector<1xf32>
        %add3A_2115 = arith.constant 13 : i32
        %add3A_2116 = arith.addi %add3A_1849, %add3A_2115 : i32
        %get3A_2117 = arith.index_cast %add3A_2116 : i32 to index
        %get3A_2118 = arith.constant 0 : index
        %get3A_2119 = tpu.vector_load %arg16[%get3A_2117, %get3A_2118] {strides = array<i32>} : memref<1024x32xf32, #tpu.memory_space<vmem>>, vector<1x16xf32>,
        %get3A_2120 = vector.shape_cast %get3A_2119 : vector<1x16xf32> to vector<16xf32>
        %mul3A_2121 = vector.broadcast %squeeze3A_2114 : f32 to vector<16xf32>
        %mul3A_2122 = arith.mulf %get3A_2120, %mul3A_2121 : vector<16xf32>
        %add3A_2123 = arith.addf %add3A_2103, %mul3A_2122 : vector<16xf32>
        %add3A_2124 = arith.constant 13 : i32
        %add3A_2125 = arith.addi %add3A_1849, %add3A_2124 : i32
        %get3A_2126 = arith.index_cast %add3A_2125 : i32 to index
        %get3A_2127 = arith.constant 16 : index
        %get3A_2128 = tpu.vector_load %arg16[%get3A_2126, %get3A_2127] {strides = array<i32>} : memref<1024x32xf32, #tpu.memory_space<vmem>>, vector<1x16xf32>,
        %get3A_2129 = vector.shape_cast %get3A_2128 : vector<1x16xf32> to vector<16xf32>
        %mul3A_2130 = vector.broadcast %squeeze3A_2114 : f32 to vector<16xf32>
        %mul3A_2131 = arith.mulf %get3A_2129, %mul3A_2130 : vector<16xf32>
        %add3A_2132 = arith.addf %add3A_2112, %mul3A_2131 : vector<16xf32>
        %slice3A_2133 = vector.extract_strided_slice %get3A_1852 {offsets = [14], sizes = [1], strides = [1]} : vector<16xf32> to vector<1xf32>
        %squeeze3A_2134 = vector.extract %slice3A_2133[0] : f32 from vector<1xf32>
        %add3A_2135 = arith.constant 14 : i32
        %add3A_2136 = arith.addi %add3A_1849, %add3A_2135 : i32
        %get3A_2137 = arith.index_cast %add3A_2136 : i32 to index
        %get3A_2138 = arith.constant 0 : index
        %get3A_2139 = tpu.vector_load %arg16[%get3A_2137, %get3A_2138] {strides = array<i32>} : memref<1024x32xf32, #tpu.memory_space<vmem>>, vector<1x16xf32>,
        %get3A_2140 = vector.shape_cast %get3A_2139 : vector<1x16xf32> to vector<16xf32>
        %mul3A_2141 = vector.broadcast %squeeze3A_2134 : f32 to vector<16xf32>
        %mul3A_2142 = arith.mulf %get3A_2140, %mul3A_2141 : vector<16xf32>
        %add3A_2143 = arith.addf %add3A_2123, %mul3A_2142 : vector<16xf32>
        %add3A_2144 = arith.constant 14 : i32
        %add3A_2145 = arith.addi %add3A_1849, %add3A_2144 : i32
        %get3A_2146 = arith.index_cast %add3A_2145 : i32 to index
        %get3A_2147 = arith.constant 16 : index
        %get3A_2148 = tpu.vector_load %arg16[%get3A_2146, %get3A_2147] {strides = array<i32>} : memref<1024x32xf32, #tpu.memory_space<vmem>>, vector<1x16xf32>,
        %get3A_2149 = vector.shape_cast %get3A_2148 : vector<1x16xf32> to vector<16xf32>
        %mul3A_2150 = vector.broadcast %squeeze3A_2134 : f32 to vector<16xf32>
        %mul3A_2151 = arith.mulf %get3A_2149, %mul3A_2150 : vector<16xf32>
        %add3A_2152 = arith.addf %add3A_2132, %mul3A_2151 : vector<16xf32>
        %slice3A_2153 = vector.extract_strided_slice %get3A_1852 {offsets = [15], sizes = [1], strides = [1]} : vector<16xf32> to vector<1xf32>
        %squeeze3A_2154 = vector.extract %slice3A_2153[0] : f32 from vector<1xf32>
        %add3A_2155 = arith.constant 15 : i32
        %add3A_2156 = arith.addi %add3A_1849, %add3A_2155 : i32
        %get3A_2157 = arith.index_cast %add3A_2156 : i32 to index
        %get3A_2158 = arith.constant 0 : index
        %get3A_2159 = tpu.vector_load %arg16[%get3A_2157, %get3A_2158] {strides = array<i32>} : memref<1024x32xf32, #tpu.memory_space<vmem>>, vector<1x16xf32>,
        %get3A_2160 = vector.shape_cast %get3A_2159 : vector<1x16xf32> to vector<16xf32>
        %mul3A_2161 = vector.broadcast %squeeze3A_2154 : f32 to vector<16xf32>
        %mul3A_2162 = arith.mulf %get3A_2160, %mul3A_2161 : vector<16xf32>
        %add3A_2163 = arith.addf %add3A_2143, %mul3A_2162 : vector<16xf32>
        %add3A_2164 = arith.constant 15 : i32
        %add3A_2165 = arith.addi %add3A_1849, %add3A_2164 : i32
        %get3A_2166 = arith.index_cast %add3A_2165 : i32 to index
        %get3A_2167 = arith.constant 16 : index
        %get3A_2168 = tpu.vector_load %arg16[%get3A_2166, %get3A_2167] {strides = array<i32>} : memref<1024x32xf32, #tpu.memory_space<vmem>>, vector<1x16xf32>,
        %get3A_2169 = vector.shape_cast %get3A_2168 : vector<1x16xf32> to vector<16xf32>
        %mul3A_2170 = vector.broadcast %squeeze3A_2154 : f32 to vector<16xf32>
        %mul3A_2171 = arith.mulf %get3A_2169, %mul3A_2170 : vector<16xf32>
        %add3A_2172 = arith.addf %add3A_2152, %mul3A_2171 : vector<16xf32>
        %mul3A_2173 = arith.constant 32 : i32
        %mul3A_2174 = arith.muli %scan3A_864, %mul3A_2173 : i32
        %swap3A = arith.constant 0 : i32
        %swap3A_2175 = arith.index_cast %swap3A : i32 to index
        %swap3A_2176 = arith.index_cast %mul3A_2174 : i32 to index
        %swap3A_2177 = tpu.vector_load %arg18[%swap3A_2175, %swap3A_2176] {strides = array<i32>} : memref<1x512xf32, #tpu.memory_space<vmem>>, vector<1x16xf32>,
        %swap3A_2178 = vector.shape_cast %swap3A_2177 : vector<1x16xf32> to vector<16xf32>
        %swap3A_2179 = vector.shape_cast %add3A_2163 : vector<16xf32> to vector<1x16xf32>
        tpu.vector_store %arg18[%swap3A_2175, %swap3A_2176], %swap3A_2179 {strides = array<i32>} : memref<1x512xf32, #tpu.memory_space<vmem>>, vector<1x16xf32>,
        %mul3A_2180 = arith.constant 32 : i32
        %mul3A_2181 = arith.muli %scan3A_864, %mul3A_2180 : i32
        %add3A_2182 = arith.constant 16 : i32
        %add3A_2183 = arith.addi %mul3A_2181, %add3A_2182 : i32
        %swap3A_2184 = arith.constant 0 : i32
        %swap3A_2185 = arith.index_cast %swap3A_2184 : i32 to index
        %swap3A_2186 = arith.index_cast %add3A_2183 : i32 to index
        %swap3A_2187 = tpu.vector_load %arg18[%swap3A_2185, %swap3A_2186] {strides = array<i32>} : memref<1x512xf32, #tpu.memory_space<vmem>>, vector<1x16xf32>,
        %swap3A_2188 = vector.shape_cast %swap3A_2187 : vector<1x16xf32> to vector<16xf32>
        %swap3A_2189 = vector.shape_cast %add3A_2172 : vector<16xf32> to vector<1x16xf32>
        tpu.vector_store %arg18[%swap3A_2185, %swap3A_2186], %swap3A_2189 {strides = array<i32>} : memref<1x512xf32, #tpu.memory_space<vmem>>, vector<1x16xf32>,
      }
      %scan3A_433 = arith.constant 16 : i32
      %jit3A = arith.constant 16 : i32
      %div3A = arith.divsi %multiple_of3A_427, %jit3A : i32
      %sign3A = arith.constant 0 : i32
      %sign3A_434 = arith.cmpi sgt, %multiple_of3A_427, %sign3A : i32
      %sign3A_435 = arith.extui %sign3A_434 : i1 to i32
      %sign3A_436 = arith.constant 0 : i32
      %sign3A_437 = arith.cmpi slt, %multiple_of3A_427, %sign3A_436 : i32
      %sign3A_438 = arith.extui %sign3A_437 : i1 to i32
      %sign3A_439 = arith.subi %sign3A_435, %sign3A_438 : i32
      %sign3A_440 = arith.constant 0 : i32
      %sign3A_441 = arith.cmpi sgt, %jit3A, %sign3A_440 : i32
      %sign3A_442 = arith.extui %sign3A_441 : i1 to i32
      %sign3A_443 = arith.constant 0 : i32
      %sign3A_444 = arith.cmpi slt, %jit3A, %sign3A_443 : i32
      %sign3A_445 = arith.extui %sign3A_444 : i1 to i32
      %sign3A_446 = arith.subi %sign3A_442, %sign3A_445 : i32
      %ne3A = arith.cmpi ne, %sign3A_439, %sign3A_446 : i32
      %rem3A = arith.remsi %multiple_of3A_427, %jit3A : i32
      %ne3A_447 = arith.constant 0 : i32
      %ne3A_448 = arith.cmpi ne, %rem3A, %ne3A_447 : i32
      %and3A = arith.andi %ne3A, %ne3A_448 : i1
      %sub3A = arith.constant 1 : i32
      %sub3A_449 = arith.subi %div3A, %sub3A : i32
      %select_n3A = arith.select %and3A, %sub3A_449, %div3A : i32
      "tpu.region"() ({
        %run_scoped3A = tpu.sem_alloc : memref<!tpu.dma_semaphore, #tpu.memory_space<semaphore_mem>>
        %dma_start3A_864 = arith.constant 0 : i32
        %dma_start3A_865 = tpu.memref_slice %arg11[%select_n3A, %dma_start3A_864] : memref<10880x512xf32, #tpu.memory_space<hbm>> -> memref<1x512xf32, #tpu.memory_space<hbm>>
        %dma_start3A_866 = arith.constant 0 : i32
        %dma_start3A_867 = tpu.memref_slice %arg11[%select_n3A, %dma_start3A_866] : memref<10880x512xf32, #tpu.memory_space<hbm>> -> memref<1x512xf32, #tpu.memory_space<hbm>>
        tpu.enqueue_dma source(%arg18 : memref<1x512xf32, #tpu.memory_space<vmem>>) target(%dma_start3A_867 : memref<1x512xf32, #tpu.memory_space<hbm>>) target_semaphore(%run_scoped3A : memref<!tpu.dma_semaphore, #tpu.memory_space<semaphore_mem>>)
        %dma_wait3A_868 = arith.constant 0 : i32
        %dma_wait3A_869 = tpu.memref_slice %arg11[%select_n3A, %dma_wait3A_868] : memref<10880x512xf32, #tpu.memory_space<hbm>> -> memref<1x512xf32, #tpu.memory_space<hbm>>
        %dma_wait3A_870 = arith.constant 0 : i32
        %dma_wait3A_871 = tpu.memref_slice %arg11[%select_n3A, %dma_wait3A_870] : memref<10880x512xf32, #tpu.memory_space<hbm>> -> memref<1x512xf32, #tpu.memory_space<hbm>>
        tpu.wait_dma2 semaphore(%run_scoped3A : memref<!tpu.dma_semaphore, #tpu.memory_space<semaphore_mem>>) src(%arg18 : memref<1x512xf32, #tpu.memory_space<vmem>>) dst(%dma_wait3A_871 : memref<1x512xf32, #tpu.memory_space<hbm>>)
        tpu.yield
      }) : () -> ()
      %dma_wait3A_450 = arith.constant 0 : i32
      %dma_wait3A_451 = tpu.memref_slice %arg13[%dma_wait3A_450] : memref<1024xi32, #tpu.memory_space<vmem>> -> memref<256xi32, #tpu.memory_space<vmem>>
      %dma_wait3A_452 = tpu.memref_slice %arg2[%multiple_of3A_375] : memref<2785280xi32, #tpu.memory_space<hbm>> -> memref<256xi32, #tpu.memory_space<hbm>>
      %dma_wait3A_453 = arith.constant 0 : i32
      %dma_wait3A_454 = tpu.memref_slice %arg13[%dma_wait3A_453] : memref<1024xi32, #tpu.memory_space<vmem>> -> memref<256xi32, #tpu.memory_space<vmem>>
      %dma_wait3A_455 = tpu.memref_slice %arg2[%multiple_of3A_375] : memref<2785280xi32, #tpu.memory_space<hbm>> -> memref<256xi32, #tpu.memory_space<hbm>>
      tpu.wait_dma2 semaphore(%arg21 : memref<!tpu.dma_semaphore, #tpu.memory_space<semaphore_mem>>) src(%dma_wait3A_455 : memref<256xi32, #tpu.memory_space<hbm>>) dst(%dma_wait3A_454 : memref<256xi32, #tpu.memory_space<vmem>>)
      %dma_wait3A_456 = arith.constant 0 : i32
      %dma_wait3A_457 = tpu.memref_slice %arg15[%dma_wait3A_456] : memref<1024xf32, #tpu.memory_space<vmem>> -> memref<256xf32, #tpu.memory_space<vmem>>
      %dma_wait3A_458 = tpu.memref_slice %arg6[%multiple_of3A_375] : memref<2785280xf32, #tpu.memory_space<hbm>> -> memref<256xf32, #tpu.memory_space<hbm>>
      %dma_wait3A_459 = arith.constant 0 : i32
      %dma_wait3A_460 = tpu.memref_slice %arg15[%dma_wait3A_459] : memref<1024xf32, #tpu.memory_space<vmem>> -> memref<256xf32, #tpu.memory_space<vmem>>
      %dma_wait3A_461 = tpu.memref_slice %arg6[%multiple_of3A_375] : memref<2785280xf32, #tpu.memory_space<hbm>> -> memref<256xf32, #tpu.memory_space<hbm>>
      tpu.wait_dma2 semaphore(%arg21 : memref<!tpu.dma_semaphore, #tpu.memory_space<semaphore_mem>>) src(%dma_wait3A_461 : memref<256xf32, #tpu.memory_space<hbm>>) dst(%dma_wait3A_460 : memref<256xf32, #tpu.memory_space<vmem>>)
      %dma_wait3A_462 = arith.constant 256 : i32
      %dma_wait3A_463 = tpu.memref_slice %arg13[%dma_wait3A_462] : memref<1024xi32, #tpu.memory_space<vmem>> -> memref<256xi32, #tpu.memory_space<vmem>>
      %dma_wait3A_464 = tpu.memref_slice %arg3[%multiple_of3A_375] : memref<2785280xi32, #tpu.memory_space<hbm>> -> memref<256xi32, #tpu.memory_space<hbm>>
      %dma_wait3A_465 = arith.constant 256 : i32
      %dma_wait3A_466 = tpu.memref_slice %arg13[%dma_wait3A_465] : memref<1024xi32, #tpu.memory_space<vmem>> -> memref<256xi32, #tpu.memory_space<vmem>>
      %dma_wait3A_467 = tpu.memref_slice %arg3[%multiple_of3A_375] : memref<2785280xi32, #tpu.memory_space<hbm>> -> memref<256xi32, #tpu.memory_space<hbm>>
      tpu.wait_dma2 semaphore(%arg21 : memref<!tpu.dma_semaphore, #tpu.memory_space<semaphore_mem>>) src(%dma_wait3A_467 : memref<256xi32, #tpu.memory_space<hbm>>) dst(%dma_wait3A_466 : memref<256xi32, #tpu.memory_space<vmem>>)
      %dma_wait3A_468 = arith.constant 256 : i32
      %dma_wait3A_469 = tpu.memref_slice %arg15[%dma_wait3A_468] : memref<1024xf32, #tpu.memory_space<vmem>> -> memref<256xf32, #tpu.memory_space<vmem>>
      %dma_wait3A_470 = tpu.memref_slice %arg7[%multiple_of3A_375] : memref<2785280xf32, #tpu.memory_space<hbm>> -> memref<256xf32, #tpu.memory_space<hbm>>
      %dma_wait3A_471 = arith.constant 256 : i32
      %dma_wait3A_472 = tpu.memref_slice %arg15[%dma_wait3A_471] : memref<1024xf32, #tpu.memory_space<vmem>> -> memref<256xf32, #tpu.memory_space<vmem>>
      %dma_wait3A_473 = tpu.memref_slice %arg7[%multiple_of3A_375] : memref<2785280xf32, #tpu.memory_space<hbm>> -> memref<256xf32, #tpu.memory_space<hbm>>
      tpu.wait_dma2 semaphore(%arg21 : memref<!tpu.dma_semaphore, #tpu.memory_space<semaphore_mem>>) src(%dma_wait3A_473 : memref<256xf32, #tpu.memory_space<hbm>>) dst(%dma_wait3A_472 : memref<256xf32, #tpu.memory_space<vmem>>)
      %dma_wait3A_474 = arith.constant 512 : i32
      %dma_wait3A_475 = tpu.memref_slice %arg13[%dma_wait3A_474] : memref<1024xi32, #tpu.memory_space<vmem>> -> memref<256xi32, #tpu.memory_space<vmem>>
      %dma_wait3A_476 = tpu.memref_slice %arg4[%multiple_of3A_375] : memref<2785280xi32, #tpu.memory_space<hbm>> -> memref<256xi32, #tpu.memory_space<hbm>>
      %dma_wait3A_477 = arith.constant 512 : i32
      %dma_wait3A_478 = tpu.memref_slice %arg13[%dma_wait3A_477] : memref<1024xi32, #tpu.memory_space<vmem>> -> memref<256xi32, #tpu.memory_space<vmem>>
      %dma_wait3A_479 = tpu.memref_slice %arg4[%multiple_of3A_375] : memref<2785280xi32, #tpu.memory_space<hbm>> -> memref<256xi32, #tpu.memory_space<hbm>>
      tpu.wait_dma2 semaphore(%arg21 : memref<!tpu.dma_semaphore, #tpu.memory_space<semaphore_mem>>) src(%dma_wait3A_479 : memref<256xi32, #tpu.memory_space<hbm>>) dst(%dma_wait3A_478 : memref<256xi32, #tpu.memory_space<vmem>>)
      %dma_wait3A_480 = arith.constant 512 : i32
      %dma_wait3A_481 = tpu.memref_slice %arg15[%dma_wait3A_480] : memref<1024xf32, #tpu.memory_space<vmem>> -> memref<256xf32, #tpu.memory_space<vmem>>
      %dma_wait3A_482 = tpu.memref_slice %arg8[%multiple_of3A_375] : memref<2785280xf32, #tpu.memory_space<hbm>> -> memref<256xf32, #tpu.memory_space<hbm>>
      %dma_wait3A_483 = arith.constant 512 : i32
      %dma_wait3A_484 = tpu.memref_slice %arg15[%dma_wait3A_483] : memref<1024xf32, #tpu.memory_space<vmem>> -> memref<256xf32, #tpu.memory_space<vmem>>
      %dma_wait3A_485 = tpu.memref_slice %arg8[%multiple_of3A_375] : memref<2785280xf32, #tpu.memory_space<hbm>> -> memref<256xf32, #tpu.memory_space<hbm>>
      tpu.wait_dma2 semaphore(%arg21 : memref<!tpu.dma_semaphore, #tpu.memory_space<semaphore_mem>>) src(%dma_wait3A_485 : memref<256xf32, #tpu.memory_space<hbm>>) dst(%dma_wait3A_484 : memref<256xf32, #tpu.memory_space<vmem>>)
      %dma_wait3A_486 = arith.constant 768 : i32
      %dma_wait3A_487 = tpu.memref_slice %arg13[%dma_wait3A_486] : memref<1024xi32, #tpu.memory_space<vmem>> -> memref<256xi32, #tpu.memory_space<vmem>>
      %dma_wait3A_488 = tpu.memref_slice %arg5[%multiple_of3A_375] : memref<2785280xi32, #tpu.memory_space<hbm>> -> memref<256xi32, #tpu.memory_space<hbm>>
      %dma_wait3A_489 = arith.constant 768 : i32
      %dma_wait3A_490 = tpu.memref_slice %arg13[%dma_wait3A_489] : memref<1024xi32, #tpu.memory_space<vmem>> -> memref<256xi32, #tpu.memory_space<vmem>>
      %dma_wait3A_491 = tpu.memref_slice %arg5[%multiple_of3A_375] : memref<2785280xi32, #tpu.memory_space<hbm>> -> memref<256xi32, #tpu.memory_space<hbm>>
      tpu.wait_dma2 semaphore(%arg21 : memref<!tpu.dma_semaphore, #tpu.memory_space<semaphore_mem>>) src(%dma_wait3A_491 : memref<256xi32, #tpu.memory_space<hbm>>) dst(%dma_wait3A_490 : memref<256xi32, #tpu.memory_space<vmem>>)
      %dma_wait3A_492 = arith.constant 768 : i32
      %dma_wait3A_493 = tpu.memref_slice %arg15[%dma_wait3A_492] : memref<1024xf32, #tpu.memory_space<vmem>> -> memref<256xf32, #tpu.memory_space<vmem>>
      %dma_wait3A_494 = tpu.memref_slice %arg9[%multiple_of3A_375] : memref<2785280xf32, #tpu.memory_space<hbm>> -> memref<256xf32, #tpu.memory_space<hbm>>
      %dma_wait3A_495 = arith.constant 768 : i32
      %dma_wait3A_496 = tpu.memref_slice %arg15[%dma_wait3A_495] : memref<1024xf32, #tpu.memory_space<vmem>> -> memref<256xf32, #tpu.memory_space<vmem>>
      %dma_wait3A_497 = tpu.memref_slice %arg9[%multiple_of3A_375] : memref<2785280xf32, #tpu.memory_space<hbm>> -> memref<256xf32, #tpu.memory_space<hbm>>
      tpu.wait_dma2 semaphore(%arg21 : memref<!tpu.dma_semaphore, #tpu.memory_space<semaphore_mem>>) src(%dma_wait3A_497 : memref<256xf32, #tpu.memory_space<hbm>>) dst(%dma_wait3A_496 : memref<256xf32, #tpu.memory_space<vmem>>)
      %dma_start3A_498 = arith.constant 0 : i32
      %dma_start3A_499 = arith.constant 0 : i32
      %dma_start3A_500 = tpu.memref_slice %arg17[%dma_start3A_498, %dma_start3A_499] : memref<1024x32xf32, #tpu.memory_space<vmem>> -> memref<128x32xf32, #tpu.memory_space<vmem>>
      %dma_start3A_501 = arith.constant 0 : i32
      %dma_start3A_502 = tpu.memref_slice %arg13[%dma_start3A_501] : memref<1024xi32, #tpu.memory_space<vmem>> -> memref<128xi32, #tpu.memory_space<vmem>>
      %dma_start3A_503 = arith.constant 0 : i32
      %dma_start3A_504 = arith.constant 0 : i32
      %dma_start3A_505 = tpu.memref_slice %arg10[%dma_start3A_503, %dma_start3A_504] : memref<174080x32xf32, #tpu.memory_space<hbm>> -> memref<174080x32xf32, #tpu.memory_space<hbm>>
      tpu.enqueue_indirect_dma source(%dma_start3A_505 : memref<174080x32xf32, #tpu.memory_space<hbm>>) target(%dma_start3A_500 : memref<128x32xf32, #tpu.memory_space<vmem>>) offsets(%dma_start3A_502 : memref<128xi32, #tpu.memory_space<vmem>>) semaphore(%arg23 : memref<!tpu.dma_semaphore, #tpu.memory_space<semaphore_mem>>)
      %dma_start3A_506 = arith.constant 128 : i32
      %dma_start3A_507 = arith.constant 0 : i32
      %dma_start3A_508 = tpu.memref_slice %arg17[%dma_start3A_506, %dma_start3A_507] : memref<1024x32xf32, #tpu.memory_space<vmem>> -> memref<128x32xf32, #tpu.memory_space<vmem>>
      %dma_start3A_509 = arith.constant 128 : i32
      %dma_start3A_510 = tpu.memref_slice %arg13[%dma_start3A_509] : memref<1024xi32, #tpu.memory_space<vmem>> -> memref<128xi32, #tpu.memory_space<vmem>>
      %dma_start3A_511 = arith.constant 0 : i32
      %dma_start3A_512 = arith.constant 0 : i32
      %dma_start3A_513 = tpu.memref_slice %arg10[%dma_start3A_511, %dma_start3A_512] : memref<174080x32xf32, #tpu.memory_space<hbm>> -> memref<174080x32xf32, #tpu.memory_space<hbm>>
      tpu.enqueue_indirect_dma source(%dma_start3A_513 : memref<174080x32xf32, #tpu.memory_space<hbm>>) target(%dma_start3A_508 : memref<128x32xf32, #tpu.memory_space<vmem>>) offsets(%dma_start3A_510 : memref<128xi32, #tpu.memory_space<vmem>>) semaphore(%arg23 : memref<!tpu.dma_semaphore, #tpu.memory_space<semaphore_mem>>)
      %dma_start3A_514 = arith.constant 256 : i32
      %dma_start3A_515 = arith.constant 0 : i32
      %dma_start3A_516 = tpu.memref_slice %arg17[%dma_start3A_514, %dma_start3A_515] : memref<1024x32xf32, #tpu.memory_space<vmem>> -> memref<128x32xf32, #tpu.memory_space<vmem>>
      %dma_start3A_517 = arith.constant 256 : i32
      %dma_start3A_518 = tpu.memref_slice %arg13[%dma_start3A_517] : memref<1024xi32, #tpu.memory_space<vmem>> -> memref<128xi32, #tpu.memory_space<vmem>>
      %dma_start3A_519 = arith.constant 0 : i32
      %dma_start3A_520 = arith.constant 0 : i32
      %dma_start3A_521 = tpu.memref_slice %arg10[%dma_start3A_519, %dma_start3A_520] : memref<174080x32xf32, #tpu.memory_space<hbm>> -> memref<174080x32xf32, #tpu.memory_space<hbm>>
      tpu.enqueue_indirect_dma source(%dma_start3A_521 : memref<174080x32xf32, #tpu.memory_space<hbm>>) target(%dma_start3A_516 : memref<128x32xf32, #tpu.memory_space<vmem>>) offsets(%dma_start3A_518 : memref<128xi32, #tpu.memory_space<vmem>>) semaphore(%arg23 : memref<!tpu.dma_semaphore, #tpu.memory_space<semaphore_mem>>)
      %dma_start3A_522 = arith.constant 384 : i32
      %dma_start3A_523 = arith.constant 0 : i32
      %dma_start3A_524 = tpu.memref_slice %arg17[%dma_start3A_522, %dma_start3A_523] : memref<1024x32xf32, #tpu.memory_space<vmem>> -> memref<128x32xf32, #tpu.memory_space<vmem>>
      %dma_start3A_525 = arith.constant 384 : i32
      %dma_start3A_526 = tpu.memref_slice %arg13[%dma_start3A_525] : memref<1024xi32, #tpu.memory_space<vmem>> -> memref<128xi32, #tpu.memory_space<vmem>>
      %dma_start3A_527 = arith.constant 0 : i32
      %dma_start3A_528 = arith.constant 0 : i32
      %dma_start3A_529 = tpu.memref_slice %arg10[%dma_start3A_527, %dma_start3A_528] : memref<174080x32xf32, #tpu.memory_space<hbm>> -> memref<174080x32xf32, #tpu.memory_space<hbm>>
      tpu.enqueue_indirect_dma source(%dma_start3A_529 : memref<174080x32xf32, #tpu.memory_space<hbm>>) target(%dma_start3A_524 : memref<128x32xf32, #tpu.memory_space<vmem>>) offsets(%dma_start3A_526 : memref<128xi32, #tpu.memory_space<vmem>>) semaphore(%arg23 : memref<!tpu.dma_semaphore, #tpu.memory_space<semaphore_mem>>)
      %dma_start3A_530 = arith.constant 512 : i32
      %dma_start3A_531 = arith.constant 0 : i32
      %dma_start3A_532 = tpu.memref_slice %arg17[%dma_start3A_530, %dma_start3A_531] : memref<1024x32xf32, #tpu.memory_space<vmem>> -> memref<128x32xf32, #tpu.memory_space<vmem>>
      %dma_start3A_533 = arith.constant 512 : i32
      %dma_start3A_534 = tpu.memref_slice %arg13[%dma_start3A_533] : memref<1024xi32, #tpu.memory_space<vmem>> -> memref<128xi32, #tpu.memory_space<vmem>>
      %dma_start3A_535 = arith.constant 0 : i32
      %dma_start3A_536 = arith.constant 0 : i32
      %dma_start3A_537 = tpu.memref_slice %arg10[%dma_start3A_535, %dma_start3A_536] : memref<174080x32xf32, #tpu.memory_space<hbm>> -> memref<174080x32xf32, #tpu.memory_space<hbm>>
      tpu.enqueue_indirect_dma source(%dma_start3A_537 : memref<174080x32xf32, #tpu.memory_space<hbm>>) target(%dma_start3A_532 : memref<128x32xf32, #tpu.memory_space<vmem>>) offsets(%dma_start3A_534 : memref<128xi32, #tpu.memory_space<vmem>>) semaphore(%arg23 : memref<!tpu.dma_semaphore, #tpu.memory_space<semaphore_mem>>)
      %dma_start3A_538 = arith.constant 640 : i32
      %dma_start3A_539 = arith.constant 0 : i32
      %dma_start3A_540 = tpu.memref_slice %arg17[%dma_start3A_538, %dma_start3A_539] : memref<1024x32xf32, #tpu.memory_space<vmem>> -> memref<128x32xf32, #tpu.memory_space<vmem>>
      %dma_start3A_541 = arith.constant 640 : i32
      %dma_start3A_542 = tpu.memref_slice %arg13[%dma_start3A_541] : memref<1024xi32, #tpu.memory_space<vmem>> -> memref<128xi32, #tpu.memory_space<vmem>>
      %dma_start3A_543 = arith.constant 0 : i32
      %dma_start3A_544 = arith.constant 0 : i32
      %dma_start3A_545 = tpu.memref_slice %arg10[%dma_start3A_543, %dma_start3A_544] : memref<174080x32xf32, #tpu.memory_space<hbm>> -> memref<174080x32xf32, #tpu.memory_space<hbm>>
      tpu.enqueue_indirect_dma source(%dma_start3A_545 : memref<174080x32xf32, #tpu.memory_space<hbm>>) target(%dma_start3A_540 : memref<128x32xf32, #tpu.memory_space<vmem>>) offsets(%dma_start3A_542 : memref<128xi32, #tpu.memory_space<vmem>>) semaphore(%arg23 : memref<!tpu.dma_semaphore, #tpu.memory_space<semaphore_mem>>)
      %dma_start3A_546 = arith.constant 768 : i32
      %dma_start3A_547 = arith.constant 0 : i32
      %dma_start3A_548 = tpu.memref_slice %arg17[%dma_start3A_546, %dma_start3A_547] : memref<1024x32xf32, #tpu.memory_space<vmem>> -> memref<128x32xf32, #tpu.memory_space<vmem>>
      %dma_start3A_549 = arith.constant 768 : i32
      %dma_start3A_550 = tpu.memref_slice %arg13[%dma_start3A_549] : memref<1024xi32, #tpu.memory_space<vmem>> -> memref<128xi32, #tpu.memory_space<vmem>>
      %dma_start3A_551 = arith.constant 0 : i32
      %dma_start3A_552 = arith.constant 0 : i32
      %dma_start3A_553 = tpu.memref_slice %arg10[%dma_start3A_551, %dma_start3A_552] : memref<174080x32xf32, #tpu.memory_space<hbm>> -> memref<174080x32xf32, #tpu.memory_space<hbm>>
      tpu.enqueue_indirect_dma source(%dma_start3A_553 : memref<174080x32xf32, #tpu.memory_space<hbm>>) target(%dma_start3A_548 : memref<128x32xf32, #tpu.memory_space<vmem>>) offsets(%dma_start3A_550 : memref<128xi32, #tpu.memory_space<vmem>>) semaphore(%arg23 : memref<!tpu.dma_semaphore, #tpu.memory_space<semaphore_mem>>)
      %dma_start3A_554 = arith.constant 896 : i32
      %dma_start3A_555 = arith.constant 0 : i32
      %dma_start3A_556 = tpu.memref_slice %arg17[%dma_start3A_554, %dma_start3A_555] : memref<1024x32xf32, #tpu.memory_space<vmem>> -> memref<128x32xf32, #tpu.memory_space<vmem>>
      %dma_start3A_557 = arith.constant 896 : i32
      %dma_start3A_558 = tpu.memref_slice %arg13[%dma_start3A_557] : memref<1024xi32, #tpu.memory_space<vmem>> -> memref<128xi32, #tpu.memory_space<vmem>>
      %dma_start3A_559 = arith.constant 0 : i32
      %dma_start3A_560 = arith.constant 0 : i32
      %dma_start3A_561 = tpu.memref_slice %arg10[%dma_start3A_559, %dma_start3A_560] : memref<174080x32xf32, #tpu.memory_space<hbm>> -> memref<174080x32xf32, #tpu.memory_space<hbm>>
      tpu.enqueue_indirect_dma source(%dma_start3A_561 : memref<174080x32xf32, #tpu.memory_space<hbm>>) target(%dma_start3A_556 : memref<128x32xf32, #tpu.memory_space<vmem>>) offsets(%dma_start3A_558 : memref<128xi32, #tpu.memory_space<vmem>>) semaphore(%arg23 : memref<!tpu.dma_semaphore, #tpu.memory_space<semaphore_mem>>)
      %add3A_562 = arith.constant 1 : i32
      %add3A_563 = arith.addi %mul3A_268, %add3A_562 : i32
      %add3A_564 = arith.constant 1 : i32
      %add3A_565 = arith.addi %add3A_563, %add3A_564 : i32
      %min3A_566 = arith.constant 339 : i32
      %min3A_567 = arith.minsi %add3A_565, %min3A_566 : i32
      %dma_wait3A_568 = arith.constant 0 : i32
      %dma_wait3A_569 = arith.constant 0 : i32
      %dma_wait3A_570 = tpu.memref_slice %arg17[%dma_wait3A_568, %dma_wait3A_569] : memref<1024x32xf32, #tpu.memory_space<vmem>> -> memref<128x32xf32, #tpu.memory_space<vmem>>
      %dma_wait3A_571 = arith.constant 0 : i32
      %dma_wait3A_572 = arith.constant 0 : i32
      %dma_wait3A_573 = tpu.memref_slice %arg10[%dma_wait3A_571, %dma_wait3A_572] : memref<174080x32xf32, #tpu.memory_space<hbm>> -> memref<128x32xf32, #tpu.memory_space<hbm>>
      %dma_wait3A_574 = arith.constant 0 : i32
      %dma_wait3A_575 = arith.constant 0 : i32
      %dma_wait3A_576 = tpu.memref_slice %arg17[%dma_wait3A_574, %dma_wait3A_575] : memref<1024x32xf32, #tpu.memory_space<vmem>> -> memref<128x32xf32, #tpu.memory_space<vmem>>
      %dma_wait3A_577 = arith.constant 0 : i32
      %dma_wait3A_578 = arith.constant 0 : i32
      %dma_wait3A_579 = tpu.memref_slice %arg10[%dma_wait3A_577, %dma_wait3A_578] : memref<174080x32xf32, #tpu.memory_space<hbm>> -> memref<128x32xf32, #tpu.memory_space<hbm>>
      tpu.wait_dma2 semaphore(%arg23 : memref<!tpu.dma_semaphore, #tpu.memory_space<semaphore_mem>>) src(%dma_wait3A_579 : memref<128x32xf32, #tpu.memory_space<hbm>>) dst(%dma_wait3A_576 : memref<128x32xf32, #tpu.memory_space<vmem>>)
      %dma_wait3A_580 = arith.constant 128 : i32
      %dma_wait3A_581 = arith.constant 0 : i32
      %dma_wait3A_582 = tpu.memref_slice %arg17[%dma_wait3A_580, %dma_wait3A_581] : memref<1024x32xf32, #tpu.memory_space<vmem>> -> memref<128x32xf32, #tpu.memory_space<vmem>>
      %dma_wait3A_583 = arith.constant 0 : i32
      %dma_wait3A_584 = arith.constant 0 : i32
      %dma_wait3A_585 = tpu.memref_slice %arg10[%dma_wait3A_583, %dma_wait3A_584] : memref<174080x32xf32, #tpu.memory_space<hbm>> -> memref<128x32xf32, #tpu.memory_space<hbm>>
      %dma_wait3A_586 = arith.constant 128 : i32
      %dma_wait3A_587 = arith.constant 0 : i32
      %dma_wait3A_588 = tpu.memref_slice %arg17[%dma_wait3A_586, %dma_wait3A_587] : memref<1024x32xf32, #tpu.memory_space<vmem>> -> memref<128x32xf32, #tpu.memory_space<vmem>>
      %dma_wait3A_589 = arith.constant 0 : i32
      %dma_wait3A_590 = arith.constant 0 : i32
      %dma_wait3A_591 = tpu.memref_slice %arg10[%dma_wait3A_589, %dma_wait3A_590] : memref<174080x32xf32, #tpu.memory_space<hbm>> -> memref<128x32xf32, #tpu.memory_space<hbm>>
      tpu.wait_dma2 semaphore(%arg23 : memref<!tpu.dma_semaphore, #tpu.memory_space<semaphore_mem>>) src(%dma_wait3A_591 : memref<128x32xf32, #tpu.memory_space<hbm>>) dst(%dma_wait3A_588 : memref<128x32xf32, #tpu.memory_space<vmem>>)
      %dma_wait3A_592 = arith.constant 256 : i32
      %dma_wait3A_593 = arith.constant 0 : i32
      %dma_wait3A_594 = tpu.memref_slice %arg17[%dma_wait3A_592, %dma_wait3A_593] : memref<1024x32xf32, #tpu.memory_space<vmem>> -> memref<128x32xf32, #tpu.memory_space<vmem>>
      %dma_wait3A_595 = arith.constant 0 : i32
      %dma_wait3A_596 = arith.constant 0 : i32
      %dma_wait3A_597 = tpu.memref_slice %arg10[%dma_wait3A_595, %dma_wait3A_596] : memref<174080x32xf32, #tpu.memory_space<hbm>> -> memref<128x32xf32, #tpu.memory_space<hbm>>
      %dma_wait3A_598 = arith.constant 256 : i32
      %dma_wait3A_599 = arith.constant 0 : i32
      %dma_wait3A_600 = tpu.memref_slice %arg17[%dma_wait3A_598, %dma_wait3A_599] : memref<1024x32xf32, #tpu.memory_space<vmem>> -> memref<128x32xf32, #tpu.memory_space<vmem>>
      %dma_wait3A_601 = arith.constant 0 : i32
      %dma_wait3A_602 = arith.constant 0 : i32
      %dma_wait3A_603 = tpu.memref_slice %arg10[%dma_wait3A_601, %dma_wait3A_602] : memref<174080x32xf32, #tpu.memory_space<hbm>> -> memref<128x32xf32, #tpu.memory_space<hbm>>
      tpu.wait_dma2 semaphore(%arg23 : memref<!tpu.dma_semaphore, #tpu.memory_space<semaphore_mem>>) src(%dma_wait3A_603 : memref<128x32xf32, #tpu.memory_space<hbm>>) dst(%dma_wait3A_600 : memref<128x32xf32, #tpu.memory_space<vmem>>)
      %dma_wait3A_604 = arith.constant 384 : i32
      %dma_wait3A_605 = arith.constant 0 : i32
      %dma_wait3A_606 = tpu.memref_slice %arg17[%dma_wait3A_604, %dma_wait3A_605] : memref<1024x32xf32, #tpu.memory_space<vmem>> -> memref<128x32xf32, #tpu.memory_space<vmem>>
      %dma_wait3A_607 = arith.constant 0 : i32
      %dma_wait3A_608 = arith.constant 0 : i32
      %dma_wait3A_609 = tpu.memref_slice %arg10[%dma_wait3A_607, %dma_wait3A_608] : memref<174080x32xf32, #tpu.memory_space<hbm>> -> memref<128x32xf32, #tpu.memory_space<hbm>>
      %dma_wait3A_610 = arith.constant 384 : i32
      %dma_wait3A_611 = arith.constant 0 : i32
      %dma_wait3A_612 = tpu.memref_slice %arg17[%dma_wait3A_610, %dma_wait3A_611] : memref<1024x32xf32, #tpu.memory_space<vmem>> -> memref<128x32xf32, #tpu.memory_space<vmem>>
      %dma_wait3A_613 = arith.constant 0 : i32
      %dma_wait3A_614 = arith.constant 0 : i32
      %dma_wait3A_615 = tpu.memref_slice %arg10[%dma_wait3A_613, %dma_wait3A_614] : memref<174080x32xf32, #tpu.memory_space<hbm>> -> memref<128x32xf32, #tpu.memory_space<hbm>>
      tpu.wait_dma2 semaphore(%arg23 : memref<!tpu.dma_semaphore, #tpu.memory_space<semaphore_mem>>) src(%dma_wait3A_615 : memref<128x32xf32, #tpu.memory_space<hbm>>) dst(%dma_wait3A_612 : memref<128x32xf32, #tpu.memory_space<vmem>>)
      %dma_wait3A_616 = arith.constant 512 : i32
      %dma_wait3A_617 = arith.constant 0 : i32
      %dma_wait3A_618 = tpu.memref_slice %arg17[%dma_wait3A_616, %dma_wait3A_617] : memref<1024x32xf32, #tpu.memory_space<vmem>> -> memref<128x32xf32, #tpu.memory_space<vmem>>
      %dma_wait3A_619 = arith.constant 0 : i32
      %dma_wait3A_620 = arith.constant 0 : i32
      %dma_wait3A_621 = tpu.memref_slice %arg10[%dma_wait3A_619, %dma_wait3A_620] : memref<174080x32xf32, #tpu.memory_space<hbm>> -> memref<128x32xf32, #tpu.memory_space<hbm>>
      %dma_wait3A_622 = arith.constant 512 : i32
      %dma_wait3A_623 = arith.constant 0 : i32
      %dma_wait3A_624 = tpu.memref_slice %arg17[%dma_wait3A_622, %dma_wait3A_623] : memref<1024x32xf32, #tpu.memory_space<vmem>> -> memref<128x32xf32, #tpu.memory_space<vmem>>
      %dma_wait3A_625 = arith.constant 0 : i32
      %dma_wait3A_626 = arith.constant 0 : i32
      %dma_wait3A_627 = tpu.memref_slice %arg10[%dma_wait3A_625, %dma_wait3A_626] : memref<174080x32xf32, #tpu.memory_space<hbm>> -> memref<128x32xf32, #tpu.memory_space<hbm>>
      tpu.wait_dma2 semaphore(%arg23 : memref<!tpu.dma_semaphore, #tpu.memory_space<semaphore_mem>>) src(%dma_wait3A_627 : memref<128x32xf32, #tpu.memory_space<hbm>>) dst(%dma_wait3A_624 : memref<128x32xf32, #tpu.memory_space<vmem>>)
      %dma_wait3A_628 = arith.constant 640 : i32
      %dma_wait3A_629 = arith.constant 0 : i32
      %dma_wait3A_630 = tpu.memref_slice %arg17[%dma_wait3A_628, %dma_wait3A_629] : memref<1024x32xf32, #tpu.memory_space<vmem>> -> memref<128x32xf32, #tpu.memory_space<vmem>>
      %dma_wait3A_631 = arith.constant 0 : i32
      %dma_wait3A_632 = arith.constant 0 : i32
      %dma_wait3A_633 = tpu.memref_slice %arg10[%dma_wait3A_631, %dma_wait3A_632] : memref<174080x32xf32, #tpu.memory_space<hbm>> -> memref<128x32xf32, #tpu.memory_space<hbm>>
      %dma_wait3A_634 = arith.constant 640 : i32
      %dma_wait3A_635 = arith.constant 0 : i32
      %dma_wait3A_636 = tpu.memref_slice %arg17[%dma_wait3A_634, %dma_wait3A_635] : memref<1024x32xf32, #tpu.memory_space<vmem>> -> memref<128x32xf32, #tpu.memory_space<vmem>>
      %dma_wait3A_637 = arith.constant 0 : i32
      %dma_wait3A_638 = arith.constant 0 : i32
      %dma_wait3A_639 = tpu.memref_slice %arg10[%dma_wait3A_637, %dma_wait3A_638] : memref<174080x32xf32, #tpu.memory_space<hbm>> -> memref<128x32xf32, #tpu.memory_space<hbm>>
      tpu.wait_dma2 semaphore(%arg23 : memref<!tpu.dma_semaphore, #tpu.memory_space<semaphore_mem>>) src(%dma_wait3A_639 : memref<128x32xf32, #tpu.memory_space<hbm>>) dst(%dma_wait3A_636 : memref<128x32xf32, #tpu.memory_space<vmem>>)
      %dma_wait3A_640 = arith.constant 768 : i32
      %dma_wait3A_641 = arith.constant 0 : i32
      %dma_wait3A_642 = tpu.memref_slice %arg17[%dma_wait3A_640, %dma_wait3A_641] : memref<1024x32xf32, #tpu.memory_space<vmem>> -> memref<128x32xf32, #tpu.memory_space<vmem>>
      %dma_wait3A_643 = arith.constant 0 : i32
      %dma_wait3A_644 = arith.constant 0 : i32
      %dma_wait3A_645 = tpu.memref_slice %arg10[%dma_wait3A_643, %dma_wait3A_644] : memref<174080x32xf32, #tpu.memory_space<hbm>> -> memref<128x32xf32, #tpu.memory_space<hbm>>
      %dma_wait3A_646 = arith.constant 768 : i32
      %dma_wait3A_647 = arith.constant 0 : i32
      %dma_wait3A_648 = tpu.memref_slice %arg17[%dma_wait3A_646, %dma_wait3A_647] : memref<1024x32xf32, #tpu.memory_space<vmem>> -> memref<128x32xf32, #tpu.memory_space<vmem>>
      %dma_wait3A_649 = arith.constant 0 : i32
      %dma_wait3A_650 = arith.constant 0 : i32
      %dma_wait3A_651 = tpu.memref_slice %arg10[%dma_wait3A_649, %dma_wait3A_650] : memref<174080x32xf32, #tpu.memory_space<hbm>> -> memref<128x32xf32, #tpu.memory_space<hbm>>
      tpu.wait_dma2 semaphore(%arg23 : memref<!tpu.dma_semaphore, #tpu.memory_space<semaphore_mem>>) src(%dma_wait3A_651 : memref<128x32xf32, #tpu.memory_space<hbm>>) dst(%dma_wait3A_648 : memref<128x32xf32, #tpu.memory_space<vmem>>)
      %dma_wait3A_652 = arith.constant 896 : i32
      %dma_wait3A_653 = arith.constant 0 : i32
      %dma_wait3A_654 = tpu.memref_slice %arg17[%dma_wait3A_652, %dma_wait3A_653] : memref<1024x32xf32, #tpu.memory_space<vmem>> -> memref<128x32xf32, #tpu.memory_space<vmem>>
      %dma_wait3A_655 = arith.constant 0 : i32
      %dma_wait3A_656 = arith.constant 0 : i32
      %dma_wait3A_657 = tpu.memref_slice %arg10[%dma_wait3A_655, %dma_wait3A_656] : memref<174080x32xf32, #tpu.memory_space<hbm>> -> memref<128x32xf32, #tpu.memory_space<hbm>>
      %dma_wait3A_658 = arith.constant 896 : i32
      %dma_wait3A_659 = arith.constant 0 : i32
      %dma_wait3A_660 = tpu.memref_slice %arg17[%dma_wait3A_658, %dma_wait3A_659] : memref<1024x32xf32, #tpu.memory_space<vmem>> -> memref<128x32xf32, #tpu.memory_space<vmem>>
      %dma_wait3A_661 = arith.constant 0 : i32
      %dma_wait3A_662 = arith.constant 0 : i32
      %dma_wait3A_663 = tpu.memref_slice %arg10[%dma_wait3A_661, %dma_wait3A_662] : memref<174080x32xf32, #tpu.memory_space<hbm>> -> memref<128x32xf32, #tpu.memory_space<hbm>>
      tpu.wait_dma2 semaphore(%arg23 : memref<!tpu.dma_semaphore, #tpu.memory_space<semaphore_mem>>) src(%dma_wait3A_663 : memref<128x32xf32, #tpu.memory_space<hbm>>) dst(%dma_wait3A_660 : memref<128x32xf32, #tpu.memory_space<vmem>>)
      %mul3A_664 = arith.constant 16 : i32
      %mul3A_665 = arith.muli %min3A_567, %mul3A_664 : i32
      %add3A_666 = arith.addi %mul3A_2, %mul3A_665 : i32
      %mul3A_667 = arith.constant 16 : i32
      %mul3A_668 = arith.muli %add3A_666, %mul3A_667 : i32
      %multiple_of3A_669 = tpu.assume_multiple %mul3A_668, 256 : i32
      %dma_start3A_670 = arith.constant 0 : i32
      %dma_start3A_671 = tpu.memref_slice %arg12[%dma_start3A_670] : memref<1024xi32, #tpu.memory_space<vmem>> -> memref<256xi32, #tpu.memory_space<vmem>>
      %dma_start3A_672 = tpu.memref_slice %arg2[%multiple_of3A_669] : memref<2785280xi32, #tpu.memory_space<hbm>> -> memref<256xi32, #tpu.memory_space<hbm>>
      %dma_start3A_673 = arith.constant 0 : i32
      %dma_start3A_674 = tpu.memref_slice %arg12[%dma_start3A_673] : memref<1024xi32, #tpu.memory_space<vmem>> -> memref<256xi32, #tpu.memory_space<vmem>>
      %dma_start3A_675 = tpu.memref_slice %arg2[%multiple_of3A_669] : memref<2785280xi32, #tpu.memory_space<hbm>> -> memref<256xi32, #tpu.memory_space<hbm>>
      tpu.enqueue_dma source(%dma_start3A_675 : memref<256xi32, #tpu.memory_space<hbm>>) target(%dma_start3A_674 : memref<256xi32, #tpu.memory_space<vmem>>) target_semaphore(%arg20 : memref<!tpu.dma_semaphore, #tpu.memory_space<semaphore_mem>>)
      %dma_start3A_676 = arith.constant 0 : i32
      %dma_start3A_677 = tpu.memref_slice %arg14[%dma_start3A_676] : memref<1024xf32, #tpu.memory_space<vmem>> -> memref<256xf32, #tpu.memory_space<vmem>>
      %dma_start3A_678 = tpu.memref_slice %arg6[%multiple_of3A_669] : memref<2785280xf32, #tpu.memory_space<hbm>> -> memref<256xf32, #tpu.memory_space<hbm>>
      %dma_start3A_679 = arith.constant 0 : i32
      %dma_start3A_680 = tpu.memref_slice %arg14[%dma_start3A_679] : memref<1024xf32, #tpu.memory_space<vmem>> -> memref<256xf32, #tpu.memory_space<vmem>>
      %dma_start3A_681 = tpu.memref_slice %arg6[%multiple_of3A_669] : memref<2785280xf32, #tpu.memory_space<hbm>> -> memref<256xf32, #tpu.memory_space<hbm>>
      tpu.enqueue_dma source(%dma_start3A_681 : memref<256xf32, #tpu.memory_space<hbm>>) target(%dma_start3A_680 : memref<256xf32, #tpu.memory_space<vmem>>) target_semaphore(%arg20 : memref<!tpu.dma_semaphore, #tpu.memory_space<semaphore_mem>>)
      %dma_start3A_682 = arith.constant 256 : i32
      %dma_start3A_683 = tpu.memref_slice %arg12[%dma_start3A_682] : memref<1024xi32, #tpu.memory_space<vmem>> -> memref<256xi32, #tpu.memory_space<vmem>>
      %dma_start3A_684 = tpu.memref_slice %arg3[%multiple_of3A_669] : memref<2785280xi32, #tpu.memory_space<hbm>> -> memref<256xi32, #tpu.memory_space<hbm>>
      %dma_start3A_685 = arith.constant 256 : i32
      %dma_start3A_686 = tpu.memref_slice %arg12[%dma_start3A_685] : memref<1024xi32, #tpu.memory_space<vmem>> -> memref<256xi32, #tpu.memory_space<vmem>>
      %dma_start3A_687 = tpu.memref_slice %arg3[%multiple_of3A_669] : memref<2785280xi32, #tpu.memory_space<hbm>> -> memref<256xi32, #tpu.memory_space<hbm>>
      tpu.enqueue_dma source(%dma_start3A_687 : memref<256xi32, #tpu.memory_space<hbm>>) target(%dma_start3A_686 : memref<256xi32, #tpu.memory_space<vmem>>) target_semaphore(%arg20 : memref<!tpu.dma_semaphore, #tpu.memory_space<semaphore_mem>>)
      %dma_start3A_688 = arith.constant 256 : i32
      %dma_start3A_689 = tpu.memref_slice %arg14[%dma_start3A_688] : memref<1024xf32, #tpu.memory_space<vmem>> -> memref<256xf32, #tpu.memory_space<vmem>>
      %dma_start3A_690 = tpu.memref_slice %arg7[%multiple_of3A_669] : memref<2785280xf32, #tpu.memory_space<hbm>> -> memref<256xf32, #tpu.memory_space<hbm>>
      %dma_start3A_691 = arith.constant 256 : i32
      %dma_start3A_692 = tpu.memref_slice %arg14[%dma_start3A_691] : memref<1024xf32, #tpu.memory_space<vmem>> -> memref<256xf32, #tpu.memory_space<vmem>>
      %dma_start3A_693 = tpu.memref_slice %arg7[%multiple_of3A_669] : memref<2785280xf32, #tpu.memory_space<hbm>> -> memref<256xf32, #tpu.memory_space<hbm>>
      tpu.enqueue_dma source(%dma_start3A_693 : memref<256xf32, #tpu.memory_space<hbm>>) target(%dma_start3A_692 : memref<256xf32, #tpu.memory_space<vmem>>) target_semaphore(%arg20 : memref<!tpu.dma_semaphore, #tpu.memory_space<semaphore_mem>>)
      %dma_start3A_694 = arith.constant 512 : i32
      %dma_start3A_695 = tpu.memref_slice %arg12[%dma_start3A_694] : memref<1024xi32, #tpu.memory_space<vmem>> -> memref<256xi32, #tpu.memory_space<vmem>>
      %dma_start3A_696 = tpu.memref_slice %arg4[%multiple_of3A_669] : memref<2785280xi32, #tpu.memory_space<hbm>> -> memref<256xi32, #tpu.memory_space<hbm>>
      %dma_start3A_697 = arith.constant 512 : i32
      %dma_start3A_698 = tpu.memref_slice %arg12[%dma_start3A_697] : memref<1024xi32, #tpu.memory_space<vmem>> -> memref<256xi32, #tpu.memory_space<vmem>>
      %dma_start3A_699 = tpu.memref_slice %arg4[%multiple_of3A_669] : memref<2785280xi32, #tpu.memory_space<hbm>> -> memref<256xi32, #tpu.memory_space<hbm>>
      tpu.enqueue_dma source(%dma_start3A_699 : memref<256xi32, #tpu.memory_space<hbm>>) target(%dma_start3A_698 : memref<256xi32, #tpu.memory_space<vmem>>) target_semaphore(%arg20 : memref<!tpu.dma_semaphore, #tpu.memory_space<semaphore_mem>>)
      %dma_start3A_700 = arith.constant 512 : i32
      %dma_start3A_701 = tpu.memref_slice %arg14[%dma_start3A_700] : memref<1024xf32, #tpu.memory_space<vmem>> -> memref<256xf32, #tpu.memory_space<vmem>>
      %dma_start3A_702 = tpu.memref_slice %arg8[%multiple_of3A_669] : memref<2785280xf32, #tpu.memory_space<hbm>> -> memref<256xf32, #tpu.memory_space<hbm>>
      %dma_start3A_703 = arith.constant 512 : i32
      %dma_start3A_704 = tpu.memref_slice %arg14[%dma_start3A_703] : memref<1024xf32, #tpu.memory_space<vmem>> -> memref<256xf32, #tpu.memory_space<vmem>>
      %dma_start3A_705 = tpu.memref_slice %arg8[%multiple_of3A_669] : memref<2785280xf32, #tpu.memory_space<hbm>> -> memref<256xf32, #tpu.memory_space<hbm>>
      tpu.enqueue_dma source(%dma_start3A_705 : memref<256xf32, #tpu.memory_space<hbm>>) target(%dma_start3A_704 : memref<256xf32, #tpu.memory_space<vmem>>) target_semaphore(%arg20 : memref<!tpu.dma_semaphore, #tpu.memory_space<semaphore_mem>>)
      %dma_start3A_706 = arith.constant 768 : i32
      %dma_start3A_707 = tpu.memref_slice %arg12[%dma_start3A_706] : memref<1024xi32, #tpu.memory_space<vmem>> -> memref<256xi32, #tpu.memory_space<vmem>>
      %dma_start3A_708 = tpu.memref_slice %arg5[%multiple_of3A_669] : memref<2785280xi32, #tpu.memory_space<hbm>> -> memref<256xi32, #tpu.memory_space<hbm>>
      %dma_start3A_709 = arith.constant 768 : i32
      %dma_start3A_710 = tpu.memref_slice %arg12[%dma_start3A_709] : memref<1024xi32, #tpu.memory_space<vmem>> -> memref<256xi32, #tpu.memory_space<vmem>>
      %dma_start3A_711 = tpu.memref_slice %arg5[%multiple_of3A_669] : memref<2785280xi32, #tpu.memory_space<hbm>> -> memref<256xi32, #tpu.memory_space<hbm>>
      tpu.enqueue_dma source(%dma_start3A_711 : memref<256xi32, #tpu.memory_space<hbm>>) target(%dma_start3A_710 : memref<256xi32, #tpu.memory_space<vmem>>) target_semaphore(%arg20 : memref<!tpu.dma_semaphore, #tpu.memory_space<semaphore_mem>>)
      %dma_start3A_712 = arith.constant 768 : i32
      %dma_start3A_713 = tpu.memref_slice %arg14[%dma_start3A_712] : memref<1024xf32, #tpu.memory_space<vmem>> -> memref<256xf32, #tpu.memory_space<vmem>>
      %dma_start3A_714 = tpu.memref_slice %arg9[%multiple_of3A_669] : memref<2785280xf32, #tpu.memory_space<hbm>> -> memref<256xf32, #tpu.memory_space<hbm>>
      %dma_start3A_715 = arith.constant 768 : i32
      %dma_start3A_716 = tpu.memref_slice %arg14[%dma_start3A_715] : memref<1024xf32, #tpu.memory_space<vmem>> -> memref<256xf32, #tpu.memory_space<vmem>>
      %dma_start3A_717 = tpu.memref_slice %arg9[%multiple_of3A_669] : memref<2785280xf32, #tpu.memory_space<hbm>> -> memref<256xf32, #tpu.memory_space<hbm>>
      tpu.enqueue_dma source(%dma_start3A_717 : memref<256xf32, #tpu.memory_space<hbm>>) target(%dma_start3A_716 : memref<256xf32, #tpu.memory_space<vmem>>) target_semaphore(%arg20 : memref<!tpu.dma_semaphore, #tpu.memory_space<semaphore_mem>>)
      %mul3A_718 = arith.constant 16 : i32
      %mul3A_719 = arith.muli %add3A_563, %mul3A_718 : i32
      %add3A_720 = arith.addi %mul3A_2, %mul3A_719 : i32
      %multiple_of3A_721 = tpu.assume_multiple %add3A_720, 16 : i32
      %scan3A_722 = arith.constant 0 : i32
      %scan3A_723 = arith.constant 0 : i32
      %scan3A_724 = arith.constant 16 : i32
      %scan3A_725 = arith.addi %scan3A_723, %scan3A_724 : i32
      %scan3A_726 = arith.constant 1 : i32
      scf.for %scan3A_864 = %scan3A_723 to %scan3A_725 step %scan3A_726  : i32 {
        %broadcast_in_dim3A = arith.constant 0.000000e+00 : f32
        %broadcast_in_dim3A_865 = vector.broadcast %broadcast_in_dim3A : f32 to vector<16xf32>
        %broadcast_in_dim3A_866 = arith.constant 0.000000e+00 : f32
        %broadcast_in_dim3A_867 = vector.broadcast %broadcast_in_dim3A_866 : f32 to vector<16xf32>
        %mul3A_868 = arith.constant 16 : i32
        %mul3A_869 = arith.muli %scan3A_864, %mul3A_868 : i32
        %add3A_870 = arith.constant 0 : i32
        %add3A_871 = arith.addi %add3A_870, %mul3A_869 : i32
        %get3A = arith.index_cast %add3A_871 : i32 to index
        %get3A_872 = tpu.vector_load %arg15[%get3A] {strides = array<i32>} : memref<1024xf32, #tpu.memory_space<vmem>>, vector<16xf32>,
        %get3A_873 = vector.shape_cast %get3A_872 : vector<16xf32> to vector<16xf32>
        %slice3A = vector.extract_strided_slice %get3A_873 {offsets = [0], sizes = [1], strides = [1]} : vector<16xf32> to vector<1xf32>
        %squeeze3A = vector.extract %slice3A[0] : f32 from vector<1xf32>
        %add3A_874 = arith.constant 0 : i32
        %add3A_875 = arith.addi %add3A_871, %add3A_874 : i32
        %get3A_876 = arith.index_cast %add3A_875 : i32 to index
        %get3A_877 = arith.constant 0 : index
        %get3A_878 = tpu.vector_load %arg17[%get3A_876, %get3A_877] {strides = array<i32>} : memref<1024x32xf32, #tpu.memory_space<vmem>>, vector<1x16xf32>,
        %get3A_879 = vector.shape_cast %get3A_878 : vector<1x16xf32> to vector<16xf32>
        %mul3A_880 = vector.broadcast %squeeze3A : f32 to vector<16xf32>
        %mul3A_881 = arith.mulf %get3A_879, %mul3A_880 : vector<16xf32>
        %add3A_882 = arith.addf %broadcast_in_dim3A_865, %mul3A_881 : vector<16xf32>
        %add3A_883 = arith.constant 0 : i32
        %add3A_884 = arith.addi %add3A_871, %add3A_883 : i32
        %get3A_885 = arith.index_cast %add3A_884 : i32 to index
        %get3A_886 = arith.constant 16 : index
        %get3A_887 = tpu.vector_load %arg17[%get3A_885, %get3A_886] {strides = array<i32>} : memref<1024x32xf32, #tpu.memory_space<vmem>>, vector<1x16xf32>,
        %get3A_888 = vector.shape_cast %get3A_887 : vector<1x16xf32> to vector<16xf32>
        %mul3A_889 = vector.broadcast %squeeze3A : f32 to vector<16xf32>
        %mul3A_890 = arith.mulf %get3A_888, %mul3A_889 : vector<16xf32>
        %add3A_891 = arith.addf %broadcast_in_dim3A_867, %mul3A_890 : vector<16xf32>
        %slice3A_892 = vector.extract_strided_slice %get3A_873 {offsets = [1], sizes = [1], strides = [1]} : vector<16xf32> to vector<1xf32>
        %squeeze3A_893 = vector.extract %slice3A_892[0] : f32 from vector<1xf32>
        %add3A_894 = arith.constant 1 : i32
        %add3A_895 = arith.addi %add3A_871, %add3A_894 : i32
        %get3A_896 = arith.index_cast %add3A_895 : i32 to index
        %get3A_897 = arith.constant 0 : index
        %get3A_898 = tpu.vector_load %arg17[%get3A_896, %get3A_897] {strides = array<i32>} : memref<1024x32xf32, #tpu.memory_space<vmem>>, vector<1x16xf32>,
        %get3A_899 = vector.shape_cast %get3A_898 : vector<1x16xf32> to vector<16xf32>
        %mul3A_900 = vector.broadcast %squeeze3A_893 : f32 to vector<16xf32>
        %mul3A_901 = arith.mulf %get3A_899, %mul3A_900 : vector<16xf32>
        %add3A_902 = arith.addf %add3A_882, %mul3A_901 : vector<16xf32>
        %add3A_903 = arith.constant 1 : i32
        %add3A_904 = arith.addi %add3A_871, %add3A_903 : i32
        %get3A_905 = arith.index_cast %add3A_904 : i32 to index
        %get3A_906 = arith.constant 16 : index
        %get3A_907 = tpu.vector_load %arg17[%get3A_905, %get3A_906] {strides = array<i32>} : memref<1024x32xf32, #tpu.memory_space<vmem>>, vector<1x16xf32>,
        %get3A_908 = vector.shape_cast %get3A_907 : vector<1x16xf32> to vector<16xf32>
        %mul3A_909 = vector.broadcast %squeeze3A_893 : f32 to vector<16xf32>
        %mul3A_910 = arith.mulf %get3A_908, %mul3A_909 : vector<16xf32>
        %add3A_911 = arith.addf %add3A_891, %mul3A_910 : vector<16xf32>
        %slice3A_912 = vector.extract_strided_slice %get3A_873 {offsets = [2], sizes = [1], strides = [1]} : vector<16xf32> to vector<1xf32>
        %squeeze3A_913 = vector.extract %slice3A_912[0] : f32 from vector<1xf32>
        %add3A_914 = arith.constant 2 : i32
        %add3A_915 = arith.addi %add3A_871, %add3A_914 : i32
        %get3A_916 = arith.index_cast %add3A_915 : i32 to index
        %get3A_917 = arith.constant 0 : index
        %get3A_918 = tpu.vector_load %arg17[%get3A_916, %get3A_917] {strides = array<i32>} : memref<1024x32xf32, #tpu.memory_space<vmem>>, vector<1x16xf32>,
        %get3A_919 = vector.shape_cast %get3A_918 : vector<1x16xf32> to vector<16xf32>
        %mul3A_920 = vector.broadcast %squeeze3A_913 : f32 to vector<16xf32>
        %mul3A_921 = arith.mulf %get3A_919, %mul3A_920 : vector<16xf32>
        %add3A_922 = arith.addf %add3A_902, %mul3A_921 : vector<16xf32>
        %add3A_923 = arith.constant 2 : i32
        %add3A_924 = arith.addi %add3A_871, %add3A_923 : i32
        %get3A_925 = arith.index_cast %add3A_924 : i32 to index
        %get3A_926 = arith.constant 16 : index
        %get3A_927 = tpu.vector_load %arg17[%get3A_925, %get3A_926] {strides = array<i32>} : memref<1024x32xf32, #tpu.memory_space<vmem>>, vector<1x16xf32>,
        %get3A_928 = vector.shape_cast %get3A_927 : vector<1x16xf32> to vector<16xf32>
        %mul3A_929 = vector.broadcast %squeeze3A_913 : f32 to vector<16xf32>
        %mul3A_930 = arith.mulf %get3A_928, %mul3A_929 : vector<16xf32>
        %add3A_931 = arith.addf %add3A_911, %mul3A_930 : vector<16xf32>
        %slice3A_932 = vector.extract_strided_slice %get3A_873 {offsets = [3], sizes = [1], strides = [1]} : vector<16xf32> to vector<1xf32>
        %squeeze3A_933 = vector.extract %slice3A_932[0] : f32 from vector<1xf32>
        %add3A_934 = arith.constant 3 : i32
        %add3A_935 = arith.addi %add3A_871, %add3A_934 : i32
        %get3A_936 = arith.index_cast %add3A_935 : i32 to index
        %get3A_937 = arith.constant 0 : index
        %get3A_938 = tpu.vector_load %arg17[%get3A_936, %get3A_937] {strides = array<i32>} : memref<1024x32xf32, #tpu.memory_space<vmem>>, vector<1x16xf32>,
        %get3A_939 = vector.shape_cast %get3A_938 : vector<1x16xf32> to vector<16xf32>
        %mul3A_940 = vector.broadcast %squeeze3A_933 : f32 to vector<16xf32>
        %mul3A_941 = arith.mulf %get3A_939, %mul3A_940 : vector<16xf32>
        %add3A_942 = arith.addf %add3A_922, %mul3A_941 : vector<16xf32>
        %add3A_943 = arith.constant 3 : i32
        %add3A_944 = arith.addi %add3A_871, %add3A_943 : i32
        %get3A_945 = arith.index_cast %add3A_944 : i32 to index
        %get3A_946 = arith.constant 16 : index
        %get3A_947 = tpu.vector_load %arg17[%get3A_945, %get3A_946] {strides = array<i32>} : memref<1024x32xf32, #tpu.memory_space<vmem>>, vector<1x16xf32>,
        %get3A_948 = vector.shape_cast %get3A_947 : vector<1x16xf32> to vector<16xf32>
        %mul3A_949 = vector.broadcast %squeeze3A_933 : f32 to vector<16xf32>
        %mul3A_950 = arith.mulf %get3A_948, %mul3A_949 : vector<16xf32>
        %add3A_951 = arith.addf %add3A_931, %mul3A_950 : vector<16xf32>
        %slice3A_952 = vector.extract_strided_slice %get3A_873 {offsets = [4], sizes = [1], strides = [1]} : vector<16xf32> to vector<1xf32>
        %squeeze3A_953 = vector.extract %slice3A_952[0] : f32 from vector<1xf32>
        %add3A_954 = arith.constant 4 : i32
        %add3A_955 = arith.addi %add3A_871, %add3A_954 : i32
        %get3A_956 = arith.index_cast %add3A_955 : i32 to index
        %get3A_957 = arith.constant 0 : index
        %get3A_958 = tpu.vector_load %arg17[%get3A_956, %get3A_957] {strides = array<i32>} : memref<1024x32xf32, #tpu.memory_space<vmem>>, vector<1x16xf32>,
        %get3A_959 = vector.shape_cast %get3A_958 : vector<1x16xf32> to vector<16xf32>
        %mul3A_960 = vector.broadcast %squeeze3A_953 : f32 to vector<16xf32>
        %mul3A_961 = arith.mulf %get3A_959, %mul3A_960 : vector<16xf32>
        %add3A_962 = arith.addf %add3A_942, %mul3A_961 : vector<16xf32>
        %add3A_963 = arith.constant 4 : i32
        %add3A_964 = arith.addi %add3A_871, %add3A_963 : i32
        %get3A_965 = arith.index_cast %add3A_964 : i32 to index
        %get3A_966 = arith.constant 16 : index
        %get3A_967 = tpu.vector_load %arg17[%get3A_965, %get3A_966] {strides = array<i32>} : memref<1024x32xf32, #tpu.memory_space<vmem>>, vector<1x16xf32>,
        %get3A_968 = vector.shape_cast %get3A_967 : vector<1x16xf32> to vector<16xf32>
        %mul3A_969 = vector.broadcast %squeeze3A_953 : f32 to vector<16xf32>
        %mul3A_970 = arith.mulf %get3A_968, %mul3A_969 : vector<16xf32>
        %add3A_971 = arith.addf %add3A_951, %mul3A_970 : vector<16xf32>
        %slice3A_972 = vector.extract_strided_slice %get3A_873 {offsets = [5], sizes = [1], strides = [1]} : vector<16xf32> to vector<1xf32>
        %squeeze3A_973 = vector.extract %slice3A_972[0] : f32 from vector<1xf32>
        %add3A_974 = arith.constant 5 : i32
        %add3A_975 = arith.addi %add3A_871, %add3A_974 : i32
        %get3A_976 = arith.index_cast %add3A_975 : i32 to index
        %get3A_977 = arith.constant 0 : index
        %get3A_978 = tpu.vector_load %arg17[%get3A_976, %get3A_977] {strides = array<i32>} : memref<1024x32xf32, #tpu.memory_space<vmem>>, vector<1x16xf32>,
        %get3A_979 = vector.shape_cast %get3A_978 : vector<1x16xf32> to vector<16xf32>
        %mul3A_980 = vector.broadcast %squeeze3A_973 : f32 to vector<16xf32>
        %mul3A_981 = arith.mulf %get3A_979, %mul3A_980 : vector<16xf32>
        %add3A_982 = arith.addf %add3A_962, %mul3A_981 : vector<16xf32>
        %add3A_983 = arith.constant 5 : i32
        %add3A_984 = arith.addi %add3A_871, %add3A_983 : i32
        %get3A_985 = arith.index_cast %add3A_984 : i32 to index
        %get3A_986 = arith.constant 16 : index
        %get3A_987 = tpu.vector_load %arg17[%get3A_985, %get3A_986] {strides = array<i32>} : memref<1024x32xf32, #tpu.memory_space<vmem>>, vector<1x16xf32>,
        %get3A_988 = vector.shape_cast %get3A_987 : vector<1x16xf32> to vector<16xf32>
        %mul3A_989 = vector.broadcast %squeeze3A_973 : f32 to vector<16xf32>
        %mul3A_990 = arith.mulf %get3A_988, %mul3A_989 : vector<16xf32>
        %add3A_991 = arith.addf %add3A_971, %mul3A_990 : vector<16xf32>
        %slice3A_992 = vector.extract_strided_slice %get3A_873 {offsets = [6], sizes = [1], strides = [1]} : vector<16xf32> to vector<1xf32>
        %squeeze3A_993 = vector.extract %slice3A_992[0] : f32 from vector<1xf32>
        %add3A_994 = arith.constant 6 : i32
        %add3A_995 = arith.addi %add3A_871, %add3A_994 : i32
        %get3A_996 = arith.index_cast %add3A_995 : i32 to index
        %get3A_997 = arith.constant 0 : index
        %get3A_998 = tpu.vector_load %arg17[%get3A_996, %get3A_997] {strides = array<i32>} : memref<1024x32xf32, #tpu.memory_space<vmem>>, vector<1x16xf32>,
        %get3A_999 = vector.shape_cast %get3A_998 : vector<1x16xf32> to vector<16xf32>
        %mul3A_1000 = vector.broadcast %squeeze3A_993 : f32 to vector<16xf32>
        %mul3A_1001 = arith.mulf %get3A_999, %mul3A_1000 : vector<16xf32>
        %add3A_1002 = arith.addf %add3A_982, %mul3A_1001 : vector<16xf32>
        %add3A_1003 = arith.constant 6 : i32
        %add3A_1004 = arith.addi %add3A_871, %add3A_1003 : i32
        %get3A_1005 = arith.index_cast %add3A_1004 : i32 to index
        %get3A_1006 = arith.constant 16 : index
        %get3A_1007 = tpu.vector_load %arg17[%get3A_1005, %get3A_1006] {strides = array<i32>} : memref<1024x32xf32, #tpu.memory_space<vmem>>, vector<1x16xf32>,
        %get3A_1008 = vector.shape_cast %get3A_1007 : vector<1x16xf32> to vector<16xf32>
        %mul3A_1009 = vector.broadcast %squeeze3A_993 : f32 to vector<16xf32>
        %mul3A_1010 = arith.mulf %get3A_1008, %mul3A_1009 : vector<16xf32>
        %add3A_1011 = arith.addf %add3A_991, %mul3A_1010 : vector<16xf32>
        %slice3A_1012 = vector.extract_strided_slice %get3A_873 {offsets = [7], sizes = [1], strides = [1]} : vector<16xf32> to vector<1xf32>
        %squeeze3A_1013 = vector.extract %slice3A_1012[0] : f32 from vector<1xf32>
        %add3A_1014 = arith.constant 7 : i32
        %add3A_1015 = arith.addi %add3A_871, %add3A_1014 : i32
        %get3A_1016 = arith.index_cast %add3A_1015 : i32 to index
        %get3A_1017 = arith.constant 0 : index
        %get3A_1018 = tpu.vector_load %arg17[%get3A_1016, %get3A_1017] {strides = array<i32>} : memref<1024x32xf32, #tpu.memory_space<vmem>>, vector<1x16xf32>,
        %get3A_1019 = vector.shape_cast %get3A_1018 : vector<1x16xf32> to vector<16xf32>
        %mul3A_1020 = vector.broadcast %squeeze3A_1013 : f32 to vector<16xf32>
        %mul3A_1021 = arith.mulf %get3A_1019, %mul3A_1020 : vector<16xf32>
        %add3A_1022 = arith.addf %add3A_1002, %mul3A_1021 : vector<16xf32>
        %add3A_1023 = arith.constant 7 : i32
        %add3A_1024 = arith.addi %add3A_871, %add3A_1023 : i32
        %get3A_1025 = arith.index_cast %add3A_1024 : i32 to index
        %get3A_1026 = arith.constant 16 : index
        %get3A_1027 = tpu.vector_load %arg17[%get3A_1025, %get3A_1026] {strides = array<i32>} : memref<1024x32xf32, #tpu.memory_space<vmem>>, vector<1x16xf32>,
        %get3A_1028 = vector.shape_cast %get3A_1027 : vector<1x16xf32> to vector<16xf32>
        %mul3A_1029 = vector.broadcast %squeeze3A_1013 : f32 to vector<16xf32>
        %mul3A_1030 = arith.mulf %get3A_1028, %mul3A_1029 : vector<16xf32>
        %add3A_1031 = arith.addf %add3A_1011, %mul3A_1030 : vector<16xf32>
        %slice3A_1032 = vector.extract_strided_slice %get3A_873 {offsets = [8], sizes = [1], strides = [1]} : vector<16xf32> to vector<1xf32>
        %squeeze3A_1033 = vector.extract %slice3A_1032[0] : f32 from vector<1xf32>
        %add3A_1034 = arith.constant 8 : i32
        %add3A_1035 = arith.addi %add3A_871, %add3A_1034 : i32
        %get3A_1036 = arith.index_cast %add3A_1035 : i32 to index
        %get3A_1037 = arith.constant 0 : index
        %get3A_1038 = tpu.vector_load %arg17[%get3A_1036, %get3A_1037] {strides = array<i32>} : memref<1024x32xf32, #tpu.memory_space<vmem>>, vector<1x16xf32>,
        %get3A_1039 = vector.shape_cast %get3A_1038 : vector<1x16xf32> to vector<16xf32>
        %mul3A_1040 = vector.broadcast %squeeze3A_1033 : f32 to vector<16xf32>
        %mul3A_1041 = arith.mulf %get3A_1039, %mul3A_1040 : vector<16xf32>
        %add3A_1042 = arith.addf %add3A_1022, %mul3A_1041 : vector<16xf32>
        %add3A_1043 = arith.constant 8 : i32
        %add3A_1044 = arith.addi %add3A_871, %add3A_1043 : i32
        %get3A_1045 = arith.index_cast %add3A_1044 : i32 to index
        %get3A_1046 = arith.constant 16 : index
        %get3A_1047 = tpu.vector_load %arg17[%get3A_1045, %get3A_1046] {strides = array<i32>} : memref<1024x32xf32, #tpu.memory_space<vmem>>, vector<1x16xf32>,
        %get3A_1048 = vector.shape_cast %get3A_1047 : vector<1x16xf32> to vector<16xf32>
        %mul3A_1049 = vector.broadcast %squeeze3A_1033 : f32 to vector<16xf32>
        %mul3A_1050 = arith.mulf %get3A_1048, %mul3A_1049 : vector<16xf32>
        %add3A_1051 = arith.addf %add3A_1031, %mul3A_1050 : vector<16xf32>
        %slice3A_1052 = vector.extract_strided_slice %get3A_873 {offsets = [9], sizes = [1], strides = [1]} : vector<16xf32> to vector<1xf32>
        %squeeze3A_1053 = vector.extract %slice3A_1052[0] : f32 from vector<1xf32>
        %add3A_1054 = arith.constant 9 : i32
        %add3A_1055 = arith.addi %add3A_871, %add3A_1054 : i32
        %get3A_1056 = arith.index_cast %add3A_1055 : i32 to index
        %get3A_1057 = arith.constant 0 : index
        %get3A_1058 = tpu.vector_load %arg17[%get3A_1056, %get3A_1057] {strides = array<i32>} : memref<1024x32xf32, #tpu.memory_space<vmem>>, vector<1x16xf32>,
        %get3A_1059 = vector.shape_cast %get3A_1058 : vector<1x16xf32> to vector<16xf32>
        %mul3A_1060 = vector.broadcast %squeeze3A_1053 : f32 to vector<16xf32>
        %mul3A_1061 = arith.mulf %get3A_1059, %mul3A_1060 : vector<16xf32>
        %add3A_1062 = arith.addf %add3A_1042, %mul3A_1061 : vector<16xf32>
        %add3A_1063 = arith.constant 9 : i32
        %add3A_1064 = arith.addi %add3A_871, %add3A_1063 : i32
        %get3A_1065 = arith.index_cast %add3A_1064 : i32 to index
        %get3A_1066 = arith.constant 16 : index
        %get3A_1067 = tpu.vector_load %arg17[%get3A_1065, %get3A_1066] {strides = array<i32>} : memref<1024x32xf32, #tpu.memory_space<vmem>>, vector<1x16xf32>,
        %get3A_1068 = vector.shape_cast %get3A_1067 : vector<1x16xf32> to vector<16xf32>
        %mul3A_1069 = vector.broadcast %squeeze3A_1053 : f32 to vector<16xf32>
        %mul3A_1070 = arith.mulf %get3A_1068, %mul3A_1069 : vector<16xf32>
        %add3A_1071 = arith.addf %add3A_1051, %mul3A_1070 : vector<16xf32>
        %slice3A_1072 = vector.extract_strided_slice %get3A_873 {offsets = [10], sizes = [1], strides = [1]} : vector<16xf32> to vector<1xf32>
        %squeeze3A_1073 = vector.extract %slice3A_1072[0] : f32 from vector<1xf32>
        %add3A_1074 = arith.constant 10 : i32
        %add3A_1075 = arith.addi %add3A_871, %add3A_1074 : i32
        %get3A_1076 = arith.index_cast %add3A_1075 : i32 to index
        %get3A_1077 = arith.constant 0 : index
        %get3A_1078 = tpu.vector_load %arg17[%get3A_1076, %get3A_1077] {strides = array<i32>} : memref<1024x32xf32, #tpu.memory_space<vmem>>, vector<1x16xf32>,
        %get3A_1079 = vector.shape_cast %get3A_1078 : vector<1x16xf32> to vector<16xf32>
        %mul3A_1080 = vector.broadcast %squeeze3A_1073 : f32 to vector<16xf32>
        %mul3A_1081 = arith.mulf %get3A_1079, %mul3A_1080 : vector<16xf32>
        %add3A_1082 = arith.addf %add3A_1062, %mul3A_1081 : vector<16xf32>
        %add3A_1083 = arith.constant 10 : i32
        %add3A_1084 = arith.addi %add3A_871, %add3A_1083 : i32
        %get3A_1085 = arith.index_cast %add3A_1084 : i32 to index
        %get3A_1086 = arith.constant 16 : index
        %get3A_1087 = tpu.vector_load %arg17[%get3A_1085, %get3A_1086] {strides = array<i32>} : memref<1024x32xf32, #tpu.memory_space<vmem>>, vector<1x16xf32>,
        %get3A_1088 = vector.shape_cast %get3A_1087 : vector<1x16xf32> to vector<16xf32>
        %mul3A_1089 = vector.broadcast %squeeze3A_1073 : f32 to vector<16xf32>
        %mul3A_1090 = arith.mulf %get3A_1088, %mul3A_1089 : vector<16xf32>
        %add3A_1091 = arith.addf %add3A_1071, %mul3A_1090 : vector<16xf32>
        %slice3A_1092 = vector.extract_strided_slice %get3A_873 {offsets = [11], sizes = [1], strides = [1]} : vector<16xf32> to vector<1xf32>
        %squeeze3A_1093 = vector.extract %slice3A_1092[0] : f32 from vector<1xf32>
        %add3A_1094 = arith.constant 11 : i32
        %add3A_1095 = arith.addi %add3A_871, %add3A_1094 : i32
        %get3A_1096 = arith.index_cast %add3A_1095 : i32 to index
        %get3A_1097 = arith.constant 0 : index
        %get3A_1098 = tpu.vector_load %arg17[%get3A_1096, %get3A_1097] {strides = array<i32>} : memref<1024x32xf32, #tpu.memory_space<vmem>>, vector<1x16xf32>,
        %get3A_1099 = vector.shape_cast %get3A_1098 : vector<1x16xf32> to vector<16xf32>
        %mul3A_1100 = vector.broadcast %squeeze3A_1093 : f32 to vector<16xf32>
        %mul3A_1101 = arith.mulf %get3A_1099, %mul3A_1100 : vector<16xf32>
        %add3A_1102 = arith.addf %add3A_1082, %mul3A_1101 : vector<16xf32>
        %add3A_1103 = arith.constant 11 : i32
        %add3A_1104 = arith.addi %add3A_871, %add3A_1103 : i32
        %get3A_1105 = arith.index_cast %add3A_1104 : i32 to index
        %get3A_1106 = arith.constant 16 : index
        %get3A_1107 = tpu.vector_load %arg17[%get3A_1105, %get3A_1106] {strides = array<i32>} : memref<1024x32xf32, #tpu.memory_space<vmem>>, vector<1x16xf32>,
        %get3A_1108 = vector.shape_cast %get3A_1107 : vector<1x16xf32> to vector<16xf32>
        %mul3A_1109 = vector.broadcast %squeeze3A_1093 : f32 to vector<16xf32>
        %mul3A_1110 = arith.mulf %get3A_1108, %mul3A_1109 : vector<16xf32>
        %add3A_1111 = arith.addf %add3A_1091, %mul3A_1110 : vector<16xf32>
        %slice3A_1112 = vector.extract_strided_slice %get3A_873 {offsets = [12], sizes = [1], strides = [1]} : vector<16xf32> to vector<1xf32>
        %squeeze3A_1113 = vector.extract %slice3A_1112[0] : f32 from vector<1xf32>
        %add3A_1114 = arith.constant 12 : i32
        %add3A_1115 = arith.addi %add3A_871, %add3A_1114 : i32
        %get3A_1116 = arith.index_cast %add3A_1115 : i32 to index
        %get3A_1117 = arith.constant 0 : index
        %get3A_1118 = tpu.vector_load %arg17[%get3A_1116, %get3A_1117] {strides = array<i32>} : memref<1024x32xf32, #tpu.memory_space<vmem>>, vector<1x16xf32>,
        %get3A_1119 = vector.shape_cast %get3A_1118 : vector<1x16xf32> to vector<16xf32>
        %mul3A_1120 = vector.broadcast %squeeze3A_1113 : f32 to vector<16xf32>
        %mul3A_1121 = arith.mulf %get3A_1119, %mul3A_1120 : vector<16xf32>
        %add3A_1122 = arith.addf %add3A_1102, %mul3A_1121 : vector<16xf32>
        %add3A_1123 = arith.constant 12 : i32
        %add3A_1124 = arith.addi %add3A_871, %add3A_1123 : i32
        %get3A_1125 = arith.index_cast %add3A_1124 : i32 to index
        %get3A_1126 = arith.constant 16 : index
        %get3A_1127 = tpu.vector_load %arg17[%get3A_1125, %get3A_1126] {strides = array<i32>} : memref<1024x32xf32, #tpu.memory_space<vmem>>, vector<1x16xf32>,
        %get3A_1128 = vector.shape_cast %get3A_1127 : vector<1x16xf32> to vector<16xf32>
        %mul3A_1129 = vector.broadcast %squeeze3A_1113 : f32 to vector<16xf32>
        %mul3A_1130 = arith.mulf %get3A_1128, %mul3A_1129 : vector<16xf32>
        %add3A_1131 = arith.addf %add3A_1111, %mul3A_1130 : vector<16xf32>
        %slice3A_1132 = vector.extract_strided_slice %get3A_873 {offsets = [13], sizes = [1], strides = [1]} : vector<16xf32> to vector<1xf32>
        %squeeze3A_1133 = vector.extract %slice3A_1132[0] : f32 from vector<1xf32>
        %add3A_1134 = arith.constant 13 : i32
        %add3A_1135 = arith.addi %add3A_871, %add3A_1134 : i32
        %get3A_1136 = arith.index_cast %add3A_1135 : i32 to index
        %get3A_1137 = arith.constant 0 : index
        %get3A_1138 = tpu.vector_load %arg17[%get3A_1136, %get3A_1137] {strides = array<i32>} : memref<1024x32xf32, #tpu.memory_space<vmem>>, vector<1x16xf32>,
        %get3A_1139 = vector.shape_cast %get3A_1138 : vector<1x16xf32> to vector<16xf32>
        %mul3A_1140 = vector.broadcast %squeeze3A_1133 : f32 to vector<16xf32>
        %mul3A_1141 = arith.mulf %get3A_1139, %mul3A_1140 : vector<16xf32>
        %add3A_1142 = arith.addf %add3A_1122, %mul3A_1141 : vector<16xf32>
        %add3A_1143 = arith.constant 13 : i32
        %add3A_1144 = arith.addi %add3A_871, %add3A_1143 : i32
        %get3A_1145 = arith.index_cast %add3A_1144 : i32 to index
        %get3A_1146 = arith.constant 16 : index
        %get3A_1147 = tpu.vector_load %arg17[%get3A_1145, %get3A_1146] {strides = array<i32>} : memref<1024x32xf32, #tpu.memory_space<vmem>>, vector<1x16xf32>,
        %get3A_1148 = vector.shape_cast %get3A_1147 : vector<1x16xf32> to vector<16xf32>
        %mul3A_1149 = vector.broadcast %squeeze3A_1133 : f32 to vector<16xf32>
        %mul3A_1150 = arith.mulf %get3A_1148, %mul3A_1149 : vector<16xf32>
        %add3A_1151 = arith.addf %add3A_1131, %mul3A_1150 : vector<16xf32>
        %slice3A_1152 = vector.extract_strided_slice %get3A_873 {offsets = [14], sizes = [1], strides = [1]} : vector<16xf32> to vector<1xf32>
        %squeeze3A_1153 = vector.extract %slice3A_1152[0] : f32 from vector<1xf32>
        %add3A_1154 = arith.constant 14 : i32
        %add3A_1155 = arith.addi %add3A_871, %add3A_1154 : i32
        %get3A_1156 = arith.index_cast %add3A_1155 : i32 to index
        %get3A_1157 = arith.constant 0 : index
        %get3A_1158 = tpu.vector_load %arg17[%get3A_1156, %get3A_1157] {strides = array<i32>} : memref<1024x32xf32, #tpu.memory_space<vmem>>, vector<1x16xf32>,
        %get3A_1159 = vector.shape_cast %get3A_1158 : vector<1x16xf32> to vector<16xf32>
        %mul3A_1160 = vector.broadcast %squeeze3A_1153 : f32 to vector<16xf32>
        %mul3A_1161 = arith.mulf %get3A_1159, %mul3A_1160 : vector<16xf32>
        %add3A_1162 = arith.addf %add3A_1142, %mul3A_1161 : vector<16xf32>
        %add3A_1163 = arith.constant 14 : i32
        %add3A_1164 = arith.addi %add3A_871, %add3A_1163 : i32
        %get3A_1165 = arith.index_cast %add3A_1164 : i32 to index
        %get3A_1166 = arith.constant 16 : index
        %get3A_1167 = tpu.vector_load %arg17[%get3A_1165, %get3A_1166] {strides = array<i32>} : memref<1024x32xf32, #tpu.memory_space<vmem>>, vector<1x16xf32>,
        %get3A_1168 = vector.shape_cast %get3A_1167 : vector<1x16xf32> to vector<16xf32>
        %mul3A_1169 = vector.broadcast %squeeze3A_1153 : f32 to vector<16xf32>
        %mul3A_1170 = arith.mulf %get3A_1168, %mul3A_1169 : vector<16xf32>
        %add3A_1171 = arith.addf %add3A_1151, %mul3A_1170 : vector<16xf32>
        %slice3A_1172 = vector.extract_strided_slice %get3A_873 {offsets = [15], sizes = [1], strides = [1]} : vector<16xf32> to vector<1xf32>
        %squeeze3A_1173 = vector.extract %slice3A_1172[0] : f32 from vector<1xf32>
        %add3A_1174 = arith.constant 15 : i32
        %add3A_1175 = arith.addi %add3A_871, %add3A_1174 : i32
        %get3A_1176 = arith.index_cast %add3A_1175 : i32 to index
        %get3A_1177 = arith.constant 0 : index
        %get3A_1178 = tpu.vector_load %arg17[%get3A_1176, %get3A_1177] {strides = array<i32>} : memref<1024x32xf32, #tpu.memory_space<vmem>>, vector<1x16xf32>,
        %get3A_1179 = vector.shape_cast %get3A_1178 : vector<1x16xf32> to vector<16xf32>
        %mul3A_1180 = vector.broadcast %squeeze3A_1173 : f32 to vector<16xf32>
        %mul3A_1181 = arith.mulf %get3A_1179, %mul3A_1180 : vector<16xf32>
        %add3A_1182 = arith.addf %add3A_1162, %mul3A_1181 : vector<16xf32>
        %add3A_1183 = arith.constant 15 : i32
        %add3A_1184 = arith.addi %add3A_871, %add3A_1183 : i32
        %get3A_1185 = arith.index_cast %add3A_1184 : i32 to index
        %get3A_1186 = arith.constant 16 : index
        %get3A_1187 = tpu.vector_load %arg17[%get3A_1185, %get3A_1186] {strides = array<i32>} : memref<1024x32xf32, #tpu.memory_space<vmem>>, vector<1x16xf32>,
        %get3A_1188 = vector.shape_cast %get3A_1187 : vector<1x16xf32> to vector<16xf32>
        %mul3A_1189 = vector.broadcast %squeeze3A_1173 : f32 to vector<16xf32>
        %mul3A_1190 = arith.mulf %get3A_1188, %mul3A_1189 : vector<16xf32>
        %add3A_1191 = arith.addf %add3A_1171, %mul3A_1190 : vector<16xf32>
        %mul3A_1192 = arith.constant 16 : i32
        %mul3A_1193 = arith.muli %scan3A_864, %mul3A_1192 : i32
        %add3A_1194 = arith.constant 256 : i32
        %add3A_1195 = arith.addi %add3A_1194, %mul3A_1193 : i32
        %get3A_1196 = arith.index_cast %add3A_1195 : i32 to index
        %get3A_1197 = tpu.vector_load %arg15[%get3A_1196] {strides = array<i32>} : memref<1024xf32, #tpu.memory_space<vmem>>, vector<16xf32>,
        %get3A_1198 = vector.shape_cast %get3A_1197 : vector<16xf32> to vector<16xf32>
        %slice3A_1199 = vector.extract_strided_slice %get3A_1198 {offsets = [0], sizes = [1], strides = [1]} : vector<16xf32> to vector<1xf32>
        %squeeze3A_1200 = vector.extract %slice3A_1199[0] : f32 from vector<1xf32>
        %add3A_1201 = arith.constant 0 : i32
        %add3A_1202 = arith.addi %add3A_1195, %add3A_1201 : i32
        %get3A_1203 = arith.index_cast %add3A_1202 : i32 to index
        %get3A_1204 = arith.constant 0 : index
        %get3A_1205 = tpu.vector_load %arg17[%get3A_1203, %get3A_1204] {strides = array<i32>} : memref<1024x32xf32, #tpu.memory_space<vmem>>, vector<1x16xf32>,
        %get3A_1206 = vector.shape_cast %get3A_1205 : vector<1x16xf32> to vector<16xf32>
        %mul3A_1207 = vector.broadcast %squeeze3A_1200 : f32 to vector<16xf32>
        %mul3A_1208 = arith.mulf %get3A_1206, %mul3A_1207 : vector<16xf32>
        %add3A_1209 = arith.addf %add3A_1182, %mul3A_1208 : vector<16xf32>
        %add3A_1210 = arith.constant 0 : i32
        %add3A_1211 = arith.addi %add3A_1195, %add3A_1210 : i32
        %get3A_1212 = arith.index_cast %add3A_1211 : i32 to index
        %get3A_1213 = arith.constant 16 : index
        %get3A_1214 = tpu.vector_load %arg17[%get3A_1212, %get3A_1213] {strides = array<i32>} : memref<1024x32xf32, #tpu.memory_space<vmem>>, vector<1x16xf32>,
        %get3A_1215 = vector.shape_cast %get3A_1214 : vector<1x16xf32> to vector<16xf32>
        %mul3A_1216 = vector.broadcast %squeeze3A_1200 : f32 to vector<16xf32>
        %mul3A_1217 = arith.mulf %get3A_1215, %mul3A_1216 : vector<16xf32>
        %add3A_1218 = arith.addf %add3A_1191, %mul3A_1217 : vector<16xf32>
        %slice3A_1219 = vector.extract_strided_slice %get3A_1198 {offsets = [1], sizes = [1], strides = [1]} : vector<16xf32> to vector<1xf32>
        %squeeze3A_1220 = vector.extract %slice3A_1219[0] : f32 from vector<1xf32>
        %add3A_1221 = arith.constant 1 : i32
        %add3A_1222 = arith.addi %add3A_1195, %add3A_1221 : i32
        %get3A_1223 = arith.index_cast %add3A_1222 : i32 to index
        %get3A_1224 = arith.constant 0 : index
        %get3A_1225 = tpu.vector_load %arg17[%get3A_1223, %get3A_1224] {strides = array<i32>} : memref<1024x32xf32, #tpu.memory_space<vmem>>, vector<1x16xf32>,
        %get3A_1226 = vector.shape_cast %get3A_1225 : vector<1x16xf32> to vector<16xf32>
        %mul3A_1227 = vector.broadcast %squeeze3A_1220 : f32 to vector<16xf32>
        %mul3A_1228 = arith.mulf %get3A_1226, %mul3A_1227 : vector<16xf32>
        %add3A_1229 = arith.addf %add3A_1209, %mul3A_1228 : vector<16xf32>
        %add3A_1230 = arith.constant 1 : i32
        %add3A_1231 = arith.addi %add3A_1195, %add3A_1230 : i32
        %get3A_1232 = arith.index_cast %add3A_1231 : i32 to index
        %get3A_1233 = arith.constant 16 : index
        %get3A_1234 = tpu.vector_load %arg17[%get3A_1232, %get3A_1233] {strides = array<i32>} : memref<1024x32xf32, #tpu.memory_space<vmem>>, vector<1x16xf32>,
        %get3A_1235 = vector.shape_cast %get3A_1234 : vector<1x16xf32> to vector<16xf32>
        %mul3A_1236 = vector.broadcast %squeeze3A_1220 : f32 to vector<16xf32>
        %mul3A_1237 = arith.mulf %get3A_1235, %mul3A_1236 : vector<16xf32>
        %add3A_1238 = arith.addf %add3A_1218, %mul3A_1237 : vector<16xf32>
        %slice3A_1239 = vector.extract_strided_slice %get3A_1198 {offsets = [2], sizes = [1], strides = [1]} : vector<16xf32> to vector<1xf32>
        %squeeze3A_1240 = vector.extract %slice3A_1239[0] : f32 from vector<1xf32>
        %add3A_1241 = arith.constant 2 : i32
        %add3A_1242 = arith.addi %add3A_1195, %add3A_1241 : i32
        %get3A_1243 = arith.index_cast %add3A_1242 : i32 to index
        %get3A_1244 = arith.constant 0 : index
        %get3A_1245 = tpu.vector_load %arg17[%get3A_1243, %get3A_1244] {strides = array<i32>} : memref<1024x32xf32, #tpu.memory_space<vmem>>, vector<1x16xf32>,
        %get3A_1246 = vector.shape_cast %get3A_1245 : vector<1x16xf32> to vector<16xf32>
        %mul3A_1247 = vector.broadcast %squeeze3A_1240 : f32 to vector<16xf32>
        %mul3A_1248 = arith.mulf %get3A_1246, %mul3A_1247 : vector<16xf32>
        %add3A_1249 = arith.addf %add3A_1229, %mul3A_1248 : vector<16xf32>
        %add3A_1250 = arith.constant 2 : i32
        %add3A_1251 = arith.addi %add3A_1195, %add3A_1250 : i32
        %get3A_1252 = arith.index_cast %add3A_1251 : i32 to index
        %get3A_1253 = arith.constant 16 : index
        %get3A_1254 = tpu.vector_load %arg17[%get3A_1252, %get3A_1253] {strides = array<i32>} : memref<1024x32xf32, #tpu.memory_space<vmem>>, vector<1x16xf32>,
        %get3A_1255 = vector.shape_cast %get3A_1254 : vector<1x16xf32> to vector<16xf32>
        %mul3A_1256 = vector.broadcast %squeeze3A_1240 : f32 to vector<16xf32>
        %mul3A_1257 = arith.mulf %get3A_1255, %mul3A_1256 : vector<16xf32>
        %add3A_1258 = arith.addf %add3A_1238, %mul3A_1257 : vector<16xf32>
        %slice3A_1259 = vector.extract_strided_slice %get3A_1198 {offsets = [3], sizes = [1], strides = [1]} : vector<16xf32> to vector<1xf32>
        %squeeze3A_1260 = vector.extract %slice3A_1259[0] : f32 from vector<1xf32>
        %add3A_1261 = arith.constant 3 : i32
        %add3A_1262 = arith.addi %add3A_1195, %add3A_1261 : i32
        %get3A_1263 = arith.index_cast %add3A_1262 : i32 to index
        %get3A_1264 = arith.constant 0 : index
        %get3A_1265 = tpu.vector_load %arg17[%get3A_1263, %get3A_1264] {strides = array<i32>} : memref<1024x32xf32, #tpu.memory_space<vmem>>, vector<1x16xf32>,
        %get3A_1266 = vector.shape_cast %get3A_1265 : vector<1x16xf32> to vector<16xf32>
        %mul3A_1267 = vector.broadcast %squeeze3A_1260 : f32 to vector<16xf32>
        %mul3A_1268 = arith.mulf %get3A_1266, %mul3A_1267 : vector<16xf32>
        %add3A_1269 = arith.addf %add3A_1249, %mul3A_1268 : vector<16xf32>
        %add3A_1270 = arith.constant 3 : i32
        %add3A_1271 = arith.addi %add3A_1195, %add3A_1270 : i32
        %get3A_1272 = arith.index_cast %add3A_1271 : i32 to index
        %get3A_1273 = arith.constant 16 : index
        %get3A_1274 = tpu.vector_load %arg17[%get3A_1272, %get3A_1273] {strides = array<i32>} : memref<1024x32xf32, #tpu.memory_space<vmem>>, vector<1x16xf32>,
        %get3A_1275 = vector.shape_cast %get3A_1274 : vector<1x16xf32> to vector<16xf32>
        %mul3A_1276 = vector.broadcast %squeeze3A_1260 : f32 to vector<16xf32>
        %mul3A_1277 = arith.mulf %get3A_1275, %mul3A_1276 : vector<16xf32>
        %add3A_1278 = arith.addf %add3A_1258, %mul3A_1277 : vector<16xf32>
        %slice3A_1279 = vector.extract_strided_slice %get3A_1198 {offsets = [4], sizes = [1], strides = [1]} : vector<16xf32> to vector<1xf32>
        %squeeze3A_1280 = vector.extract %slice3A_1279[0] : f32 from vector<1xf32>
        %add3A_1281 = arith.constant 4 : i32
        %add3A_1282 = arith.addi %add3A_1195, %add3A_1281 : i32
        %get3A_1283 = arith.index_cast %add3A_1282 : i32 to index
        %get3A_1284 = arith.constant 0 : index
        %get3A_1285 = tpu.vector_load %arg17[%get3A_1283, %get3A_1284] {strides = array<i32>} : memref<1024x32xf32, #tpu.memory_space<vmem>>, vector<1x16xf32>,
        %get3A_1286 = vector.shape_cast %get3A_1285 : vector<1x16xf32> to vector<16xf32>
        %mul3A_1287 = vector.broadcast %squeeze3A_1280 : f32 to vector<16xf32>
        %mul3A_1288 = arith.mulf %get3A_1286, %mul3A_1287 : vector<16xf32>
        %add3A_1289 = arith.addf %add3A_1269, %mul3A_1288 : vector<16xf32>
        %add3A_1290 = arith.constant 4 : i32
        %add3A_1291 = arith.addi %add3A_1195, %add3A_1290 : i32
        %get3A_1292 = arith.index_cast %add3A_1291 : i32 to index
        %get3A_1293 = arith.constant 16 : index
        %get3A_1294 = tpu.vector_load %arg17[%get3A_1292, %get3A_1293] {strides = array<i32>} : memref<1024x32xf32, #tpu.memory_space<vmem>>, vector<1x16xf32>,
        %get3A_1295 = vector.shape_cast %get3A_1294 : vector<1x16xf32> to vector<16xf32>
        %mul3A_1296 = vector.broadcast %squeeze3A_1280 : f32 to vector<16xf32>
        %mul3A_1297 = arith.mulf %get3A_1295, %mul3A_1296 : vector<16xf32>
        %add3A_1298 = arith.addf %add3A_1278, %mul3A_1297 : vector<16xf32>
        %slice3A_1299 = vector.extract_strided_slice %get3A_1198 {offsets = [5], sizes = [1], strides = [1]} : vector<16xf32> to vector<1xf32>
        %squeeze3A_1300 = vector.extract %slice3A_1299[0] : f32 from vector<1xf32>
        %add3A_1301 = arith.constant 5 : i32
        %add3A_1302 = arith.addi %add3A_1195, %add3A_1301 : i32
        %get3A_1303 = arith.index_cast %add3A_1302 : i32 to index
        %get3A_1304 = arith.constant 0 : index
        %get3A_1305 = tpu.vector_load %arg17[%get3A_1303, %get3A_1304] {strides = array<i32>} : memref<1024x32xf32, #tpu.memory_space<vmem>>, vector<1x16xf32>,
        %get3A_1306 = vector.shape_cast %get3A_1305 : vector<1x16xf32> to vector<16xf32>
        %mul3A_1307 = vector.broadcast %squeeze3A_1300 : f32 to vector<16xf32>
        %mul3A_1308 = arith.mulf %get3A_1306, %mul3A_1307 : vector<16xf32>
        %add3A_1309 = arith.addf %add3A_1289, %mul3A_1308 : vector<16xf32>
        %add3A_1310 = arith.constant 5 : i32
        %add3A_1311 = arith.addi %add3A_1195, %add3A_1310 : i32
        %get3A_1312 = arith.index_cast %add3A_1311 : i32 to index
        %get3A_1313 = arith.constant 16 : index
        %get3A_1314 = tpu.vector_load %arg17[%get3A_1312, %get3A_1313] {strides = array<i32>} : memref<1024x32xf32, #tpu.memory_space<vmem>>, vector<1x16xf32>,
        %get3A_1315 = vector.shape_cast %get3A_1314 : vector<1x16xf32> to vector<16xf32>
        %mul3A_1316 = vector.broadcast %squeeze3A_1300 : f32 to vector<16xf32>
        %mul3A_1317 = arith.mulf %get3A_1315, %mul3A_1316 : vector<16xf32>
        %add3A_1318 = arith.addf %add3A_1298, %mul3A_1317 : vector<16xf32>
        %slice3A_1319 = vector.extract_strided_slice %get3A_1198 {offsets = [6], sizes = [1], strides = [1]} : vector<16xf32> to vector<1xf32>
        %squeeze3A_1320 = vector.extract %slice3A_1319[0] : f32 from vector<1xf32>
        %add3A_1321 = arith.constant 6 : i32
        %add3A_1322 = arith.addi %add3A_1195, %add3A_1321 : i32
        %get3A_1323 = arith.index_cast %add3A_1322 : i32 to index
        %get3A_1324 = arith.constant 0 : index
        %get3A_1325 = tpu.vector_load %arg17[%get3A_1323, %get3A_1324] {strides = array<i32>} : memref<1024x32xf32, #tpu.memory_space<vmem>>, vector<1x16xf32>,
        %get3A_1326 = vector.shape_cast %get3A_1325 : vector<1x16xf32> to vector<16xf32>
        %mul3A_1327 = vector.broadcast %squeeze3A_1320 : f32 to vector<16xf32>
        %mul3A_1328 = arith.mulf %get3A_1326, %mul3A_1327 : vector<16xf32>
        %add3A_1329 = arith.addf %add3A_1309, %mul3A_1328 : vector<16xf32>
        %add3A_1330 = arith.constant 6 : i32
        %add3A_1331 = arith.addi %add3A_1195, %add3A_1330 : i32
        %get3A_1332 = arith.index_cast %add3A_1331 : i32 to index
        %get3A_1333 = arith.constant 16 : index
        %get3A_1334 = tpu.vector_load %arg17[%get3A_1332, %get3A_1333] {strides = array<i32>} : memref<1024x32xf32, #tpu.memory_space<vmem>>, vector<1x16xf32>,
        %get3A_1335 = vector.shape_cast %get3A_1334 : vector<1x16xf32> to vector<16xf32>
        %mul3A_1336 = vector.broadcast %squeeze3A_1320 : f32 to vector<16xf32>
        %mul3A_1337 = arith.mulf %get3A_1335, %mul3A_1336 : vector<16xf32>
        %add3A_1338 = arith.addf %add3A_1318, %mul3A_1337 : vector<16xf32>
        %slice3A_1339 = vector.extract_strided_slice %get3A_1198 {offsets = [7], sizes = [1], strides = [1]} : vector<16xf32> to vector<1xf32>
        %squeeze3A_1340 = vector.extract %slice3A_1339[0] : f32 from vector<1xf32>
        %add3A_1341 = arith.constant 7 : i32
        %add3A_1342 = arith.addi %add3A_1195, %add3A_1341 : i32
        %get3A_1343 = arith.index_cast %add3A_1342 : i32 to index
        %get3A_1344 = arith.constant 0 : index
        %get3A_1345 = tpu.vector_load %arg17[%get3A_1343, %get3A_1344] {strides = array<i32>} : memref<1024x32xf32, #tpu.memory_space<vmem>>, vector<1x16xf32>,
        %get3A_1346 = vector.shape_cast %get3A_1345 : vector<1x16xf32> to vector<16xf32>
        %mul3A_1347 = vector.broadcast %squeeze3A_1340 : f32 to vector<16xf32>
        %mul3A_1348 = arith.mulf %get3A_1346, %mul3A_1347 : vector<16xf32>
        %add3A_1349 = arith.addf %add3A_1329, %mul3A_1348 : vector<16xf32>
        %add3A_1350 = arith.constant 7 : i32
        %add3A_1351 = arith.addi %add3A_1195, %add3A_1350 : i32
        %get3A_1352 = arith.index_cast %add3A_1351 : i32 to index
        %get3A_1353 = arith.constant 16 : index
        %get3A_1354 = tpu.vector_load %arg17[%get3A_1352, %get3A_1353] {strides = array<i32>} : memref<1024x32xf32, #tpu.memory_space<vmem>>, vector<1x16xf32>,
        %get3A_1355 = vector.shape_cast %get3A_1354 : vector<1x16xf32> to vector<16xf32>
        %mul3A_1356 = vector.broadcast %squeeze3A_1340 : f32 to vector<16xf32>
        %mul3A_1357 = arith.mulf %get3A_1355, %mul3A_1356 : vector<16xf32>
        %add3A_1358 = arith.addf %add3A_1338, %mul3A_1357 : vector<16xf32>
        %slice3A_1359 = vector.extract_strided_slice %get3A_1198 {offsets = [8], sizes = [1], strides = [1]} : vector<16xf32> to vector<1xf32>
        %squeeze3A_1360 = vector.extract %slice3A_1359[0] : f32 from vector<1xf32>
        %add3A_1361 = arith.constant 8 : i32
        %add3A_1362 = arith.addi %add3A_1195, %add3A_1361 : i32
        %get3A_1363 = arith.index_cast %add3A_1362 : i32 to index
        %get3A_1364 = arith.constant 0 : index
        %get3A_1365 = tpu.vector_load %arg17[%get3A_1363, %get3A_1364] {strides = array<i32>} : memref<1024x32xf32, #tpu.memory_space<vmem>>, vector<1x16xf32>,
        %get3A_1366 = vector.shape_cast %get3A_1365 : vector<1x16xf32> to vector<16xf32>
        %mul3A_1367 = vector.broadcast %squeeze3A_1360 : f32 to vector<16xf32>
        %mul3A_1368 = arith.mulf %get3A_1366, %mul3A_1367 : vector<16xf32>
        %add3A_1369 = arith.addf %add3A_1349, %mul3A_1368 : vector<16xf32>
        %add3A_1370 = arith.constant 8 : i32
        %add3A_1371 = arith.addi %add3A_1195, %add3A_1370 : i32
        %get3A_1372 = arith.index_cast %add3A_1371 : i32 to index
        %get3A_1373 = arith.constant 16 : index
        %get3A_1374 = tpu.vector_load %arg17[%get3A_1372, %get3A_1373] {strides = array<i32>} : memref<1024x32xf32, #tpu.memory_space<vmem>>, vector<1x16xf32>,
        %get3A_1375 = vector.shape_cast %get3A_1374 : vector<1x16xf32> to vector<16xf32>
        %mul3A_1376 = vector.broadcast %squeeze3A_1360 : f32 to vector<16xf32>
        %mul3A_1377 = arith.mulf %get3A_1375, %mul3A_1376 : vector<16xf32>
        %add3A_1378 = arith.addf %add3A_1358, %mul3A_1377 : vector<16xf32>
        %slice3A_1379 = vector.extract_strided_slice %get3A_1198 {offsets = [9], sizes = [1], strides = [1]} : vector<16xf32> to vector<1xf32>
        %squeeze3A_1380 = vector.extract %slice3A_1379[0] : f32 from vector<1xf32>
        %add3A_1381 = arith.constant 9 : i32
        %add3A_1382 = arith.addi %add3A_1195, %add3A_1381 : i32
        %get3A_1383 = arith.index_cast %add3A_1382 : i32 to index
        %get3A_1384 = arith.constant 0 : index
        %get3A_1385 = tpu.vector_load %arg17[%get3A_1383, %get3A_1384] {strides = array<i32>} : memref<1024x32xf32, #tpu.memory_space<vmem>>, vector<1x16xf32>,
        %get3A_1386 = vector.shape_cast %get3A_1385 : vector<1x16xf32> to vector<16xf32>
        %mul3A_1387 = vector.broadcast %squeeze3A_1380 : f32 to vector<16xf32>
        %mul3A_1388 = arith.mulf %get3A_1386, %mul3A_1387 : vector<16xf32>
        %add3A_1389 = arith.addf %add3A_1369, %mul3A_1388 : vector<16xf32>
        %add3A_1390 = arith.constant 9 : i32
        %add3A_1391 = arith.addi %add3A_1195, %add3A_1390 : i32
        %get3A_1392 = arith.index_cast %add3A_1391 : i32 to index
        %get3A_1393 = arith.constant 16 : index
        %get3A_1394 = tpu.vector_load %arg17[%get3A_1392, %get3A_1393] {strides = array<i32>} : memref<1024x32xf32, #tpu.memory_space<vmem>>, vector<1x16xf32>,
        %get3A_1395 = vector.shape_cast %get3A_1394 : vector<1x16xf32> to vector<16xf32>
        %mul3A_1396 = vector.broadcast %squeeze3A_1380 : f32 to vector<16xf32>
        %mul3A_1397 = arith.mulf %get3A_1395, %mul3A_1396 : vector<16xf32>
        %add3A_1398 = arith.addf %add3A_1378, %mul3A_1397 : vector<16xf32>
        %slice3A_1399 = vector.extract_strided_slice %get3A_1198 {offsets = [10], sizes = [1], strides = [1]} : vector<16xf32> to vector<1xf32>
        %squeeze3A_1400 = vector.extract %slice3A_1399[0] : f32 from vector<1xf32>
        %add3A_1401 = arith.constant 10 : i32
        %add3A_1402 = arith.addi %add3A_1195, %add3A_1401 : i32
        %get3A_1403 = arith.index_cast %add3A_1402 : i32 to index
        %get3A_1404 = arith.constant 0 : index
        %get3A_1405 = tpu.vector_load %arg17[%get3A_1403, %get3A_1404] {strides = array<i32>} : memref<1024x32xf32, #tpu.memory_space<vmem>>, vector<1x16xf32>,
        %get3A_1406 = vector.shape_cast %get3A_1405 : vector<1x16xf32> to vector<16xf32>
        %mul3A_1407 = vector.broadcast %squeeze3A_1400 : f32 to vector<16xf32>
        %mul3A_1408 = arith.mulf %get3A_1406, %mul3A_1407 : vector<16xf32>
        %add3A_1409 = arith.addf %add3A_1389, %mul3A_1408 : vector<16xf32>
        %add3A_1410 = arith.constant 10 : i32
        %add3A_1411 = arith.addi %add3A_1195, %add3A_1410 : i32
        %get3A_1412 = arith.index_cast %add3A_1411 : i32 to index
        %get3A_1413 = arith.constant 16 : index
        %get3A_1414 = tpu.vector_load %arg17[%get3A_1412, %get3A_1413] {strides = array<i32>} : memref<1024x32xf32, #tpu.memory_space<vmem>>, vector<1x16xf32>,
        %get3A_1415 = vector.shape_cast %get3A_1414 : vector<1x16xf32> to vector<16xf32>
        %mul3A_1416 = vector.broadcast %squeeze3A_1400 : f32 to vector<16xf32>
        %mul3A_1417 = arith.mulf %get3A_1415, %mul3A_1416 : vector<16xf32>
        %add3A_1418 = arith.addf %add3A_1398, %mul3A_1417 : vector<16xf32>
        %slice3A_1419 = vector.extract_strided_slice %get3A_1198 {offsets = [11], sizes = [1], strides = [1]} : vector<16xf32> to vector<1xf32>
        %squeeze3A_1420 = vector.extract %slice3A_1419[0] : f32 from vector<1xf32>
        %add3A_1421 = arith.constant 11 : i32
        %add3A_1422 = arith.addi %add3A_1195, %add3A_1421 : i32
        %get3A_1423 = arith.index_cast %add3A_1422 : i32 to index
        %get3A_1424 = arith.constant 0 : index
        %get3A_1425 = tpu.vector_load %arg17[%get3A_1423, %get3A_1424] {strides = array<i32>} : memref<1024x32xf32, #tpu.memory_space<vmem>>, vector<1x16xf32>,
        %get3A_1426 = vector.shape_cast %get3A_1425 : vector<1x16xf32> to vector<16xf32>
        %mul3A_1427 = vector.broadcast %squeeze3A_1420 : f32 to vector<16xf32>
        %mul3A_1428 = arith.mulf %get3A_1426, %mul3A_1427 : vector<16xf32>
        %add3A_1429 = arith.addf %add3A_1409, %mul3A_1428 : vector<16xf32>
        %add3A_1430 = arith.constant 11 : i32
        %add3A_1431 = arith.addi %add3A_1195, %add3A_1430 : i32
        %get3A_1432 = arith.index_cast %add3A_1431 : i32 to index
        %get3A_1433 = arith.constant 16 : index
        %get3A_1434 = tpu.vector_load %arg17[%get3A_1432, %get3A_1433] {strides = array<i32>} : memref<1024x32xf32, #tpu.memory_space<vmem>>, vector<1x16xf32>,
        %get3A_1435 = vector.shape_cast %get3A_1434 : vector<1x16xf32> to vector<16xf32>
        %mul3A_1436 = vector.broadcast %squeeze3A_1420 : f32 to vector<16xf32>
        %mul3A_1437 = arith.mulf %get3A_1435, %mul3A_1436 : vector<16xf32>
        %add3A_1438 = arith.addf %add3A_1418, %mul3A_1437 : vector<16xf32>
        %slice3A_1439 = vector.extract_strided_slice %get3A_1198 {offsets = [12], sizes = [1], strides = [1]} : vector<16xf32> to vector<1xf32>
        %squeeze3A_1440 = vector.extract %slice3A_1439[0] : f32 from vector<1xf32>
        %add3A_1441 = arith.constant 12 : i32
        %add3A_1442 = arith.addi %add3A_1195, %add3A_1441 : i32
        %get3A_1443 = arith.index_cast %add3A_1442 : i32 to index
        %get3A_1444 = arith.constant 0 : index
        %get3A_1445 = tpu.vector_load %arg17[%get3A_1443, %get3A_1444] {strides = array<i32>} : memref<1024x32xf32, #tpu.memory_space<vmem>>, vector<1x16xf32>,
        %get3A_1446 = vector.shape_cast %get3A_1445 : vector<1x16xf32> to vector<16xf32>
        %mul3A_1447 = vector.broadcast %squeeze3A_1440 : f32 to vector<16xf32>
        %mul3A_1448 = arith.mulf %get3A_1446, %mul3A_1447 : vector<16xf32>
        %add3A_1449 = arith.addf %add3A_1429, %mul3A_1448 : vector<16xf32>
        %add3A_1450 = arith.constant 12 : i32
        %add3A_1451 = arith.addi %add3A_1195, %add3A_1450 : i32
        %get3A_1452 = arith.index_cast %add3A_1451 : i32 to index
        %get3A_1453 = arith.constant 16 : index
        %get3A_1454 = tpu.vector_load %arg17[%get3A_1452, %get3A_1453] {strides = array<i32>} : memref<1024x32xf32, #tpu.memory_space<vmem>>, vector<1x16xf32>,
        %get3A_1455 = vector.shape_cast %get3A_1454 : vector<1x16xf32> to vector<16xf32>
        %mul3A_1456 = vector.broadcast %squeeze3A_1440 : f32 to vector<16xf32>
        %mul3A_1457 = arith.mulf %get3A_1455, %mul3A_1456 : vector<16xf32>
        %add3A_1458 = arith.addf %add3A_1438, %mul3A_1457 : vector<16xf32>
        %slice3A_1459 = vector.extract_strided_slice %get3A_1198 {offsets = [13], sizes = [1], strides = [1]} : vector<16xf32> to vector<1xf32>
        %squeeze3A_1460 = vector.extract %slice3A_1459[0] : f32 from vector<1xf32>
        %add3A_1461 = arith.constant 13 : i32
        %add3A_1462 = arith.addi %add3A_1195, %add3A_1461 : i32
        %get3A_1463 = arith.index_cast %add3A_1462 : i32 to index
        %get3A_1464 = arith.constant 0 : index
        %get3A_1465 = tpu.vector_load %arg17[%get3A_1463, %get3A_1464] {strides = array<i32>} : memref<1024x32xf32, #tpu.memory_space<vmem>>, vector<1x16xf32>,
        %get3A_1466 = vector.shape_cast %get3A_1465 : vector<1x16xf32> to vector<16xf32>
        %mul3A_1467 = vector.broadcast %squeeze3A_1460 : f32 to vector<16xf32>
        %mul3A_1468 = arith.mulf %get3A_1466, %mul3A_1467 : vector<16xf32>
        %add3A_1469 = arith.addf %add3A_1449, %mul3A_1468 : vector<16xf32>
        %add3A_1470 = arith.constant 13 : i32
        %add3A_1471 = arith.addi %add3A_1195, %add3A_1470 : i32
        %get3A_1472 = arith.index_cast %add3A_1471 : i32 to index
        %get3A_1473 = arith.constant 16 : index
        %get3A_1474 = tpu.vector_load %arg17[%get3A_1472, %get3A_1473] {strides = array<i32>} : memref<1024x32xf32, #tpu.memory_space<vmem>>, vector<1x16xf32>,
        %get3A_1475 = vector.shape_cast %get3A_1474 : vector<1x16xf32> to vector<16xf32>
        %mul3A_1476 = vector.broadcast %squeeze3A_1460 : f32 to vector<16xf32>
        %mul3A_1477 = arith.mulf %get3A_1475, %mul3A_1476 : vector<16xf32>
        %add3A_1478 = arith.addf %add3A_1458, %mul3A_1477 : vector<16xf32>
        %slice3A_1479 = vector.extract_strided_slice %get3A_1198 {offsets = [14], sizes = [1], strides = [1]} : vector<16xf32> to vector<1xf32>
        %squeeze3A_1480 = vector.extract %slice3A_1479[0] : f32 from vector<1xf32>
        %add3A_1481 = arith.constant 14 : i32
        %add3A_1482 = arith.addi %add3A_1195, %add3A_1481 : i32
        %get3A_1483 = arith.index_cast %add3A_1482 : i32 to index
        %get3A_1484 = arith.constant 0 : index
        %get3A_1485 = tpu.vector_load %arg17[%get3A_1483, %get3A_1484] {strides = array<i32>} : memref<1024x32xf32, #tpu.memory_space<vmem>>, vector<1x16xf32>,
        %get3A_1486 = vector.shape_cast %get3A_1485 : vector<1x16xf32> to vector<16xf32>
        %mul3A_1487 = vector.broadcast %squeeze3A_1480 : f32 to vector<16xf32>
        %mul3A_1488 = arith.mulf %get3A_1486, %mul3A_1487 : vector<16xf32>
        %add3A_1489 = arith.addf %add3A_1469, %mul3A_1488 : vector<16xf32>
        %add3A_1490 = arith.constant 14 : i32
        %add3A_1491 = arith.addi %add3A_1195, %add3A_1490 : i32
        %get3A_1492 = arith.index_cast %add3A_1491 : i32 to index
        %get3A_1493 = arith.constant 16 : index
        %get3A_1494 = tpu.vector_load %arg17[%get3A_1492, %get3A_1493] {strides = array<i32>} : memref<1024x32xf32, #tpu.memory_space<vmem>>, vector<1x16xf32>,
        %get3A_1495 = vector.shape_cast %get3A_1494 : vector<1x16xf32> to vector<16xf32>
        %mul3A_1496 = vector.broadcast %squeeze3A_1480 : f32 to vector<16xf32>
        %mul3A_1497 = arith.mulf %get3A_1495, %mul3A_1496 : vector<16xf32>
        %add3A_1498 = arith.addf %add3A_1478, %mul3A_1497 : vector<16xf32>
        %slice3A_1499 = vector.extract_strided_slice %get3A_1198 {offsets = [15], sizes = [1], strides = [1]} : vector<16xf32> to vector<1xf32>
        %squeeze3A_1500 = vector.extract %slice3A_1499[0] : f32 from vector<1xf32>
        %add3A_1501 = arith.constant 15 : i32
        %add3A_1502 = arith.addi %add3A_1195, %add3A_1501 : i32
        %get3A_1503 = arith.index_cast %add3A_1502 : i32 to index
        %get3A_1504 = arith.constant 0 : index
        %get3A_1505 = tpu.vector_load %arg17[%get3A_1503, %get3A_1504] {strides = array<i32>} : memref<1024x32xf32, #tpu.memory_space<vmem>>, vector<1x16xf32>,
        %get3A_1506 = vector.shape_cast %get3A_1505 : vector<1x16xf32> to vector<16xf32>
        %mul3A_1507 = vector.broadcast %squeeze3A_1500 : f32 to vector<16xf32>
        %mul3A_1508 = arith.mulf %get3A_1506, %mul3A_1507 : vector<16xf32>
        %add3A_1509 = arith.addf %add3A_1489, %mul3A_1508 : vector<16xf32>
        %add3A_1510 = arith.constant 15 : i32
        %add3A_1511 = arith.addi %add3A_1195, %add3A_1510 : i32
        %get3A_1512 = arith.index_cast %add3A_1511 : i32 to index
        %get3A_1513 = arith.constant 16 : index
        %get3A_1514 = tpu.vector_load %arg17[%get3A_1512, %get3A_1513] {strides = array<i32>} : memref<1024x32xf32, #tpu.memory_space<vmem>>, vector<1x16xf32>,
        %get3A_1515 = vector.shape_cast %get3A_1514 : vector<1x16xf32> to vector<16xf32>
        %mul3A_1516 = vector.broadcast %squeeze3A_1500 : f32 to vector<16xf32>
        %mul3A_1517 = arith.mulf %get3A_1515, %mul3A_1516 : vector<16xf32>
        %add3A_1518 = arith.addf %add3A_1498, %mul3A_1517 : vector<16xf32>
        %mul3A_1519 = arith.constant 16 : i32
        %mul3A_1520 = arith.muli %scan3A_864, %mul3A_1519 : i32
        %add3A_1521 = arith.constant 512 : i32
        %add3A_1522 = arith.addi %add3A_1521, %mul3A_1520 : i32
        %get3A_1523 = arith.index_cast %add3A_1522 : i32 to index
        %get3A_1524 = tpu.vector_load %arg15[%get3A_1523] {strides = array<i32>} : memref<1024xf32, #tpu.memory_space<vmem>>, vector<16xf32>,
        %get3A_1525 = vector.shape_cast %get3A_1524 : vector<16xf32> to vector<16xf32>
        %slice3A_1526 = vector.extract_strided_slice %get3A_1525 {offsets = [0], sizes = [1], strides = [1]} : vector<16xf32> to vector<1xf32>
        %squeeze3A_1527 = vector.extract %slice3A_1526[0] : f32 from vector<1xf32>
        %add3A_1528 = arith.constant 0 : i32
        %add3A_1529 = arith.addi %add3A_1522, %add3A_1528 : i32
        %get3A_1530 = arith.index_cast %add3A_1529 : i32 to index
        %get3A_1531 = arith.constant 0 : index
        %get3A_1532 = tpu.vector_load %arg17[%get3A_1530, %get3A_1531] {strides = array<i32>} : memref<1024x32xf32, #tpu.memory_space<vmem>>, vector<1x16xf32>,
        %get3A_1533 = vector.shape_cast %get3A_1532 : vector<1x16xf32> to vector<16xf32>
        %mul3A_1534 = vector.broadcast %squeeze3A_1527 : f32 to vector<16xf32>
        %mul3A_1535 = arith.mulf %get3A_1533, %mul3A_1534 : vector<16xf32>
        %add3A_1536 = arith.addf %add3A_1509, %mul3A_1535 : vector<16xf32>
        %add3A_1537 = arith.constant 0 : i32
        %add3A_1538 = arith.addi %add3A_1522, %add3A_1537 : i32
        %get3A_1539 = arith.index_cast %add3A_1538 : i32 to index
        %get3A_1540 = arith.constant 16 : index
        %get3A_1541 = tpu.vector_load %arg17[%get3A_1539, %get3A_1540] {strides = array<i32>} : memref<1024x32xf32, #tpu.memory_space<vmem>>, vector<1x16xf32>,
        %get3A_1542 = vector.shape_cast %get3A_1541 : vector<1x16xf32> to vector<16xf32>
        %mul3A_1543 = vector.broadcast %squeeze3A_1527 : f32 to vector<16xf32>
        %mul3A_1544 = arith.mulf %get3A_1542, %mul3A_1543 : vector<16xf32>
        %add3A_1545 = arith.addf %add3A_1518, %mul3A_1544 : vector<16xf32>
        %slice3A_1546 = vector.extract_strided_slice %get3A_1525 {offsets = [1], sizes = [1], strides = [1]} : vector<16xf32> to vector<1xf32>
        %squeeze3A_1547 = vector.extract %slice3A_1546[0] : f32 from vector<1xf32>
        %add3A_1548 = arith.constant 1 : i32
        %add3A_1549 = arith.addi %add3A_1522, %add3A_1548 : i32
        %get3A_1550 = arith.index_cast %add3A_1549 : i32 to index
        %get3A_1551 = arith.constant 0 : index
        %get3A_1552 = tpu.vector_load %arg17[%get3A_1550, %get3A_1551] {strides = array<i32>} : memref<1024x32xf32, #tpu.memory_space<vmem>>, vector<1x16xf32>,
        %get3A_1553 = vector.shape_cast %get3A_1552 : vector<1x16xf32> to vector<16xf32>
        %mul3A_1554 = vector.broadcast %squeeze3A_1547 : f32 to vector<16xf32>
        %mul3A_1555 = arith.mulf %get3A_1553, %mul3A_1554 : vector<16xf32>
        %add3A_1556 = arith.addf %add3A_1536, %mul3A_1555 : vector<16xf32>
        %add3A_1557 = arith.constant 1 : i32
        %add3A_1558 = arith.addi %add3A_1522, %add3A_1557 : i32
        %get3A_1559 = arith.index_cast %add3A_1558 : i32 to index
        %get3A_1560 = arith.constant 16 : index
        %get3A_1561 = tpu.vector_load %arg17[%get3A_1559, %get3A_1560] {strides = array<i32>} : memref<1024x32xf32, #tpu.memory_space<vmem>>, vector<1x16xf32>,
        %get3A_1562 = vector.shape_cast %get3A_1561 : vector<1x16xf32> to vector<16xf32>
        %mul3A_1563 = vector.broadcast %squeeze3A_1547 : f32 to vector<16xf32>
        %mul3A_1564 = arith.mulf %get3A_1562, %mul3A_1563 : vector<16xf32>
        %add3A_1565 = arith.addf %add3A_1545, %mul3A_1564 : vector<16xf32>
        %slice3A_1566 = vector.extract_strided_slice %get3A_1525 {offsets = [2], sizes = [1], strides = [1]} : vector<16xf32> to vector<1xf32>
        %squeeze3A_1567 = vector.extract %slice3A_1566[0] : f32 from vector<1xf32>
        %add3A_1568 = arith.constant 2 : i32
        %add3A_1569 = arith.addi %add3A_1522, %add3A_1568 : i32
        %get3A_1570 = arith.index_cast %add3A_1569 : i32 to index
        %get3A_1571 = arith.constant 0 : index
        %get3A_1572 = tpu.vector_load %arg17[%get3A_1570, %get3A_1571] {strides = array<i32>} : memref<1024x32xf32, #tpu.memory_space<vmem>>, vector<1x16xf32>,
        %get3A_1573 = vector.shape_cast %get3A_1572 : vector<1x16xf32> to vector<16xf32>
        %mul3A_1574 = vector.broadcast %squeeze3A_1567 : f32 to vector<16xf32>
        %mul3A_1575 = arith.mulf %get3A_1573, %mul3A_1574 : vector<16xf32>
        %add3A_1576 = arith.addf %add3A_1556, %mul3A_1575 : vector<16xf32>
        %add3A_1577 = arith.constant 2 : i32
        %add3A_1578 = arith.addi %add3A_1522, %add3A_1577 : i32
        %get3A_1579 = arith.index_cast %add3A_1578 : i32 to index
        %get3A_1580 = arith.constant 16 : index
        %get3A_1581 = tpu.vector_load %arg17[%get3A_1579, %get3A_1580] {strides = array<i32>} : memref<1024x32xf32, #tpu.memory_space<vmem>>, vector<1x16xf32>,
        %get3A_1582 = vector.shape_cast %get3A_1581 : vector<1x16xf32> to vector<16xf32>
        %mul3A_1583 = vector.broadcast %squeeze3A_1567 : f32 to vector<16xf32>
        %mul3A_1584 = arith.mulf %get3A_1582, %mul3A_1583 : vector<16xf32>
        %add3A_1585 = arith.addf %add3A_1565, %mul3A_1584 : vector<16xf32>
        %slice3A_1586 = vector.extract_strided_slice %get3A_1525 {offsets = [3], sizes = [1], strides = [1]} : vector<16xf32> to vector<1xf32>
        %squeeze3A_1587 = vector.extract %slice3A_1586[0] : f32 from vector<1xf32>
        %add3A_1588 = arith.constant 3 : i32
        %add3A_1589 = arith.addi %add3A_1522, %add3A_1588 : i32
        %get3A_1590 = arith.index_cast %add3A_1589 : i32 to index
        %get3A_1591 = arith.constant 0 : index
        %get3A_1592 = tpu.vector_load %arg17[%get3A_1590, %get3A_1591] {strides = array<i32>} : memref<1024x32xf32, #tpu.memory_space<vmem>>, vector<1x16xf32>,
        %get3A_1593 = vector.shape_cast %get3A_1592 : vector<1x16xf32> to vector<16xf32>
        %mul3A_1594 = vector.broadcast %squeeze3A_1587 : f32 to vector<16xf32>
        %mul3A_1595 = arith.mulf %get3A_1593, %mul3A_1594 : vector<16xf32>
        %add3A_1596 = arith.addf %add3A_1576, %mul3A_1595 : vector<16xf32>
        %add3A_1597 = arith.constant 3 : i32
        %add3A_1598 = arith.addi %add3A_1522, %add3A_1597 : i32
        %get3A_1599 = arith.index_cast %add3A_1598 : i32 to index
        %get3A_1600 = arith.constant 16 : index
        %get3A_1601 = tpu.vector_load %arg17[%get3A_1599, %get3A_1600] {strides = array<i32>} : memref<1024x32xf32, #tpu.memory_space<vmem>>, vector<1x16xf32>,
        %get3A_1602 = vector.shape_cast %get3A_1601 : vector<1x16xf32> to vector<16xf32>
        %mul3A_1603 = vector.broadcast %squeeze3A_1587 : f32 to vector<16xf32>
        %mul3A_1604 = arith.mulf %get3A_1602, %mul3A_1603 : vector<16xf32>
        %add3A_1605 = arith.addf %add3A_1585, %mul3A_1604 : vector<16xf32>
        %slice3A_1606 = vector.extract_strided_slice %get3A_1525 {offsets = [4], sizes = [1], strides = [1]} : vector<16xf32> to vector<1xf32>
        %squeeze3A_1607 = vector.extract %slice3A_1606[0] : f32 from vector<1xf32>
        %add3A_1608 = arith.constant 4 : i32
        %add3A_1609 = arith.addi %add3A_1522, %add3A_1608 : i32
        %get3A_1610 = arith.index_cast %add3A_1609 : i32 to index
        %get3A_1611 = arith.constant 0 : index
        %get3A_1612 = tpu.vector_load %arg17[%get3A_1610, %get3A_1611] {strides = array<i32>} : memref<1024x32xf32, #tpu.memory_space<vmem>>, vector<1x16xf32>,
        %get3A_1613 = vector.shape_cast %get3A_1612 : vector<1x16xf32> to vector<16xf32>
        %mul3A_1614 = vector.broadcast %squeeze3A_1607 : f32 to vector<16xf32>
        %mul3A_1615 = arith.mulf %get3A_1613, %mul3A_1614 : vector<16xf32>
        %add3A_1616 = arith.addf %add3A_1596, %mul3A_1615 : vector<16xf32>
        %add3A_1617 = arith.constant 4 : i32
        %add3A_1618 = arith.addi %add3A_1522, %add3A_1617 : i32
        %get3A_1619 = arith.index_cast %add3A_1618 : i32 to index
        %get3A_1620 = arith.constant 16 : index
        %get3A_1621 = tpu.vector_load %arg17[%get3A_1619, %get3A_1620] {strides = array<i32>} : memref<1024x32xf32, #tpu.memory_space<vmem>>, vector<1x16xf32>,
        %get3A_1622 = vector.shape_cast %get3A_1621 : vector<1x16xf32> to vector<16xf32>
        %mul3A_1623 = vector.broadcast %squeeze3A_1607 : f32 to vector<16xf32>
        %mul3A_1624 = arith.mulf %get3A_1622, %mul3A_1623 : vector<16xf32>
        %add3A_1625 = arith.addf %add3A_1605, %mul3A_1624 : vector<16xf32>
        %slice3A_1626 = vector.extract_strided_slice %get3A_1525 {offsets = [5], sizes = [1], strides = [1]} : vector<16xf32> to vector<1xf32>
        %squeeze3A_1627 = vector.extract %slice3A_1626[0] : f32 from vector<1xf32>
        %add3A_1628 = arith.constant 5 : i32
        %add3A_1629 = arith.addi %add3A_1522, %add3A_1628 : i32
        %get3A_1630 = arith.index_cast %add3A_1629 : i32 to index
        %get3A_1631 = arith.constant 0 : index
        %get3A_1632 = tpu.vector_load %arg17[%get3A_1630, %get3A_1631] {strides = array<i32>} : memref<1024x32xf32, #tpu.memory_space<vmem>>, vector<1x16xf32>,
        %get3A_1633 = vector.shape_cast %get3A_1632 : vector<1x16xf32> to vector<16xf32>
        %mul3A_1634 = vector.broadcast %squeeze3A_1627 : f32 to vector<16xf32>
        %mul3A_1635 = arith.mulf %get3A_1633, %mul3A_1634 : vector<16xf32>
        %add3A_1636 = arith.addf %add3A_1616, %mul3A_1635 : vector<16xf32>
        %add3A_1637 = arith.constant 5 : i32
        %add3A_1638 = arith.addi %add3A_1522, %add3A_1637 : i32
        %get3A_1639 = arith.index_cast %add3A_1638 : i32 to index
        %get3A_1640 = arith.constant 16 : index
        %get3A_1641 = tpu.vector_load %arg17[%get3A_1639, %get3A_1640] {strides = array<i32>} : memref<1024x32xf32, #tpu.memory_space<vmem>>, vector<1x16xf32>,
        %get3A_1642 = vector.shape_cast %get3A_1641 : vector<1x16xf32> to vector<16xf32>
        %mul3A_1643 = vector.broadcast %squeeze3A_1627 : f32 to vector<16xf32>
        %mul3A_1644 = arith.mulf %get3A_1642, %mul3A_1643 : vector<16xf32>
        %add3A_1645 = arith.addf %add3A_1625, %mul3A_1644 : vector<16xf32>
        %slice3A_1646 = vector.extract_strided_slice %get3A_1525 {offsets = [6], sizes = [1], strides = [1]} : vector<16xf32> to vector<1xf32>
        %squeeze3A_1647 = vector.extract %slice3A_1646[0] : f32 from vector<1xf32>
        %add3A_1648 = arith.constant 6 : i32
        %add3A_1649 = arith.addi %add3A_1522, %add3A_1648 : i32
        %get3A_1650 = arith.index_cast %add3A_1649 : i32 to index
        %get3A_1651 = arith.constant 0 : index
        %get3A_1652 = tpu.vector_load %arg17[%get3A_1650, %get3A_1651] {strides = array<i32>} : memref<1024x32xf32, #tpu.memory_space<vmem>>, vector<1x16xf32>,
        %get3A_1653 = vector.shape_cast %get3A_1652 : vector<1x16xf32> to vector<16xf32>
        %mul3A_1654 = vector.broadcast %squeeze3A_1647 : f32 to vector<16xf32>
        %mul3A_1655 = arith.mulf %get3A_1653, %mul3A_1654 : vector<16xf32>
        %add3A_1656 = arith.addf %add3A_1636, %mul3A_1655 : vector<16xf32>
        %add3A_1657 = arith.constant 6 : i32
        %add3A_1658 = arith.addi %add3A_1522, %add3A_1657 : i32
        %get3A_1659 = arith.index_cast %add3A_1658 : i32 to index
        %get3A_1660 = arith.constant 16 : index
        %get3A_1661 = tpu.vector_load %arg17[%get3A_1659, %get3A_1660] {strides = array<i32>} : memref<1024x32xf32, #tpu.memory_space<vmem>>, vector<1x16xf32>,
        %get3A_1662 = vector.shape_cast %get3A_1661 : vector<1x16xf32> to vector<16xf32>
        %mul3A_1663 = vector.broadcast %squeeze3A_1647 : f32 to vector<16xf32>
        %mul3A_1664 = arith.mulf %get3A_1662, %mul3A_1663 : vector<16xf32>
        %add3A_1665 = arith.addf %add3A_1645, %mul3A_1664 : vector<16xf32>
        %slice3A_1666 = vector.extract_strided_slice %get3A_1525 {offsets = [7], sizes = [1], strides = [1]} : vector<16xf32> to vector<1xf32>
        %squeeze3A_1667 = vector.extract %slice3A_1666[0] : f32 from vector<1xf32>
        %add3A_1668 = arith.constant 7 : i32
        %add3A_1669 = arith.addi %add3A_1522, %add3A_1668 : i32
        %get3A_1670 = arith.index_cast %add3A_1669 : i32 to index
        %get3A_1671 = arith.constant 0 : index
        %get3A_1672 = tpu.vector_load %arg17[%get3A_1670, %get3A_1671] {strides = array<i32>} : memref<1024x32xf32, #tpu.memory_space<vmem>>, vector<1x16xf32>,
        %get3A_1673 = vector.shape_cast %get3A_1672 : vector<1x16xf32> to vector<16xf32>
        %mul3A_1674 = vector.broadcast %squeeze3A_1667 : f32 to vector<16xf32>
        %mul3A_1675 = arith.mulf %get3A_1673, %mul3A_1674 : vector<16xf32>
        %add3A_1676 = arith.addf %add3A_1656, %mul3A_1675 : vector<16xf32>
        %add3A_1677 = arith.constant 7 : i32
        %add3A_1678 = arith.addi %add3A_1522, %add3A_1677 : i32
        %get3A_1679 = arith.index_cast %add3A_1678 : i32 to index
        %get3A_1680 = arith.constant 16 : index
        %get3A_1681 = tpu.vector_load %arg17[%get3A_1679, %get3A_1680] {strides = array<i32>} : memref<1024x32xf32, #tpu.memory_space<vmem>>, vector<1x16xf32>,
        %get3A_1682 = vector.shape_cast %get3A_1681 : vector<1x16xf32> to vector<16xf32>
        %mul3A_1683 = vector.broadcast %squeeze3A_1667 : f32 to vector<16xf32>
        %mul3A_1684 = arith.mulf %get3A_1682, %mul3A_1683 : vector<16xf32>
        %add3A_1685 = arith.addf %add3A_1665, %mul3A_1684 : vector<16xf32>
        %slice3A_1686 = vector.extract_strided_slice %get3A_1525 {offsets = [8], sizes = [1], strides = [1]} : vector<16xf32> to vector<1xf32>
        %squeeze3A_1687 = vector.extract %slice3A_1686[0] : f32 from vector<1xf32>
        %add3A_1688 = arith.constant 8 : i32
        %add3A_1689 = arith.addi %add3A_1522, %add3A_1688 : i32
        %get3A_1690 = arith.index_cast %add3A_1689 : i32 to index
        %get3A_1691 = arith.constant 0 : index
        %get3A_1692 = tpu.vector_load %arg17[%get3A_1690, %get3A_1691] {strides = array<i32>} : memref<1024x32xf32, #tpu.memory_space<vmem>>, vector<1x16xf32>,
        %get3A_1693 = vector.shape_cast %get3A_1692 : vector<1x16xf32> to vector<16xf32>
        %mul3A_1694 = vector.broadcast %squeeze3A_1687 : f32 to vector<16xf32>
        %mul3A_1695 = arith.mulf %get3A_1693, %mul3A_1694 : vector<16xf32>
        %add3A_1696 = arith.addf %add3A_1676, %mul3A_1695 : vector<16xf32>
        %add3A_1697 = arith.constant 8 : i32
        %add3A_1698 = arith.addi %add3A_1522, %add3A_1697 : i32
        %get3A_1699 = arith.index_cast %add3A_1698 : i32 to index
        %get3A_1700 = arith.constant 16 : index
        %get3A_1701 = tpu.vector_load %arg17[%get3A_1699, %get3A_1700] {strides = array<i32>} : memref<1024x32xf32, #tpu.memory_space<vmem>>, vector<1x16xf32>,
        %get3A_1702 = vector.shape_cast %get3A_1701 : vector<1x16xf32> to vector<16xf32>
        %mul3A_1703 = vector.broadcast %squeeze3A_1687 : f32 to vector<16xf32>
        %mul3A_1704 = arith.mulf %get3A_1702, %mul3A_1703 : vector<16xf32>
        %add3A_1705 = arith.addf %add3A_1685, %mul3A_1704 : vector<16xf32>
        %slice3A_1706 = vector.extract_strided_slice %get3A_1525 {offsets = [9], sizes = [1], strides = [1]} : vector<16xf32> to vector<1xf32>
        %squeeze3A_1707 = vector.extract %slice3A_1706[0] : f32 from vector<1xf32>
        %add3A_1708 = arith.constant 9 : i32
        %add3A_1709 = arith.addi %add3A_1522, %add3A_1708 : i32
        %get3A_1710 = arith.index_cast %add3A_1709 : i32 to index
        %get3A_1711 = arith.constant 0 : index
        %get3A_1712 = tpu.vector_load %arg17[%get3A_1710, %get3A_1711] {strides = array<i32>} : memref<1024x32xf32, #tpu.memory_space<vmem>>, vector<1x16xf32>,
        %get3A_1713 = vector.shape_cast %get3A_1712 : vector<1x16xf32> to vector<16xf32>
        %mul3A_1714 = vector.broadcast %squeeze3A_1707 : f32 to vector<16xf32>
        %mul3A_1715 = arith.mulf %get3A_1713, %mul3A_1714 : vector<16xf32>
        %add3A_1716 = arith.addf %add3A_1696, %mul3A_1715 : vector<16xf32>
        %add3A_1717 = arith.constant 9 : i32
        %add3A_1718 = arith.addi %add3A_1522, %add3A_1717 : i32
        %get3A_1719 = arith.index_cast %add3A_1718 : i32 to index
        %get3A_1720 = arith.constant 16 : index
        %get3A_1721 = tpu.vector_load %arg17[%get3A_1719, %get3A_1720] {strides = array<i32>} : memref<1024x32xf32, #tpu.memory_space<vmem>>, vector<1x16xf32>,
        %get3A_1722 = vector.shape_cast %get3A_1721 : vector<1x16xf32> to vector<16xf32>
        %mul3A_1723 = vector.broadcast %squeeze3A_1707 : f32 to vector<16xf32>
        %mul3A_1724 = arith.mulf %get3A_1722, %mul3A_1723 : vector<16xf32>
        %add3A_1725 = arith.addf %add3A_1705, %mul3A_1724 : vector<16xf32>
        %slice3A_1726 = vector.extract_strided_slice %get3A_1525 {offsets = [10], sizes = [1], strides = [1]} : vector<16xf32> to vector<1xf32>
        %squeeze3A_1727 = vector.extract %slice3A_1726[0] : f32 from vector<1xf32>
        %add3A_1728 = arith.constant 10 : i32
        %add3A_1729 = arith.addi %add3A_1522, %add3A_1728 : i32
        %get3A_1730 = arith.index_cast %add3A_1729 : i32 to index
        %get3A_1731 = arith.constant 0 : index
        %get3A_1732 = tpu.vector_load %arg17[%get3A_1730, %get3A_1731] {strides = array<i32>} : memref<1024x32xf32, #tpu.memory_space<vmem>>, vector<1x16xf32>,
        %get3A_1733 = vector.shape_cast %get3A_1732 : vector<1x16xf32> to vector<16xf32>
        %mul3A_1734 = vector.broadcast %squeeze3A_1727 : f32 to vector<16xf32>
        %mul3A_1735 = arith.mulf %get3A_1733, %mul3A_1734 : vector<16xf32>
        %add3A_1736 = arith.addf %add3A_1716, %mul3A_1735 : vector<16xf32>
        %add3A_1737 = arith.constant 10 : i32
        %add3A_1738 = arith.addi %add3A_1522, %add3A_1737 : i32
        %get3A_1739 = arith.index_cast %add3A_1738 : i32 to index
        %get3A_1740 = arith.constant 16 : index
        %get3A_1741 = tpu.vector_load %arg17[%get3A_1739, %get3A_1740] {strides = array<i32>} : memref<1024x32xf32, #tpu.memory_space<vmem>>, vector<1x16xf32>,
        %get3A_1742 = vector.shape_cast %get3A_1741 : vector<1x16xf32> to vector<16xf32>
        %mul3A_1743 = vector.broadcast %squeeze3A_1727 : f32 to vector<16xf32>
        %mul3A_1744 = arith.mulf %get3A_1742, %mul3A_1743 : vector<16xf32>
        %add3A_1745 = arith.addf %add3A_1725, %mul3A_1744 : vector<16xf32>
        %slice3A_1746 = vector.extract_strided_slice %get3A_1525 {offsets = [11], sizes = [1], strides = [1]} : vector<16xf32> to vector<1xf32>
        %squeeze3A_1747 = vector.extract %slice3A_1746[0] : f32 from vector<1xf32>
        %add3A_1748 = arith.constant 11 : i32
        %add3A_1749 = arith.addi %add3A_1522, %add3A_1748 : i32
        %get3A_1750 = arith.index_cast %add3A_1749 : i32 to index
        %get3A_1751 = arith.constant 0 : index
        %get3A_1752 = tpu.vector_load %arg17[%get3A_1750, %get3A_1751] {strides = array<i32>} : memref<1024x32xf32, #tpu.memory_space<vmem>>, vector<1x16xf32>,
        %get3A_1753 = vector.shape_cast %get3A_1752 : vector<1x16xf32> to vector<16xf32>
        %mul3A_1754 = vector.broadcast %squeeze3A_1747 : f32 to vector<16xf32>
        %mul3A_1755 = arith.mulf %get3A_1753, %mul3A_1754 : vector<16xf32>
        %add3A_1756 = arith.addf %add3A_1736, %mul3A_1755 : vector<16xf32>
        %add3A_1757 = arith.constant 11 : i32
        %add3A_1758 = arith.addi %add3A_1522, %add3A_1757 : i32
        %get3A_1759 = arith.index_cast %add3A_1758 : i32 to index
        %get3A_1760 = arith.constant 16 : index
        %get3A_1761 = tpu.vector_load %arg17[%get3A_1759, %get3A_1760] {strides = array<i32>} : memref<1024x32xf32, #tpu.memory_space<vmem>>, vector<1x16xf32>,
        %get3A_1762 = vector.shape_cast %get3A_1761 : vector<1x16xf32> to vector<16xf32>
        %mul3A_1763 = vector.broadcast %squeeze3A_1747 : f32 to vector<16xf32>
        %mul3A_1764 = arith.mulf %get3A_1762, %mul3A_1763 : vector<16xf32>
        %add3A_1765 = arith.addf %add3A_1745, %mul3A_1764 : vector<16xf32>
        %slice3A_1766 = vector.extract_strided_slice %get3A_1525 {offsets = [12], sizes = [1], strides = [1]} : vector<16xf32> to vector<1xf32>
        %squeeze3A_1767 = vector.extract %slice3A_1766[0] : f32 from vector<1xf32>
        %add3A_1768 = arith.constant 12 : i32
        %add3A_1769 = arith.addi %add3A_1522, %add3A_1768 : i32
        %get3A_1770 = arith.index_cast %add3A_1769 : i32 to index
        %get3A_1771 = arith.constant 0 : index
        %get3A_1772 = tpu.vector_load %arg17[%get3A_1770, %get3A_1771] {strides = array<i32>} : memref<1024x32xf32, #tpu.memory_space<vmem>>, vector<1x16xf32>,
        %get3A_1773 = vector.shape_cast %get3A_1772 : vector<1x16xf32> to vector<16xf32>
        %mul3A_1774 = vector.broadcast %squeeze3A_1767 : f32 to vector<16xf32>
        %mul3A_1775 = arith.mulf %get3A_1773, %mul3A_1774 : vector<16xf32>
        %add3A_1776 = arith.addf %add3A_1756, %mul3A_1775 : vector<16xf32>
        %add3A_1777 = arith.constant 12 : i32
        %add3A_1778 = arith.addi %add3A_1522, %add3A_1777 : i32
        %get3A_1779 = arith.index_cast %add3A_1778 : i32 to index
        %get3A_1780 = arith.constant 16 : index
        %get3A_1781 = tpu.vector_load %arg17[%get3A_1779, %get3A_1780] {strides = array<i32>} : memref<1024x32xf32, #tpu.memory_space<vmem>>, vector<1x16xf32>,
        %get3A_1782 = vector.shape_cast %get3A_1781 : vector<1x16xf32> to vector<16xf32>
        %mul3A_1783 = vector.broadcast %squeeze3A_1767 : f32 to vector<16xf32>
        %mul3A_1784 = arith.mulf %get3A_1782, %mul3A_1783 : vector<16xf32>
        %add3A_1785 = arith.addf %add3A_1765, %mul3A_1784 : vector<16xf32>
        %slice3A_1786 = vector.extract_strided_slice %get3A_1525 {offsets = [13], sizes = [1], strides = [1]} : vector<16xf32> to vector<1xf32>
        %squeeze3A_1787 = vector.extract %slice3A_1786[0] : f32 from vector<1xf32>
        %add3A_1788 = arith.constant 13 : i32
        %add3A_1789 = arith.addi %add3A_1522, %add3A_1788 : i32
        %get3A_1790 = arith.index_cast %add3A_1789 : i32 to index
        %get3A_1791 = arith.constant 0 : index
        %get3A_1792 = tpu.vector_load %arg17[%get3A_1790, %get3A_1791] {strides = array<i32>} : memref<1024x32xf32, #tpu.memory_space<vmem>>, vector<1x16xf32>,
        %get3A_1793 = vector.shape_cast %get3A_1792 : vector<1x16xf32> to vector<16xf32>
        %mul3A_1794 = vector.broadcast %squeeze3A_1787 : f32 to vector<16xf32>
        %mul3A_1795 = arith.mulf %get3A_1793, %mul3A_1794 : vector<16xf32>
        %add3A_1796 = arith.addf %add3A_1776, %mul3A_1795 : vector<16xf32>
        %add3A_1797 = arith.constant 13 : i32
        %add3A_1798 = arith.addi %add3A_1522, %add3A_1797 : i32
        %get3A_1799 = arith.index_cast %add3A_1798 : i32 to index
        %get3A_1800 = arith.constant 16 : index
        %get3A_1801 = tpu.vector_load %arg17[%get3A_1799, %get3A_1800] {strides = array<i32>} : memref<1024x32xf32, #tpu.memory_space<vmem>>, vector<1x16xf32>,
        %get3A_1802 = vector.shape_cast %get3A_1801 : vector<1x16xf32> to vector<16xf32>
        %mul3A_1803 = vector.broadcast %squeeze3A_1787 : f32 to vector<16xf32>
        %mul3A_1804 = arith.mulf %get3A_1802, %mul3A_1803 : vector<16xf32>
        %add3A_1805 = arith.addf %add3A_1785, %mul3A_1804 : vector<16xf32>
        %slice3A_1806 = vector.extract_strided_slice %get3A_1525 {offsets = [14], sizes = [1], strides = [1]} : vector<16xf32> to vector<1xf32>
        %squeeze3A_1807 = vector.extract %slice3A_1806[0] : f32 from vector<1xf32>
        %add3A_1808 = arith.constant 14 : i32
        %add3A_1809 = arith.addi %add3A_1522, %add3A_1808 : i32
        %get3A_1810 = arith.index_cast %add3A_1809 : i32 to index
        %get3A_1811 = arith.constant 0 : index
        %get3A_1812 = tpu.vector_load %arg17[%get3A_1810, %get3A_1811] {strides = array<i32>} : memref<1024x32xf32, #tpu.memory_space<vmem>>, vector<1x16xf32>,
        %get3A_1813 = vector.shape_cast %get3A_1812 : vector<1x16xf32> to vector<16xf32>
        %mul3A_1814 = vector.broadcast %squeeze3A_1807 : f32 to vector<16xf32>
        %mul3A_1815 = arith.mulf %get3A_1813, %mul3A_1814 : vector<16xf32>
        %add3A_1816 = arith.addf %add3A_1796, %mul3A_1815 : vector<16xf32>
        %add3A_1817 = arith.constant 14 : i32
        %add3A_1818 = arith.addi %add3A_1522, %add3A_1817 : i32
        %get3A_1819 = arith.index_cast %add3A_1818 : i32 to index
        %get3A_1820 = arith.constant 16 : index
        %get3A_1821 = tpu.vector_load %arg17[%get3A_1819, %get3A_1820] {strides = array<i32>} : memref<1024x32xf32, #tpu.memory_space<vmem>>, vector<1x16xf32>,
        %get3A_1822 = vector.shape_cast %get3A_1821 : vector<1x16xf32> to vector<16xf32>
        %mul3A_1823 = vector.broadcast %squeeze3A_1807 : f32 to vector<16xf32>
        %mul3A_1824 = arith.mulf %get3A_1822, %mul3A_1823 : vector<16xf32>
        %add3A_1825 = arith.addf %add3A_1805, %mul3A_1824 : vector<16xf32>
        %slice3A_1826 = vector.extract_strided_slice %get3A_1525 {offsets = [15], sizes = [1], strides = [1]} : vector<16xf32> to vector<1xf32>
        %squeeze3A_1827 = vector.extract %slice3A_1826[0] : f32 from vector<1xf32>
        %add3A_1828 = arith.constant 15 : i32
        %add3A_1829 = arith.addi %add3A_1522, %add3A_1828 : i32
        %get3A_1830 = arith.index_cast %add3A_1829 : i32 to index
        %get3A_1831 = arith.constant 0 : index
        %get3A_1832 = tpu.vector_load %arg17[%get3A_1830, %get3A_1831] {strides = array<i32>} : memref<1024x32xf32, #tpu.memory_space<vmem>>, vector<1x16xf32>,
        %get3A_1833 = vector.shape_cast %get3A_1832 : vector<1x16xf32> to vector<16xf32>
        %mul3A_1834 = vector.broadcast %squeeze3A_1827 : f32 to vector<16xf32>
        %mul3A_1835 = arith.mulf %get3A_1833, %mul3A_1834 : vector<16xf32>
        %add3A_1836 = arith.addf %add3A_1816, %mul3A_1835 : vector<16xf32>
        %add3A_1837 = arith.constant 15 : i32
        %add3A_1838 = arith.addi %add3A_1522, %add3A_1837 : i32
        %get3A_1839 = arith.index_cast %add3A_1838 : i32 to index
        %get3A_1840 = arith.constant 16 : index
        %get3A_1841 = tpu.vector_load %arg17[%get3A_1839, %get3A_1840] {strides = array<i32>} : memref<1024x32xf32, #tpu.memory_space<vmem>>, vector<1x16xf32>,
        %get3A_1842 = vector.shape_cast %get3A_1841 : vector<1x16xf32> to vector<16xf32>
        %mul3A_1843 = vector.broadcast %squeeze3A_1827 : f32 to vector<16xf32>
        %mul3A_1844 = arith.mulf %get3A_1842, %mul3A_1843 : vector<16xf32>
        %add3A_1845 = arith.addf %add3A_1825, %mul3A_1844 : vector<16xf32>
        %mul3A_1846 = arith.constant 16 : i32
        %mul3A_1847 = arith.muli %scan3A_864, %mul3A_1846 : i32
        %add3A_1848 = arith.constant 768 : i32
        %add3A_1849 = arith.addi %add3A_1848, %mul3A_1847 : i32
        %get3A_1850 = arith.index_cast %add3A_1849 : i32 to index
        %get3A_1851 = tpu.vector_load %arg15[%get3A_1850] {strides = array<i32>} : memref<1024xf32, #tpu.memory_space<vmem>>, vector<16xf32>,
        %get3A_1852 = vector.shape_cast %get3A_1851 : vector<16xf32> to vector<16xf32>
        %slice3A_1853 = vector.extract_strided_slice %get3A_1852 {offsets = [0], sizes = [1], strides = [1]} : vector<16xf32> to vector<1xf32>
        %squeeze3A_1854 = vector.extract %slice3A_1853[0] : f32 from vector<1xf32>
        %add3A_1855 = arith.constant 0 : i32
        %add3A_1856 = arith.addi %add3A_1849, %add3A_1855 : i32
        %get3A_1857 = arith.index_cast %add3A_1856 : i32 to index
        %get3A_1858 = arith.constant 0 : index
        %get3A_1859 = tpu.vector_load %arg17[%get3A_1857, %get3A_1858] {strides = array<i32>} : memref<1024x32xf32, #tpu.memory_space<vmem>>, vector<1x16xf32>,
        %get3A_1860 = vector.shape_cast %get3A_1859 : vector<1x16xf32> to vector<16xf32>
        %mul3A_1861 = vector.broadcast %squeeze3A_1854 : f32 to vector<16xf32>
        %mul3A_1862 = arith.mulf %get3A_1860, %mul3A_1861 : vector<16xf32>
        %add3A_1863 = arith.addf %add3A_1836, %mul3A_1862 : vector<16xf32>
        %add3A_1864 = arith.constant 0 : i32
        %add3A_1865 = arith.addi %add3A_1849, %add3A_1864 : i32
        %get3A_1866 = arith.index_cast %add3A_1865 : i32 to index
        %get3A_1867 = arith.constant 16 : index
        %get3A_1868 = tpu.vector_load %arg17[%get3A_1866, %get3A_1867] {strides = array<i32>} : memref<1024x32xf32, #tpu.memory_space<vmem>>, vector<1x16xf32>,
        %get3A_1869 = vector.shape_cast %get3A_1868 : vector<1x16xf32> to vector<16xf32>
        %mul3A_1870 = vector.broadcast %squeeze3A_1854 : f32 to vector<16xf32>
        %mul3A_1871 = arith.mulf %get3A_1869, %mul3A_1870 : vector<16xf32>
        %add3A_1872 = arith.addf %add3A_1845, %mul3A_1871 : vector<16xf32>
        %slice3A_1873 = vector.extract_strided_slice %get3A_1852 {offsets = [1], sizes = [1], strides = [1]} : vector<16xf32> to vector<1xf32>
        %squeeze3A_1874 = vector.extract %slice3A_1873[0] : f32 from vector<1xf32>
        %add3A_1875 = arith.constant 1 : i32
        %add3A_1876 = arith.addi %add3A_1849, %add3A_1875 : i32
        %get3A_1877 = arith.index_cast %add3A_1876 : i32 to index
        %get3A_1878 = arith.constant 0 : index
        %get3A_1879 = tpu.vector_load %arg17[%get3A_1877, %get3A_1878] {strides = array<i32>} : memref<1024x32xf32, #tpu.memory_space<vmem>>, vector<1x16xf32>,
        %get3A_1880 = vector.shape_cast %get3A_1879 : vector<1x16xf32> to vector<16xf32>
        %mul3A_1881 = vector.broadcast %squeeze3A_1874 : f32 to vector<16xf32>
        %mul3A_1882 = arith.mulf %get3A_1880, %mul3A_1881 : vector<16xf32>
        %add3A_1883 = arith.addf %add3A_1863, %mul3A_1882 : vector<16xf32>
        %add3A_1884 = arith.constant 1 : i32
        %add3A_1885 = arith.addi %add3A_1849, %add3A_1884 : i32
        %get3A_1886 = arith.index_cast %add3A_1885 : i32 to index
        %get3A_1887 = arith.constant 16 : index
        %get3A_1888 = tpu.vector_load %arg17[%get3A_1886, %get3A_1887] {strides = array<i32>} : memref<1024x32xf32, #tpu.memory_space<vmem>>, vector<1x16xf32>,
        %get3A_1889 = vector.shape_cast %get3A_1888 : vector<1x16xf32> to vector<16xf32>
        %mul3A_1890 = vector.broadcast %squeeze3A_1874 : f32 to vector<16xf32>
        %mul3A_1891 = arith.mulf %get3A_1889, %mul3A_1890 : vector<16xf32>
        %add3A_1892 = arith.addf %add3A_1872, %mul3A_1891 : vector<16xf32>
        %slice3A_1893 = vector.extract_strided_slice %get3A_1852 {offsets = [2], sizes = [1], strides = [1]} : vector<16xf32> to vector<1xf32>
        %squeeze3A_1894 = vector.extract %slice3A_1893[0] : f32 from vector<1xf32>
        %add3A_1895 = arith.constant 2 : i32
        %add3A_1896 = arith.addi %add3A_1849, %add3A_1895 : i32
        %get3A_1897 = arith.index_cast %add3A_1896 : i32 to index
        %get3A_1898 = arith.constant 0 : index
        %get3A_1899 = tpu.vector_load %arg17[%get3A_1897, %get3A_1898] {strides = array<i32>} : memref<1024x32xf32, #tpu.memory_space<vmem>>, vector<1x16xf32>,
        %get3A_1900 = vector.shape_cast %get3A_1899 : vector<1x16xf32> to vector<16xf32>
        %mul3A_1901 = vector.broadcast %squeeze3A_1894 : f32 to vector<16xf32>
        %mul3A_1902 = arith.mulf %get3A_1900, %mul3A_1901 : vector<16xf32>
        %add3A_1903 = arith.addf %add3A_1883, %mul3A_1902 : vector<16xf32>
        %add3A_1904 = arith.constant 2 : i32
        %add3A_1905 = arith.addi %add3A_1849, %add3A_1904 : i32
        %get3A_1906 = arith.index_cast %add3A_1905 : i32 to index
        %get3A_1907 = arith.constant 16 : index
        %get3A_1908 = tpu.vector_load %arg17[%get3A_1906, %get3A_1907] {strides = array<i32>} : memref<1024x32xf32, #tpu.memory_space<vmem>>, vector<1x16xf32>,
        %get3A_1909 = vector.shape_cast %get3A_1908 : vector<1x16xf32> to vector<16xf32>
        %mul3A_1910 = vector.broadcast %squeeze3A_1894 : f32 to vector<16xf32>
        %mul3A_1911 = arith.mulf %get3A_1909, %mul3A_1910 : vector<16xf32>
        %add3A_1912 = arith.addf %add3A_1892, %mul3A_1911 : vector<16xf32>
        %slice3A_1913 = vector.extract_strided_slice %get3A_1852 {offsets = [3], sizes = [1], strides = [1]} : vector<16xf32> to vector<1xf32>
        %squeeze3A_1914 = vector.extract %slice3A_1913[0] : f32 from vector<1xf32>
        %add3A_1915 = arith.constant 3 : i32
        %add3A_1916 = arith.addi %add3A_1849, %add3A_1915 : i32
        %get3A_1917 = arith.index_cast %add3A_1916 : i32 to index
        %get3A_1918 = arith.constant 0 : index
        %get3A_1919 = tpu.vector_load %arg17[%get3A_1917, %get3A_1918] {strides = array<i32>} : memref<1024x32xf32, #tpu.memory_space<vmem>>, vector<1x16xf32>,
        %get3A_1920 = vector.shape_cast %get3A_1919 : vector<1x16xf32> to vector<16xf32>
        %mul3A_1921 = vector.broadcast %squeeze3A_1914 : f32 to vector<16xf32>
        %mul3A_1922 = arith.mulf %get3A_1920, %mul3A_1921 : vector<16xf32>
        %add3A_1923 = arith.addf %add3A_1903, %mul3A_1922 : vector<16xf32>
        %add3A_1924 = arith.constant 3 : i32
        %add3A_1925 = arith.addi %add3A_1849, %add3A_1924 : i32
        %get3A_1926 = arith.index_cast %add3A_1925 : i32 to index
        %get3A_1927 = arith.constant 16 : index
        %get3A_1928 = tpu.vector_load %arg17[%get3A_1926, %get3A_1927] {strides = array<i32>} : memref<1024x32xf32, #tpu.memory_space<vmem>>, vector<1x16xf32>,
        %get3A_1929 = vector.shape_cast %get3A_1928 : vector<1x16xf32> to vector<16xf32>
        %mul3A_1930 = vector.broadcast %squeeze3A_1914 : f32 to vector<16xf32>
        %mul3A_1931 = arith.mulf %get3A_1929, %mul3A_1930 : vector<16xf32>
        %add3A_1932 = arith.addf %add3A_1912, %mul3A_1931 : vector<16xf32>
        %slice3A_1933 = vector.extract_strided_slice %get3A_1852 {offsets = [4], sizes = [1], strides = [1]} : vector<16xf32> to vector<1xf32>
        %squeeze3A_1934 = vector.extract %slice3A_1933[0] : f32 from vector<1xf32>
        %add3A_1935 = arith.constant 4 : i32
        %add3A_1936 = arith.addi %add3A_1849, %add3A_1935 : i32
        %get3A_1937 = arith.index_cast %add3A_1936 : i32 to index
        %get3A_1938 = arith.constant 0 : index
        %get3A_1939 = tpu.vector_load %arg17[%get3A_1937, %get3A_1938] {strides = array<i32>} : memref<1024x32xf32, #tpu.memory_space<vmem>>, vector<1x16xf32>,
        %get3A_1940 = vector.shape_cast %get3A_1939 : vector<1x16xf32> to vector<16xf32>
        %mul3A_1941 = vector.broadcast %squeeze3A_1934 : f32 to vector<16xf32>
        %mul3A_1942 = arith.mulf %get3A_1940, %mul3A_1941 : vector<16xf32>
        %add3A_1943 = arith.addf %add3A_1923, %mul3A_1942 : vector<16xf32>
        %add3A_1944 = arith.constant 4 : i32
        %add3A_1945 = arith.addi %add3A_1849, %add3A_1944 : i32
        %get3A_1946 = arith.index_cast %add3A_1945 : i32 to index
        %get3A_1947 = arith.constant 16 : index
        %get3A_1948 = tpu.vector_load %arg17[%get3A_1946, %get3A_1947] {strides = array<i32>} : memref<1024x32xf32, #tpu.memory_space<vmem>>, vector<1x16xf32>,
        %get3A_1949 = vector.shape_cast %get3A_1948 : vector<1x16xf32> to vector<16xf32>
        %mul3A_1950 = vector.broadcast %squeeze3A_1934 : f32 to vector<16xf32>
        %mul3A_1951 = arith.mulf %get3A_1949, %mul3A_1950 : vector<16xf32>
        %add3A_1952 = arith.addf %add3A_1932, %mul3A_1951 : vector<16xf32>
        %slice3A_1953 = vector.extract_strided_slice %get3A_1852 {offsets = [5], sizes = [1], strides = [1]} : vector<16xf32> to vector<1xf32>
        %squeeze3A_1954 = vector.extract %slice3A_1953[0] : f32 from vector<1xf32>
        %add3A_1955 = arith.constant 5 : i32
        %add3A_1956 = arith.addi %add3A_1849, %add3A_1955 : i32
        %get3A_1957 = arith.index_cast %add3A_1956 : i32 to index
        %get3A_1958 = arith.constant 0 : index
        %get3A_1959 = tpu.vector_load %arg17[%get3A_1957, %get3A_1958] {strides = array<i32>} : memref<1024x32xf32, #tpu.memory_space<vmem>>, vector<1x16xf32>,
        %get3A_1960 = vector.shape_cast %get3A_1959 : vector<1x16xf32> to vector<16xf32>
        %mul3A_1961 = vector.broadcast %squeeze3A_1954 : f32 to vector<16xf32>
        %mul3A_1962 = arith.mulf %get3A_1960, %mul3A_1961 : vector<16xf32>
        %add3A_1963 = arith.addf %add3A_1943, %mul3A_1962 : vector<16xf32>
        %add3A_1964 = arith.constant 5 : i32
        %add3A_1965 = arith.addi %add3A_1849, %add3A_1964 : i32
        %get3A_1966 = arith.index_cast %add3A_1965 : i32 to index
        %get3A_1967 = arith.constant 16 : index
        %get3A_1968 = tpu.vector_load %arg17[%get3A_1966, %get3A_1967] {strides = array<i32>} : memref<1024x32xf32, #tpu.memory_space<vmem>>, vector<1x16xf32>,
        %get3A_1969 = vector.shape_cast %get3A_1968 : vector<1x16xf32> to vector<16xf32>
        %mul3A_1970 = vector.broadcast %squeeze3A_1954 : f32 to vector<16xf32>
        %mul3A_1971 = arith.mulf %get3A_1969, %mul3A_1970 : vector<16xf32>
        %add3A_1972 = arith.addf %add3A_1952, %mul3A_1971 : vector<16xf32>
        %slice3A_1973 = vector.extract_strided_slice %get3A_1852 {offsets = [6], sizes = [1], strides = [1]} : vector<16xf32> to vector<1xf32>
        %squeeze3A_1974 = vector.extract %slice3A_1973[0] : f32 from vector<1xf32>
        %add3A_1975 = arith.constant 6 : i32
        %add3A_1976 = arith.addi %add3A_1849, %add3A_1975 : i32
        %get3A_1977 = arith.index_cast %add3A_1976 : i32 to index
        %get3A_1978 = arith.constant 0 : index
        %get3A_1979 = tpu.vector_load %arg17[%get3A_1977, %get3A_1978] {strides = array<i32>} : memref<1024x32xf32, #tpu.memory_space<vmem>>, vector<1x16xf32>,
        %get3A_1980 = vector.shape_cast %get3A_1979 : vector<1x16xf32> to vector<16xf32>
        %mul3A_1981 = vector.broadcast %squeeze3A_1974 : f32 to vector<16xf32>
        %mul3A_1982 = arith.mulf %get3A_1980, %mul3A_1981 : vector<16xf32>
        %add3A_1983 = arith.addf %add3A_1963, %mul3A_1982 : vector<16xf32>
        %add3A_1984 = arith.constant 6 : i32
        %add3A_1985 = arith.addi %add3A_1849, %add3A_1984 : i32
        %get3A_1986 = arith.index_cast %add3A_1985 : i32 to index
        %get3A_1987 = arith.constant 16 : index
        %get3A_1988 = tpu.vector_load %arg17[%get3A_1986, %get3A_1987] {strides = array<i32>} : memref<1024x32xf32, #tpu.memory_space<vmem>>, vector<1x16xf32>,
        %get3A_1989 = vector.shape_cast %get3A_1988 : vector<1x16xf32> to vector<16xf32>
        %mul3A_1990 = vector.broadcast %squeeze3A_1974 : f32 to vector<16xf32>
        %mul3A_1991 = arith.mulf %get3A_1989, %mul3A_1990 : vector<16xf32>
        %add3A_1992 = arith.addf %add3A_1972, %mul3A_1991 : vector<16xf32>
        %slice3A_1993 = vector.extract_strided_slice %get3A_1852 {offsets = [7], sizes = [1], strides = [1]} : vector<16xf32> to vector<1xf32>
        %squeeze3A_1994 = vector.extract %slice3A_1993[0] : f32 from vector<1xf32>
        %add3A_1995 = arith.constant 7 : i32
        %add3A_1996 = arith.addi %add3A_1849, %add3A_1995 : i32
        %get3A_1997 = arith.index_cast %add3A_1996 : i32 to index
        %get3A_1998 = arith.constant 0 : index
        %get3A_1999 = tpu.vector_load %arg17[%get3A_1997, %get3A_1998] {strides = array<i32>} : memref<1024x32xf32, #tpu.memory_space<vmem>>, vector<1x16xf32>,
        %get3A_2000 = vector.shape_cast %get3A_1999 : vector<1x16xf32> to vector<16xf32>
        %mul3A_2001 = vector.broadcast %squeeze3A_1994 : f32 to vector<16xf32>
        %mul3A_2002 = arith.mulf %get3A_2000, %mul3A_2001 : vector<16xf32>
        %add3A_2003 = arith.addf %add3A_1983, %mul3A_2002 : vector<16xf32>
        %add3A_2004 = arith.constant 7 : i32
        %add3A_2005 = arith.addi %add3A_1849, %add3A_2004 : i32
        %get3A_2006 = arith.index_cast %add3A_2005 : i32 to index
        %get3A_2007 = arith.constant 16 : index
        %get3A_2008 = tpu.vector_load %arg17[%get3A_2006, %get3A_2007] {strides = array<i32>} : memref<1024x32xf32, #tpu.memory_space<vmem>>, vector<1x16xf32>,
        %get3A_2009 = vector.shape_cast %get3A_2008 : vector<1x16xf32> to vector<16xf32>
        %mul3A_2010 = vector.broadcast %squeeze3A_1994 : f32 to vector<16xf32>
        %mul3A_2011 = arith.mulf %get3A_2009, %mul3A_2010 : vector<16xf32>
        %add3A_2012 = arith.addf %add3A_1992, %mul3A_2011 : vector<16xf32>
        %slice3A_2013 = vector.extract_strided_slice %get3A_1852 {offsets = [8], sizes = [1], strides = [1]} : vector<16xf32> to vector<1xf32>
        %squeeze3A_2014 = vector.extract %slice3A_2013[0] : f32 from vector<1xf32>
        %add3A_2015 = arith.constant 8 : i32
        %add3A_2016 = arith.addi %add3A_1849, %add3A_2015 : i32
        %get3A_2017 = arith.index_cast %add3A_2016 : i32 to index
        %get3A_2018 = arith.constant 0 : index
        %get3A_2019 = tpu.vector_load %arg17[%get3A_2017, %get3A_2018] {strides = array<i32>} : memref<1024x32xf32, #tpu.memory_space<vmem>>, vector<1x16xf32>,
        %get3A_2020 = vector.shape_cast %get3A_2019 : vector<1x16xf32> to vector<16xf32>
        %mul3A_2021 = vector.broadcast %squeeze3A_2014 : f32 to vector<16xf32>
        %mul3A_2022 = arith.mulf %get3A_2020, %mul3A_2021 : vector<16xf32>
        %add3A_2023 = arith.addf %add3A_2003, %mul3A_2022 : vector<16xf32>
        %add3A_2024 = arith.constant 8 : i32
        %add3A_2025 = arith.addi %add3A_1849, %add3A_2024 : i32
        %get3A_2026 = arith.index_cast %add3A_2025 : i32 to index
        %get3A_2027 = arith.constant 16 : index
        %get3A_2028 = tpu.vector_load %arg17[%get3A_2026, %get3A_2027] {strides = array<i32>} : memref<1024x32xf32, #tpu.memory_space<vmem>>, vector<1x16xf32>,
        %get3A_2029 = vector.shape_cast %get3A_2028 : vector<1x16xf32> to vector<16xf32>
        %mul3A_2030 = vector.broadcast %squeeze3A_2014 : f32 to vector<16xf32>
        %mul3A_2031 = arith.mulf %get3A_2029, %mul3A_2030 : vector<16xf32>
        %add3A_2032 = arith.addf %add3A_2012, %mul3A_2031 : vector<16xf32>
        %slice3A_2033 = vector.extract_strided_slice %get3A_1852 {offsets = [9], sizes = [1], strides = [1]} : vector<16xf32> to vector<1xf32>
        %squeeze3A_2034 = vector.extract %slice3A_2033[0] : f32 from vector<1xf32>
        %add3A_2035 = arith.constant 9 : i32
        %add3A_2036 = arith.addi %add3A_1849, %add3A_2035 : i32
        %get3A_2037 = arith.index_cast %add3A_2036 : i32 to index
        %get3A_2038 = arith.constant 0 : index
        %get3A_2039 = tpu.vector_load %arg17[%get3A_2037, %get3A_2038] {strides = array<i32>} : memref<1024x32xf32, #tpu.memory_space<vmem>>, vector<1x16xf32>,
        %get3A_2040 = vector.shape_cast %get3A_2039 : vector<1x16xf32> to vector<16xf32>
        %mul3A_2041 = vector.broadcast %squeeze3A_2034 : f32 to vector<16xf32>
        %mul3A_2042 = arith.mulf %get3A_2040, %mul3A_2041 : vector<16xf32>
        %add3A_2043 = arith.addf %add3A_2023, %mul3A_2042 : vector<16xf32>
        %add3A_2044 = arith.constant 9 : i32
        %add3A_2045 = arith.addi %add3A_1849, %add3A_2044 : i32
        %get3A_2046 = arith.index_cast %add3A_2045 : i32 to index
        %get3A_2047 = arith.constant 16 : index
        %get3A_2048 = tpu.vector_load %arg17[%get3A_2046, %get3A_2047] {strides = array<i32>} : memref<1024x32xf32, #tpu.memory_space<vmem>>, vector<1x16xf32>,
        %get3A_2049 = vector.shape_cast %get3A_2048 : vector<1x16xf32> to vector<16xf32>
        %mul3A_2050 = vector.broadcast %squeeze3A_2034 : f32 to vector<16xf32>
        %mul3A_2051 = arith.mulf %get3A_2049, %mul3A_2050 : vector<16xf32>
        %add3A_2052 = arith.addf %add3A_2032, %mul3A_2051 : vector<16xf32>
        %slice3A_2053 = vector.extract_strided_slice %get3A_1852 {offsets = [10], sizes = [1], strides = [1]} : vector<16xf32> to vector<1xf32>
        %squeeze3A_2054 = vector.extract %slice3A_2053[0] : f32 from vector<1xf32>
        %add3A_2055 = arith.constant 10 : i32
        %add3A_2056 = arith.addi %add3A_1849, %add3A_2055 : i32
        %get3A_2057 = arith.index_cast %add3A_2056 : i32 to index
        %get3A_2058 = arith.constant 0 : index
        %get3A_2059 = tpu.vector_load %arg17[%get3A_2057, %get3A_2058] {strides = array<i32>} : memref<1024x32xf32, #tpu.memory_space<vmem>>, vector<1x16xf32>,
        %get3A_2060 = vector.shape_cast %get3A_2059 : vector<1x16xf32> to vector<16xf32>
        %mul3A_2061 = vector.broadcast %squeeze3A_2054 : f32 to vector<16xf32>
        %mul3A_2062 = arith.mulf %get3A_2060, %mul3A_2061 : vector<16xf32>
        %add3A_2063 = arith.addf %add3A_2043, %mul3A_2062 : vector<16xf32>
        %add3A_2064 = arith.constant 10 : i32
        %add3A_2065 = arith.addi %add3A_1849, %add3A_2064 : i32
        %get3A_2066 = arith.index_cast %add3A_2065 : i32 to index
        %get3A_2067 = arith.constant 16 : index
        %get3A_2068 = tpu.vector_load %arg17[%get3A_2066, %get3A_2067] {strides = array<i32>} : memref<1024x32xf32, #tpu.memory_space<vmem>>, vector<1x16xf32>,
        %get3A_2069 = vector.shape_cast %get3A_2068 : vector<1x16xf32> to vector<16xf32>
        %mul3A_2070 = vector.broadcast %squeeze3A_2054 : f32 to vector<16xf32>
        %mul3A_2071 = arith.mulf %get3A_2069, %mul3A_2070 : vector<16xf32>
        %add3A_2072 = arith.addf %add3A_2052, %mul3A_2071 : vector<16xf32>
        %slice3A_2073 = vector.extract_strided_slice %get3A_1852 {offsets = [11], sizes = [1], strides = [1]} : vector<16xf32> to vector<1xf32>
        %squeeze3A_2074 = vector.extract %slice3A_2073[0] : f32 from vector<1xf32>
        %add3A_2075 = arith.constant 11 : i32
        %add3A_2076 = arith.addi %add3A_1849, %add3A_2075 : i32
        %get3A_2077 = arith.index_cast %add3A_2076 : i32 to index
        %get3A_2078 = arith.constant 0 : index
        %get3A_2079 = tpu.vector_load %arg17[%get3A_2077, %get3A_2078] {strides = array<i32>} : memref<1024x32xf32, #tpu.memory_space<vmem>>, vector<1x16xf32>,
        %get3A_2080 = vector.shape_cast %get3A_2079 : vector<1x16xf32> to vector<16xf32>
        %mul3A_2081 = vector.broadcast %squeeze3A_2074 : f32 to vector<16xf32>
        %mul3A_2082 = arith.mulf %get3A_2080, %mul3A_2081 : vector<16xf32>
        %add3A_2083 = arith.addf %add3A_2063, %mul3A_2082 : vector<16xf32>
        %add3A_2084 = arith.constant 11 : i32
        %add3A_2085 = arith.addi %add3A_1849, %add3A_2084 : i32
        %get3A_2086 = arith.index_cast %add3A_2085 : i32 to index
        %get3A_2087 = arith.constant 16 : index
        %get3A_2088 = tpu.vector_load %arg17[%get3A_2086, %get3A_2087] {strides = array<i32>} : memref<1024x32xf32, #tpu.memory_space<vmem>>, vector<1x16xf32>,
        %get3A_2089 = vector.shape_cast %get3A_2088 : vector<1x16xf32> to vector<16xf32>
        %mul3A_2090 = vector.broadcast %squeeze3A_2074 : f32 to vector<16xf32>
        %mul3A_2091 = arith.mulf %get3A_2089, %mul3A_2090 : vector<16xf32>
        %add3A_2092 = arith.addf %add3A_2072, %mul3A_2091 : vector<16xf32>
        %slice3A_2093 = vector.extract_strided_slice %get3A_1852 {offsets = [12], sizes = [1], strides = [1]} : vector<16xf32> to vector<1xf32>
        %squeeze3A_2094 = vector.extract %slice3A_2093[0] : f32 from vector<1xf32>
        %add3A_2095 = arith.constant 12 : i32
        %add3A_2096 = arith.addi %add3A_1849, %add3A_2095 : i32
        %get3A_2097 = arith.index_cast %add3A_2096 : i32 to index
        %get3A_2098 = arith.constant 0 : index
        %get3A_2099 = tpu.vector_load %arg17[%get3A_2097, %get3A_2098] {strides = array<i32>} : memref<1024x32xf32, #tpu.memory_space<vmem>>, vector<1x16xf32>,
        %get3A_2100 = vector.shape_cast %get3A_2099 : vector<1x16xf32> to vector<16xf32>
        %mul3A_2101 = vector.broadcast %squeeze3A_2094 : f32 to vector<16xf32>
        %mul3A_2102 = arith.mulf %get3A_2100, %mul3A_2101 : vector<16xf32>
        %add3A_2103 = arith.addf %add3A_2083, %mul3A_2102 : vector<16xf32>
        %add3A_2104 = arith.constant 12 : i32
        %add3A_2105 = arith.addi %add3A_1849, %add3A_2104 : i32
        %get3A_2106 = arith.index_cast %add3A_2105 : i32 to index
        %get3A_2107 = arith.constant 16 : index
        %get3A_2108 = tpu.vector_load %arg17[%get3A_2106, %get3A_2107] {strides = array<i32>} : memref<1024x32xf32, #tpu.memory_space<vmem>>, vector<1x16xf32>,
        %get3A_2109 = vector.shape_cast %get3A_2108 : vector<1x16xf32> to vector<16xf32>
        %mul3A_2110 = vector.broadcast %squeeze3A_2094 : f32 to vector<16xf32>
        %mul3A_2111 = arith.mulf %get3A_2109, %mul3A_2110 : vector<16xf32>
        %add3A_2112 = arith.addf %add3A_2092, %mul3A_2111 : vector<16xf32>
        %slice3A_2113 = vector.extract_strided_slice %get3A_1852 {offsets = [13], sizes = [1], strides = [1]} : vector<16xf32> to vector<1xf32>
        %squeeze3A_2114 = vector.extract %slice3A_2113[0] : f32 from vector<1xf32>
        %add3A_2115 = arith.constant 13 : i32
        %add3A_2116 = arith.addi %add3A_1849, %add3A_2115 : i32
        %get3A_2117 = arith.index_cast %add3A_2116 : i32 to index
        %get3A_2118 = arith.constant 0 : index
        %get3A_2119 = tpu.vector_load %arg17[%get3A_2117, %get3A_2118] {strides = array<i32>} : memref<1024x32xf32, #tpu.memory_space<vmem>>, vector<1x16xf32>,
        %get3A_2120 = vector.shape_cast %get3A_2119 : vector<1x16xf32> to vector<16xf32>
        %mul3A_2121 = vector.broadcast %squeeze3A_2114 : f32 to vector<16xf32>
        %mul3A_2122 = arith.mulf %get3A_2120, %mul3A_2121 : vector<16xf32>
        %add3A_2123 = arith.addf %add3A_2103, %mul3A_2122 : vector<16xf32>
        %add3A_2124 = arith.constant 13 : i32
        %add3A_2125 = arith.addi %add3A_1849, %add3A_2124 : i32
        %get3A_2126 = arith.index_cast %add3A_2125 : i32 to index
        %get3A_2127 = arith.constant 16 : index
        %get3A_2128 = tpu.vector_load %arg17[%get3A_2126, %get3A_2127] {strides = array<i32>} : memref<1024x32xf32, #tpu.memory_space<vmem>>, vector<1x16xf32>,
        %get3A_2129 = vector.shape_cast %get3A_2128 : vector<1x16xf32> to vector<16xf32>
        %mul3A_2130 = vector.broadcast %squeeze3A_2114 : f32 to vector<16xf32>
        %mul3A_2131 = arith.mulf %get3A_2129, %mul3A_2130 : vector<16xf32>
        %add3A_2132 = arith.addf %add3A_2112, %mul3A_2131 : vector<16xf32>
        %slice3A_2133 = vector.extract_strided_slice %get3A_1852 {offsets = [14], sizes = [1], strides = [1]} : vector<16xf32> to vector<1xf32>
        %squeeze3A_2134 = vector.extract %slice3A_2133[0] : f32 from vector<1xf32>
        %add3A_2135 = arith.constant 14 : i32
        %add3A_2136 = arith.addi %add3A_1849, %add3A_2135 : i32
        %get3A_2137 = arith.index_cast %add3A_2136 : i32 to index
        %get3A_2138 = arith.constant 0 : index
        %get3A_2139 = tpu.vector_load %arg17[%get3A_2137, %get3A_2138] {strides = array<i32>} : memref<1024x32xf32, #tpu.memory_space<vmem>>, vector<1x16xf32>,
        %get3A_2140 = vector.shape_cast %get3A_2139 : vector<1x16xf32> to vector<16xf32>
        %mul3A_2141 = vector.broadcast %squeeze3A_2134 : f32 to vector<16xf32>
        %mul3A_2142 = arith.mulf %get3A_2140, %mul3A_2141 : vector<16xf32>
        %add3A_2143 = arith.addf %add3A_2123, %mul3A_2142 : vector<16xf32>
        %add3A_2144 = arith.constant 14 : i32
        %add3A_2145 = arith.addi %add3A_1849, %add3A_2144 : i32
        %get3A_2146 = arith.index_cast %add3A_2145 : i32 to index
        %get3A_2147 = arith.constant 16 : index
        %get3A_2148 = tpu.vector_load %arg17[%get3A_2146, %get3A_2147] {strides = array<i32>} : memref<1024x32xf32, #tpu.memory_space<vmem>>, vector<1x16xf32>,
        %get3A_2149 = vector.shape_cast %get3A_2148 : vector<1x16xf32> to vector<16xf32>
        %mul3A_2150 = vector.broadcast %squeeze3A_2134 : f32 to vector<16xf32>
        %mul3A_2151 = arith.mulf %get3A_2149, %mul3A_2150 : vector<16xf32>
        %add3A_2152 = arith.addf %add3A_2132, %mul3A_2151 : vector<16xf32>
        %slice3A_2153 = vector.extract_strided_slice %get3A_1852 {offsets = [15], sizes = [1], strides = [1]} : vector<16xf32> to vector<1xf32>
        %squeeze3A_2154 = vector.extract %slice3A_2153[0] : f32 from vector<1xf32>
        %add3A_2155 = arith.constant 15 : i32
        %add3A_2156 = arith.addi %add3A_1849, %add3A_2155 : i32
        %get3A_2157 = arith.index_cast %add3A_2156 : i32 to index
        %get3A_2158 = arith.constant 0 : index
        %get3A_2159 = tpu.vector_load %arg17[%get3A_2157, %get3A_2158] {strides = array<i32>} : memref<1024x32xf32, #tpu.memory_space<vmem>>, vector<1x16xf32>,
        %get3A_2160 = vector.shape_cast %get3A_2159 : vector<1x16xf32> to vector<16xf32>
        %mul3A_2161 = vector.broadcast %squeeze3A_2154 : f32 to vector<16xf32>
        %mul3A_2162 = arith.mulf %get3A_2160, %mul3A_2161 : vector<16xf32>
        %add3A_2163 = arith.addf %add3A_2143, %mul3A_2162 : vector<16xf32>
        %add3A_2164 = arith.constant 15 : i32
        %add3A_2165 = arith.addi %add3A_1849, %add3A_2164 : i32
        %get3A_2166 = arith.index_cast %add3A_2165 : i32 to index
        %get3A_2167 = arith.constant 16 : index
        %get3A_2168 = tpu.vector_load %arg17[%get3A_2166, %get3A_2167] {strides = array<i32>} : memref<1024x32xf32, #tpu.memory_space<vmem>>, vector<1x16xf32>,
        %get3A_2169 = vector.shape_cast %get3A_2168 : vector<1x16xf32> to vector<16xf32>
        %mul3A_2170 = vector.broadcast %squeeze3A_2154 : f32 to vector<16xf32>
        %mul3A_2171 = arith.mulf %get3A_2169, %mul3A_2170 : vector<16xf32>
        %add3A_2172 = arith.addf %add3A_2152, %mul3A_2171 : vector<16xf32>
        %mul3A_2173 = arith.constant 32 : i32
        %mul3A_2174 = arith.muli %scan3A_864, %mul3A_2173 : i32
        %swap3A = arith.constant 0 : i32
        %swap3A_2175 = arith.index_cast %swap3A : i32 to index
        %swap3A_2176 = arith.index_cast %mul3A_2174 : i32 to index
        %swap3A_2177 = tpu.vector_load %arg19[%swap3A_2175, %swap3A_2176] {strides = array<i32>} : memref<1x512xf32, #tpu.memory_space<vmem>>, vector<1x16xf32>,
        %swap3A_2178 = vector.shape_cast %swap3A_2177 : vector<1x16xf32> to vector<16xf32>
        %swap3A_2179 = vector.shape_cast %add3A_2163 : vector<16xf32> to vector<1x16xf32>
        tpu.vector_store %arg19[%swap3A_2175, %swap3A_2176], %swap3A_2179 {strides = array<i32>} : memref<1x512xf32, #tpu.memory_space<vmem>>, vector<1x16xf32>,
        %mul3A_2180 = arith.constant 32 : i32
        %mul3A_2181 = arith.muli %scan3A_864, %mul3A_2180 : i32
        %add3A_2182 = arith.constant 16 : i32
        %add3A_2183 = arith.addi %mul3A_2181, %add3A_2182 : i32
        %swap3A_2184 = arith.constant 0 : i32
        %swap3A_2185 = arith.index_cast %swap3A_2184 : i32 to index
        %swap3A_2186 = arith.index_cast %add3A_2183 : i32 to index
        %swap3A_2187 = tpu.vector_load %arg19[%swap3A_2185, %swap3A_2186] {strides = array<i32>} : memref<1x512xf32, #tpu.memory_space<vmem>>, vector<1x16xf32>,
        %swap3A_2188 = vector.shape_cast %swap3A_2187 : vector<1x16xf32> to vector<16xf32>
        %swap3A_2189 = vector.shape_cast %add3A_2172 : vector<16xf32> to vector<1x16xf32>
        tpu.vector_store %arg19[%swap3A_2185, %swap3A_2186], %swap3A_2189 {strides = array<i32>} : memref<1x512xf32, #tpu.memory_space<vmem>>, vector<1x16xf32>,
      }
      %scan3A_727 = arith.constant 16 : i32
      %jit3A_728 = arith.constant 16 : i32
      %div3A_729 = arith.divsi %multiple_of3A_721, %jit3A_728 : i32
      %sign3A_730 = arith.constant 0 : i32
      %sign3A_731 = arith.cmpi sgt, %multiple_of3A_721, %sign3A_730 : i32
      %sign3A_732 = arith.extui %sign3A_731 : i1 to i32
      %sign3A_733 = arith.constant 0 : i32
      %sign3A_734 = arith.cmpi slt, %multiple_of3A_721, %sign3A_733 : i32
      %sign3A_735 = arith.extui %sign3A_734 : i1 to i32
      %sign3A_736 = arith.subi %sign3A_732, %sign3A_735 : i32
      %sign3A_737 = arith.constant 0 : i32
      %sign3A_738 = arith.cmpi sgt, %jit3A_728, %sign3A_737 : i32
      %sign3A_739 = arith.extui %sign3A_738 : i1 to i32
      %sign3A_740 = arith.constant 0 : i32
      %sign3A_741 = arith.cmpi slt, %jit3A_728, %sign3A_740 : i32
      %sign3A_742 = arith.extui %sign3A_741 : i1 to i32
      %sign3A_743 = arith.subi %sign3A_739, %sign3A_742 : i32
      %ne3A_744 = arith.cmpi ne, %sign3A_736, %sign3A_743 : i32
      %rem3A_745 = arith.remsi %multiple_of3A_721, %jit3A_728 : i32
      %ne3A_746 = arith.constant 0 : i32
      %ne3A_747 = arith.cmpi ne, %rem3A_745, %ne3A_746 : i32
      %and3A_748 = arith.andi %ne3A_744, %ne3A_747 : i1
      %sub3A_749 = arith.constant 1 : i32
      %sub3A_750 = arith.subi %div3A_729, %sub3A_749 : i32
      %select_n3A_751 = arith.select %and3A_748, %sub3A_750, %div3A_729 : i32
      "tpu.region"() ({
        %run_scoped3A = tpu.sem_alloc : memref<!tpu.dma_semaphore, #tpu.memory_space<semaphore_mem>>
        %dma_start3A_864 = arith.constant 0 : i32
        %dma_start3A_865 = tpu.memref_slice %arg11[%select_n3A_751, %dma_start3A_864] : memref<10880x512xf32, #tpu.memory_space<hbm>> -> memref<1x512xf32, #tpu.memory_space<hbm>>
        %dma_start3A_866 = arith.constant 0 : i32
        %dma_start3A_867 = tpu.memref_slice %arg11[%select_n3A_751, %dma_start3A_866] : memref<10880x512xf32, #tpu.memory_space<hbm>> -> memref<1x512xf32, #tpu.memory_space<hbm>>
        tpu.enqueue_dma source(%arg19 : memref<1x512xf32, #tpu.memory_space<vmem>>) target(%dma_start3A_867 : memref<1x512xf32, #tpu.memory_space<hbm>>) target_semaphore(%run_scoped3A : memref<!tpu.dma_semaphore, #tpu.memory_space<semaphore_mem>>)
        %dma_wait3A_868 = arith.constant 0 : i32
        %dma_wait3A_869 = tpu.memref_slice %arg11[%select_n3A_751, %dma_wait3A_868] : memref<10880x512xf32, #tpu.memory_space<hbm>> -> memref<1x512xf32, #tpu.memory_space<hbm>>
        %dma_wait3A_870 = arith.constant 0 : i32
        %dma_wait3A_871 = tpu.memref_slice %arg11[%select_n3A_751, %dma_wait3A_870] : memref<10880x512xf32, #tpu.memory_space<hbm>> -> memref<1x512xf32, #tpu.memory_space<hbm>>
        tpu.wait_dma2 semaphore(%run_scoped3A : memref<!tpu.dma_semaphore, #tpu.memory_space<semaphore_mem>>) src(%arg19 : memref<1x512xf32, #tpu.memory_space<vmem>>) dst(%dma_wait3A_871 : memref<1x512xf32, #tpu.memory_space<hbm>>)
        tpu.yield
      }) : () -> ()
      %dma_wait3A_752 = arith.constant 0 : i32
      %dma_wait3A_753 = tpu.memref_slice %arg12[%dma_wait3A_752] : memref<1024xi32, #tpu.memory_space<vmem>> -> memref<256xi32, #tpu.memory_space<vmem>>
      %dma_wait3A_754 = tpu.memref_slice %arg2[%multiple_of3A_669] : memref<2785280xi32, #tpu.memory_space<hbm>> -> memref<256xi32, #tpu.memory_space<hbm>>
      %dma_wait3A_755 = arith.constant 0 : i32
      %dma_wait3A_756 = tpu.memref_slice %arg12[%dma_wait3A_755] : memref<1024xi32, #tpu.memory_space<vmem>> -> memref<256xi32, #tpu.memory_space<vmem>>
      %dma_wait3A_757 = tpu.memref_slice %arg2[%multiple_of3A_669] : memref<2785280xi32, #tpu.memory_space<hbm>> -> memref<256xi32, #tpu.memory_space<hbm>>
      tpu.wait_dma2 semaphore(%arg20 : memref<!tpu.dma_semaphore, #tpu.memory_space<semaphore_mem>>) src(%dma_wait3A_757 : memref<256xi32, #tpu.memory_space<hbm>>) dst(%dma_wait3A_756 : memref<256xi32, #tpu.memory_space<vmem>>)
      %dma_wait3A_758 = arith.constant 0 : i32
      %dma_wait3A_759 = tpu.memref_slice %arg14[%dma_wait3A_758] : memref<1024xf32, #tpu.memory_space<vmem>> -> memref<256xf32, #tpu.memory_space<vmem>>
      %dma_wait3A_760 = tpu.memref_slice %arg6[%multiple_of3A_669] : memref<2785280xf32, #tpu.memory_space<hbm>> -> memref<256xf32, #tpu.memory_space<hbm>>
      %dma_wait3A_761 = arith.constant 0 : i32
      %dma_wait3A_762 = tpu.memref_slice %arg14[%dma_wait3A_761] : memref<1024xf32, #tpu.memory_space<vmem>> -> memref<256xf32, #tpu.memory_space<vmem>>
      %dma_wait3A_763 = tpu.memref_slice %arg6[%multiple_of3A_669] : memref<2785280xf32, #tpu.memory_space<hbm>> -> memref<256xf32, #tpu.memory_space<hbm>>
      tpu.wait_dma2 semaphore(%arg20 : memref<!tpu.dma_semaphore, #tpu.memory_space<semaphore_mem>>) src(%dma_wait3A_763 : memref<256xf32, #tpu.memory_space<hbm>>) dst(%dma_wait3A_762 : memref<256xf32, #tpu.memory_space<vmem>>)
      %dma_wait3A_764 = arith.constant 256 : i32
      %dma_wait3A_765 = tpu.memref_slice %arg12[%dma_wait3A_764] : memref<1024xi32, #tpu.memory_space<vmem>> -> memref<256xi32, #tpu.memory_space<vmem>>
      %dma_wait3A_766 = tpu.memref_slice %arg3[%multiple_of3A_669] : memref<2785280xi32, #tpu.memory_space<hbm>> -> memref<256xi32, #tpu.memory_space<hbm>>
      %dma_wait3A_767 = arith.constant 256 : i32
      %dma_wait3A_768 = tpu.memref_slice %arg12[%dma_wait3A_767] : memref<1024xi32, #tpu.memory_space<vmem>> -> memref<256xi32, #tpu.memory_space<vmem>>
      %dma_wait3A_769 = tpu.memref_slice %arg3[%multiple_of3A_669] : memref<2785280xi32, #tpu.memory_space<hbm>> -> memref<256xi32, #tpu.memory_space<hbm>>
      tpu.wait_dma2 semaphore(%arg20 : memref<!tpu.dma_semaphore, #tpu.memory_space<semaphore_mem>>) src(%dma_wait3A_769 : memref<256xi32, #tpu.memory_space<hbm>>) dst(%dma_wait3A_768 : memref<256xi32, #tpu.memory_space<vmem>>)
      %dma_wait3A_770 = arith.constant 256 : i32
      %dma_wait3A_771 = tpu.memref_slice %arg14[%dma_wait3A_770] : memref<1024xf32, #tpu.memory_space<vmem>> -> memref<256xf32, #tpu.memory_space<vmem>>
      %dma_wait3A_772 = tpu.memref_slice %arg7[%multiple_of3A_669] : memref<2785280xf32, #tpu.memory_space<hbm>> -> memref<256xf32, #tpu.memory_space<hbm>>
      %dma_wait3A_773 = arith.constant 256 : i32
      %dma_wait3A_774 = tpu.memref_slice %arg14[%dma_wait3A_773] : memref<1024xf32, #tpu.memory_space<vmem>> -> memref<256xf32, #tpu.memory_space<vmem>>
      %dma_wait3A_775 = tpu.memref_slice %arg7[%multiple_of3A_669] : memref<2785280xf32, #tpu.memory_space<hbm>> -> memref<256xf32, #tpu.memory_space<hbm>>
      tpu.wait_dma2 semaphore(%arg20 : memref<!tpu.dma_semaphore, #tpu.memory_space<semaphore_mem>>) src(%dma_wait3A_775 : memref<256xf32, #tpu.memory_space<hbm>>) dst(%dma_wait3A_774 : memref<256xf32, #tpu.memory_space<vmem>>)
      %dma_wait3A_776 = arith.constant 512 : i32
      %dma_wait3A_777 = tpu.memref_slice %arg12[%dma_wait3A_776] : memref<1024xi32, #tpu.memory_space<vmem>> -> memref<256xi32, #tpu.memory_space<vmem>>
      %dma_wait3A_778 = tpu.memref_slice %arg4[%multiple_of3A_669] : memref<2785280xi32, #tpu.memory_space<hbm>> -> memref<256xi32, #tpu.memory_space<hbm>>
      %dma_wait3A_779 = arith.constant 512 : i32
      %dma_wait3A_780 = tpu.memref_slice %arg12[%dma_wait3A_779] : memref<1024xi32, #tpu.memory_space<vmem>> -> memref<256xi32, #tpu.memory_space<vmem>>
      %dma_wait3A_781 = tpu.memref_slice %arg4[%multiple_of3A_669] : memref<2785280xi32, #tpu.memory_space<hbm>> -> memref<256xi32, #tpu.memory_space<hbm>>
      tpu.wait_dma2 semaphore(%arg20 : memref<!tpu.dma_semaphore, #tpu.memory_space<semaphore_mem>>) src(%dma_wait3A_781 : memref<256xi32, #tpu.memory_space<hbm>>) dst(%dma_wait3A_780 : memref<256xi32, #tpu.memory_space<vmem>>)
      %dma_wait3A_782 = arith.constant 512 : i32
      %dma_wait3A_783 = tpu.memref_slice %arg14[%dma_wait3A_782] : memref<1024xf32, #tpu.memory_space<vmem>> -> memref<256xf32, #tpu.memory_space<vmem>>
      %dma_wait3A_784 = tpu.memref_slice %arg8[%multiple_of3A_669] : memref<2785280xf32, #tpu.memory_space<hbm>> -> memref<256xf32, #tpu.memory_space<hbm>>
      %dma_wait3A_785 = arith.constant 512 : i32
      %dma_wait3A_786 = tpu.memref_slice %arg14[%dma_wait3A_785] : memref<1024xf32, #tpu.memory_space<vmem>> -> memref<256xf32, #tpu.memory_space<vmem>>
      %dma_wait3A_787 = tpu.memref_slice %arg8[%multiple_of3A_669] : memref<2785280xf32, #tpu.memory_space<hbm>> -> memref<256xf32, #tpu.memory_space<hbm>>
      tpu.wait_dma2 semaphore(%arg20 : memref<!tpu.dma_semaphore, #tpu.memory_space<semaphore_mem>>) src(%dma_wait3A_787 : memref<256xf32, #tpu.memory_space<hbm>>) dst(%dma_wait3A_786 : memref<256xf32, #tpu.memory_space<vmem>>)
      %dma_wait3A_788 = arith.constant 768 : i32
      %dma_wait3A_789 = tpu.memref_slice %arg12[%dma_wait3A_788] : memref<1024xi32, #tpu.memory_space<vmem>> -> memref<256xi32, #tpu.memory_space<vmem>>
      %dma_wait3A_790 = tpu.memref_slice %arg5[%multiple_of3A_669] : memref<2785280xi32, #tpu.memory_space<hbm>> -> memref<256xi32, #tpu.memory_space<hbm>>
      %dma_wait3A_791 = arith.constant 768 : i32
      %dma_wait3A_792 = tpu.memref_slice %arg12[%dma_wait3A_791] : memref<1024xi32, #tpu.memory_space<vmem>> -> memref<256xi32, #tpu.memory_space<vmem>>
      %dma_wait3A_793 = tpu.memref_slice %arg5[%multiple_of3A_669] : memref<2785280xi32, #tpu.memory_space<hbm>> -> memref<256xi32, #tpu.memory_space<hbm>>
      tpu.wait_dma2 semaphore(%arg20 : memref<!tpu.dma_semaphore, #tpu.memory_space<semaphore_mem>>) src(%dma_wait3A_793 : memref<256xi32, #tpu.memory_space<hbm>>) dst(%dma_wait3A_792 : memref<256xi32, #tpu.memory_space<vmem>>)
      %dma_wait3A_794 = arith.constant 768 : i32
      %dma_wait3A_795 = tpu.memref_slice %arg14[%dma_wait3A_794] : memref<1024xf32, #tpu.memory_space<vmem>> -> memref<256xf32, #tpu.memory_space<vmem>>
      %dma_wait3A_796 = tpu.memref_slice %arg9[%multiple_of3A_669] : memref<2785280xf32, #tpu.memory_space<hbm>> -> memref<256xf32, #tpu.memory_space<hbm>>
      %dma_wait3A_797 = arith.constant 768 : i32
      %dma_wait3A_798 = tpu.memref_slice %arg14[%dma_wait3A_797] : memref<1024xf32, #tpu.memory_space<vmem>> -> memref<256xf32, #tpu.memory_space<vmem>>
      %dma_wait3A_799 = tpu.memref_slice %arg9[%multiple_of3A_669] : memref<2785280xf32, #tpu.memory_space<hbm>> -> memref<256xf32, #tpu.memory_space<hbm>>
      tpu.wait_dma2 semaphore(%arg20 : memref<!tpu.dma_semaphore, #tpu.memory_space<semaphore_mem>>) src(%dma_wait3A_799 : memref<256xf32, #tpu.memory_space<hbm>>) dst(%dma_wait3A_798 : memref<256xf32, #tpu.memory_space<vmem>>)
      %dma_start3A_800 = arith.constant 0 : i32
      %dma_start3A_801 = arith.constant 0 : i32
      %dma_start3A_802 = tpu.memref_slice %arg16[%dma_start3A_800, %dma_start3A_801] : memref<1024x32xf32, #tpu.memory_space<vmem>> -> memref<128x32xf32, #tpu.memory_space<vmem>>
      %dma_start3A_803 = arith.constant 0 : i32
      %dma_start3A_804 = tpu.memref_slice %arg12[%dma_start3A_803] : memref<1024xi32, #tpu.memory_space<vmem>> -> memref<128xi32, #tpu.memory_space<vmem>>
      %dma_start3A_805 = arith.constant 0 : i32
      %dma_start3A_806 = arith.constant 0 : i32
      %dma_start3A_807 = tpu.memref_slice %arg10[%dma_start3A_805, %dma_start3A_806] : memref<174080x32xf32, #tpu.memory_space<hbm>> -> memref<174080x32xf32, #tpu.memory_space<hbm>>
      tpu.enqueue_indirect_dma source(%dma_start3A_807 : memref<174080x32xf32, #tpu.memory_space<hbm>>) target(%dma_start3A_802 : memref<128x32xf32, #tpu.memory_space<vmem>>) offsets(%dma_start3A_804 : memref<128xi32, #tpu.memory_space<vmem>>) semaphore(%arg22 : memref<!tpu.dma_semaphore, #tpu.memory_space<semaphore_mem>>)
      %dma_start3A_808 = arith.constant 128 : i32
      %dma_start3A_809 = arith.constant 0 : i32
      %dma_start3A_810 = tpu.memref_slice %arg16[%dma_start3A_808, %dma_start3A_809] : memref<1024x32xf32, #tpu.memory_space<vmem>> -> memref<128x32xf32, #tpu.memory_space<vmem>>
      %dma_start3A_811 = arith.constant 128 : i32
      %dma_start3A_812 = tpu.memref_slice %arg12[%dma_start3A_811] : memref<1024xi32, #tpu.memory_space<vmem>> -> memref<128xi32, #tpu.memory_space<vmem>>
      %dma_start3A_813 = arith.constant 0 : i32
      %dma_start3A_814 = arith.constant 0 : i32
      %dma_start3A_815 = tpu.memref_slice %arg10[%dma_start3A_813, %dma_start3A_814] : memref<174080x32xf32, #tpu.memory_space<hbm>> -> memref<174080x32xf32, #tpu.memory_space<hbm>>
      tpu.enqueue_indirect_dma source(%dma_start3A_815 : memref<174080x32xf32, #tpu.memory_space<hbm>>) target(%dma_start3A_810 : memref<128x32xf32, #tpu.memory_space<vmem>>) offsets(%dma_start3A_812 : memref<128xi32, #tpu.memory_space<vmem>>) semaphore(%arg22 : memref<!tpu.dma_semaphore, #tpu.memory_space<semaphore_mem>>)
      %dma_start3A_816 = arith.constant 256 : i32
      %dma_start3A_817 = arith.constant 0 : i32
      %dma_start3A_818 = tpu.memref_slice %arg16[%dma_start3A_816, %dma_start3A_817] : memref<1024x32xf32, #tpu.memory_space<vmem>> -> memref<128x32xf32, #tpu.memory_space<vmem>>
      %dma_start3A_819 = arith.constant 256 : i32
      %dma_start3A_820 = tpu.memref_slice %arg12[%dma_start3A_819] : memref<1024xi32, #tpu.memory_space<vmem>> -> memref<128xi32, #tpu.memory_space<vmem>>
      %dma_start3A_821 = arith.constant 0 : i32
      %dma_start3A_822 = arith.constant 0 : i32
      %dma_start3A_823 = tpu.memref_slice %arg10[%dma_start3A_821, %dma_start3A_822] : memref<174080x32xf32, #tpu.memory_space<hbm>> -> memref<174080x32xf32, #tpu.memory_space<hbm>>
      tpu.enqueue_indirect_dma source(%dma_start3A_823 : memref<174080x32xf32, #tpu.memory_space<hbm>>) target(%dma_start3A_818 : memref<128x32xf32, #tpu.memory_space<vmem>>) offsets(%dma_start3A_820 : memref<128xi32, #tpu.memory_space<vmem>>) semaphore(%arg22 : memref<!tpu.dma_semaphore, #tpu.memory_space<semaphore_mem>>)
      %dma_start3A_824 = arith.constant 384 : i32
      %dma_start3A_825 = arith.constant 0 : i32
      %dma_start3A_826 = tpu.memref_slice %arg16[%dma_start3A_824, %dma_start3A_825] : memref<1024x32xf32, #tpu.memory_space<vmem>> -> memref<128x32xf32, #tpu.memory_space<vmem>>
      %dma_start3A_827 = arith.constant 384 : i32
      %dma_start3A_828 = tpu.memref_slice %arg12[%dma_start3A_827] : memref<1024xi32, #tpu.memory_space<vmem>> -> memref<128xi32, #tpu.memory_space<vmem>>
      %dma_start3A_829 = arith.constant 0 : i32
      %dma_start3A_830 = arith.constant 0 : i32
      %dma_start3A_831 = tpu.memref_slice %arg10[%dma_start3A_829, %dma_start3A_830] : memref<174080x32xf32, #tpu.memory_space<hbm>> -> memref<174080x32xf32, #tpu.memory_space<hbm>>
      tpu.enqueue_indirect_dma source(%dma_start3A_831 : memref<174080x32xf32, #tpu.memory_space<hbm>>) target(%dma_start3A_826 : memref<128x32xf32, #tpu.memory_space<vmem>>) offsets(%dma_start3A_828 : memref<128xi32, #tpu.memory_space<vmem>>) semaphore(%arg22 : memref<!tpu.dma_semaphore, #tpu.memory_space<semaphore_mem>>)
      %dma_start3A_832 = arith.constant 512 : i32
      %dma_start3A_833 = arith.constant 0 : i32
      %dma_start3A_834 = tpu.memref_slice %arg16[%dma_start3A_832, %dma_start3A_833] : memref<1024x32xf32, #tpu.memory_space<vmem>> -> memref<128x32xf32, #tpu.memory_space<vmem>>
      %dma_start3A_835 = arith.constant 512 : i32
      %dma_start3A_836 = tpu.memref_slice %arg12[%dma_start3A_835] : memref<1024xi32, #tpu.memory_space<vmem>> -> memref<128xi32, #tpu.memory_space<vmem>>
      %dma_start3A_837 = arith.constant 0 : i32
      %dma_start3A_838 = arith.constant 0 : i32
      %dma_start3A_839 = tpu.memref_slice %arg10[%dma_start3A_837, %dma_start3A_838] : memref<174080x32xf32, #tpu.memory_space<hbm>> -> memref<174080x32xf32, #tpu.memory_space<hbm>>
      tpu.enqueue_indirect_dma source(%dma_start3A_839 : memref<174080x32xf32, #tpu.memory_space<hbm>>) target(%dma_start3A_834 : memref<128x32xf32, #tpu.memory_space<vmem>>) offsets(%dma_start3A_836 : memref<128xi32, #tpu.memory_space<vmem>>) semaphore(%arg22 : memref<!tpu.dma_semaphore, #tpu.memory_space<semaphore_mem>>)
      %dma_start3A_840 = arith.constant 640 : i32
      %dma_start3A_841 = arith.constant 0 : i32
      %dma_start3A_842 = tpu.memref_slice %arg16[%dma_start3A_840, %dma_start3A_841] : memref<1024x32xf32, #tpu.memory_space<vmem>> -> memref<128x32xf32, #tpu.memory_space<vmem>>
      %dma_start3A_843 = arith.constant 640 : i32
      %dma_start3A_844 = tpu.memref_slice %arg12[%dma_start3A_843] : memref<1024xi32, #tpu.memory_space<vmem>> -> memref<128xi32, #tpu.memory_space<vmem>>
      %dma_start3A_845 = arith.constant 0 : i32
      %dma_start3A_846 = arith.constant 0 : i32
      %dma_start3A_847 = tpu.memref_slice %arg10[%dma_start3A_845, %dma_start3A_846] : memref<174080x32xf32, #tpu.memory_space<hbm>> -> memref<174080x32xf32, #tpu.memory_space<hbm>>
      tpu.enqueue_indirect_dma source(%dma_start3A_847 : memref<174080x32xf32, #tpu.memory_space<hbm>>) target(%dma_start3A_842 : memref<128x32xf32, #tpu.memory_space<vmem>>) offsets(%dma_start3A_844 : memref<128xi32, #tpu.memory_space<vmem>>) semaphore(%arg22 : memref<!tpu.dma_semaphore, #tpu.memory_space<semaphore_mem>>)
      %dma_start3A_848 = arith.constant 768 : i32
      %dma_start3A_849 = arith.constant 0 : i32
      %dma_start3A_850 = tpu.memref_slice %arg16[%dma_start3A_848, %dma_start3A_849] : memref<1024x32xf32, #tpu.memory_space<vmem>> -> memref<128x32xf32, #tpu.memory_space<vmem>>
      %dma_start3A_851 = arith.constant 768 : i32
      %dma_start3A_852 = tpu.memref_slice %arg12[%dma_start3A_851] : memref<1024xi32, #tpu.memory_space<vmem>> -> memref<128xi32, #tpu.memory_space<vmem>>
      %dma_start3A_853 = arith.constant 0 : i32
      %dma_start3A_854 = arith.constant 0 : i32
      %dma_start3A_855 = tpu.memref_slice %arg10[%dma_start3A_853, %dma_start3A_854] : memref<174080x32xf32, #tpu.memory_space<hbm>> -> memref<174080x32xf32, #tpu.memory_space<hbm>>
      tpu.enqueue_indirect_dma source(%dma_start3A_855 : memref<174080x32xf32, #tpu.memory_space<hbm>>) target(%dma_start3A_850 : memref<128x32xf32, #tpu.memory_space<vmem>>) offsets(%dma_start3A_852 : memref<128xi32, #tpu.memory_space<vmem>>) semaphore(%arg22 : memref<!tpu.dma_semaphore, #tpu.memory_space<semaphore_mem>>)
      %dma_start3A_856 = arith.constant 896 : i32
      %dma_start3A_857 = arith.constant 0 : i32
      %dma_start3A_858 = tpu.memref_slice %arg16[%dma_start3A_856, %dma_start3A_857] : memref<1024x32xf32, #tpu.memory_space<vmem>> -> memref<128x32xf32, #tpu.memory_space<vmem>>
      %dma_start3A_859 = arith.constant 896 : i32
      %dma_start3A_860 = tpu.memref_slice %arg12[%dma_start3A_859] : memref<1024xi32, #tpu.memory_space<vmem>> -> memref<128xi32, #tpu.memory_space<vmem>>
      %dma_start3A_861 = arith.constant 0 : i32
      %dma_start3A_862 = arith.constant 0 : i32
      %dma_start3A_863 = tpu.memref_slice %arg10[%dma_start3A_861, %dma_start3A_862] : memref<174080x32xf32, #tpu.memory_space<hbm>> -> memref<174080x32xf32, #tpu.memory_space<hbm>>
      tpu.enqueue_indirect_dma source(%dma_start3A_863 : memref<174080x32xf32, #tpu.memory_space<hbm>>) target(%dma_start3A_858 : memref<128x32xf32, #tpu.memory_space<vmem>>) offsets(%dma_start3A_860 : memref<128xi32, #tpu.memory_space<vmem>>) semaphore(%arg22 : memref<!tpu.dma_semaphore, #tpu.memory_space<semaphore_mem>>)
    }
    %scan3A_169 = arith.constant 170 : i32
    %dma_wait3A_170 = arith.constant 0 : i32
    %dma_wait3A_171 = arith.constant 0 : i32
    %dma_wait3A_172 = tpu.memref_slice %arg16[%dma_wait3A_170, %dma_wait3A_171] : memref<1024x32xf32, #tpu.memory_space<vmem>> -> memref<128x32xf32, #tpu.memory_space<vmem>>
    %dma_wait3A_173 = arith.constant 0 : i32
    %dma_wait3A_174 = arith.constant 0 : i32
    %dma_wait3A_175 = tpu.memref_slice %arg10[%dma_wait3A_173, %dma_wait3A_174] : memref<174080x32xf32, #tpu.memory_space<hbm>> -> memref<128x32xf32, #tpu.memory_space<hbm>>
    %dma_wait3A_176 = arith.constant 0 : i32
    %dma_wait3A_177 = arith.constant 0 : i32
    %dma_wait3A_178 = tpu.memref_slice %arg16[%dma_wait3A_176, %dma_wait3A_177] : memref<1024x32xf32, #tpu.memory_space<vmem>> -> memref<128x32xf32, #tpu.memory_space<vmem>>
    %dma_wait3A_179 = arith.constant 0 : i32
    %dma_wait3A_180 = arith.constant 0 : i32
    %dma_wait3A_181 = tpu.memref_slice %arg10[%dma_wait3A_179, %dma_wait3A_180] : memref<174080x32xf32, #tpu.memory_space<hbm>> -> memref<128x32xf32, #tpu.memory_space<hbm>>
    tpu.wait_dma2 semaphore(%arg22 : memref<!tpu.dma_semaphore, #tpu.memory_space<semaphore_mem>>) src(%dma_wait3A_181 : memref<128x32xf32, #tpu.memory_space<hbm>>) dst(%dma_wait3A_178 : memref<128x32xf32, #tpu.memory_space<vmem>>)
    %dma_wait3A_182 = arith.constant 128 : i32
    %dma_wait3A_183 = arith.constant 0 : i32
    %dma_wait3A_184 = tpu.memref_slice %arg16[%dma_wait3A_182, %dma_wait3A_183] : memref<1024x32xf32, #tpu.memory_space<vmem>> -> memref<128x32xf32, #tpu.memory_space<vmem>>
    %dma_wait3A_185 = arith.constant 0 : i32
    %dma_wait3A_186 = arith.constant 0 : i32
    %dma_wait3A_187 = tpu.memref_slice %arg10[%dma_wait3A_185, %dma_wait3A_186] : memref<174080x32xf32, #tpu.memory_space<hbm>> -> memref<128x32xf32, #tpu.memory_space<hbm>>
    %dma_wait3A_188 = arith.constant 128 : i32
    %dma_wait3A_189 = arith.constant 0 : i32
    %dma_wait3A_190 = tpu.memref_slice %arg16[%dma_wait3A_188, %dma_wait3A_189] : memref<1024x32xf32, #tpu.memory_space<vmem>> -> memref<128x32xf32, #tpu.memory_space<vmem>>
    %dma_wait3A_191 = arith.constant 0 : i32
    %dma_wait3A_192 = arith.constant 0 : i32
    %dma_wait3A_193 = tpu.memref_slice %arg10[%dma_wait3A_191, %dma_wait3A_192] : memref<174080x32xf32, #tpu.memory_space<hbm>> -> memref<128x32xf32, #tpu.memory_space<hbm>>
    tpu.wait_dma2 semaphore(%arg22 : memref<!tpu.dma_semaphore, #tpu.memory_space<semaphore_mem>>) src(%dma_wait3A_193 : memref<128x32xf32, #tpu.memory_space<hbm>>) dst(%dma_wait3A_190 : memref<128x32xf32, #tpu.memory_space<vmem>>)
    %dma_wait3A_194 = arith.constant 256 : i32
    %dma_wait3A_195 = arith.constant 0 : i32
    %dma_wait3A_196 = tpu.memref_slice %arg16[%dma_wait3A_194, %dma_wait3A_195] : memref<1024x32xf32, #tpu.memory_space<vmem>> -> memref<128x32xf32, #tpu.memory_space<vmem>>
    %dma_wait3A_197 = arith.constant 0 : i32
    %dma_wait3A_198 = arith.constant 0 : i32
    %dma_wait3A_199 = tpu.memref_slice %arg10[%dma_wait3A_197, %dma_wait3A_198] : memref<174080x32xf32, #tpu.memory_space<hbm>> -> memref<128x32xf32, #tpu.memory_space<hbm>>
    %dma_wait3A_200 = arith.constant 256 : i32
    %dma_wait3A_201 = arith.constant 0 : i32
    %dma_wait3A_202 = tpu.memref_slice %arg16[%dma_wait3A_200, %dma_wait3A_201] : memref<1024x32xf32, #tpu.memory_space<vmem>> -> memref<128x32xf32, #tpu.memory_space<vmem>>
    %dma_wait3A_203 = arith.constant 0 : i32
    %dma_wait3A_204 = arith.constant 0 : i32
    %dma_wait3A_205 = tpu.memref_slice %arg10[%dma_wait3A_203, %dma_wait3A_204] : memref<174080x32xf32, #tpu.memory_space<hbm>> -> memref<128x32xf32, #tpu.memory_space<hbm>>
    tpu.wait_dma2 semaphore(%arg22 : memref<!tpu.dma_semaphore, #tpu.memory_space<semaphore_mem>>) src(%dma_wait3A_205 : memref<128x32xf32, #tpu.memory_space<hbm>>) dst(%dma_wait3A_202 : memref<128x32xf32, #tpu.memory_space<vmem>>)
    %dma_wait3A_206 = arith.constant 384 : i32
    %dma_wait3A_207 = arith.constant 0 : i32
    %dma_wait3A_208 = tpu.memref_slice %arg16[%dma_wait3A_206, %dma_wait3A_207] : memref<1024x32xf32, #tpu.memory_space<vmem>> -> memref<128x32xf32, #tpu.memory_space<vmem>>
    %dma_wait3A_209 = arith.constant 0 : i32
    %dma_wait3A_210 = arith.constant 0 : i32
    %dma_wait3A_211 = tpu.memref_slice %arg10[%dma_wait3A_209, %dma_wait3A_210] : memref<174080x32xf32, #tpu.memory_space<hbm>> -> memref<128x32xf32, #tpu.memory_space<hbm>>
    %dma_wait3A_212 = arith.constant 384 : i32
    %dma_wait3A_213 = arith.constant 0 : i32
    %dma_wait3A_214 = tpu.memref_slice %arg16[%dma_wait3A_212, %dma_wait3A_213] : memref<1024x32xf32, #tpu.memory_space<vmem>> -> memref<128x32xf32, #tpu.memory_space<vmem>>
    %dma_wait3A_215 = arith.constant 0 : i32
    %dma_wait3A_216 = arith.constant 0 : i32
    %dma_wait3A_217 = tpu.memref_slice %arg10[%dma_wait3A_215, %dma_wait3A_216] : memref<174080x32xf32, #tpu.memory_space<hbm>> -> memref<128x32xf32, #tpu.memory_space<hbm>>
    tpu.wait_dma2 semaphore(%arg22 : memref<!tpu.dma_semaphore, #tpu.memory_space<semaphore_mem>>) src(%dma_wait3A_217 : memref<128x32xf32, #tpu.memory_space<hbm>>) dst(%dma_wait3A_214 : memref<128x32xf32, #tpu.memory_space<vmem>>)
    %dma_wait3A_218 = arith.constant 512 : i32
    %dma_wait3A_219 = arith.constant 0 : i32
    %dma_wait3A_220 = tpu.memref_slice %arg16[%dma_wait3A_218, %dma_wait3A_219] : memref<1024x32xf32, #tpu.memory_space<vmem>> -> memref<128x32xf32, #tpu.memory_space<vmem>>
    %dma_wait3A_221 = arith.constant 0 : i32
    %dma_wait3A_222 = arith.constant 0 : i32
    %dma_wait3A_223 = tpu.memref_slice %arg10[%dma_wait3A_221, %dma_wait3A_222] : memref<174080x32xf32, #tpu.memory_space<hbm>> -> memref<128x32xf32, #tpu.memory_space<hbm>>
    %dma_wait3A_224 = arith.constant 512 : i32
    %dma_wait3A_225 = arith.constant 0 : i32
    %dma_wait3A_226 = tpu.memref_slice %arg16[%dma_wait3A_224, %dma_wait3A_225] : memref<1024x32xf32, #tpu.memory_space<vmem>> -> memref<128x32xf32, #tpu.memory_space<vmem>>
    %dma_wait3A_227 = arith.constant 0 : i32
    %dma_wait3A_228 = arith.constant 0 : i32
    %dma_wait3A_229 = tpu.memref_slice %arg10[%dma_wait3A_227, %dma_wait3A_228] : memref<174080x32xf32, #tpu.memory_space<hbm>> -> memref<128x32xf32, #tpu.memory_space<hbm>>
    tpu.wait_dma2 semaphore(%arg22 : memref<!tpu.dma_semaphore, #tpu.memory_space<semaphore_mem>>) src(%dma_wait3A_229 : memref<128x32xf32, #tpu.memory_space<hbm>>) dst(%dma_wait3A_226 : memref<128x32xf32, #tpu.memory_space<vmem>>)
    %dma_wait3A_230 = arith.constant 640 : i32
    %dma_wait3A_231 = arith.constant 0 : i32
    %dma_wait3A_232 = tpu.memref_slice %arg16[%dma_wait3A_230, %dma_wait3A_231] : memref<1024x32xf32, #tpu.memory_space<vmem>> -> memref<128x32xf32, #tpu.memory_space<vmem>>
    %dma_wait3A_233 = arith.constant 0 : i32
    %dma_wait3A_234 = arith.constant 0 : i32
    %dma_wait3A_235 = tpu.memref_slice %arg10[%dma_wait3A_233, %dma_wait3A_234] : memref<174080x32xf32, #tpu.memory_space<hbm>> -> memref<128x32xf32, #tpu.memory_space<hbm>>
    %dma_wait3A_236 = arith.constant 640 : i32
    %dma_wait3A_237 = arith.constant 0 : i32
    %dma_wait3A_238 = tpu.memref_slice %arg16[%dma_wait3A_236, %dma_wait3A_237] : memref<1024x32xf32, #tpu.memory_space<vmem>> -> memref<128x32xf32, #tpu.memory_space<vmem>>
    %dma_wait3A_239 = arith.constant 0 : i32
    %dma_wait3A_240 = arith.constant 0 : i32
    %dma_wait3A_241 = tpu.memref_slice %arg10[%dma_wait3A_239, %dma_wait3A_240] : memref<174080x32xf32, #tpu.memory_space<hbm>> -> memref<128x32xf32, #tpu.memory_space<hbm>>
    tpu.wait_dma2 semaphore(%arg22 : memref<!tpu.dma_semaphore, #tpu.memory_space<semaphore_mem>>) src(%dma_wait3A_241 : memref<128x32xf32, #tpu.memory_space<hbm>>) dst(%dma_wait3A_238 : memref<128x32xf32, #tpu.memory_space<vmem>>)
    %dma_wait3A_242 = arith.constant 768 : i32
    %dma_wait3A_243 = arith.constant 0 : i32
    %dma_wait3A_244 = tpu.memref_slice %arg16[%dma_wait3A_242, %dma_wait3A_243] : memref<1024x32xf32, #tpu.memory_space<vmem>> -> memref<128x32xf32, #tpu.memory_space<vmem>>
    %dma_wait3A_245 = arith.constant 0 : i32
    %dma_wait3A_246 = arith.constant 0 : i32
    %dma_wait3A_247 = tpu.memref_slice %arg10[%dma_wait3A_245, %dma_wait3A_246] : memref<174080x32xf32, #tpu.memory_space<hbm>> -> memref<128x32xf32, #tpu.memory_space<hbm>>
    %dma_wait3A_248 = arith.constant 768 : i32
    %dma_wait3A_249 = arith.constant 0 : i32
    %dma_wait3A_250 = tpu.memref_slice %arg16[%dma_wait3A_248, %dma_wait3A_249] : memref<1024x32xf32, #tpu.memory_space<vmem>> -> memref<128x32xf32, #tpu.memory_space<vmem>>
    %dma_wait3A_251 = arith.constant 0 : i32
    %dma_wait3A_252 = arith.constant 0 : i32
    %dma_wait3A_253 = tpu.memref_slice %arg10[%dma_wait3A_251, %dma_wait3A_252] : memref<174080x32xf32, #tpu.memory_space<hbm>> -> memref<128x32xf32, #tpu.memory_space<hbm>>
    tpu.wait_dma2 semaphore(%arg22 : memref<!tpu.dma_semaphore, #tpu.memory_space<semaphore_mem>>) src(%dma_wait3A_253 : memref<128x32xf32, #tpu.memory_space<hbm>>) dst(%dma_wait3A_250 : memref<128x32xf32, #tpu.memory_space<vmem>>)
    %dma_wait3A_254 = arith.constant 896 : i32
    %dma_wait3A_255 = arith.constant 0 : i32
    %dma_wait3A_256 = tpu.memref_slice %arg16[%dma_wait3A_254, %dma_wait3A_255] : memref<1024x32xf32, #tpu.memory_space<vmem>> -> memref<128x32xf32, #tpu.memory_space<vmem>>
    %dma_wait3A_257 = arith.constant 0 : i32
    %dma_wait3A_258 = arith.constant 0 : i32
    %dma_wait3A_259 = tpu.memref_slice %arg10[%dma_wait3A_257, %dma_wait3A_258] : memref<174080x32xf32, #tpu.memory_space<hbm>> -> memref<128x32xf32, #tpu.memory_space<hbm>>
    %dma_wait3A_260 = arith.constant 896 : i32
    %dma_wait3A_261 = arith.constant 0 : i32
    %dma_wait3A_262 = tpu.memref_slice %arg16[%dma_wait3A_260, %dma_wait3A_261] : memref<1024x32xf32, #tpu.memory_space<vmem>> -> memref<128x32xf32, #tpu.memory_space<vmem>>
    %dma_wait3A_263 = arith.constant 0 : i32
    %dma_wait3A_264 = arith.constant 0 : i32
    %dma_wait3A_265 = tpu.memref_slice %arg10[%dma_wait3A_263, %dma_wait3A_264] : memref<174080x32xf32, #tpu.memory_space<hbm>> -> memref<128x32xf32, #tpu.memory_space<hbm>>
    tpu.wait_dma2 semaphore(%arg22 : memref<!tpu.dma_semaphore, #tpu.memory_space<semaphore_mem>>) src(%dma_wait3A_265 : memref<128x32xf32, #tpu.memory_space<hbm>>) dst(%dma_wait3A_262 : memref<128x32xf32, #tpu.memory_space<vmem>>)
    return
  }
}

module attributes {stable_mosaic.version = 14 : i64} {
  func.func @_prep_body(%arg0: i32, %arg1: i32, %arg2: memref<1x680x512xf32, #tpu.memory_space<vmem>>, %arg3: memref<1x680x4xf32, #tpu.memory_space<vmem>>, %arg4: memref<1x680x4xf32, #tpu.memory_space<vmem>>, %arg5: memref<512x256xf32, #tpu.memory_space<vmem>>, %arg6: memref<512x256xf32, #tpu.memory_space<vmem>>, %arg7: memref<512x256xf32, #tpu.memory_space<vmem>>, %arg8: memref<8x256xf32, #tpu.memory_space<vmem>>, %arg9: memref<1x680x256xi32, #tpu.memory_space<vmem>>, %arg10: memref<1x680x256xi32, #tpu.memory_space<vmem>>, %arg11: memref<1x680x256xi32, #tpu.memory_space<vmem>>, %arg12: memref<1x680x256xi32, #tpu.memory_space<vmem>>, %arg13: memref<1x680x256xf32, #tpu.memory_space<vmem>>, %arg14: memref<1x680x256xf32, #tpu.memory_space<vmem>>, %arg15: memref<1x680x256xf32, #tpu.memory_space<vmem>>, %arg16: memref<1x680x256xf32, #tpu.memory_space<vmem>>) attributes {dimension_semantics = [#tpu.dimension_semantics<arbitrary>, #tpu.dimension_semantics<arbitrary>], iteration_bounds = array<i64: 2, 8>, scalar_prefetch = 0 : i64, scratch_operands = 0 : i64, tpu.core_type = #tpu.core_type<tc>, window_params = [{transform_indices = @transform_0, window_bounds = array<i64: 1, 680, 512>}, {transform_indices = @transform_1, window_bounds = array<i64: 1, 680, 4>}, {transform_indices = @transform_2, window_bounds = array<i64: 1, 680, 4>}, {pipeline_mode = #tpu.pipeline_mode<synchronous>, transform_indices = @transform_3, window_bounds = array<i64: 512, 256>}, {pipeline_mode = #tpu.pipeline_mode<synchronous>, transform_indices = @transform_4, window_bounds = array<i64: 512, 256>}, {pipeline_mode = #tpu.pipeline_mode<synchronous>, transform_indices = @transform_5, window_bounds = array<i64: 512, 256>}, {pipeline_mode = #tpu.pipeline_mode<synchronous>, transform_indices = @transform_6, window_bounds = array<i64: 8, 256>}, {transform_indices = @transform_7, window_bounds = array<i64: 1, 680, 256>}, {transform_indices = @transform_8, window_bounds = array<i64: 1, 680, 256>}, {transform_indices = @transform_9, window_bounds = array<i64: 1, 680, 256>}, {transform_indices = @transform_10, window_bounds = array<i64: 1, 680, 256>}, {transform_indices = @transform_11, window_bounds = array<i64: 1, 680, 256>}, {transform_indices = @transform_12, window_bounds = array<i64: 1, 680, 256>}, {transform_indices = @transform_13, window_bounds = array<i64: 1, 680, 256>}, {transform_indices = @transform_14, window_bounds = array<i64: 1, 680, 256>}]} {
    %get3A = arith.constant 0 : index
    %get3A_0 = arith.constant 0 : index
    %get3A_1 = arith.constant 0 : index
    %get3A_2 = vector.load %arg2[%get3A, %get3A_0, %get3A_1] : memref<1x680x512xf32, #tpu.memory_space<vmem>>, vector<1x680x512xf32>
    %get3A_3 = vector.shape_cast %get3A_2 : vector<1x680x512xf32> to vector<680x512xf32>
    %get3A_4 = arith.constant 0 : index
    %get3A_5 = arith.constant 0 : index
    %get3A_6 = vector.load %arg8[%get3A_4, %get3A_5] : memref<8x256xf32, #tpu.memory_space<vmem>>, vector<1x256xf32>
    %get3A_7 = arith.constant 1 : index
    %get3A_8 = arith.constant 0 : index
    %get3A_9 = vector.load %arg8[%get3A_7, %get3A_8] : memref<8x256xf32, #tpu.memory_space<vmem>>, vector<1x256xf32>
    %get3A_10 = arith.constant 2 : index
    %get3A_11 = arith.constant 0 : index
    %get3A_12 = vector.load %arg8[%get3A_10, %get3A_11] : memref<8x256xf32, #tpu.memory_space<vmem>>, vector<1x256xf32>
    %get3A_13 = arith.constant 0 : index
    %get3A_14 = arith.constant 0 : index
    %get3A_15 = vector.load %arg5[%get3A_13, %get3A_14] : memref<512x256xf32, #tpu.memory_space<vmem>>, vector<512x256xf32>
    %convert_element_type3A = arith.truncf %get3A_3 : vector<680x512xf32> to vector<680x512xbf16>
    %convert_element_type3A_16 = arith.truncf %get3A_15 : vector<512x256xf32> to vector<512x256xbf16>
    %dot_general3A = arith.constant dense<0.000000e+00> : vector<680x256xf32>
    %dot_general3A_17 = tpu.matmul %convert_element_type3A, %convert_element_type3A_16, %dot_general3A {dimension_numbers = #tpu.dot_dimension_numbers<[1], [0], [0], [1], [0, 0, 1, 1], [], []>, transpose_lhs_hint = false} : vector<680x512xbf16>, vector<512x256xbf16>, vector<680x256xf32> -> vector<680x256xf32>
    %add3A = vector.broadcast %get3A_6 : vector<1x256xf32> to vector<680x256xf32>
    %add3A_18 = arith.addf %dot_general3A_17, %add3A : vector<680x256xf32>
    %tanh3A = math.tanh %add3A_18 : vector<680x256xf32>
    %get3A_19 = arith.constant 0 : index
    %get3A_20 = arith.constant 0 : index
    %get3A_21 = vector.load %arg6[%get3A_19, %get3A_20] : memref<512x256xf32, #tpu.memory_space<vmem>>, vector<512x256xf32>
    %convert_element_type3A_22 = arith.truncf %get3A_3 : vector<680x512xf32> to vector<680x512xbf16>
    %convert_element_type3A_23 = arith.truncf %get3A_21 : vector<512x256xf32> to vector<512x256xbf16>
    %dot_general3A_24 = arith.constant dense<0.000000e+00> : vector<680x256xf32>
    %dot_general3A_25 = tpu.matmul %convert_element_type3A_22, %convert_element_type3A_23, %dot_general3A_24 {dimension_numbers = #tpu.dot_dimension_numbers<[1], [0], [0], [1], [0, 0, 1, 1], [], []>, transpose_lhs_hint = false} : vector<680x512xbf16>, vector<512x256xbf16>, vector<680x256xf32> -> vector<680x256xf32>
    %add3A_26 = vector.broadcast %get3A_9 : vector<1x256xf32> to vector<680x256xf32>
    %add3A_27 = arith.addf %dot_general3A_25, %add3A_26 : vector<680x256xf32>
    %tanh3A_28 = math.tanh %add3A_27 : vector<680x256xf32>
    %get3A_29 = arith.constant 0 : index
    %get3A_30 = arith.constant 0 : index
    %get3A_31 = vector.load %arg7[%get3A_29, %get3A_30] : memref<512x256xf32, #tpu.memory_space<vmem>>, vector<512x256xf32>
    %convert_element_type3A_32 = arith.truncf %get3A_3 : vector<680x512xf32> to vector<680x512xbf16>
    %convert_element_type3A_33 = arith.truncf %get3A_31 : vector<512x256xf32> to vector<512x256xbf16>
    %dot_general3A_34 = arith.constant dense<0.000000e+00> : vector<680x256xf32>
    %dot_general3A_35 = tpu.matmul %convert_element_type3A_32, %convert_element_type3A_33, %dot_general3A_34 {dimension_numbers = #tpu.dot_dimension_numbers<[1], [0], [0], [1], [0, 0, 1, 1], [], []>, transpose_lhs_hint = false} : vector<680x512xbf16>, vector<512x256xbf16>, vector<680x256xf32> -> vector<680x256xf32>
    %add3A_36 = vector.broadcast %get3A_12 : vector<1x256xf32> to vector<680x256xf32>
    %add3A_37 = arith.addf %dot_general3A_35, %add3A_36 : vector<680x256xf32>
    %reduce_max3A = arith.constant dense<0xFF800000> : vector<680xf32>
    %reduce_max3A_38 = vector.multi_reduction <maximumf>, %add3A_37, %reduce_max3A [1] : vector<680x256xf32> to vector<680xf32>
    %broadcast_in_dim3A = vector.shape_cast %reduce_max3A_38 : vector<680xf32> to vector<680x1xf32>
    %sub3A = vector.broadcast %broadcast_in_dim3A : vector<680x1xf32> to vector<680x256xf32>
    %sub3A_39 = arith.subf %add3A_37, %sub3A : vector<680x256xf32>
    %exp3A = math.exp %sub3A_39 : vector<680x256xf32>
    %iota3A = tpu.iota {dimensions = array<i32: 0>} : vector<256x256xi32>
    %iota3A_40 = tpu.iota {dimensions = array<i32: 1>} : vector<256x256xi32>
    %shift_right_arithmetic3A = arith.constant 4 : i32
    %shift_right_arithmetic3A_41 = vector.broadcast %shift_right_arithmetic3A : i32 to vector<256x256xi32>
    %shift_right_arithmetic3A_42 = arith.shrsi %iota3A, %shift_right_arithmetic3A_41 : vector<256x256xi32>
    %shift_right_arithmetic3A_43 = arith.constant 4 : i32
    %shift_right_arithmetic3A_44 = vector.broadcast %shift_right_arithmetic3A_43 : i32 to vector<256x256xi32>
    %shift_right_arithmetic3A_45 = arith.shrsi %iota3A_40, %shift_right_arithmetic3A_44 : vector<256x256xi32>
    %eq3A = arith.cmpi eq, %shift_right_arithmetic3A_42, %shift_right_arithmetic3A_45 : vector<256x256xi32>
    %convert_element_type3A_46 = arith.extui %eq3A : vector<256x256xi1> to vector<256x256xi32>
    %convert_element_type3A_47 = arith.sitofp %convert_element_type3A_46 : vector<256x256xi32> to vector<256x256xf32>
    %dot_general3A_48 = arith.constant dense<0.000000e+00> : vector<680x256xf32>
    %dot_general3A_49 = tpu.matmul %exp3A, %convert_element_type3A_47, %dot_general3A_48 {dimension_numbers = #tpu.dot_dimension_numbers<[1], [0], [0], [1], [0, 0, 1, 1], [], []>, precision = #tpu.contract_precision<fp32>, transpose_lhs_hint = false} : vector<680x256xf32>, vector<256x256xf32>, vector<680x256xf32> -> vector<680x256xf32>
    %div3A = arith.divf %exp3A, %dot_general3A_49 : vector<680x256xf32>
    %iota3A_50 = tpu.iota {dimensions = array<i32: 0>} : vector<4x256xi32>
    %iota3A_51 = tpu.iota {dimensions = array<i32: 1>} : vector<4x256xi32>
    %shift_right_arithmetic3A_52 = arith.constant 2 : i32
    %shift_right_arithmetic3A_53 = vector.broadcast %shift_right_arithmetic3A_52 : i32 to vector<4x256xi32>
    %shift_right_arithmetic3A_54 = arith.shrsi %iota3A_51, %shift_right_arithmetic3A_53 : vector<4x256xi32>
    %and3A = arith.constant 3 : i32
    %and3A_55 = vector.broadcast %and3A : i32 to vector<4x256xi32>
    %and3A_56 = arith.andi %shift_right_arithmetic3A_54, %and3A_55 : vector<4x256xi32>
    %eq3A_57 = arith.cmpi eq, %iota3A_50, %and3A_56 : vector<4x256xi32>
    %convert_element_type3A_58 = arith.extui %eq3A_57 : vector<4x256xi1> to vector<4x256xi32>
    %convert_element_type3A_59 = arith.sitofp %convert_element_type3A_58 : vector<4x256xi32> to vector<4x256xf32>
    %get3A_60 = arith.constant 0 : index
    %get3A_61 = arith.constant 0 : index
    %get3A_62 = arith.constant 0 : index
    %get3A_63 = vector.load %arg3[%get3A_60, %get3A_61, %get3A_62] : memref<1x680x4xf32, #tpu.memory_space<vmem>>, vector<1x680x4xf32>
    %get3A_64 = vector.shape_cast %get3A_63 : vector<1x680x4xf32> to vector<680x4xf32>
    %dot_general3A_65 = arith.constant dense<0.000000e+00> : vector<680x256xf32>
    %dot_general3A_66 = tpu.matmul %get3A_64, %convert_element_type3A_59, %dot_general3A_65 {dimension_numbers = #tpu.dot_dimension_numbers<[1], [0], [0], [1], [0, 0, 1, 1], [], []>, precision = #tpu.contract_precision<fp32>, transpose_lhs_hint = false} : vector<680x4xf32>, vector<4x256xf32>, vector<680x256xf32> -> vector<680x256xf32>
    %get3A_67 = arith.constant 0 : index
    %get3A_68 = arith.constant 0 : index
    %get3A_69 = arith.constant 0 : index
    %get3A_70 = vector.load %arg4[%get3A_67, %get3A_68, %get3A_69] : memref<1x680x4xf32, #tpu.memory_space<vmem>>, vector<1x680x4xf32>
    %get3A_71 = vector.shape_cast %get3A_70 : vector<1x680x4xf32> to vector<680x4xf32>
    %dot_general3A_72 = arith.constant dense<0.000000e+00> : vector<680x256xf32>
    %dot_general3A_73 = tpu.matmul %get3A_71, %convert_element_type3A_59, %dot_general3A_72 {dimension_numbers = #tpu.dot_dimension_numbers<[1], [0], [0], [1], [0, 0, 1, 1], [], []>, precision = #tpu.contract_precision<fp32>, transpose_lhs_hint = false} : vector<680x4xf32>, vector<4x256xf32>, vector<680x256xf32> -> vector<680x256xf32>
    %iota3A_74 = tpu.iota {dimensions = array<i32: 1>} : vector<1x256xi32>
    %shift_right_arithmetic3A_75 = arith.constant 2 : i32
    %shift_right_arithmetic3A_76 = vector.broadcast %shift_right_arithmetic3A_75 : i32 to vector<1x256xi32>
    %shift_right_arithmetic3A_77 = arith.shrsi %iota3A_74, %shift_right_arithmetic3A_76 : vector<1x256xi32>
    %and3A_78 = arith.constant 3 : i32
    %and3A_79 = vector.broadcast %and3A_78 : i32 to vector<1x256xi32>
    %and3A_80 = arith.andi %shift_right_arithmetic3A_77, %and3A_79 : vector<1x256xi32>
    %shift_right_arithmetic3A_81 = arith.constant 4 : i32
    %shift_right_arithmetic3A_82 = vector.broadcast %shift_right_arithmetic3A_81 : i32 to vector<1x256xi32>
    %shift_right_arithmetic3A_83 = arith.shrsi %iota3A_74, %shift_right_arithmetic3A_82 : vector<1x256xi32>
    %shift_right_arithmetic3A_84 = arith.constant 64 : i32
    %shift_right_arithmetic3A_85 = vector.broadcast %shift_right_arithmetic3A_84 : i32 to vector<1x256xi32>
    %shift_right_arithmetic3A_86 = arith.shrsi %shift_right_arithmetic3A_85, %and3A_80 : vector<1x256xi32>
    %eq3A_87 = arith.constant 0 : i32
    %eq3A_88 = vector.broadcast %eq3A_87 : i32 to vector<1x256xi32>
    %eq3A_89 = arith.cmpi eq, %and3A_80, %eq3A_88 : vector<1x256xi32>
    %eq3A_90 = arith.constant 1 : i32
    %eq3A_91 = vector.broadcast %eq3A_90 : i32 to vector<1x256xi32>
    %eq3A_92 = arith.cmpi eq, %and3A_80, %eq3A_91 : vector<1x256xi32>
    %eq3A_93 = arith.constant 2 : i32
    %eq3A_94 = vector.broadcast %eq3A_93 : i32 to vector<1x256xi32>
    %eq3A_95 = arith.cmpi eq, %and3A_80, %eq3A_94 : vector<1x256xi32>
    %jit3A = arith.constant 5120 : i32
    %jit3A_96 = arith.constant 5376 : i32
    %broadcast_in_dim3A_97 = vector.broadcast %jit3A : i32 to vector<1x256xi32>
    %broadcast_in_dim3A_98 = vector.broadcast %jit3A_96 : i32 to vector<1x256xi32>
    %select_n3A = arith.select %eq3A_95, %broadcast_in_dim3A_97, %broadcast_in_dim3A_98 : vector<1x256xi1>, vector<1x256xi32>
    %jit3A_99 = arith.constant 4096 : i32
    %broadcast_in_dim3A_100 = vector.broadcast %jit3A_99 : i32 to vector<1x256xi32>
    %select_n3A_101 = arith.select %eq3A_92, %broadcast_in_dim3A_100, %select_n3A : vector<1x256xi1>, vector<1x256xi32>
    %jit3A_102 = arith.constant 0 : i32
    %broadcast_in_dim3A_103 = vector.broadcast %jit3A_102 : i32 to vector<1x256xi32>
    %select_n3A_104 = arith.select %eq3A_89, %broadcast_in_dim3A_103, %select_n3A_101 : vector<1x256xi1>, vector<1x256xi32>
    %mul3A = arith.constant 16 : i32
    %mul3A_105 = arith.muli %arg0, %mul3A : i32
    %add3A_106 = vector.broadcast %mul3A_105 : i32 to vector<1x256xi32>
    %add3A_107 = arith.addi %add3A_106, %shift_right_arithmetic3A_83 : vector<1x256xi32>
    %mul3A_108 = arith.constant 5440 : i32
    %mul3A_109 = vector.broadcast %mul3A_108 : i32 to vector<1x256xi32>
    %mul3A_110 = arith.muli %add3A_107, %mul3A_109 : vector<1x256xi32>
    %add3A_111 = arith.addi %mul3A_110, %select_n3A_104 : vector<1x256xi32>
    %convert_element_type3A_112 = arith.sitofp %shift_right_arithmetic3A_86 : vector<1x256xi32> to vector<1x256xf32>
    %sub3A_113 = arith.constant 1.000000e+00 : f32
    %sub3A_114 = vector.broadcast %sub3A_113 : f32 to vector<1x256xf32>
    %sub3A_115 = arith.subf %convert_element_type3A_112, %sub3A_114 : vector<1x256xf32>
    %mul3A_116 = arith.constant 5.000000e-01 : f32
    %mul3A_117 = vector.broadcast %mul3A_116 : f32 to vector<1x256xf32>
    %mul3A_118 = arith.mulf %mul3A_117, %sub3A_115 : vector<1x256xf32>
    %add3A_119 = arith.addf %dot_general3A_66, %tanh3A : vector<680x256xf32>
    %jit3A_120 = arith.constant -1.000000e+00 : f32
    %jit3A_121 = arith.constant 1.000000e+00 : f32
    %max3A = vector.broadcast %jit3A_120 : f32 to vector<680x256xf32>
    %max3A_122 = arith.maximumf %max3A, %add3A_119 : vector<680x256xf32>
    %min3A = vector.broadcast %jit3A_121 : f32 to vector<680x256xf32>
    %min3A_123 = arith.minimumf %min3A, %max3A_122 : vector<680x256xf32>
    %add3A_124 = arith.constant 1.000000e+00 : f32
    %add3A_125 = vector.broadcast %add3A_124 : f32 to vector<680x256xf32>
    %add3A_126 = arith.addf %min3A_123, %add3A_125 : vector<680x256xf32>
    %mul3A_127 = vector.broadcast %mul3A_118 : vector<1x256xf32> to vector<680x256xf32>
    %mul3A_128 = arith.mulf %add3A_126, %mul3A_127 : vector<680x256xf32>
    %add3A_129 = arith.addf %dot_general3A_73, %tanh3A_28 : vector<680x256xf32>
    %jit3A_130 = arith.constant -1.000000e+00 : f32
    %jit3A_131 = arith.constant 1.000000e+00 : f32
    %max3A_132 = vector.broadcast %jit3A_130 : f32 to vector<680x256xf32>
    %max3A_133 = arith.maximumf %max3A_132, %add3A_129 : vector<680x256xf32>
    %min3A_134 = vector.broadcast %jit3A_131 : f32 to vector<680x256xf32>
    %min3A_135 = arith.minimumf %min3A_134, %max3A_133 : vector<680x256xf32>
    %add3A_136 = arith.constant 1.000000e+00 : f32
    %add3A_137 = vector.broadcast %add3A_136 : f32 to vector<680x256xf32>
    %add3A_138 = arith.addf %min3A_135, %add3A_137 : vector<680x256xf32>
    %mul3A_139 = vector.broadcast %mul3A_118 : vector<1x256xf32> to vector<680x256xf32>
    %mul3A_140 = arith.mulf %add3A_138, %mul3A_139 : vector<680x256xf32>
    %floor3A = math.floor %mul3A_128 : vector<680x256xf32>
    %floor3A_141 = math.floor %mul3A_140 : vector<680x256xf32>
    %sub3A_142 = arith.subf %mul3A_128, %floor3A : vector<680x256xf32>
    %sub3A_143 = arith.subf %mul3A_140, %floor3A_141 : vector<680x256xf32>
    %convert_element_type3A_144 = arith.fptosi %floor3A : vector<680x256xf32> to vector<680x256xi32>
    %convert_element_type3A_145 = arith.fptosi %floor3A_141 : vector<680x256xf32> to vector<680x256xi32>
    %add3A_146 = arith.constant 1 : i32
    %add3A_147 = vector.broadcast %add3A_146 : i32 to vector<680x256xi32>
    %add3A_148 = arith.addi %convert_element_type3A_144, %add3A_147 : vector<680x256xi32>
    %sub3A_149 = arith.constant 1 : i32
    %sub3A_150 = vector.broadcast %sub3A_149 : i32 to vector<1x256xi32>
    %sub3A_151 = arith.subi %shift_right_arithmetic3A_86, %sub3A_150 : vector<1x256xi32>
    %min3A_152 = vector.broadcast %sub3A_151 : vector<1x256xi32> to vector<680x256xi32>
    %min3A_153 = arith.minsi %add3A_148, %min3A_152 : vector<680x256xi32>
    %add3A_154 = arith.constant 1 : i32
    %add3A_155 = vector.broadcast %add3A_154 : i32 to vector<680x256xi32>
    %add3A_156 = arith.addi %convert_element_type3A_145, %add3A_155 : vector<680x256xi32>
    %sub3A_157 = arith.constant 1 : i32
    %sub3A_158 = vector.broadcast %sub3A_157 : i32 to vector<1x256xi32>
    %sub3A_159 = arith.subi %shift_right_arithmetic3A_86, %sub3A_158 : vector<1x256xi32>
    %min3A_160 = vector.broadcast %sub3A_159 : vector<1x256xi32> to vector<680x256xi32>
    %min3A_161 = arith.minsi %add3A_156, %min3A_160 : vector<680x256xi32>
    %mul3A_162 = vector.broadcast %shift_right_arithmetic3A_86 : vector<1x256xi32> to vector<680x256xi32>
    %mul3A_163 = arith.muli %convert_element_type3A_145, %mul3A_162 : vector<680x256xi32>
    %add3A_164 = vector.broadcast %add3A_111 : vector<1x256xi32> to vector<680x256xi32>
    %add3A_165 = arith.addi %add3A_164, %mul3A_163 : vector<680x256xi32>
    %add3A_166 = arith.addi %add3A_165, %convert_element_type3A_144 : vector<680x256xi32>
    %swap3A = arith.constant 0 : index
    %swap3A_167 = arith.constant 0 : index
    %swap3A_168 = arith.constant 0 : index
    %swap3A_169 = vector.load %arg9[%swap3A, %swap3A_167, %swap3A_168] : memref<1x680x256xi32, #tpu.memory_space<vmem>>, vector<1x680x256xi32>
    %swap3A_170 = vector.shape_cast %swap3A_169 : vector<1x680x256xi32> to vector<680x256xi32>
    %swap3A_171 = vector.shape_cast %add3A_166 : vector<680x256xi32> to vector<1x680x256xi32>
    tpu.vector_store %arg9[%swap3A, %swap3A_167, %swap3A_168], %swap3A_171 {strides = array<i32>} : memref<1x680x256xi32, #tpu.memory_space<vmem>>, vector<1x680x256xi32>,
    %mul3A_172 = vector.broadcast %shift_right_arithmetic3A_86 : vector<1x256xi32> to vector<680x256xi32>
    %mul3A_173 = arith.muli %convert_element_type3A_145, %mul3A_172 : vector<680x256xi32>
    %add3A_174 = vector.broadcast %add3A_111 : vector<1x256xi32> to vector<680x256xi32>
    %add3A_175 = arith.addi %add3A_174, %mul3A_173 : vector<680x256xi32>
    %add3A_176 = arith.addi %add3A_175, %min3A_153 : vector<680x256xi32>
    %swap3A_177 = arith.constant 0 : index
    %swap3A_178 = arith.constant 0 : index
    %swap3A_179 = arith.constant 0 : index
    %swap3A_180 = vector.load %arg10[%swap3A_177, %swap3A_178, %swap3A_179] : memref<1x680x256xi32, #tpu.memory_space<vmem>>, vector<1x680x256xi32>
    %swap3A_181 = vector.shape_cast %swap3A_180 : vector<1x680x256xi32> to vector<680x256xi32>
    %swap3A_182 = vector.shape_cast %add3A_176 : vector<680x256xi32> to vector<1x680x256xi32>
    tpu.vector_store %arg10[%swap3A_177, %swap3A_178, %swap3A_179], %swap3A_182 {strides = array<i32>} : memref<1x680x256xi32, #tpu.memory_space<vmem>>, vector<1x680x256xi32>,
    %mul3A_183 = vector.broadcast %shift_right_arithmetic3A_86 : vector<1x256xi32> to vector<680x256xi32>
    %mul3A_184 = arith.muli %min3A_161, %mul3A_183 : vector<680x256xi32>
    %add3A_185 = vector.broadcast %add3A_111 : vector<1x256xi32> to vector<680x256xi32>
    %add3A_186 = arith.addi %add3A_185, %mul3A_184 : vector<680x256xi32>
    %add3A_187 = arith.addi %add3A_186, %convert_element_type3A_144 : vector<680x256xi32>
    %swap3A_188 = arith.constant 0 : index
    %swap3A_189 = arith.constant 0 : index
    %swap3A_190 = arith.constant 0 : index
    %swap3A_191 = vector.load %arg11[%swap3A_188, %swap3A_189, %swap3A_190] : memref<1x680x256xi32, #tpu.memory_space<vmem>>, vector<1x680x256xi32>
    %swap3A_192 = vector.shape_cast %swap3A_191 : vector<1x680x256xi32> to vector<680x256xi32>
    %swap3A_193 = vector.shape_cast %add3A_187 : vector<680x256xi32> to vector<1x680x256xi32>
    tpu.vector_store %arg11[%swap3A_188, %swap3A_189, %swap3A_190], %swap3A_193 {strides = array<i32>} : memref<1x680x256xi32, #tpu.memory_space<vmem>>, vector<1x680x256xi32>,
    %mul3A_194 = vector.broadcast %shift_right_arithmetic3A_86 : vector<1x256xi32> to vector<680x256xi32>
    %mul3A_195 = arith.muli %min3A_161, %mul3A_194 : vector<680x256xi32>
    %add3A_196 = vector.broadcast %add3A_111 : vector<1x256xi32> to vector<680x256xi32>
    %add3A_197 = arith.addi %add3A_196, %mul3A_195 : vector<680x256xi32>
    %add3A_198 = arith.addi %add3A_197, %min3A_153 : vector<680x256xi32>
    %swap3A_199 = arith.constant 0 : index
    %swap3A_200 = arith.constant 0 : index
    %swap3A_201 = arith.constant 0 : index
    %swap3A_202 = vector.load %arg12[%swap3A_199, %swap3A_200, %swap3A_201] : memref<1x680x256xi32, #tpu.memory_space<vmem>>, vector<1x680x256xi32>
    %swap3A_203 = vector.shape_cast %swap3A_202 : vector<1x680x256xi32> to vector<680x256xi32>
    %swap3A_204 = vector.shape_cast %add3A_198 : vector<680x256xi32> to vector<1x680x256xi32>
    tpu.vector_store %arg12[%swap3A_199, %swap3A_200, %swap3A_201], %swap3A_204 {strides = array<i32>} : memref<1x680x256xi32, #tpu.memory_space<vmem>>, vector<1x680x256xi32>,
    %sub3A_205 = arith.constant 1.000000e+00 : f32
    %sub3A_206 = vector.broadcast %sub3A_205 : f32 to vector<680x256xf32>
    %sub3A_207 = arith.subf %sub3A_206, %sub3A_142 : vector<680x256xf32>
    %sub3A_208 = arith.constant 1.000000e+00 : f32
    %sub3A_209 = vector.broadcast %sub3A_208 : f32 to vector<680x256xf32>
    %sub3A_210 = arith.subf %sub3A_209, %sub3A_143 : vector<680x256xf32>
    %mul3A_211 = arith.mulf %sub3A_207, %sub3A_210 : vector<680x256xf32>
    %mul3A_212 = arith.mulf %mul3A_211, %div3A : vector<680x256xf32>
    %swap3A_213 = arith.constant 0 : index
    %swap3A_214 = arith.constant 0 : index
    %swap3A_215 = arith.constant 0 : index
    %swap3A_216 = vector.load %arg13[%swap3A_213, %swap3A_214, %swap3A_215] : memref<1x680x256xf32, #tpu.memory_space<vmem>>, vector<1x680x256xf32>
    %swap3A_217 = vector.shape_cast %swap3A_216 : vector<1x680x256xf32> to vector<680x256xf32>
    %swap3A_218 = vector.shape_cast %mul3A_212 : vector<680x256xf32> to vector<1x680x256xf32>
    tpu.vector_store %arg13[%swap3A_213, %swap3A_214, %swap3A_215], %swap3A_218 {strides = array<i32>} : memref<1x680x256xf32, #tpu.memory_space<vmem>>, vector<1x680x256xf32>,
    %mul3A_219 = arith.mulf %sub3A_142, %sub3A_210 : vector<680x256xf32>
    %mul3A_220 = arith.mulf %mul3A_219, %div3A : vector<680x256xf32>
    %swap3A_221 = arith.constant 0 : index
    %swap3A_222 = arith.constant 0 : index
    %swap3A_223 = arith.constant 0 : index
    %swap3A_224 = vector.load %arg14[%swap3A_221, %swap3A_222, %swap3A_223] : memref<1x680x256xf32, #tpu.memory_space<vmem>>, vector<1x680x256xf32>
    %swap3A_225 = vector.shape_cast %swap3A_224 : vector<1x680x256xf32> to vector<680x256xf32>
    %swap3A_226 = vector.shape_cast %mul3A_220 : vector<680x256xf32> to vector<1x680x256xf32>
    tpu.vector_store %arg14[%swap3A_221, %swap3A_222, %swap3A_223], %swap3A_226 {strides = array<i32>} : memref<1x680x256xf32, #tpu.memory_space<vmem>>, vector<1x680x256xf32>,
    %mul3A_227 = arith.mulf %sub3A_207, %sub3A_143 : vector<680x256xf32>
    %mul3A_228 = arith.mulf %mul3A_227, %div3A : vector<680x256xf32>
    %swap3A_229 = arith.constant 0 : index
    %swap3A_230 = arith.constant 0 : index
    %swap3A_231 = arith.constant 0 : index
    %swap3A_232 = vector.load %arg15[%swap3A_229, %swap3A_230, %swap3A_231] : memref<1x680x256xf32, #tpu.memory_space<vmem>>, vector<1x680x256xf32>
    %swap3A_233 = vector.shape_cast %swap3A_232 : vector<1x680x256xf32> to vector<680x256xf32>
    %swap3A_234 = vector.shape_cast %mul3A_228 : vector<680x256xf32> to vector<1x680x256xf32>
    tpu.vector_store %arg15[%swap3A_229, %swap3A_230, %swap3A_231], %swap3A_234 {strides = array<i32>} : memref<1x680x256xf32, #tpu.memory_space<vmem>>, vector<1x680x256xf32>,
    %mul3A_235 = arith.mulf %sub3A_142, %sub3A_143 : vector<680x256xf32>
    %mul3A_236 = arith.mulf %mul3A_235, %div3A : vector<680x256xf32>
    %swap3A_237 = arith.constant 0 : index
    %swap3A_238 = arith.constant 0 : index
    %swap3A_239 = arith.constant 0 : index
    %swap3A_240 = vector.load %arg16[%swap3A_237, %swap3A_238, %swap3A_239] : memref<1x680x256xf32, #tpu.memory_space<vmem>>, vector<1x680x256xf32>
    %swap3A_241 = vector.shape_cast %swap3A_240 : vector<1x680x256xf32> to vector<680x256xf32>
    %swap3A_242 = vector.shape_cast %mul3A_236 : vector<680x256xf32> to vector<1x680x256xf32>
    tpu.vector_store %arg16[%swap3A_237, %swap3A_238, %swap3A_239], %swap3A_242 {strides = array<i32>} : memref<1x680x256xf32, #tpu.memory_space<vmem>>, vector<1x680x256xf32>,
    return
  }
  func.func @transform_0(%arg0: i32, %arg1: i32) -> (i32, i32, i32) {
    %c0_i32 = arith.constant 0 : i32
    %c0_i32_0 = arith.constant 0 : i32
    return %arg0, %arg1, %c0_i32 : i32, i32, i32
  }
  func.func @transform_1(%arg0: i32, %arg1: i32) -> (i32, i32, i32) {
    %c0_i32 = arith.constant 0 : i32
    %c0_i32_0 = arith.constant 0 : i32
    return %arg0, %arg1, %c0_i32 : i32, i32, i32
  }
  func.func @transform_2(%arg0: i32, %arg1: i32) -> (i32, i32, i32) {
    %c0_i32 = arith.constant 0 : i32
    %c0_i32_0 = arith.constant 0 : i32
    return %arg0, %arg1, %c0_i32 : i32, i32, i32
  }
  func.func @transform_3(%arg0: i32, %arg1: i32) -> (i32, i32) {
    %c0_i32 = arith.constant 0 : i32
    %c0_i32_0 = arith.constant 0 : i32
    %c0_i32_1 = arith.constant 0 : i32
    return %c0_i32, %c0_i32_0 : i32, i32
  }
  func.func @transform_4(%arg0: i32, %arg1: i32) -> (i32, i32) {
    %c0_i32 = arith.constant 0 : i32
    %c0_i32_0 = arith.constant 0 : i32
    %c0_i32_1 = arith.constant 0 : i32
    return %c0_i32, %c0_i32_0 : i32, i32
  }
  func.func @transform_5(%arg0: i32, %arg1: i32) -> (i32, i32) {
    %c0_i32 = arith.constant 0 : i32
    %c0_i32_0 = arith.constant 0 : i32
    %c0_i32_1 = arith.constant 0 : i32
    return %c0_i32, %c0_i32_0 : i32, i32
  }
  func.func @transform_6(%arg0: i32, %arg1: i32) -> (i32, i32) {
    %c0_i32 = arith.constant 0 : i32
    %c0_i32_0 = arith.constant 0 : i32
    %c0_i32_1 = arith.constant 0 : i32
    return %c0_i32, %c0_i32_0 : i32, i32
  }
  func.func @transform_7(%arg0: i32, %arg1: i32) -> (i32, i32, i32) {
    %c0_i32 = arith.constant 0 : i32
    %c0_i32_0 = arith.constant 0 : i32
    return %arg0, %arg1, %c0_i32 : i32, i32, i32
  }
  func.func @transform_8(%arg0: i32, %arg1: i32) -> (i32, i32, i32) {
    %c0_i32 = arith.constant 0 : i32
    %c0_i32_0 = arith.constant 0 : i32
    return %arg0, %arg1, %c0_i32 : i32, i32, i32
  }
  func.func @transform_9(%arg0: i32, %arg1: i32) -> (i32, i32, i32) {
    %c0_i32 = arith.constant 0 : i32
    %c0_i32_0 = arith.constant 0 : i32
    return %arg0, %arg1, %c0_i32 : i32, i32, i32
  }
  func.func @transform_10(%arg0: i32, %arg1: i32) -> (i32, i32, i32) {
    %c0_i32 = arith.constant 0 : i32
    %c0_i32_0 = arith.constant 0 : i32
    return %arg0, %arg1, %c0_i32 : i32, i32, i32
  }
  func.func @transform_11(%arg0: i32, %arg1: i32) -> (i32, i32, i32) {
    %c0_i32 = arith.constant 0 : i32
    %c0_i32_0 = arith.constant 0 : i32
    return %arg0, %arg1, %c0_i32 : i32, i32, i32
  }
  func.func @transform_12(%arg0: i32, %arg1: i32) -> (i32, i32, i32) {
    %c0_i32 = arith.constant 0 : i32
    %c0_i32_0 = arith.constant 0 : i32
    return %arg0, %arg1, %c0_i32 : i32, i32, i32
  }
  func.func @transform_13(%arg0: i32, %arg1: i32) -> (i32, i32, i32) {
    %c0_i32 = arith.constant 0 : i32
    %c0_i32_0 = arith.constant 0 : i32
    return %arg0, %arg1, %c0_i32 : i32, i32, i32
  }
  func.func @transform_14(%arg0: i32, %arg1: i32) -> (i32, i32, i32) {
    %c0_i32 = arith.constant 0 : i32
    %c0_i32_0 = arith.constant 0 : i32
    return %arg0, %arg1, %c0_i32 : i32, i32, i32
  }
}

module attributes {stable_mosaic.version = 14 : i64} {
  func.func @_vproj_body(%arg0: i32, %arg1: i32, %arg2: memref<1x680x512xf32, #tpu.memory_space<vmem>>, %arg3: memref<512x512xf32, #tpu.memory_space<vmem>>, %arg4: memref<1x16x680x32xf32, #tpu.memory_space<vmem>>) attributes {dimension_semantics = [#tpu.dimension_semantics<arbitrary>, #tpu.dimension_semantics<arbitrary>], iteration_bounds = array<i64: 2, 8>, scalar_prefetch = 0 : i64, scratch_operands = 0 : i64, tpu.core_type = #tpu.core_type<tc>, window_params = [{transform_indices = @transform_0, window_bounds = array<i64: 1, 680, 512>}, {pipeline_mode = #tpu.pipeline_mode<synchronous>, transform_indices = @transform_1, window_bounds = array<i64: 512, 512>}, {transform_indices = @transform_2, window_bounds = array<i64: 1, 16, 680, 32>}]} {
    %get3A = arith.constant 0 : index
    %get3A_0 = arith.constant 0 : index
    %get3A_1 = arith.constant 0 : index
    %get3A_2 = vector.load %arg2[%get3A, %get3A_0, %get3A_1] : memref<1x680x512xf32, #tpu.memory_space<vmem>>, vector<1x680x512xf32>
    %get3A_3 = vector.shape_cast %get3A_2 : vector<1x680x512xf32> to vector<680x512xf32>
    %get3A_4 = arith.constant 0 : index
    %get3A_5 = arith.constant 0 : index
    %get3A_6 = vector.load %arg3[%get3A_4, %get3A_5] : memref<512x512xf32, #tpu.memory_space<vmem>>, vector<512x512xf32>
    %convert_element_type3A = arith.truncf %get3A_3 : vector<680x512xf32> to vector<680x512xbf16>
    %convert_element_type3A_7 = arith.truncf %get3A_6 : vector<512x512xf32> to vector<512x512xbf16>
    %dot_general3A = arith.constant dense<0.000000e+00> : vector<680x512xf32>
    %dot_general3A_8 = tpu.matmul %convert_element_type3A, %convert_element_type3A_7, %dot_general3A {dimension_numbers = #tpu.dot_dimension_numbers<[1], [0], [0], [1], [0, 0, 1, 1], [], []>, transpose_lhs_hint = false} : vector<680x512xbf16>, vector<512x512xbf16>, vector<680x512xf32> -> vector<680x512xf32>
    %slice3A = vector.extract_strided_slice %dot_general3A_8 {offsets = [0, 0], sizes = [680, 32], strides = [1, 1]} : vector<680x512xf32> to vector<680x32xf32>
    %swap3A = arith.constant 0 : index
    %swap3A_9 = arith.constant 0 : index
    %swap3A_10 = arith.constant 0 : index
    %swap3A_11 = arith.constant 0 : index
    %swap3A_12 = vector.load %arg4[%swap3A, %swap3A_9, %swap3A_10, %swap3A_11] : memref<1x16x680x32xf32, #tpu.memory_space<vmem>>, vector<1x1x680x32xf32>
    %swap3A_13 = vector.shape_cast %swap3A_12 : vector<1x1x680x32xf32> to vector<680x32xf32>
    %swap3A_14 = vector.shape_cast %slice3A : vector<680x32xf32> to vector<1x1x680x32xf32>
    tpu.vector_store %arg4[%swap3A, %swap3A_9, %swap3A_10, %swap3A_11], %swap3A_14 {strides = array<i32>} : memref<1x16x680x32xf32, #tpu.memory_space<vmem>>, vector<1x1x680x32xf32>,
    %slice3A_15 = vector.extract_strided_slice %dot_general3A_8 {offsets = [0, 32], sizes = [680, 32], strides = [1, 1]} : vector<680x512xf32> to vector<680x32xf32>
    %swap3A_16 = arith.constant 0 : index
    %swap3A_17 = arith.constant 1 : index
    %swap3A_18 = arith.constant 0 : index
    %swap3A_19 = arith.constant 0 : index
    %swap3A_20 = vector.load %arg4[%swap3A_16, %swap3A_17, %swap3A_18, %swap3A_19] : memref<1x16x680x32xf32, #tpu.memory_space<vmem>>, vector<1x1x680x32xf32>
    %swap3A_21 = vector.shape_cast %swap3A_20 : vector<1x1x680x32xf32> to vector<680x32xf32>
    %swap3A_22 = vector.shape_cast %slice3A_15 : vector<680x32xf32> to vector<1x1x680x32xf32>
    tpu.vector_store %arg4[%swap3A_16, %swap3A_17, %swap3A_18, %swap3A_19], %swap3A_22 {strides = array<i32>} : memref<1x16x680x32xf32, #tpu.memory_space<vmem>>, vector<1x1x680x32xf32>,
    %slice3A_23 = vector.extract_strided_slice %dot_general3A_8 {offsets = [0, 64], sizes = [680, 32], strides = [1, 1]} : vector<680x512xf32> to vector<680x32xf32>
    %swap3A_24 = arith.constant 0 : index
    %swap3A_25 = arith.constant 2 : index
    %swap3A_26 = arith.constant 0 : index
    %swap3A_27 = arith.constant 0 : index
    %swap3A_28 = vector.load %arg4[%swap3A_24, %swap3A_25, %swap3A_26, %swap3A_27] : memref<1x16x680x32xf32, #tpu.memory_space<vmem>>, vector<1x1x680x32xf32>
    %swap3A_29 = vector.shape_cast %swap3A_28 : vector<1x1x680x32xf32> to vector<680x32xf32>
    %swap3A_30 = vector.shape_cast %slice3A_23 : vector<680x32xf32> to vector<1x1x680x32xf32>
    tpu.vector_store %arg4[%swap3A_24, %swap3A_25, %swap3A_26, %swap3A_27], %swap3A_30 {strides = array<i32>} : memref<1x16x680x32xf32, #tpu.memory_space<vmem>>, vector<1x1x680x32xf32>,
    %slice3A_31 = vector.extract_strided_slice %dot_general3A_8 {offsets = [0, 96], sizes = [680, 32], strides = [1, 1]} : vector<680x512xf32> to vector<680x32xf32>
    %swap3A_32 = arith.constant 0 : index
    %swap3A_33 = arith.constant 3 : index
    %swap3A_34 = arith.constant 0 : index
    %swap3A_35 = arith.constant 0 : index
    %swap3A_36 = vector.load %arg4[%swap3A_32, %swap3A_33, %swap3A_34, %swap3A_35] : memref<1x16x680x32xf32, #tpu.memory_space<vmem>>, vector<1x1x680x32xf32>
    %swap3A_37 = vector.shape_cast %swap3A_36 : vector<1x1x680x32xf32> to vector<680x32xf32>
    %swap3A_38 = vector.shape_cast %slice3A_31 : vector<680x32xf32> to vector<1x1x680x32xf32>
    tpu.vector_store %arg4[%swap3A_32, %swap3A_33, %swap3A_34, %swap3A_35], %swap3A_38 {strides = array<i32>} : memref<1x16x680x32xf32, #tpu.memory_space<vmem>>, vector<1x1x680x32xf32>,
    %slice3A_39 = vector.extract_strided_slice %dot_general3A_8 {offsets = [0, 128], sizes = [680, 32], strides = [1, 1]} : vector<680x512xf32> to vector<680x32xf32>
    %swap3A_40 = arith.constant 0 : index
    %swap3A_41 = arith.constant 4 : index
    %swap3A_42 = arith.constant 0 : index
    %swap3A_43 = arith.constant 0 : index
    %swap3A_44 = vector.load %arg4[%swap3A_40, %swap3A_41, %swap3A_42, %swap3A_43] : memref<1x16x680x32xf32, #tpu.memory_space<vmem>>, vector<1x1x680x32xf32>
    %swap3A_45 = vector.shape_cast %swap3A_44 : vector<1x1x680x32xf32> to vector<680x32xf32>
    %swap3A_46 = vector.shape_cast %slice3A_39 : vector<680x32xf32> to vector<1x1x680x32xf32>
    tpu.vector_store %arg4[%swap3A_40, %swap3A_41, %swap3A_42, %swap3A_43], %swap3A_46 {strides = array<i32>} : memref<1x16x680x32xf32, #tpu.memory_space<vmem>>, vector<1x1x680x32xf32>,
    %slice3A_47 = vector.extract_strided_slice %dot_general3A_8 {offsets = [0, 160], sizes = [680, 32], strides = [1, 1]} : vector<680x512xf32> to vector<680x32xf32>
    %swap3A_48 = arith.constant 0 : index
    %swap3A_49 = arith.constant 5 : index
    %swap3A_50 = arith.constant 0 : index
    %swap3A_51 = arith.constant 0 : index
    %swap3A_52 = vector.load %arg4[%swap3A_48, %swap3A_49, %swap3A_50, %swap3A_51] : memref<1x16x680x32xf32, #tpu.memory_space<vmem>>, vector<1x1x680x32xf32>
    %swap3A_53 = vector.shape_cast %swap3A_52 : vector<1x1x680x32xf32> to vector<680x32xf32>
    %swap3A_54 = vector.shape_cast %slice3A_47 : vector<680x32xf32> to vector<1x1x680x32xf32>
    tpu.vector_store %arg4[%swap3A_48, %swap3A_49, %swap3A_50, %swap3A_51], %swap3A_54 {strides = array<i32>} : memref<1x16x680x32xf32, #tpu.memory_space<vmem>>, vector<1x1x680x32xf32>,
    %slice3A_55 = vector.extract_strided_slice %dot_general3A_8 {offsets = [0, 192], sizes = [680, 32], strides = [1, 1]} : vector<680x512xf32> to vector<680x32xf32>
    %swap3A_56 = arith.constant 0 : index
    %swap3A_57 = arith.constant 6 : index
    %swap3A_58 = arith.constant 0 : index
    %swap3A_59 = arith.constant 0 : index
    %swap3A_60 = vector.load %arg4[%swap3A_56, %swap3A_57, %swap3A_58, %swap3A_59] : memref<1x16x680x32xf32, #tpu.memory_space<vmem>>, vector<1x1x680x32xf32>
    %swap3A_61 = vector.shape_cast %swap3A_60 : vector<1x1x680x32xf32> to vector<680x32xf32>
    %swap3A_62 = vector.shape_cast %slice3A_55 : vector<680x32xf32> to vector<1x1x680x32xf32>
    tpu.vector_store %arg4[%swap3A_56, %swap3A_57, %swap3A_58, %swap3A_59], %swap3A_62 {strides = array<i32>} : memref<1x16x680x32xf32, #tpu.memory_space<vmem>>, vector<1x1x680x32xf32>,
    %slice3A_63 = vector.extract_strided_slice %dot_general3A_8 {offsets = [0, 224], sizes = [680, 32], strides = [1, 1]} : vector<680x512xf32> to vector<680x32xf32>
    %swap3A_64 = arith.constant 0 : index
    %swap3A_65 = arith.constant 7 : index
    %swap3A_66 = arith.constant 0 : index
    %swap3A_67 = arith.constant 0 : index
    %swap3A_68 = vector.load %arg4[%swap3A_64, %swap3A_65, %swap3A_66, %swap3A_67] : memref<1x16x680x32xf32, #tpu.memory_space<vmem>>, vector<1x1x680x32xf32>
    %swap3A_69 = vector.shape_cast %swap3A_68 : vector<1x1x680x32xf32> to vector<680x32xf32>
    %swap3A_70 = vector.shape_cast %slice3A_63 : vector<680x32xf32> to vector<1x1x680x32xf32>
    tpu.vector_store %arg4[%swap3A_64, %swap3A_65, %swap3A_66, %swap3A_67], %swap3A_70 {strides = array<i32>} : memref<1x16x680x32xf32, #tpu.memory_space<vmem>>, vector<1x1x680x32xf32>,
    %slice3A_71 = vector.extract_strided_slice %dot_general3A_8 {offsets = [0, 256], sizes = [680, 32], strides = [1, 1]} : vector<680x512xf32> to vector<680x32xf32>
    %swap3A_72 = arith.constant 0 : index
    %swap3A_73 = arith.constant 8 : index
    %swap3A_74 = arith.constant 0 : index
    %swap3A_75 = arith.constant 0 : index
    %swap3A_76 = vector.load %arg4[%swap3A_72, %swap3A_73, %swap3A_74, %swap3A_75] : memref<1x16x680x32xf32, #tpu.memory_space<vmem>>, vector<1x1x680x32xf32>
    %swap3A_77 = vector.shape_cast %swap3A_76 : vector<1x1x680x32xf32> to vector<680x32xf32>
    %swap3A_78 = vector.shape_cast %slice3A_71 : vector<680x32xf32> to vector<1x1x680x32xf32>
    tpu.vector_store %arg4[%swap3A_72, %swap3A_73, %swap3A_74, %swap3A_75], %swap3A_78 {strides = array<i32>} : memref<1x16x680x32xf32, #tpu.memory_space<vmem>>, vector<1x1x680x32xf32>,
    %slice3A_79 = vector.extract_strided_slice %dot_general3A_8 {offsets = [0, 288], sizes = [680, 32], strides = [1, 1]} : vector<680x512xf32> to vector<680x32xf32>
    %swap3A_80 = arith.constant 0 : index
    %swap3A_81 = arith.constant 9 : index
    %swap3A_82 = arith.constant 0 : index
    %swap3A_83 = arith.constant 0 : index
    %swap3A_84 = vector.load %arg4[%swap3A_80, %swap3A_81, %swap3A_82, %swap3A_83] : memref<1x16x680x32xf32, #tpu.memory_space<vmem>>, vector<1x1x680x32xf32>
    %swap3A_85 = vector.shape_cast %swap3A_84 : vector<1x1x680x32xf32> to vector<680x32xf32>
    %swap3A_86 = vector.shape_cast %slice3A_79 : vector<680x32xf32> to vector<1x1x680x32xf32>
    tpu.vector_store %arg4[%swap3A_80, %swap3A_81, %swap3A_82, %swap3A_83], %swap3A_86 {strides = array<i32>} : memref<1x16x680x32xf32, #tpu.memory_space<vmem>>, vector<1x1x680x32xf32>,
    %slice3A_87 = vector.extract_strided_slice %dot_general3A_8 {offsets = [0, 320], sizes = [680, 32], strides = [1, 1]} : vector<680x512xf32> to vector<680x32xf32>
    %swap3A_88 = arith.constant 0 : index
    %swap3A_89 = arith.constant 10 : index
    %swap3A_90 = arith.constant 0 : index
    %swap3A_91 = arith.constant 0 : index
    %swap3A_92 = vector.load %arg4[%swap3A_88, %swap3A_89, %swap3A_90, %swap3A_91] : memref<1x16x680x32xf32, #tpu.memory_space<vmem>>, vector<1x1x680x32xf32>
    %swap3A_93 = vector.shape_cast %swap3A_92 : vector<1x1x680x32xf32> to vector<680x32xf32>
    %swap3A_94 = vector.shape_cast %slice3A_87 : vector<680x32xf32> to vector<1x1x680x32xf32>
    tpu.vector_store %arg4[%swap3A_88, %swap3A_89, %swap3A_90, %swap3A_91], %swap3A_94 {strides = array<i32>} : memref<1x16x680x32xf32, #tpu.memory_space<vmem>>, vector<1x1x680x32xf32>,
    %slice3A_95 = vector.extract_strided_slice %dot_general3A_8 {offsets = [0, 352], sizes = [680, 32], strides = [1, 1]} : vector<680x512xf32> to vector<680x32xf32>
    %swap3A_96 = arith.constant 0 : index
    %swap3A_97 = arith.constant 11 : index
    %swap3A_98 = arith.constant 0 : index
    %swap3A_99 = arith.constant 0 : index
    %swap3A_100 = vector.load %arg4[%swap3A_96, %swap3A_97, %swap3A_98, %swap3A_99] : memref<1x16x680x32xf32, #tpu.memory_space<vmem>>, vector<1x1x680x32xf32>
    %swap3A_101 = vector.shape_cast %swap3A_100 : vector<1x1x680x32xf32> to vector<680x32xf32>
    %swap3A_102 = vector.shape_cast %slice3A_95 : vector<680x32xf32> to vector<1x1x680x32xf32>
    tpu.vector_store %arg4[%swap3A_96, %swap3A_97, %swap3A_98, %swap3A_99], %swap3A_102 {strides = array<i32>} : memref<1x16x680x32xf32, #tpu.memory_space<vmem>>, vector<1x1x680x32xf32>,
    %slice3A_103 = vector.extract_strided_slice %dot_general3A_8 {offsets = [0, 384], sizes = [680, 32], strides = [1, 1]} : vector<680x512xf32> to vector<680x32xf32>
    %swap3A_104 = arith.constant 0 : index
    %swap3A_105 = arith.constant 12 : index
    %swap3A_106 = arith.constant 0 : index
    %swap3A_107 = arith.constant 0 : index
    %swap3A_108 = vector.load %arg4[%swap3A_104, %swap3A_105, %swap3A_106, %swap3A_107] : memref<1x16x680x32xf32, #tpu.memory_space<vmem>>, vector<1x1x680x32xf32>
    %swap3A_109 = vector.shape_cast %swap3A_108 : vector<1x1x680x32xf32> to vector<680x32xf32>
    %swap3A_110 = vector.shape_cast %slice3A_103 : vector<680x32xf32> to vector<1x1x680x32xf32>
    tpu.vector_store %arg4[%swap3A_104, %swap3A_105, %swap3A_106, %swap3A_107], %swap3A_110 {strides = array<i32>} : memref<1x16x680x32xf32, #tpu.memory_space<vmem>>, vector<1x1x680x32xf32>,
    %slice3A_111 = vector.extract_strided_slice %dot_general3A_8 {offsets = [0, 416], sizes = [680, 32], strides = [1, 1]} : vector<680x512xf32> to vector<680x32xf32>
    %swap3A_112 = arith.constant 0 : index
    %swap3A_113 = arith.constant 13 : index
    %swap3A_114 = arith.constant 0 : index
    %swap3A_115 = arith.constant 0 : index
    %swap3A_116 = vector.load %arg4[%swap3A_112, %swap3A_113, %swap3A_114, %swap3A_115] : memref<1x16x680x32xf32, #tpu.memory_space<vmem>>, vector<1x1x680x32xf32>
    %swap3A_117 = vector.shape_cast %swap3A_116 : vector<1x1x680x32xf32> to vector<680x32xf32>
    %swap3A_118 = vector.shape_cast %slice3A_111 : vector<680x32xf32> to vector<1x1x680x32xf32>
    tpu.vector_store %arg4[%swap3A_112, %swap3A_113, %swap3A_114, %swap3A_115], %swap3A_118 {strides = array<i32>} : memref<1x16x680x32xf32, #tpu.memory_space<vmem>>, vector<1x1x680x32xf32>,
    %slice3A_119 = vector.extract_strided_slice %dot_general3A_8 {offsets = [0, 448], sizes = [680, 32], strides = [1, 1]} : vector<680x512xf32> to vector<680x32xf32>
    %swap3A_120 = arith.constant 0 : index
    %swap3A_121 = arith.constant 14 : index
    %swap3A_122 = arith.constant 0 : index
    %swap3A_123 = arith.constant 0 : index
    %swap3A_124 = vector.load %arg4[%swap3A_120, %swap3A_121, %swap3A_122, %swap3A_123] : memref<1x16x680x32xf32, #tpu.memory_space<vmem>>, vector<1x1x680x32xf32>
    %swap3A_125 = vector.shape_cast %swap3A_124 : vector<1x1x680x32xf32> to vector<680x32xf32>
    %swap3A_126 = vector.shape_cast %slice3A_119 : vector<680x32xf32> to vector<1x1x680x32xf32>
    tpu.vector_store %arg4[%swap3A_120, %swap3A_121, %swap3A_122, %swap3A_123], %swap3A_126 {strides = array<i32>} : memref<1x16x680x32xf32, #tpu.memory_space<vmem>>, vector<1x1x680x32xf32>,
    %slice3A_127 = vector.extract_strided_slice %dot_general3A_8 {offsets = [0, 480], sizes = [680, 32], strides = [1, 1]} : vector<680x512xf32> to vector<680x32xf32>
    %swap3A_128 = arith.constant 0 : index
    %swap3A_129 = arith.constant 15 : index
    %swap3A_130 = arith.constant 0 : index
    %swap3A_131 = arith.constant 0 : index
    %swap3A_132 = vector.load %arg4[%swap3A_128, %swap3A_129, %swap3A_130, %swap3A_131] : memref<1x16x680x32xf32, #tpu.memory_space<vmem>>, vector<1x1x680x32xf32>
    %swap3A_133 = vector.shape_cast %swap3A_132 : vector<1x1x680x32xf32> to vector<680x32xf32>
    %swap3A_134 = vector.shape_cast %slice3A_127 : vector<680x32xf32> to vector<1x1x680x32xf32>
    tpu.vector_store %arg4[%swap3A_128, %swap3A_129, %swap3A_130, %swap3A_131], %swap3A_134 {strides = array<i32>} : memref<1x16x680x32xf32, #tpu.memory_space<vmem>>, vector<1x1x680x32xf32>,
    return
  }
  func.func @transform_0(%arg0: i32, %arg1: i32) -> (i32, i32, i32) {
    %c0_i32 = arith.constant 0 : i32
    %c0_i32_0 = arith.constant 0 : i32
    return %arg0, %arg1, %c0_i32 : i32, i32, i32
  }
  func.func @transform_1(%arg0: i32, %arg1: i32) -> (i32, i32) {
    %c0_i32 = arith.constant 0 : i32
    %c0_i32_0 = arith.constant 0 : i32
    %c0_i32_1 = arith.constant 0 : i32
    return %c0_i32, %c0_i32_0 : i32, i32
  }
  func.func @transform_2(%arg0: i32, %arg1: i32) -> (i32, i32, i32, i32) {
    %c0_i32 = arith.constant 0 : i32
    %c0_i32_0 = arith.constant 0 : i32
    %c0_i32_1 = arith.constant 0 : i32
    return %arg0, %c0_i32, %arg1, %c0_i32_0 : i32, i32, i32, i32
  }
}

module attributes {stable_mosaic.version = 14 : i64} {
  func.func @_mm_body(%arg0: i32, %arg1: memref<680x512xf32, #tpu.memory_space<vmem>>, %arg2: memref<512x512xf32, #tpu.memory_space<vmem>>, %arg3: memref<680x512xf32, #tpu.memory_space<vmem>>) attributes {dimension_semantics = [#tpu.dimension_semantics<arbitrary>], iteration_bounds = array<i64: 16>, scalar_prefetch = 0 : i64, scratch_operands = 0 : i64, tpu.core_type = #tpu.core_type<tc>, window_params = [{transform_indices = @transform_0, window_bounds = array<i64: 680, 512>}, {pipeline_mode = #tpu.pipeline_mode<synchronous>, transform_indices = @transform_1, window_bounds = array<i64: 512, 512>}, {transform_indices = @transform_2, window_bounds = array<i64: 680, 512>}]} {
    %get3A = arith.constant 0 : index
    %get3A_0 = arith.constant 0 : index
    %get3A_1 = vector.load %arg1[%get3A, %get3A_0] : memref<680x512xf32, #tpu.memory_space<vmem>>, vector<680x512xf32>
    %get3A_2 = arith.constant 0 : index
    %get3A_3 = arith.constant 0 : index
    %get3A_4 = vector.load %arg2[%get3A_2, %get3A_3] : memref<512x512xf32, #tpu.memory_space<vmem>>, vector<512x512xf32>
    %convert_element_type3A = arith.truncf %get3A_1 : vector<680x512xf32> to vector<680x512xbf16>
    %convert_element_type3A_5 = arith.truncf %get3A_4 : vector<512x512xf32> to vector<512x512xbf16>
    %dot_general3A = arith.constant dense<0.000000e+00> : vector<680x512xf32>
    %dot_general3A_6 = tpu.matmul %convert_element_type3A, %convert_element_type3A_5, %dot_general3A {dimension_numbers = #tpu.dot_dimension_numbers<[1], [0], [0], [1], [0, 0, 1, 1], [], []>, transpose_lhs_hint = false} : vector<680x512xbf16>, vector<512x512xbf16>, vector<680x512xf32> -> vector<680x512xf32>
    %swap3A = arith.constant 0 : index
    %swap3A_7 = arith.constant 0 : index
    %swap3A_8 = vector.load %arg3[%swap3A, %swap3A_7] : memref<680x512xf32, #tpu.memory_space<vmem>>, vector<680x512xf32>
    tpu.vector_store %arg3[%swap3A, %swap3A_7], %dot_general3A_6 {strides = array<i32>} : memref<680x512xf32, #tpu.memory_space<vmem>>, vector<680x512xf32>,
    return
  }
  func.func @transform_0(%arg0: i32) -> (i32, i32) {
    %c0_i32 = arith.constant 0 : i32
    %c0_i32_0 = arith.constant 0 : i32
    return %arg0, %c0_i32 : i32, i32
  }
  func.func @transform_1(%arg0: i32) -> (i32, i32) {
    %c0_i32 = arith.constant 0 : i32
    %c0_i32_0 = arith.constant 0 : i32
    %c0_i32_1 = arith.constant 0 : i32
    return %c0_i32, %c0_i32_0 : i32, i32
  }
  func.func @transform_2(%arg0: i32) -> (i32, i32) {
    %c0_i32 = arith.constant 0 : i32
    %c0_i32_0 = arith.constant 0 : i32
    return %arg0, %c0_i32 : i32, i32
  }
}

</mosaic_0001>

<sc_bundles>
// kernel: kernel.6.cloned.1.call-start
scs
__scs_entry_jumppad:
0x0: {  	(pc) =	sbr.rel $0x88, $3  }
0x1: {  	(tag) =	ssettag $0x0;
	lr =	simm.s32 $0x1  }
0x2: {  	[smem:$0x3F98] =	sst lr;
	_ =	strace $0xD0000000  }
0x3: {  	_ = 	snop  }
0x4: {  	_ = 	snop  }
0x5: {  	_ = 	snop  }
0x6: {  	_ = 	snop  }
0x7: {  	_ = 	snop  }
__scs_overlays_trampoline_lowered:
0x8: {  	[smem:$0x3FA7] =	sst s0  }
0x9: {  	[smem:$0x3FA8] =	sst s1  }
0xa: {  	[smem:$0x3FA9] =	sst s2  }
0xb: {  	[smem:$0x3FAA] =	sst s3  }
0xc: {  	[smem:$0x3FAB] =	sst s4  }
0xd: {  	[smem:$0x3FAC] =	sst s5  }
0xe: {  	[smem:$0x3FAD] =	sst s6  }
0xf: {  	[smem:$0x3FAE] =	sst s7  }
0x10: {  	[smem:$0x3FAF] =	sst s8  }
0x11: {  	[smem:$0x3FB0] =	sst s9;
	s0 =	simm.s32 @!p0 $0x0  }
0x12: {  	s1 =	sld [smem:$0x3F96];
	s0 =	simm.s32 @p0 $0x1  }
0x13: {  	[smem:$0x3FB1] =	sst s0;
	s0 =	simm.s32 @!p1 $0x0  }
0x14: {  	s2 =	sld [smem:$0x3F95];
	s0 =	simm.s32 @p1 $0x1  }
0x15: {  	[smem:$0x3FB2] =	sst s0;
	s0 =	simm.s32 @!p2 $0x0  }
0x16: {  	s3 =	sld [smem:$0x3FDB];
	s0 =	simm.s32 @p2 $0x1  }
0x17: {  	s4 =	simm.s32 $0x1BF5;
	[smem:$0x3FB4] =	sst s0  }
0x18: {  	s0 =	sld [smem:$0x3F97];
	_ =	swait.ge [sflag:s4], $0x0  }
0x19: {  	s7 =	sld [smem:$0x3F98]  }
0x1a: {  	s8 =	sadd.s32 $0xFFFFE003, lr  }
0x1b: {  	s9 =	sadd.s32 $0xFFFFFEF7, lr;
	s5 =	simm.s32 $0xFFFFFFFF;
	p2 =	slt.u32 s8, $0xFFFFF086  }
0x1c: {  	p1 =	slt.u32 s9, $0xF7A;
	s5 =	simm.s32 @!p2 $0x0  }
0x1d: {  	s5 =	simm.s32 @p1 $0x1;
	p0 =	seq.s32 s7, s2  }
0x1e: {  	s7 =	smul.u32 @!p0 $0xF7A, s2;
	p2 =	seq.s32 @!p0 s5, $0x0  }
0x1f: {  	s9 =	smul.u32 $0xF7A, s1;
	s8 =	simm.s32 @!p0 $0x1BF5;
	p2 =	por !p2, p0  }
0x20: {  	[sflag:s8] =	ssyncset.s32 @!p0 $0xFFFFF086;
	s6 =	sadd.s32 @!p0 s3, s7;
	s7 =	simm.s32 @!p0 $0x108  }
0x21: {  	s3 =	sadd.s32 s3, s9;
	s6 =	sadd.s32 @!p0 $0x88, s6;
	s7 =	simm.s32 @p2 $0x1082  }
0x22: {  	[simem:s7], [sflag:s8] =	dma.local @!p0 [hbm:s6], $0xF7A  }
0x23: {  	s9 =	sor.u32 $0xD0000000, s2;
	s6 =	simm.s32 $0x108;
	_ =	swait.ge @!p0 [sflag:s8], $0x0  }
0x24: {  	s3 =	sadd.s32 $0x88, s3;
	s6 =	simm.s32 @!p1 $0x1082;
	[sflag:s4] =	ssyncset.s32 $0xFFFFF086  }
0x25: {  	[simem:s6], [sflag:s4] =	dma.local [hbm:s3], $0xF7A  }
0x26: {  	[smem:$0x3F98] =	sst s1;
	(tag) =	ssettag s2;
	_ =	strace s9  }
0x27: {  	s1 =	sld [smem:$0x3FA8]  }
0x28: {  	s2 =	sld [smem:$0x3FA9]  }
0x29: {  	s4 =	sld [smem:$0x3FAB]  }
0x2a: {  	p0 =	seq.s32 s5, $0x0;
	s5 =	sld [smem:$0x3FAC]  }
0x2b: {  	s6 =	sld [smem:$0x3FAD]  }
0x2c: {  	s7 =	sld [smem:$0x3FAE]  }
0x2d: {  	s3 =	simm.s32 $0x108;
	s8 =	sld [smem:$0x3FAF]  }
0x2e: {  	s3 =	simm.s32 @!p0 $0x1082;
	s9 =	sld [smem:$0x3FB0]  }
0x2f: {  	lr =	sadd.s32 s0, s3;
	s0 =	sld [smem:$0x3FA7]  }
0x30: {  	s3 =	sld [smem:$0x3FAA]  }
0x31: {  	[smem:$0x3FB3] =	sst s10  }
0x32: {  	s10 =	sld [smem:$0x3FB1];
	_ =	sdelay $0x3  }
0x33: {  	p0 =	seq.s32 s10, $0x1;
	s10 =	sld [smem:$0x3FB3];
	_ =	sdelay $0x3  }
0x34: {  	[smem:$0x3FB3] =	sst s10  }
0x35: {  	s10 =	sld [smem:$0x3FB2];
	_ =	sdelay $0x3  }
0x36: {  	p1 =	seq.s32 s10, $0x1;
	s10 =	sld [smem:$0x3FB3];
	_ =	sdelay $0x3  }
0x37: {  	[smem:$0x3FB3] =	sst s10  }
0x38: {  	s10 =	sld [smem:$0x3FB4]  }
0x39: {  	_ = 	snop;
	(pc) =	sbr.ind lr, $3  }
0x3a: {  	_ = 	snop  }
0x3b: {  	_ = 	snop  }
0x3c: {  	p2 =	seq.s32 s10, $0x1;
	s10 =	sld [smem:$0x3FB3]  }
0x3d: {  	_ =	shalt  }
0x3e: {  	_ =	shalt  }
0x3f: {  	_ =	shalt  }
0x40: {  	_ =	shalt  }
0x41: {  	_ =	shalt  }
0x42: {  	_ =	shalt  }
0x43: {  	_ =	shalt  }
0x44: {  	_ =	shalt  }
0x45: {  	_ =	shalt  }
0x46: {  	_ =	shalt  }
0x47: {  	_ =	shalt  }
0x48: {  	_ =	shalt  }
0x49: {  	_ =	shalt  }
0x4a: {  	_ =	shalt  }
0x4b: {  	_ =	shalt  }
0x4c: {  	_ =	shalt  }
0x4d: {  	_ =	shalt  }
0x4e: {  	_ =	shalt  }
0x4f: {  	_ =	shalt  }
0x50: {  	_ =	shalt  }
0x51: {  	_ =	shalt  }
0x52: {  	_ =	shalt  }
0x53: {  	_ =	shalt  }
0x54: {  	_ =	shalt  }
0x55: {  	_ =	shalt  }
0x56: {  	_ =	shalt  }
0x57: {  	_ =	shalt  }
0x58: {  	_ =	shalt  }
0x59: {  	_ =	shalt  }
0x5a: {  	_ =	shalt  }
0x5b: {  	_ =	shalt  }
0x5c: {  	_ =	shalt  }
0x5d: {  	_ =	shalt  }
0x5e: {  	_ =	shalt  }
0x5f: {  	_ =	shalt  }
0x60: {  	_ =	shalt  }
0x61: {  	_ =	shalt  }
0x62: {  	_ =	shalt  }
0x63: {  	_ =	shalt  }
0x64: {  	_ =	shalt  }
0x65: {  	_ =	shalt  }
0x66: {  	_ =	shalt  }
0x67: {  	_ =	shalt  }
0x68: {  	_ =	shalt  }
0x69: {  	_ =	shalt  }
0x6a: {  	_ =	shalt  }
0x6b: {  	_ =	shalt  }
0x6c: {  	_ =	shalt  }
0x6d: {  	_ =	shalt  }
0x6e: {  	_ =	shalt  }
0x6f: {  	_ =	shalt  }
0x70: {  	_ =	shalt  }
0x71: {  	_ =	shalt  }
0x72: {  	_ =	shalt  }
0x73: {  	_ =	shalt  }
0x74: {  	_ =	shalt  }
0x75: {  	_ =	shalt  }
0x76: {  	_ =	shalt  }
0x77: {  	_ =	shalt  }
0x78: {  	_ =	shalt  }
0x79: {  	_ =	shalt  }
0x7a: {  	_ =	shalt  }
0x7b: {  	_ =	shalt  }
0x7c: {  	_ =	shalt  }
0x7d: {  	_ =	shalt  }
0x7e: {  	_ =	shalt  }
0x7f: {  	_ =	shalt  }
0x80: {  	_ =	shalt  }
0x81: {  	_ =	shalt  }
0x82: {  	_ =	shalt  }
0x83: {  	_ =	shalt  }
0x84: {  	_ =	shalt  }
0x85: {  	_ =	shalt  }
0x86: {  	_ =	shalt  }
0x87: {  	_ =	shalt  }
.Lfunc_end0:
.L_simem_size_0:
called_computation_lowered:
.L_overlay_start_0:
0x88: {  	s2 =	sld [smem:$0x3FD9]  }
0x89: {  	s3 =	sld [smem:$0x3FFE];
	_ =	sdelay $0x1  }
0x8a: {  	s1 =	srdreg.scid  }
0x8b: {  	s0 =	sand.u32 $0x1, s1  }
0x8c: {  	s17 =	sshll.u32 s0, $0xA;
	s2 =	sadd.s32 s3, s2  }
0x8d: {  	s2 =	sadd.s32 s2, s17  }
0x8e: {  	[smem:$0x3FBF] =	sst s2  }
0x8f: {  	_ = 	snop  }
0x90: {  	s2 =	sld [smem:$0x3FD0];
	(tm) =	ssettm $0x1  }
0x91: {  	s18 =	sld [smem:$0x3FFB];
	_ =	sdelay $0x3  }
0x92: {  	_ =	strace s18  }
0x93: {  	s3 =	sld [smem:$0x3FFC];
	_ =	sdelay $0x3  }
0x94: {  	_ =	strace s3  }
0x95: {  	s3 =	sld [smem:$0x3FFD];
	_ =	sdelay $0x3  }
0x96: {  	_ =	strace s3  }
0x97: {  	_ =	strace $0x8FFFFFFF  }
0x98: {  	s19 =	sld [smem:$0x3FDB];
	_ =	sdelay $0x1  }
0x99: {  	s4 =	simm.s32 $_scs_section_size  }
0x9a: {  	s5 =	simm.s32 $_size__tile_overlayer_lowered;
	s6 =	simm.s32 $_tile_overlayer_lowered  }
0x9b: {  	s22 =	simm.s32 $0x1BFF;
	s21 =	sshll.u32 s6, $0x1;
	s3 =	sadd.s32 s4, s19  }
0x9c: {  	s7 =	simm.s32 $0x0;
	s20 =	sshll.u32 s5, $0x1;
	s5 =	sadd.s32 s21, s3  }
0x9d: {  	[timem:s7], [sflag:s22] =	dma.local [hbm:s5], s20  }
0x9e: {  	_ =	swait.ge [sflag:s22], s20  }
0x9f: {  	s4 =	ssub.s32 $0x0, s20;
	[sflag:s22] =	ssyncset.done $0x0  }
0xa0: {  	[sflag:s22] =	ssyncadd.s32 s4;
	_ =	sdelay $0x1  }
0xa1: {  	s23 =	simm.s32 $0x1B8B  }
0xa2: {  	_ =	swait.ge [sflag:s23], $0x1  }
0xa3: {  	[sflag:s23] =	ssyncset.done $0x0  }
0xa4: {  	s25 =	simm.s32 $0x1B8E;
	s24 =	sld [smem:$0x3FFE];
	[sflag:s23] =	ssyncadd.s32 $0xFFFFFFFF  }
0xa5: {  	s26 =	simm.s32 $execute0_lowered;
	[smem:$0x3FD2] =	sst s25  }
0xa6: {  	s5 =	sshll.u32 s26, $0x1;
	_ =	strace $0x80000046;
	[dreg:$0x1] =	wrdreg $0xFFFFFFFF  }
0xa7: {  	s28 =	simm.s32 $_size_execute0_lowered;
	s3 =	sadd.s32 s3, s5;
	[dreg:$0x0] =	wrdreg $0x0  }
0xa8: {  	s5 =	sshll.u32 s28, $0x1;
	[dreg:$0x2] =	wrdreg s3  }
0xa9: {  	[dreg:$0x3] =	wrdreg s5  }
0xaa: {  	[dreg:$0x4] =	wrdreg $0xC0  }
0xab: {  	_ =	task [dreg:s7], $0x5FFFF  }
0xac: {  	[dreg:$0x1] =	wrdreg $0xFFFFFFFF  }
0xad: {  	[dreg:$0x0] =	wrdreg $0x60  }
0xae: {  	[dreg:$0x2] =	wrdreg s24  }
0xaf: {  	[dreg:$0x3] =	wrdreg s2  }
0xb0: {  	[dreg:$0x4] =	wrdreg $0x9  }
0xb1: {  	_ =	task.clear_ibuf [dreg:s7], $0x5FFFF;
	_ =	strace $0x90000046  }
0xb2: {  	s29 =	simm.s32 $0x9;
	_ =	strace $0x80000048  }
0xb3: {  	_ =	swait.ge [sflag:s29], $0x1  }
0xb4: {  	[sflag:s29] =	ssyncadd.s32 $0xFFFFFFFF  }
0xb5: {  	_ =	strace $0x90000048  }
0xb6: {  	_ =	sfence  }
0xb7: {  	s30 =	sld [smem:$0x0];
	_ =	sdelay $0x2  }
0xb8: {  	s31 =	sshll.u32 s1, $0xD;
	s1 =	sshrl.u32 s1, $0x2  }
0xb9: {  	s3 =	sand.u32 $0x4000, s31;
	s1 =	sadd.s32 s1, s30  }
0xba: {  	s0 =	sor.u32 s3, s0;
	s1 =	sshll.u32 s1, $0x11  }
0xbb: {  	s0 =	sor.u32 s1, s0  }
0xbc: {  	s0 =	sadd.s32 $0x8F2B, s0  }
0xbd: {  	[sflag:s0] =	ssyncadd.remote.s32 $0x1  }
0xbe: {  	_ =	sfence.sel $0xFFFF  }
0xbf: {  	[dreg:$0x0] =	wrdreg $0xFFFFFFFF;
	(pc) =	sbr.abs _section_cstart, $3  }
0xc0: {  	[dreg:$0x1] =	wrdreg $0xFFFFFFFF  }
0xc1: {  	_ =	task.clear_ibuf [dreg:s7], $0x2FFFF;
	_ =	strace $0x9FFFFFFF  }
0xc2: {  	(tm) =	ssettm $0x7FFFFFFF  }
0xc3: {  	_ =	shalt  }
tec
execute0_lowered:
.L_overlay_start_1:
0x0: {  	(tag) =	ssettag $0x1  }
0x1: {  	s0 =	rddreg [dreg:$0x0]  }
0x2: {  	s1 =	rddreg [dreg:$0x1]  }
0x3: {  	s3 =	srdreg.scid;
	s8 =	stileid.u32  }
0x4: {  	s2 =	simm.s32 $0x0;
	s3 =	sand.u32 $0x1, s3;
	s10 =	sshll.u32 s8, $0x1  }
0x5: {  	s29 =	simm.s32 $0x200;
	s31 =	simm.s32 $0x300;
	s13 =	sor.u32 s3, s10  }
0x6: {  	s30 =	simm.s32 $0x400;
	s4 =	sadd.s32 $0x203A00, s0;
	s14 =	smul.u32 $0x2A80, s13  }
0x7: {  	s18 =	simm.s32 $0x700;
	s5 =	sadd.s32 $0x1AEA00, s0;
	s25 =	smul.u32 $0x15400, s13  }
0x8: {  	[smem:$0x7FF] =	sst s2;
	s6 =	sadd.s32 $0x159A00, s0;
	s8 =	sadd.s32 $0xAFA00, s0  }
0x9: {  	_ =	strace $0x80000047;
	s21 =	sadd.s32 s4, s14;
	[dreg:$0x7] =	wrdreg s25  }
0xa: {  	s7 =	sadd.s32 $0x104A00, s0;
	s22 =	sadd.s32 s8, s14;
	[dreg:$0x3] =	wrdreg s21  }
0xb: {  	s9 =	sadd.s32 $0x5AA00, s0;
	s23 =	sadd.s32 s5, s14;
	[dreg:$0x4] =	wrdreg s22  }
0xc: {  	s11 =	sadd.s32 $0x258A00, s0;
	s24 =	sadd.s32 s9, s14;
	[dreg:$0x5] =	wrdreg s23  }
0xd: {  	s10 =	sadd.s32 $0x5A00, s0;
	s15 =	sadd.s32 s6, s14;
	[dreg:$0x6] =	wrdreg s24  }
0xe: {  	s12 =	sadd.s32 $0x2ADA00, s0;
	s26 =	sadd.s32 s10, s14;
	[dreg:$0x8] =	wrdreg s15  }
0xf: {  	s3 =	ssub.s32 $0x2, s3;
	s28 =	sadd.s32 s7, s14;
	[dreg:$0x9] =	wrdreg s26  }
0x10: {  	s20 =	sshrl.u32 s3, $0x1;
	s14 =	sadd.s32 s11, s14;
	[dreg:$0xa] =	wrdreg s28  }
0x11: {  	s0 =	ssub.s32 s3, s20;
	s3 =	sor.u32 $0x200, s25;
	[dreg:$0xb] =	wrdreg s14  }
0x12: {  	s19 =	simm.s32 $0x5;
	s0 =	smax.u32 s0, $0x1;
	[dreg:$0xc] =	wrdreg s3  }
0x13: {  	s20 =	simm.s32 $0x2;
	s22 =	smul.u32 $0x2A800, s13;
	[dreg:$0xd] =	wrdreg s0  }
0x14: {  	s26 =	simm.s32 $0x100;
	s3 =	simm.s32 $0x1;
	s13 =	simm.s32 $0x80  }
0x15: {  	s0 =	simm.s32 $0x3;
	s21 =	simm.s32 $0x4;
	s15 =	simm.s32 $0x0  }
.LBB2_1:
0x16: {  	[dreg:$0xe] =	wrdreg s15  }
0x17: {  	s14 =	rddreg [dreg:$0x3]  }
0x18: {  	[tilespmem:s2], [sflag:$0x1] =	stream.linear.gather [hbm4b:s14+s2], $0x100, $0x38;
	[tilespmem:$0x11400] =	vst v63  }
0x19: {  	s25 =	rddreg [dreg:$0x4];
	s28 =	simm.s32 $0x800  }
0x1a: {  	[tilespmem:s28], [sflag:$0x1] =	stream.linear.gather [hbm4b:s25+s2], $0x100, $0x38;
	[tilespmem:$0x11400] =	vst v63  }
0x1b: {  	s15 =	rddreg [dreg:$0x5]  }
0x1c: {  	[tilespmem:s26], [sflag:$0x1] =	stream.linear.gather [hbm4b:s15+s2], $0x100, $0x38;
	[tilespmem:$0x11400] =	vst v63  }
0x1d: {  	s16 =	rddreg [dreg:$0x6];
	s17 =	simm.s32 $0x900  }
0x1e: {  	[tilespmem:s17], [sflag:$0x1] =	stream.linear.gather [hbm4b:s16+s2], $0x100, $0x38;
	[tilespmem:$0x11400] =	vst v63  }
0x1f: {  	s23 =	rddreg [dreg:$0x8]  }
0x20: {  	[tilespmem:s29], [sflag:$0x1] =	stream.linear.gather [hbm4b:s23+s2], $0x100, $0x38;
	[tilespmem:$0x11400] =	vst v63  }
0x21: {  	s24 =	rddreg [dreg:$0x9];
	s25 =	simm.s32 $0xA00  }
0x22: {  	[tilespmem:s25], [sflag:$0x1] =	stream.linear.gather [hbm4b:s24+s2], $0x100, $0x38;
	[tilespmem:$0x11400] =	vst v63  }
0x23: {  	s28 =	rddreg [dreg:$0xa]  }
0x24: {  	[tilespmem:s31], [sflag:$0x1] =	stream.linear.gather [hbm4b:s28+s2], $0x100, $0x38;
	[tilespmem:$0x11400] =	vst v63  }
0x25: {  	s15 =	rddreg [dreg:$0xb];
	s16 =	simm.s32 $0xB00  }
0x26: {  	[tilespmem:s16], [sflag:$0x1] =	stream.linear.gather [hbm4b:s15+s2], $0x100, $0x38;
	[tilespmem:$0x11400] =	vst v63  }
0x27: {  	_ =	swait.ge [sflag:s3], $0x100  }
0x28: {  	[sflag:s3] =	ssyncset.done $0x0  }
0x29: {  	[sflag:s3] =	ssyncadd.s32 $0xFFFFFF00  }
0x2a: {  	_ =	swait.ge [sflag:s3], $0x100  }
0x2b: {  	[sflag:s3] =	ssyncset.done $0x0  }
0x2c: {  	[sflag:s3] =	ssyncadd.s32 $0xFFFFFF00  }
0x2d: {  	_ =	swait.ge [sflag:s3], $0x100  }
0x2e: {  	[sflag:s3] =	ssyncset.done $0x0  }
0x2f: {  	[sflag:s3] =	ssyncadd.s32 $0xFFFFFF00  }
0x30: {  	_ =	swait.ge [sflag:s3], $0x100  }
0x31: {  	[sflag:s3] =	ssyncset.done $0x0  }
0x32: {  	[sflag:s3] =	ssyncadd.s32 $0xFFFFFF00  }
0x33: {  	_ =	swait.ge [sflag:s3], $0x100  }
0x34: {  	[sflag:s3] =	ssyncset.done $0x0  }
0x35: {  	[sflag:s3] =	ssyncadd.s32 $0xFFFFFF00  }
0x36: {  	_ =	swait.ge [sflag:s3], $0x100  }
0x37: {  	[sflag:s3] =	ssyncset.done $0x0  }
0x38: {  	[sflag:s3] =	ssyncadd.s32 $0xFFFFFF00  }
0x39: {  	_ =	swait.ge [sflag:s3], $0x100  }
0x3a: {  	[sflag:s3] =	ssyncset.done $0x0  }
0x3b: {  	[sflag:s3] =	ssyncadd.s32 $0xFFFFFF00  }
0x3c: {  	_ =	swait.ge [sflag:s3], $0x100  }
0x3d: {  	[sflag:s3] =	ssyncset.done $0x0  }
0x3e: {  	s17 =	simm.s32 $0x1000;
	[sflag:s3] =	ssyncadd.s32 $0xFFFFFF00  }
0x3f: {  	[tilespmem:s17], [sflag:$0x3] =	stream.indirect.gather [hbm4b:s1+s13], $0x20, s2, s13, $0xb8;
	[tilespmem:$0x11400] =	vst v63  }
0x40: {  	s23 =	simm.s32 $0x2000  }
0x41: {  	[tilespmem:s23], [sflag:$0x3] =	stream.indirect.gather [hbm4b:s1+s13], $0x20, s13, s13, $0xb8;
	[tilespmem:$0x11400] =	vst v63  }
0x42: {  	s24 =	simm.s32 $0x3000  }
0x43: {  	[tilespmem:s24], [sflag:$0x3] =	stream.indirect.gather [hbm4b:s1+s13], $0x20, s26, s13, $0xb8;
	[tilespmem:$0x11400] =	vst v63  }
0x44: {  	s25 =	simm.s32 $0x180;
	s28 =	simm.s32 $0x4000  }
0x45: {  	[tilespmem:s28], [sflag:$0x3] =	stream.indirect.gather [hbm4b:s1+s13], $0x20, s25, s13, $0xb8;
	[tilespmem:$0x11400] =	vst v63  }
0x46: {  	s16 =	simm.s32 $0x5000  }
0x47: {  	[tilespmem:s16], [sflag:$0x3] =	stream.indirect.gather [hbm4b:s1+s13], $0x20, s29, s13, $0xb8;
	[tilespmem:$0x11400] =	vst v63  }
0x48: {  	s17 =	simm.s32 $0x280;
	s23 =	simm.s32 $0x6000  }
0x49: {  	[tilespmem:s23], [sflag:$0x3] =	stream.indirect.gather [hbm4b:s1+s13], $0x20, s17, s13, $0xb8;
	[tilespmem:$0x11400] =	vst v63  }
0x4a: {  	s24 =	simm.s32 $0x7000  }
0x4b: {  	[tilespmem:s24], [sflag:$0x3] =	stream.indirect.gather [hbm4b:s1+s13], $0x20, s31, s13, $0xb8;
	[tilespmem:$0x11400] =	vst v63  }
0x4c: {  	s25 =	simm.s32 $0x380;
	s28 =	simm.s32 $0x8000;
	s24 =	simm.s32 $0x0  }
0x4d: {  	[tilespmem:s28], [sflag:$0x3] =	stream.indirect.gather [hbm4b:s1+s13], $0x20, s25, s13, $0xb8;
	[tilespmem:$0x11400] =	vst v63  }
.LBB2_2:
0x4e: {  	_ =	swait.ge [sflag:s0], $0x1000  }
0x4f: {  	[sflag:s0] =	ssyncset.done $0x0  }
0x50: {  	[sflag:s0] =	ssyncadd.s32 $0xFFFFF000  }
0x51: {  	_ =	swait.ge [sflag:s0], $0x1000  }
0x52: {  	[sflag:s0] =	ssyncset.done $0x0  }
0x53: {  	[sflag:s0] =	ssyncadd.s32 $0xFFFFF000  }
0x54: {  	_ =	swait.ge [sflag:s0], $0x1000  }
0x55: {  	[sflag:s0] =	ssyncset.done $0x0  }
0x56: {  	[sflag:s0] =	ssyncadd.s32 $0xFFFFF000  }
0x57: {  	_ =	swait.ge [sflag:s0], $0x1000  }
0x58: {  	[sflag:s0] =	ssyncset.done $0x0  }
0x59: {  	[sflag:s0] =	ssyncadd.s32 $0xFFFFF000  }
0x5a: {  	_ =	swait.ge [sflag:s0], $0x1000  }
0x5b: {  	[sflag:s0] =	ssyncset.done $0x0  }
0x5c: {  	[sflag:s0] =	ssyncadd.s32 $0xFFFFF000  }
0x5d: {  	_ =	swait.ge [sflag:s0], $0x1000  }
0x5e: {  	[sflag:s0] =	ssyncset.done $0x0  }
0x5f: {  	[sflag:s0] =	ssyncadd.s32 $0xFFFFF000  }
0x60: {  	_ =	swait.ge [sflag:s0], $0x1000  }
0x61: {  	[sflag:s0] =	ssyncset.done $0x0  }
0x62: {  	[sflag:s0] =	ssyncadd.s32 $0xFFFFF000  }
0x63: {  	s25 =	sshllo.u32 s24, $0x1;
	_ =	swait.ge [sflag:s0], $0x1000  }
0x64: {  	s14 =	sshll.u32 s25, $0x8;
	s15 =	rddreg [dreg:$0x7]  }
0x65: {  	s14 =	sadd.s32 s15, s14  }
0x66: {  	[sflag:s0] =	ssyncset.done $0x0;
	s14 =	sshrl.u32 s14, $0x3  }
0x67: {  	s16 =	simm.s32 $0x0;
	[sflag:s0] =	ssyncadd.s32 $0xFFFFF000;
	s17 =	sadd.s32 s4, s14  }
0x68: {  	[tilespmem:s30], [sflag:$0x2] =	stream.linear.gather [hbm4b:s17+s16], $0x100, $0x38;
	[tilespmem:$0x11400] =	vst v63  }
0x69: {  	s23 =	sadd.s32 s8, s14;
	s17 =	simm.s32 $0xC00  }
0x6a: {  	[tilespmem:s17], [sflag:$0x2] =	stream.linear.gather [hbm4b:s23+s16], $0x100, $0x38;
	[tilespmem:$0x11400] =	vst v63  }
0x6b: {  	s17 =	sadd.s32 s5, s14;
	s23 =	simm.s32 $0x500  }
0x6c: {  	[tilespmem:s23], [sflag:$0x2] =	stream.linear.gather [hbm4b:s17+s16], $0x100, $0x38;
	[tilespmem:$0x11400] =	vst v63  }
0x6d: {  	s17 =	sadd.s32 s9, s14;
	s23 =	simm.s32 $0xD00  }
0x6e: {  	[tilespmem:s23], [sflag:$0x2] =	stream.linear.gather [hbm4b:s17+s16], $0x100, $0x38;
	[tilespmem:$0x11400] =	vst v63  }
0x6f: {  	s17 =	sadd.s32 s6, s14;
	s23 =	simm.s32 $0x600  }
0x70: {  	[tilespmem:s23], [sflag:$0x2] =	stream.linear.gather [hbm4b:s17+s16], $0x100, $0x38;
	[tilespmem:$0x11400] =	vst v63  }
0x71: {  	s17 =	sadd.s32 s10, s14;
	s23 =	simm.s32 $0xE00  }
0x72: {  	[tilespmem:s23], [sflag:$0x2] =	stream.linear.gather [hbm4b:s17+s16], $0x100, $0x38;
	[tilespmem:$0x11400] =	vst v63  }
0x73: {  	s17 =	sadd.s32 s7, s14  }
0x74: {  	[tilespmem:s18], [sflag:$0x2] =	stream.linear.gather [hbm4b:s17+s16], $0x100, $0x38;
	[tilespmem:$0x11400] =	vst v63  }
0x75: {  	s14 =	sadd.s32 s11, s14;
	s23 =	simm.s32 $0xF00;
	s17 =	simm.s32 $0xA00  }
0x76: {  	[tilespmem:s23], [sflag:$0x2] =	stream.linear.gather [hbm4b:s14+s16], $0x100, $0x38;
	[tilespmem:$0x11400] =	vst v63  }
0x77: {  	v0 =	vld [tilespmem:s17+$0x100]  }
0x78: {  	v1 =	vld [tilespmem:s17+$0x0]  }
0x79: {  	s23 =	simm.s32 $0x0;
	v3 =	vld [tilespmem:s17+$0xFFFFFE00]  }
0x7a: {  	v4 =	vld [tilespmem:s23+$0x1000]  }
0x7b: {  	v5 =	vld [tilespmem:s23+$0x1030]  }
0x7c: {  	v6 =	vld [tilespmem:s23+$0x1010]  }
0x7d: {  	v7 =	vld [tilespmem:s23+$0x1020]  }
0x7e: {  	v2 =	vld [tilespmem:s17+$0xFFFFFF00];
	v8 =	vbroadcast v3, $0x0  }
0x7f: {  	v9 =	vld [tilespmem:s23+$0x1040]  }
0x80: {  	v11 =	vld [tilespmem:s23+$0x1050];
	v10 =	vbroadcast v3, $0x1;
	v4 =	vmul.f32 v8, v4  }
0x81: {  	v35 =	vld [tilespmem:s23+$0x1060];
	v6 =	vmul.f32 v6, v8  }
0x82: {  	v12 =	vld [tilespmem:s23+$0x1070];
	v13 =	vbroadcast v3, $0x2;
	v7 =	vmul.f32 v7, v10;
	v4 =	vadd.f32 $0.0e+00, v4  }
0x83: {  	v36 =	vld [tilespmem:s23+$0x1080];
	v5 =	vmul.f32 v5, v10;
	v6 =	vadd.f32 $0.0e+00, v6  }
0x84: {  	v14 =	vld [tilespmem:s23+$0x1090];
	v15 =	vbroadcast v3, $0x3;
	v37 =	vmul.f32 v9, v13;
	v4 =	vadd.f32 v7, v4  }
0x85: {  	v39 =	vld [tilespmem:s23+$0x10A0];
	v38 =	vmul.f32 v11, v13;
	v5 =	vadd.f32 v5, v6  }
0x86: {  	v40 =	vld [tilespmem:s23+$0x10B0];
	v41 =	vbroadcast v3, $0x4;
	v42 =	vmul.f32 v35, v15;
	v4 =	vadd.f32 v37, v4  }
0x87: {  	v44 =	vld [tilespmem:s23+$0x10C0];
	v43 =	vmul.f32 v12, v15;
	v5 =	vadd.f32 v38, v5  }
0x88: {  	v45 =	vld [tilespmem:s23+$0x10D0];
	v46 =	vbroadcast v3, $0x5;
	v47 =	vmul.f32 v36, v41;
	v4 =	vadd.f32 v42, v4  }
0x89: {  	v49 =	vld [tilespmem:s23+$0x10E0];
	v48 =	vmul.f32 v14, v41;
	v5 =	vadd.f32 v43, v5  }
0x8a: {  	v50 =	vld [tilespmem:s23+$0x10F0];
	v51 =	vbroadcast v3, $0x6;
	v6 =	vmul.f32 v39, v46;
	v4 =	vadd.f32 v47, v4  }
0x8b: {  	v53 =	vld [tilespmem:s23+$0x1100];
	v52 =	vmul.f32 v40, v46;
	v5 =	vadd.f32 v48, v5  }
0x8c: {  	v55 =	vld [tilespmem:s23+$0x1110];
	v54 =	vbroadcast v3, $0x7;
	v56 =	vmul.f32 v44, v51;
	v4 =	vadd.f32 v6, v4  }
0x8d: {  	v58 =	vld [tilespmem:s23+$0x1120];
	v57 =	vmul.f32 v45, v51;
	v5 =	vadd.f32 v52, v5  }
0x8e: {  	v60 =	vld [tilespmem:s23+$0x1130];
	v59 =	vbroadcast v3, $0x8;
	v61 =	vmul.f32 v49, v54;
	v4 =	vadd.f32 v56, v4  }
0x8f: {  	v63 =	vld [tilespmem:s23+$0x1140];
	v62 =	vmul.f32 v50, v54;
	v5 =	vadd.f32 v57, v5  }
0x90: {  	v18 =	vld [tilespmem:s23+$0x1150];
	v17 =	vbroadcast v3, $0x9;
	v19 =	vmul.f32 v53, v59;
	v4 =	vadd.f32 v61, v4  }
0x91: {  	v21 =	vld [tilespmem:s23+$0x1160];
	v20 =	vmul.f32 v55, v59;
	v5 =	vadd.f32 v62, v5  }
0x92: {  	v22 =	vld [tilespmem:s23+$0x1170];
	v24 =	vbroadcast v3, $0xA;
	v23 =	vmul.f32 v58, v17;
	v4 =	vadd.f32 v19, v4  }
0x93: {  	v25 =	vld [tilespmem:s23+$0x1180];
	v11 =	vmul.f32 v60, v17;
	v5 =	vadd.f32 v20, v5  }
0x94: {  	v26 =	vld [tilespmem:s23+$0x1190];
	v27 =	vbroadcast v3, $0xB;
	v28 =	vmul.f32 v63, v24;
	v4 =	vadd.f32 v23, v4  }
0x95: {  	v29 =	vld [tilespmem:s23+$0x11A0];
	v7 =	vmul.f32 v18, v24;
	v5 =	vadd.f32 v11, v5  }
0x96: {  	v30 =	vld [tilespmem:s23+$0x11B0];
	v31 =	vbroadcast v3, $0xC;
	v32 =	vmul.f32 v21, v27;
	v4 =	vadd.f32 v28, v4  }
0x97: {  	v34 =	vld [tilespmem:s23+$0x11C0];
	v33 =	vmul.f32 v22, v27;
	v5 =	vadd.f32 v7, v5  }
0x98: {  	v35 =	vld [tilespmem:s23+$0x11D0];
	v36 =	vbroadcast v3, $0xD;
	v37 =	vmul.f32 v25, v31;
	v4 =	vadd.f32 v32, v4  }
0x99: {  	v39 =	vld [tilespmem:s23+$0x11E0];
	v38 =	vmul.f32 v26, v31;
	v5 =	vadd.f32 v33, v5  }
0x9a: {  	v40 =	vld [tilespmem:s23+$0x11F0];
	v41 =	vbroadcast v3, $0xE;
	v42 =	vmul.f32 v29, v36;
	v4 =	vadd.f32 v37, v4  }
0x9b: {  	v44 =	vld [tilespmem:s23+$0x3000];
	v43 =	vmul.f32 v30, v36;
	v5 =	vadd.f32 v38, v5  }
0x9c: {  	v3 =	vbroadcast v3, $0xF;
	v45 =	vld [tilespmem:s23+$0x3010];
	v46 =	vmul.f32 v34, v41;
	v4 =	vadd.f32 v42, v4  }
0x9d: {  	v47 =	vmul.f32 v35, v41;
	v48 =	vld [tilespmem:s23+$0x3020];
	v5 =	vadd.f32 v43, v5  }
0x9e: {  	v49 =	vld [tilespmem:s23+$0x3030];
	v51 =	vbroadcast v2, $0x0;
	v50 =	vmul.f32 v39, v3;
	v4 =	vadd.f32 v46, v4  }
0x9f: {  	v3 =	vmul.f32 v40, v3;
	v52 =	vld [tilespmem:s23+$0x3040];
	v5 =	vadd.f32 v47, v5  }
0xa0: {  	v53 =	vbroadcast v2, $0x1;
	v54 =	vld [tilespmem:s23+$0x3050];
	v55 =	vmul.f32 v51, v44;
	v4 =	vadd.f32 v50, v4  }
0xa1: {  	v8 =	vmul.f32 v45, v51;
	v56 =	vld [tilespmem:s23+$0x3060];
	v3 =	vadd.f32 v3, v5  }
0xa2: {  	v58 =	vld [tilespmem:s23+$0x3070];
	v57 =	vbroadcast v2, $0x2;
	v59 =	vmul.f32 v48, v53;
	v4 =	vadd.f32 v55, v4  }
0xa3: {  	v60 =	vmul.f32 v49, v53;
	v61 =	vld [tilespmem:s23+$0x3080];
	v3 =	vadd.f32 v8, v3  }
0xa4: {  	v63 =	vld [tilespmem:s23+$0x3090];
	v62 =	vbroadcast v2, $0x3;
	v15 =	vmul.f32 v52, v57;
	v4 =	vadd.f32 v59, v4  }
0xa5: {  	v17 =	vld [tilespmem:s23+$0x30A0];
	v16 =	vmul.f32 v54, v57;
	v3 =	vadd.f32 v60, v3  }
0xa6: {  	v18 =	vld [tilespmem:s23+$0x30B0];
	v19 =	vbroadcast v2, $0x4;
	v5 =	vmul.f32 v56, v62;
	v4 =	vadd.f32 v15, v4  }
0xa7: {  	v20 =	vld [tilespmem:s23+$0x30C0];
	v11 =	vmul.f32 v58, v62;
	v3 =	vadd.f32 v16, v3  }
0xa8: {  	v21 =	vbroadcast v2, $0x5;
	v22 =	vld [tilespmem:s23+$0x30D0];
	v23 =	vmul.f32 v61, v19;
	v4 =	vadd.f32 v5, v4  }
0xa9: {  	v24 =	vld [tilespmem:s23+$0x30E0];
	v6 =	vmul.f32 v63, v19;
	v3 =	vadd.f32 v11, v3  }
0xaa: {  	v27 =	vbroadcast v2, $0x6;
	v25 =	vld [tilespmem:s23+$0x30F0];
	v26 =	vmul.f32 v17, v21;
	v4 =	vadd.f32 v23, v4  }
0xab: {  	v10 =	vmul.f32 v18, v21;
	v28 =	vld [tilespmem:s23+$0x3100];
	v3 =	vadd.f32 v6, v3  }
0xac: {  	v29 =	vbroadcast v2, $0x7;
	v30 =	vld [tilespmem:s23+$0x3110];
	v31 =	vmul.f32 v20, v27;
	v4 =	vadd.f32 v26, v4  }
0xad: {  	v32 =	vmul.f32 v22, v27;
	v33 =	vld [tilespmem:s23+$0x3120];
	v3 =	vadd.f32 v10, v3  }
0xae: {  	v34 =	vld [tilespmem:s23+$0x3130];
	v36 =	vbroadcast v2, $0x8;
	v35 =	vmul.f32 v24, v29;
	v4 =	vadd.f32 v31, v4  }
0xaf: {  	v37 =	vld [tilespmem:s23+$0x3140];
	v11 =	vmul.f32 v25, v29;
	v3 =	vadd.f32 v32, v3  }
0xb0: {  	v39 =	vld [tilespmem:s23+$0x3150];
	v38 =	vbroadcast v2, $0x9;
	v40 =	vmul.f32 v28, v36;
	v4 =	vadd.f32 v35, v4  }
0xb1: {  	v41 =	vmul.f32 v30, v36;
	v42 =	vld [tilespmem:s23+$0x3160];
	v3 =	vadd.f32 v11, v3  }
0xb2: {  	v45 =	vbroadcast v2, $0xA;
	v43 =	vld [tilespmem:s23+$0x3170];
	v44 =	vmul.f32 v33, v38;
	v4 =	vadd.f32 v40, v4  }
0xb3: {  	v46 =	vld [tilespmem:s23+$0x3180];
	v10 =	vmul.f32 v34, v38;
	v3 =	vadd.f32 v41, v3  }
0xb4: {  	v48 =	vbroadcast v2, $0xB;
	v47 =	vld [tilespmem:s23+$0x3190];
	v49 =	vmul.f32 v37, v45;
	v4 =	vadd.f32 v44, v4  }
0xb5: {  	v51 =	vld [tilespmem:s23+$0x31A0];
	v50 =	vmul.f32 v39, v45;
	v3 =	vadd.f32 v10, v3  }
0xb6: {  	v53 =	vbroadcast v2, $0xC;
	v52 =	vld [tilespmem:s23+$0x31B0];
	v54 =	vmul.f32 v42, v48;
	v4 =	vadd.f32 v49, v4  }
0xb7: {  	v56 =	vld [tilespmem:s23+$0x31C0];
	v55 =	vmul.f32 v43, v48;
	v3 =	vadd.f32 v50, v3  }
0xb8: {  	v57 =	vld [tilespmem:s23+$0x31D0];
	v58 =	vbroadcast v2, $0xD;
	v59 =	vmul.f32 v46, v53;
	v4 =	vadd.f32 v54, v4  }
0xb9: {  	v61 =	vld [tilespmem:s23+$0x31E0];
	v60 =	vmul.f32 v47, v53;
	v3 =	vadd.f32 v55, v3  }
0xba: {  	v63 =	vbroadcast v2, $0xE;
	v62 =	vld [tilespmem:s23+$0x31F0];
	v16 =	vmul.f32 v51, v58;
	v4 =	vadd.f32 v59, v4  }
0xbb: {  	v18 =	vld [tilespmem:s23+$0x5000];
	v17 =	vmul.f32 v52, v58;
	v3 =	vadd.f32 v60, v3  }
0xbc: {  	v19 =	vld [tilespmem:s23+$0x5010];
	v2 =	vbroadcast v2, $0xF;
	v20 =	vmul.f32 v56, v63;
	v4 =	vadd.f32 v16, v4  }
0xbd: {  	v21 =	vmul.f32 v57, v63;
	v22 =	vld [tilespmem:s23+$0x5020];
	v3 =	vadd.f32 v17, v3  }
0xbe: {  	v24 =	vbroadcast v1, $0x0;
	v25 =	vmul.f32 v61, v2;
	v23 =	vld [tilespmem:s23+$0x5030];
	v4 =	vadd.f32 v20, v4  }
0xbf: {  	v2 =	vmul.f32 v62, v2;
	v26 =	vld [tilespmem:s23+$0x5040];
	v3 =	vadd.f32 v21, v3  }
0xc0: {  	v27 =	vld [tilespmem:s23+$0x5050];
	v28 =	vbroadcast v1, $0x1;
	v29 =	vmul.f32 v24, v18;
	v4 =	vadd.f32 v25, v4  }
0xc1: {  	v30 =	vmul.f32 v19, v24;
	v2 =	vadd.f32 v2, v3;
	v3 =	vld [tilespmem:s23+$0x5060]  }
0xc2: {  	v33 =	vmul.f32 v22, v28;
	v31 =	vld [tilespmem:s23+$0x5070];
	v32 =	vbroadcast v1, $0x2;
	v4 =	vadd.f32 v29, v4  }
0xc3: {  	v34 =	vmul.f32 v23, v28;
	v35 =	vld [tilespmem:s23+$0x5080];
	v2 =	vadd.f32 v30, v2  }
0xc4: {  	v36 =	vld [tilespmem:s23+$0x5090];
	v37 =	vbroadcast v1, $0x3;
	v38 =	vmul.f32 v26, v32;
	v4 =	vadd.f32 v33, v4  }
0xc5: {  	v39 =	vmul.f32 v27, v32;
	v40 =	vld [tilespmem:s23+$0x50A0];
	v2 =	vadd.f32 v34, v2  }
0xc6: {  	v42 =	vbroadcast v1, $0x4;
	v41 =	vld [tilespmem:s23+$0x50B0];
	v3 =	vmul.f32 v3, v37;
	v4 =	vadd.f32 v38, v4  }
0xc7: {  	v43 =	vmul.f32 v31, v37;
	v44 =	vld [tilespmem:s23+$0x50C0];
	v2 =	vadd.f32 v39, v2  }
0xc8: {  	v45 =	vld [tilespmem:s23+$0x50D0];
	v46 =	vbroadcast v1, $0x5;
	v47 =	vmul.f32 v35, v42;
	v3 =	vadd.f32 v3, v4  }
0xc9: {  	v48 =	vmul.f32 v36, v42;
	v49 =	vld [tilespmem:s23+$0x50E0];
	v2 =	vadd.f32 v43, v2  }
0xca: {  	v51 =	vbroadcast v1, $0x6;
	v50 =	vld [tilespmem:s23+$0x50F0];
	v52 =	vmul.f32 v40, v46;
	v3 =	vadd.f32 v47, v3  }
0xcb: {  	v53 =	vmul.f32 v41, v46;
	v54 =	vld [tilespmem:s23+$0x5100];
	v2 =	vadd.f32 v48, v2  }
0xcc: {  	v56 =	vbroadcast v1, $0x7;
	v55 =	vld [tilespmem:s23+$0x5110];
	v57 =	vmul.f32 v44, v51;
	v3 =	vadd.f32 v52, v3  }
0xcd: {  	v58 =	vmul.f32 v45, v51;
	v59 =	vld [tilespmem:s23+$0x5120];
	v2 =	vadd.f32 v53, v2  }
0xce: {  	v61 =	vbroadcast v1, $0x8;
	v60 =	vld [tilespmem:s23+$0x5130];
	v62 =	vmul.f32 v49, v56;
	v3 =	vadd.f32 v57, v3  }
0xcf: {  	v63 =	vmul.f32 v50, v56;
	v16 =	vld [tilespmem:s23+$0x5140];
	v2 =	vadd.f32 v58, v2  }
0xd0: {  	v18 =	vbroadcast v1, $0x9;
	v17 =	vld [tilespmem:s23+$0x5150];
	v19 =	vmul.f32 v54, v61;
	v3 =	vadd.f32 v62, v3  }
0xd1: {  	v20 =	vmul.f32 v55, v61;
	v21 =	vld [tilespmem:s23+$0x5160];
	v2 =	vadd.f32 v63, v2  }
0xd2: {  	v22 =	vld [tilespmem:s23+$0x5170];
	v23 =	vbroadcast v1, $0xA;
	v24 =	vmul.f32 v59, v18;
	v3 =	vadd.f32 v19, v3  }
0xd3: {  	v26 =	vld [tilespmem:s23+$0x5180];
	v25 =	vmul.f32 v60, v18;
	v2 =	vadd.f32 v20, v2  }
0xd4: {  	v28 =	vbroadcast v1, $0xB;
	v27 =	vld [tilespmem:s23+$0x5190];
	v29 =	vmul.f32 v16, v23;
	v3 =	vadd.f32 v24, v3  }
0xd5: {  	v31 =	vld [tilespmem:s23+$0x51A0];
	v30 =	vmul.f32 v17, v23;
	v2 =	vadd.f32 v25, v2  }
0xd6: {  	v32 =	vld [tilespmem:s23+$0x51B0];
	v33 =	vbroadcast v1, $0xC;
	v34 =	vmul.f32 v21, v28;
	v3 =	vadd.f32 v29, v3  }
0xd7: {  	v36 =	vld [tilespmem:s23+$0x51C0];
	v35 =	vmul.f32 v22, v28;
	v2 =	vadd.f32 v30, v2  }
0xd8: {  	v37 =	vld [tilespmem:s23+$0x51D0];
	v38 =	vbroadcast v1, $0xD;
	v39 =	vmul.f32 v26, v33;
	v3 =	vadd.f32 v34, v3  }
0xd9: {  	v41 =	vld [tilespmem:s23+$0x51E0];
	v40 =	vmul.f32 v27, v33;
	v2 =	vadd.f32 v35, v2  }
0xda: {  	v42 =	vld [tilespmem:s23+$0x51F0];
	v43 =	vbroadcast v1, $0xE;
	v44 =	vmul.f32 v31, v38;
	v3 =	vadd.f32 v39, v3  }
0xdb: {  	v46 =	vld [tilespmem:s23+$0x7000];
	v45 =	vmul.f32 v32, v38;
	v2 =	vadd.f32 v40, v2  }
0xdc: {  	v1 =	vbroadcast v1, $0xF;
	v47 =	vld [tilespmem:s23+$0x7010];
	v48 =	vmul.f32 v36, v43;
	v3 =	vadd.f32 v44, v3  }
0xdd: {  	v50 =	vld [tilespmem:s23+$0x7020];
	v49 =	vmul.f32 v37, v43;
	v2 =	vadd.f32 v45, v2  }
0xde: {  	v51 =	vld [tilespmem:s23+$0x7030];
	v52 =	vbroadcast v0, $0x0;
	v53 =	vmul.f32 v41, v1;
	v3 =	vadd.f32 v48, v3  }
0xdf: {  	v54 =	vld [tilespmem:s23+$0x7040];
	v1 =	vmul.f32 v42, v1;
	v2 =	vadd.f32 v49, v2  }
0xe0: {  	v56 =	vbroadcast v0, $0x1;
	v55 =	vld [tilespmem:s23+$0x7050];
	v57 =	vmul.f32 v52, v46;
	v3 =	vadd.f32 v53, v3  }
0xe1: {  	v58 =	vmul.f32 v47, v52;
	v1 =	vadd.f32 v1, v2;
	v2 =	vld [tilespmem:s23+$0x7060]  }
0xe2: {  	v59 =	vld [tilespmem:s23+$0x7070];
	v60 =	vbroadcast v0, $0x2;
	v61 =	vmul.f32 v50, v56;
	v3 =	vadd.f32 v57, v3  }
0xe3: {  	v62 =	vmul.f32 v51, v56;
	v63 =	vld [tilespmem:s23+$0x7080];
	v1 =	vadd.f32 v58, v1  }
0xe4: {  	v16 =	vld [tilespmem:s23+$0x7090];
	v17 =	vbroadcast v0, $0x3;
	v18 =	vmul.f32 v54, v60;
	v3 =	vadd.f32 v61, v3  }
0xe5: {  	v19 =	vmul.f32 v55, v60;
	v20 =	vld [tilespmem:s23+$0x70A0];
	v1 =	vadd.f32 v62, v1  }
0xe6: {  	v22 =	vbroadcast v0, $0x4;
	v21 =	vld [tilespmem:s23+$0x70B0];
	v2 =	vmul.f32 v2, v17;
	v3 =	vadd.f32 v18, v3  }
0xe7: {  	v23 =	vmul.f32 v59, v17;
	v24 =	vld [tilespmem:s23+$0x70C0];
	v1 =	vadd.f32 v19, v1  }
0xe8: {  	v26 =	vbroadcast v0, $0x5;
	v25 =	vld [tilespmem:s23+$0x70D0];
	v2 =	vadd.f32 v2, v3;
	v3 =	vmul.f32 v63, v22  }
0xe9: {  	v28 =	vld [tilespmem:s23+$0x70E0];
	v27 =	vmul.f32 v16, v22;
	v1 =	vadd.f32 v23, v1  }
0xea: {  	v29 =	vld [tilespmem:s23+$0x70F0];
	v30 =	vbroadcast v0, $0x6;
	v2 =	vadd.f32 v3, v2;
	v3 =	vmul.f32 v20, v26  }
0xeb: {  	v32 =	vld [tilespmem:s23+$0x7100];
	v31 =	vmul.f32 v21, v26;
	v1 =	vadd.f32 v27, v1  }
0xec: {  	v33 =	vld [tilespmem:s23+$0x7110];
	v34 =	vbroadcast v0, $0x7;
	v2 =	vadd.f32 v3, v2;
	v3 =	vmul.f32 v24, v30  }
0xed: {  	v36 =	vld [tilespmem:s23+$0x7120];
	v35 =	vmul.f32 v25, v30;
	v1 =	vadd.f32 v31, v1  }
0xee: {  	v38 =	vbroadcast v0, $0x8;
	v37 =	vld [tilespmem:s23+$0x7130];
	v2 =	vadd.f32 v3, v2;
	v3 =	vmul.f32 v28, v34  }
0xef: {  	v40 =	vld [tilespmem:s23+$0x7140];
	v39 =	vmul.f32 v29, v34;
	v1 =	vadd.f32 v35, v1  }
0xf0: {  	v41 =	vld [tilespmem:s23+$0x7150];
	v42 =	vbroadcast v0, $0x9;
	v2 =	vadd.f32 v3, v2;
	v3 =	vmul.f32 v32, v38  }
0xf1: {  	v43 =	vmul.f32 v33, v38;
	v44 =	vld [tilespmem:s23+$0x7160];
	v1 =	vadd.f32 v39, v1  }
0xf2: {  	v46 =	vbroadcast v0, $0xA;
	v45 =	vld [tilespmem:s23+$0x7170];
	v2 =	vadd.f32 v3, v2;
	v3 =	vmul.f32 v36, v42  }
0xf3: {  	v47 =	vmul.f32 v37, v42;
	v48 =	vld [tilespmem:s23+$0x7180];
	v1 =	vadd.f32 v43, v1  }
0xf4: {  	v50 =	vbroadcast v0, $0xB;
	v49 =	vld [tilespmem:s23+$0x7190];
	v2 =	vadd.f32 v3, v2;
	v3 =	vmul.f32 v40, v46  }
0xf5: {  	v52 =	vld [tilespmem:s23+$0x71A0];
	v51 =	vmul.f32 v41, v46;
	v1 =	vadd.f32 v47, v1  }
0xf6: {  	v54 =	vbroadcast v0, $0xC;
	v53 =	vld [tilespmem:s23+$0x71B0];
	v2 =	vadd.f32 v3, v2;
	v3 =	vmul.f32 v44, v50  }
0xf7: {  	v56 =	vld [tilespmem:s23+$0x71C0];
	v55 =	vmul.f32 v45, v50;
	v1 =	vadd.f32 v51, v1  }
0xf8: {  	v57 =	vld [tilespmem:s23+$0x71D0];
	v58 =	vbroadcast v0, $0xD;
	v2 =	vadd.f32 v3, v2;
	v3 =	vmul.f32 v48, v54  }
0xf9: {  	v60 =	vld [tilespmem:s23+$0x71F0];
	v59 =	vmul.f32 v49, v54;
	v1 =	vadd.f32 v55, v1  }
0xfa: {  	v61 =	vbroadcast v0, $0xE;
	v62 =	vld [tilespmem:s23+$0x71E0];
	v2 =	vadd.f32 v3, v2;
	v3 =	vmul.f32 v52, v58  }
0xfb: {  	v63 =	vmul.f32 v53, v58;
	v1 =	vadd.f32 v59, v1  }
0xfc: {  	v2 =	vadd.f32 v3, v2;
	v3 =	vmul.f32 v56, v61  }
0xfd: {  	v0 =	vbroadcast v0, $0xF;
	v4 =	vmul.f32 v57, v61;
	v1 =	vadd.f32 v63, v1  }
0xfe: {  	v2 =	vadd.f32 v3, v2  }
0xff: {  	v3 =	vmul.f32 v62, v0;
	v0 =	vmul.f32 v60, v0;
	v4 =	vadd.f32 v4, v1  }
0x100: {  	s28 =	sshll.u32 s24, $0x1;
	s30 =	simm.s32 $0x11010  }
0x101: {  	s14 =	simm.s32 $0x800;
	s17 =	simm.s32 $0xA10;
	s23 =	simm.s32 $0x11010;
	v1 =	vadd.f32 v3, v2;
	v0 =	vadd.f32 v0, v4  }
.LBB2_3:
0x102: {  	s16 =	smov.u32 s14  }
0x103: {  	s15 =	sshra.s32 s14, $0x2;
	[tilespmem:s30+$0xFFFFFFF0] =	vst v1;
	s23 =	sadd.s32 $0x20, s23;
	s16 =	sadd.s32 $0x800, s14  }
0x104: {  	p0 =	sne.s32 s14, $0x7800;
	[tilespmem:s30+$0x0] =	vst v0;
	s30 =	smov.u32 s23  }
0x105: {  	v0 =	vld [tilespmem:s17+$0x100]  }
0x106: {  	v1 =	vld [tilespmem:s17+$0x0]  }
0x107: {  	v3 =	vld [tilespmem:s15+$0x1000]  }
0x108: {  	v6 =	vld [tilespmem:s17+$0xFFFFFE00]  }
0x109: {  	v4 =	vld [tilespmem:s15+$0x1030]  }
0x10a: {  	v5 =	vld [tilespmem:s15+$0x1010]  }
0x10b: {  	v2 =	vld [tilespmem:s17+$0xFFFFFF00]  }
0x10c: {  	v7 =	vld [tilespmem:s15+$0x1020]  }
0x10d: {  	v8 =	vbroadcast v6, $0x0;
	v9 =	vbroadcast v6, $0x1;
	v10 =	vld [tilespmem:s15+$0x1050]  }
0x10e: {  	v12 =	vbroadcast v6, $0x7;
	v13 =	vbroadcast v6, $0x8;
	v11 =	vld [tilespmem:s15+$0x1040]  }
0x10f: {  	v3 =	vmul.f32 v8, v3;
	v4 =	vmul.f32 v4, v9;
	v14 =	vld [tilespmem:s15+$0x1070]  }
0x110: {  	v15 =	vbroadcast v6, $0x9;
	v5 =	vmul.f32 v5, v8;
	v8 =	vld [tilespmem:s15+$0x1060]  }
0x111: {  	v3 =	vadd.f32 $0.0e+00, v3;
	v7 =	vmul.f32 v7, v9;
	v9 =	vbroadcast v6, $0x2;
	v16 =	vld [tilespmem:s15+$0x1090]  }
0x112: {  	v17 =	vbroadcast v6, $0x3;
	v19 =	vbroadcast v6, $0xF;
	v5 =	vadd.f32 $0.0e+00, v5;
	v18 =	vld [tilespmem:s15+$0x1080]  }
0x113: {  	v3 =	vadd.f32 v7, v3;
	v7 =	vmul.f32 v11, v9;
	v9 =	vmul.f32 v10, v9;
	v10 =	vld [tilespmem:s15+$0x10B0]  }
0x114: {  	v4 =	vadd.f32 v4, v5;
	v11 =	vbroadcast v6, $0x4;
	v5 =	vbroadcast v2, $0x3;
	v20 =	vld [tilespmem:s15+$0x10A0]  }
0x115: {  	v3 =	vadd.f32 v7, v3;
	v7 =	vmul.f32 v8, v17;
	v8 =	vmul.f32 v14, v17;
	v14 =	vld [tilespmem:s15+$0x10D0]  }
0x116: {  	v21 =	vbroadcast v2, $0x1;
	v4 =	vadd.f32 v9, v4;
	v9 =	vbroadcast v6, $0x5;
	v17 =	vld [tilespmem:s15+$0x10C0]  }
0x117: {  	v3 =	vadd.f32 v7, v3;
	v7 =	vmul.f32 v18, v11;
	v11 =	vmul.f32 v16, v11;
	v16 =	vld [tilespmem:s15+$0x10F0]  }
0x118: {  	v22 =	vbroadcast v2, $0x2;
	v4 =	vadd.f32 v8, v4;
	v8 =	vbroadcast v6, $0x6;
	v18 =	vld [tilespmem:s15+$0x10E0]  }
0x119: {  	v3 =	vadd.f32 v7, v3;
	v7 =	vmul.f32 v20, v9;
	v9 =	vmul.f32 v10, v9;
	v10 =	vld [tilespmem:s15+$0x1110]  }
0x11a: {  	v11 =	vadd.f32 v11, v4;
	v4 =	vbroadcast v2, $0x7;
	v14 =	vmul.f32 v14, v8;
	v20 =	vld [tilespmem:s15+$0x1100]  }
0x11b: {  	v23 =	vbroadcast v2, $0x5;
	v7 =	vadd.f32 v7, v3;
	v8 =	vmul.f32 v17, v8;
	v17 =	vld [tilespmem:s15+$0x1130]  }
0x11c: {  	v9 =	vadd.f32 v9, v11;
	v3 =	vbroadcast v2, $0x9;
	v11 =	vmul.f32 v16, v12;
	v16 =	vld [tilespmem:s15+$0x1120]  }
0x11d: {  	v7 =	vadd.f32 v8, v7;
	v8 =	vmul.f32 v18, v12;
	v12 =	vld [tilespmem:s15+$0x1150]  }
0x11e: {  	v9 =	vadd.f32 v14, v9;
	v10 =	vmul.f32 v10, v13;
	v14 =	vld [tilespmem:s15+$0x1140]  }
0x11f: {  	v7 =	vadd.f32 v8, v7;
	v8 =	vmul.f32 v20, v13;
	v13 =	vld [tilespmem:s15+$0x1170]  }
0x120: {  	v9 =	vadd.f32 v11, v9;
	v11 =	vmul.f32 v17, v15;
	v17 =	vld [tilespmem:s15+$0x1160]  }
0x121: {  	v7 =	vadd.f32 v8, v7;
	v8 =	vmul.f32 v16, v15;
	v15 =	vbroadcast v6, $0xA;
	v16 =	vld [tilespmem:s15+$0x1190]  }
0x122: {  	v9 =	vadd.f32 v10, v9;
	v10 =	vbroadcast v6, $0xB;
	v18 =	vld [tilespmem:s15+$0x1180]  }
0x123: {  	v7 =	vadd.f32 v8, v7;
	v8 =	vmul.f32 v14, v15;
	v12 =	vmul.f32 v12, v15;
	v14 =	vld [tilespmem:s15+$0x11B0]  }
0x124: {  	v9 =	vadd.f32 v11, v9;
	v11 =	vbroadcast v6, $0xC;
	v15 =	vld [tilespmem:s15+$0x11A0]  }
0x125: {  	v7 =	vadd.f32 v8, v7;
	v8 =	vmul.f32 v17, v10;
	v10 =	vmul.f32 v13, v10;
	v13 =	vld [tilespmem:s15+$0x11D0]  }
0x126: {  	v9 =	vadd.f32 v12, v9;
	v12 =	vbroadcast v6, $0xD;
	v17 =	vld [tilespmem:s15+$0x11C0]  }
0x127: {  	v7 =	vadd.f32 v8, v7;
	v8 =	vmul.f32 v18, v11;
	v11 =	vmul.f32 v16, v11;
	v16 =	vld [tilespmem:s15+$0x11F0]  }
0x128: {  	v6 =	vbroadcast v6, $0xE;
	v9 =	vadd.f32 v10, v9;
	v10 =	vld [tilespmem:s15+$0x11E0]  }
0x129: {  	v7 =	vadd.f32 v8, v7;
	v8 =	vmul.f32 v15, v12;
	v12 =	vmul.f32 v14, v12;
	v14 =	vld [tilespmem:s15+$0x3010]  }
0x12a: {  	v9 =	vadd.f32 v11, v9;
	v11 =	vld [tilespmem:s15+$0x3000]  }
0x12b: {  	v7 =	vadd.f32 v8, v7;
	v8 =	vmul.f32 v17, v6;
	v6 =	vmul.f32 v13, v6;
	v13 =	vld [tilespmem:s15+$0x3030]  }
0x12c: {  	v9 =	vadd.f32 v12, v9;
	v12 =	vmul.f32 v16, v19;
	v15 =	vld [tilespmem:s15+$0x3020]  }
0x12d: {  	v7 =	vadd.f32 v8, v7;
	v8 =	vmul.f32 v10, v19;
	v10 =	vbroadcast v2, $0x0;
	v16 =	vld [tilespmem:s15+$0x3050]  }
0x12e: {  	v6 =	vadd.f32 v6, v9;
	v9 =	vld [tilespmem:s15+$0x3040]  }
0x12f: {  	v7 =	vadd.f32 v8, v7;
	v8 =	vmul.f32 v10, v11;
	v10 =	vmul.f32 v14, v10;
	v11 =	vld [tilespmem:s15+$0x3070]  }
0x130: {  	v6 =	vadd.f32 v12, v6;
	v12 =	vmul.f32 v13, v21;
	v13 =	vld [tilespmem:s15+$0x3060]  }
0x131: {  	v7 =	vadd.f32 v8, v7;
	v8 =	vmul.f32 v15, v21;
	v14 =	vld [tilespmem:s15+$0x3090]  }
0x132: {  	v6 =	vadd.f32 v10, v6;
	v10 =	vmul.f32 v16, v22;
	v15 =	vld [tilespmem:s15+$0x3080]  }
0x133: {  	v7 =	vadd.f32 v8, v7;
	v8 =	vmul.f32 v9, v22;
	v9 =	vld [tilespmem:s15+$0x30B0]  }
0x134: {  	v6 =	vadd.f32 v12, v6;
	v11 =	vmul.f32 v11, v5;
	v12 =	vld [tilespmem:s15+$0x30A0]  }
0x135: {  	v7 =	vadd.f32 v8, v7;
	v5 =	vmul.f32 v13, v5;
	v8 =	vbroadcast v2, $0x4;
	v13 =	vld [tilespmem:s15+$0x30D0]  }
0x136: {  	v6 =	vadd.f32 v10, v6;
	v10 =	vld [tilespmem:s15+$0x30C0]  }
0x137: {  	v5 =	vadd.f32 v5, v7;
	v7 =	vmul.f32 v15, v8;
	v8 =	vmul.f32 v14, v8;
	v14 =	vld [tilespmem:s15+$0x30F0]  }
0x138: {  	v6 =	vadd.f32 v11, v6;
	v9 =	vmul.f32 v9, v23;
	v11 =	vld [tilespmem:s15+$0x30E0]  }
0x139: {  	v5 =	vadd.f32 v7, v5;
	v7 =	vmul.f32 v12, v23;
	v12 =	vbroadcast v2, $0x6;
	v15 =	vld [tilespmem:s15+$0x3110]  }
0x13a: {  	v6 =	vadd.f32 v8, v6;
	v8 =	vld [tilespmem:s15+$0x3100]  }
0x13b: {  	v5 =	vadd.f32 v7, v5;
	v7 =	vmul.f32 v10, v12;
	v10 =	vmul.f32 v13, v12;
	v12 =	vld [tilespmem:s15+$0x3130]  }
0x13c: {  	v6 =	vadd.f32 v9, v6;
	v9 =	vmul.f32 v14, v4;
	v13 =	vld [tilespmem:s15+$0x3120]  }
0x13d: {  	v5 =	vadd.f32 v7, v5;
	v4 =	vmul.f32 v11, v4;
	v7 =	vbroadcast v2, $0x8;
	v11 =	vld [tilespmem:s15+$0x3150]  }
0x13e: {  	v6 =	vadd.f32 v10, v6;
	v10 =	vld [tilespmem:s15+$0x3140]  }
0x13f: {  	v4 =	vadd.f32 v4, v5;
	v5 =	vmul.f32 v8, v7;
	v7 =	vmul.f32 v15, v7;
	v8 =	vld [tilespmem:s15+$0x3170]  }
0x140: {  	v6 =	vadd.f32 v9, v6;
	v9 =	vmul.f32 v12, v3;
	v12 =	vld [tilespmem:s15+$0x3160]  }
0x141: {  	v4 =	vadd.f32 v5, v4;
	v3 =	vmul.f32 v13, v3;
	v5 =	vbroadcast v2, $0xA;
	v13 =	vld [tilespmem:s15+$0x3190]  }
0x142: {  	v6 =	vadd.f32 v7, v6;
	v7 =	vbroadcast v2, $0xB;
	v14 =	vld [tilespmem:s15+$0x3180]  }
0x143: {  	v3 =	vadd.f32 v3, v4;
	v4 =	vmul.f32 v10, v5;
	v5 =	vmul.f32 v11, v5;
	v10 =	vld [tilespmem:s15+$0x31B0]  }
0x144: {  	v6 =	vadd.f32 v9, v6;
	v9 =	vbroadcast v2, $0xC;
	v11 =	vld [tilespmem:s15+$0x31A0]  }
0x145: {  	v3 =	vadd.f32 v4, v3;
	v4 =	vmul.f32 v12, v7;
	v7 =	vmul.f32 v8, v7;
	v8 =	vld [tilespmem:s15+$0x31D0]  }
0x146: {  	v5 =	vadd.f32 v5, v6;
	v6 =	vbroadcast v2, $0xD;
	v12 =	vld [tilespmem:s15+$0x31C0]  }
0x147: {  	v3 =	vadd.f32 v4, v3;
	v4 =	vmul.f32 v14, v9;
	v9 =	vmul.f32 v13, v9;
	v13 =	vld [tilespmem:s15+$0x31F0]  }
0x148: {  	v5 =	vadd.f32 v7, v5;
	v7 =	vbroadcast v2, $0xE;
	v14 =	vld [tilespmem:s15+$0x31E0]  }
0x149: {  	v3 =	vadd.f32 v4, v3;
	v4 =	vmul.f32 v11, v6;
	v6 =	vmul.f32 v10, v6;
	v10 =	vld [tilespmem:s15+$0x5010]  }
0x14a: {  	v2 =	vbroadcast v2, $0xF;
	v5 =	vadd.f32 v9, v5;
	v9 =	vld [tilespmem:s15+$0x5000]  }
0x14b: {  	v3 =	vadd.f32 v4, v3;
	v4 =	vmul.f32 v12, v7;
	v7 =	vmul.f32 v8, v7;
	v8 =	vld [tilespmem:s15+$0x5030]  }
0x14c: {  	v5 =	vadd.f32 v6, v5;
	v6 =	vbroadcast v1, $0x0;
	v11 =	vld [tilespmem:s15+$0x5020]  }
0x14d: {  	v3 =	vadd.f32 v4, v3;
	v4 =	vmul.f32 v14, v2;
	v2 =	vmul.f32 v13, v2;
	v12 =	vld [tilespmem:s15+$0x5050]  }
0x14e: {  	v5 =	vadd.f32 v7, v5;
	v7 =	vbroadcast v1, $0x1;
	v13 =	vld [tilespmem:s15+$0x5040]  }
0x14f: {  	v3 =	vadd.f32 v4, v3;
	v4 =	vmul.f32 v6, v9;
	v6 =	vmul.f32 v10, v6;
	v9 =	vld [tilespmem:s15+$0x5070]  }
0x150: {  	v2 =	vadd.f32 v2, v5;
	v5 =	vbroadcast v1, $0x2;
	v10 =	vld [tilespmem:s15+$0x5060]  }
0x151: {  	v3 =	vadd.f32 v4, v3;
	v4 =	vmul.f32 v11, v7;
	v7 =	vmul.f32 v8, v7;
	v8 =	vld [tilespmem:s15+$0x5090]  }
0x152: {  	v2 =	vadd.f32 v6, v2;
	v6 =	vbroadcast v1, $0x3;
	v11 =	vld [tilespmem:s15+$0x5080]  }
0x153: {  	v3 =	vadd.f32 v4, v3;
	v4 =	vmul.f32 v13, v5;
	v5 =	vmul.f32 v12, v5;
	v12 =	vld [tilespmem:s15+$0x50B0]  }
0x154: {  	v2 =	vadd.f32 v7, v2;
	v7 =	vbroadcast v1, $0x4;
	v13 =	vld [tilespmem:s15+$0x50A0]  }
0x155: {  	v3 =	vadd.f32 v4, v3;
	v4 =	vmul.f32 v10, v6;
	v6 =	vmul.f32 v9, v6;
	v9 =	vld [tilespmem:s15+$0x50D0]  }
0x156: {  	v2 =	vadd.f32 v5, v2;
	v5 =	vbroadcast v1, $0x5;
	v10 =	vld [tilespmem:s15+$0x50C0]  }
0x157: {  	v3 =	vadd.f32 v4, v3;
	v4 =	vmul.f32 v11, v7;
	v7 =	vmul.f32 v8, v7;
	v8 =	vld [tilespmem:s15+$0x50F0]  }
0x158: {  	v2 =	vadd.f32 v6, v2;
	v6 =	vbroadcast v1, $0x6;
	v11 =	vld [tilespmem:s15+$0x50E0]  }
0x159: {  	v3 =	vadd.f32 v4, v3;
	v4 =	vmul.f32 v13, v5;
	v5 =	vmul.f32 v12, v5;
	v12 =	vld [tilespmem:s15+$0x5110]  }
0x15a: {  	v2 =	vadd.f32 v7, v2;
	v7 =	vbroadcast v1, $0x7;
	v13 =	vld [tilespmem:s15+$0x5100]  }
0x15b: {  	v3 =	vadd.f32 v4, v3;
	v4 =	vmul.f32 v10, v6;
	v6 =	vmul.f32 v9, v6;
	v9 =	vld [tilespmem:s15+$0x5130]  }
0x15c: {  	v2 =	vadd.f32 v5, v2;
	v5 =	vbroadcast v1, $0x8;
	v10 =	vld [tilespmem:s15+$0x5120]  }
0x15d: {  	v3 =	vadd.f32 v4, v3;
	v4 =	vmul.f32 v11, v7;
	v7 =	vmul.f32 v8, v7;
	v8 =	vld [tilespmem:s15+$0x5150]  }
0x15e: {  	v2 =	vadd.f32 v6, v2;
	v6 =	vbroadcast v1, $0x9;
	v11 =	vld [tilespmem:s15+$0x5140]  }
0x15f: {  	v3 =	vadd.f32 v4, v3;
	v4 =	vmul.f32 v13, v5;
	v5 =	vmul.f32 v12, v5;
	v12 =	vld [tilespmem:s15+$0x5170]  }
0x160: {  	v2 =	vadd.f32 v7, v2;
	v7 =	vbroadcast v1, $0xA;
	v13 =	vld [tilespmem:s15+$0x5160]  }
0x161: {  	v3 =	vadd.f32 v4, v3;
	v4 =	vmul.f32 v10, v6;
	v6 =	vmul.f32 v9, v6;
	v9 =	vld [tilespmem:s15+$0x5190]  }
0x162: {  	v2 =	vadd.f32 v5, v2;
	v5 =	vbroadcast v1, $0xB;
	v10 =	vld [tilespmem:s15+$0x5180]  }
0x163: {  	v3 =	vadd.f32 v4, v3;
	v4 =	vmul.f32 v11, v7;
	v7 =	vmul.f32 v8, v7;
	v8 =	vld [tilespmem:s15+$0x51B0]  }
0x164: {  	v2 =	vadd.f32 v6, v2;
	v6 =	vbroadcast v1, $0xC;
	v11 =	vld [tilespmem:s15+$0x51A0]  }
0x165: {  	v3 =	vadd.f32 v4, v3;
	v4 =	vmul.f32 v13, v5;
	v5 =	vmul.f32 v12, v5;
	v12 =	vld [tilespmem:s15+$0x51D0]  }
0x166: {  	v2 =	vadd.f32 v7, v2;
	v7 =	vbroadcast v1, $0xD;
	v13 =	vld [tilespmem:s15+$0x51C0]  }
0x167: {  	v3 =	vadd.f32 v4, v3;
	v4 =	vmul.f32 v10, v6;
	v6 =	vmul.f32 v9, v6;
	v9 =	vld [tilespmem:s15+$0x51F0]  }
0x168: {  	v2 =	vadd.f32 v5, v2;
	v5 =	vbroadcast v1, $0xE;
	v10 =	vld [tilespmem:s15+$0x51E0]  }
0x169: {  	v3 =	vadd.f32 v4, v3;
	v4 =	vmul.f32 v11, v7;
	v7 =	vmul.f32 v8, v7;
	v8 =	vld [tilespmem:s15+$0x7010]  }
0x16a: {  	v1 =	vbroadcast v1, $0xF;
	v2 =	vadd.f32 v6, v2;
	v6 =	vld [tilespmem:s15+$0x7000]  }
0x16b: {  	v3 =	vadd.f32 v4, v3;
	v4 =	vmul.f32 v13, v5;
	v5 =	vmul.f32 v12, v5;
	v11 =	vld [tilespmem:s15+$0x7030]  }
0x16c: {  	v2 =	vadd.f32 v7, v2;
	v7 =	vbroadcast v0, $0x0;
	v12 =	vld [tilespmem:s15+$0x7020]  }
0x16d: {  	v3 =	vadd.f32 v4, v3;
	v4 =	vmul.f32 v10, v1;
	v1 =	vmul.f32 v9, v1;
	v9 =	vld [tilespmem:s15+$0x7050]  }
0x16e: {  	v2 =	vadd.f32 v5, v2;
	v5 =	vbroadcast v0, $0x1;
	v10 =	vld [tilespmem:s15+$0x7040]  }
0x16f: {  	v3 =	vadd.f32 v4, v3;
	v4 =	vmul.f32 v7, v6;
	v6 =	vmul.f32 v8, v7;
	v7 =	vld [tilespmem:s15+$0x7070]  }
0x170: {  	v1 =	vadd.f32 v1, v2;
	v2 =	vbroadcast v0, $0x2;
	v8 =	vld [tilespmem:s15+$0x7060]  }
0x171: {  	v3 =	vadd.f32 v4, v3;
	v4 =	vmul.f32 v12, v5;
	v5 =	vmul.f32 v11, v5;
	v11 =	vld [tilespmem:s15+$0x7090]  }
0x172: {  	v1 =	vadd.f32 v6, v1;
	v6 =	vbroadcast v0, $0x3;
	v12 =	vld [tilespmem:s15+$0x7080]  }
0x173: {  	v3 =	vadd.f32 v4, v3;
	v4 =	vmul.f32 v10, v2;
	v2 =	vmul.f32 v9, v2;
	v9 =	vld [tilespmem:s15+$0x70B0]  }
0x174: {  	v1 =	vadd.f32 v5, v1;
	v5 =	vbroadcast v0, $0x4;
	v10 =	vld [tilespmem:s15+$0x70A0]  }
0x175: {  	v3 =	vadd.f32 v4, v3;
	v4 =	vmul.f32 v8, v6;
	v6 =	vmul.f32 v7, v6;
	v7 =	vld [tilespmem:s15+$0x70D0]  }
0x176: {  	v1 =	vadd.f32 v2, v1;
	v2 =	vbroadcast v0, $0x5;
	v8 =	vld [tilespmem:s15+$0x70C0]  }
0x177: {  	v3 =	vadd.f32 v4, v3;
	v4 =	vmul.f32 v12, v5;
	v5 =	vmul.f32 v11, v5;
	v11 =	vld [tilespmem:s15+$0x70F0]  }
0x178: {  	v1 =	vadd.f32 v6, v1;
	v6 =	vbroadcast v0, $0x6;
	v12 =	vld [tilespmem:s15+$0x70E0]  }
0x179: {  	v3 =	vadd.f32 v4, v3;
	v4 =	vmul.f32 v10, v2;
	v2 =	vmul.f32 v9, v2;
	v9 =	vld [tilespmem:s15+$0x7110]  }
0x17a: {  	v1 =	vadd.f32 v5, v1;
	v5 =	vbroadcast v0, $0x7;
	v10 =	vld [tilespmem:s15+$0x7100]  }
0x17b: {  	v3 =	vadd.f32 v4, v3;
	v4 =	vmul.f32 v8, v6;
	v6 =	vmul.f32 v7, v6;
	v7 =	vld [tilespmem:s15+$0x7130]  }
0x17c: {  	v1 =	vadd.f32 v2, v1;
	v2 =	vbroadcast v0, $0x8;
	v8 =	vld [tilespmem:s15+$0x7120]  }
0x17d: {  	v3 =	vadd.f32 v4, v3;
	v4 =	vmul.f32 v12, v5;
	v5 =	vmul.f32 v11, v5;
	v11 =	vld [tilespmem:s15+$0x7150]  }
0x17e: {  	v1 =	vadd.f32 v6, v1;
	v6 =	vbroadcast v0, $0x9;
	v12 =	vld [tilespmem:s15+$0x7140]  }
0x17f: {  	v3 =	vadd.f32 v4, v3;
	v4 =	vmul.f32 v10, v2;
	v2 =	vmul.f32 v9, v2;
	v9 =	vld [tilespmem:s15+$0x7170]  }
0x180: {  	v1 =	vadd.f32 v5, v1;
	v5 =	vbroadcast v0, $0xA;
	v10 =	vld [tilespmem:s15+$0x7160]  }
0x181: {  	v3 =	vadd.f32 v4, v3;
	v4 =	vmul.f32 v8, v6;
	v6 =	vmul.f32 v7, v6;
	v7 =	vld [tilespmem:s15+$0x7190]  }
0x182: {  	v1 =	vadd.f32 v2, v1;
	v2 =	vbroadcast v0, $0xB;
	v8 =	vld [tilespmem:s15+$0x7180]  }
0x183: {  	v3 =	vadd.f32 v4, v3;
	v4 =	vmul.f32 v12, v5;
	v5 =	vmul.f32 v11, v5;
	v11 =	vld [tilespmem:s15+$0x71B0]  }
0x184: {  	v1 =	vadd.f32 v6, v1;
	v6 =	vbroadcast v0, $0xC;
	v12 =	vld [tilespmem:s15+$0x71A0]  }
0x185: {  	v3 =	vadd.f32 v4, v3;
	v4 =	vmul.f32 v10, v2;
	v2 =	vmul.f32 v9, v2;
	v9 =	vld [tilespmem:s15+$0x71D0]  }
0x186: {  	v1 =	vadd.f32 v5, v1;
	v5 =	vbroadcast v0, $0xD;
	v10 =	vld [tilespmem:s15+$0x71C0]  }
0x187: {  	v3 =	vadd.f32 v4, v3;
	v4 =	vmul.f32 v8, v6;
	v6 =	vmul.f32 v7, v6;
	v7 =	vld [tilespmem:s15+$0x71F0]  }
0x188: {  	v1 =	vadd.f32 v2, v1;
	v2 =	vbroadcast v0, $0xE;
	v8 =	vld [tilespmem:s15+$0x71E0]  }
0x189: {  	v3 =	vadd.f32 v4, v3;
	v4 =	vmul.f32 v12, v5;
	v5 =	vmul.f32 v11, v5  }
0x18a: {  	v0 =	vbroadcast v0, $0xF;
	v1 =	vadd.f32 v6, v1  }
0x18b: {  	v3 =	vadd.f32 v4, v3;
	v4 =	vmul.f32 v10, v2;
	v2 =	vmul.f32 v9, v2  }
.Ltmp0:
0x18c: {  	v1 =	vadd.f32 v5, v1;
	(pc) =	sbr.rel @p0 .LBB2_3-.Ltmp0, $4  }
0x18d: {  	v3 =	vadd.f32 v4, v3;
	v4 =	vmul.f32 v8, v0;
	v0 =	vmul.f32 v7, v0  }
0x18e: {  	v2 =	vadd.f32 v2, v1  }
0x18f: {  	v1 =	vadd.f32 v4, v3  }
0x190: {  	s14 =	smov.u32 s16;
	s17 =	sadd.s32 $0x10, s17;
	v0 =	vadd.f32 v0, v2  }
0x191: {  	s14 =	sshll.u32 s24, $0xA  }
0x192: {  	s14 =	sadd.s32 s22, s14  }
0x193: {  	[tilespmem:s30+$0xFFFFFFF0] =	vst v1;
	s14 =	sshrl.u32 s14, $0x3  }
0x194: {  	s16 =	simm.s32 $0x11000;
	[tilespmem:s30+$0x0] =	vst v0;
	s15 =	sadd.s32 s12, s14;
	s14 =	simm.s32 $0x0  }
0x195: {  	[hbm4b:s15+s14] =	stream.linear.scatter [tilespmem:s16], [sflag:$0x5], $0x200, $0x38;
	[tilespmem:$0x11400] =	vst v63  }
0x196: {  	_ =	swait.ge [sflag:s19], $0x200  }
0x197: {  	[sflag:s19] =	ssyncset.done $0x0  }
0x198: {  	[sflag:s19] =	ssyncadd.s32 $0xFFFFFE00  }
0x199: {  	_ =	swait.ge [sflag:s20], $0x100  }
0x19a: {  	[sflag:s20] =	ssyncset.done $0x0  }
0x19b: {  	[sflag:s20] =	ssyncadd.s32 $0xFFFFFF00  }
0x19c: {  	_ =	swait.ge [sflag:s20], $0x100  }
0x19d: {  	[sflag:s20] =	ssyncset.done $0x0  }
0x19e: {  	[sflag:s20] =	ssyncadd.s32 $0xFFFFFF00  }
0x19f: {  	_ =	swait.ge [sflag:s20], $0x100  }
0x1a0: {  	[sflag:s20] =	ssyncset.done $0x0  }
0x1a1: {  	[sflag:s20] =	ssyncadd.s32 $0xFFFFFF00  }
0x1a2: {  	_ =	swait.ge [sflag:s20], $0x100  }
0x1a3: {  	[sflag:s20] =	ssyncset.done $0x0  }
0x1a4: {  	[sflag:s20] =	ssyncadd.s32 $0xFFFFFF00  }
0x1a5: {  	_ =	swait.ge [sflag:s20], $0x100  }
0x1a6: {  	[sflag:s20] =	ssyncset.done $0x0  }
0x1a7: {  	[sflag:s20] =	ssyncadd.s32 $0xFFFFFF00  }
0x1a8: {  	_ =	swait.ge [sflag:s20], $0x100  }
0x1a9: {  	[sflag:s20] =	ssyncset.done $0x0  }
0x1aa: {  	[sflag:s20] =	ssyncadd.s32 $0xFFFFFF00  }
0x1ab: {  	_ =	swait.ge [sflag:s20], $0x100  }
0x1ac: {  	[sflag:s20] =	ssyncset.done $0x0  }
0x1ad: {  	[sflag:s20] =	ssyncadd.s32 $0xFFFFFF00  }
0x1ae: {  	_ =	swait.ge [sflag:s20], $0x100  }
0x1af: {  	[sflag:s20] =	ssyncset.done $0x0  }
0x1b0: {  	s30 =	simm.s32 $0x400;
	s16 =	simm.s32 $0x9000;
	[sflag:s20] =	ssyncadd.s32 $0xFFFFFF00  }
0x1b1: {  	[tilespmem:s16], [sflag:$0x4] =	stream.indirect.gather [hbm4b:s1+s13], $0x20, s30, s13, $0xb8;
	[tilespmem:$0x11400] =	vst v63  }
0x1b2: {  	s17 =	simm.s32 $0x480;
	s23 =	simm.s32 $0xA000  }
0x1b3: {  	[tilespmem:s23], [sflag:$0x4] =	stream.indirect.gather [hbm4b:s1+s13], $0x20, s17, s13, $0xb8;
	[tilespmem:$0x11400] =	vst v63  }
0x1b4: {  	s17 =	simm.s32 $0x500;
	s23 =	simm.s32 $0xB000  }
0x1b5: {  	[tilespmem:s23], [sflag:$0x4] =	stream.indirect.gather [hbm4b:s1+s13], $0x20, s17, s13, $0xb8;
	[tilespmem:$0x11400] =	vst v63  }
0x1b6: {  	s17 =	simm.s32 $0x580;
	s23 =	simm.s32 $0xC000  }
0x1b7: {  	[tilespmem:s23], [sflag:$0x4] =	stream.indirect.gather [hbm4b:s1+s13], $0x20, s17, s13, $0xb8;
	[tilespmem:$0x11400] =	vst v63  }
0x1b8: {  	s17 =	simm.s32 $0x600;
	s23 =	simm.s32 $0xD000  }
0x1b9: {  	[tilespmem:s23], [sflag:$0x4] =	stream.indirect.gather [hbm4b:s1+s13], $0x20, s17, s13, $0xb8;
	[tilespmem:$0x11400] =	vst v63  }
0x1ba: {  	s17 =	simm.s32 $0x680;
	s23 =	simm.s32 $0xE000  }
0x1bb: {  	[tilespmem:s23], [sflag:$0x4] =	stream.indirect.gather [hbm4b:s1+s13], $0x20, s17, s13, $0xb8;
	[tilespmem:$0x11400] =	vst v63  }
0x1bc: {  	s16 =	simm.s32 $0xF000  }
0x1bd: {  	[tilespmem:s16], [sflag:$0x4] =	stream.indirect.gather [hbm4b:s1+s13], $0x20, s18, s13, $0xb8;
	[tilespmem:$0x11400] =	vst v63  }
0x1be: {  	s17 =	simm.s32 $0x780;
	s23 =	simm.s32 $0x10000  }
0x1bf: {  	[tilespmem:s23], [sflag:$0x4] =	stream.indirect.gather [hbm4b:s1+s13], $0x20, s17, s13, $0xb8;
	[tilespmem:$0x11400] =	vst v63  }
0x1c0: {  	_ =	swait.ge [sflag:s21], $0x1000  }
0x1c1: {  	[sflag:s21] =	ssyncset.done $0x0  }
0x1c2: {  	[sflag:s21] =	ssyncadd.s32 $0xFFFFF000  }
0x1c3: {  	_ =	swait.ge [sflag:s21], $0x1000  }
0x1c4: {  	[sflag:s21] =	ssyncset.done $0x0  }
0x1c5: {  	[sflag:s21] =	ssyncadd.s32 $0xFFFFF000  }
0x1c6: {  	_ =	swait.ge [sflag:s21], $0x1000  }
0x1c7: {  	[sflag:s21] =	ssyncset.done $0x0  }
0x1c8: {  	[sflag:s21] =	ssyncadd.s32 $0xFFFFF000  }
0x1c9: {  	_ =	swait.ge [sflag:s21], $0x1000  }
0x1ca: {  	[sflag:s21] =	ssyncset.done $0x0  }
0x1cb: {  	[sflag:s21] =	ssyncadd.s32 $0xFFFFF000  }
0x1cc: {  	_ =	swait.ge [sflag:s21], $0x1000  }
0x1cd: {  	[sflag:s21] =	ssyncset.done $0x0  }
0x1ce: {  	[sflag:s21] =	ssyncadd.s32 $0xFFFFF000  }
0x1cf: {  	_ =	swait.ge [sflag:s21], $0x1000  }
0x1d0: {  	[sflag:s21] =	ssyncset.done $0x0  }
0x1d1: {  	[sflag:s21] =	ssyncadd.s32 $0xFFFFF000  }
0x1d2: {  	_ =	swait.ge [sflag:s21], $0x1000  }
0x1d3: {  	[sflag:s21] =	ssyncset.done $0x0  }
0x1d4: {  	[sflag:s21] =	ssyncadd.s32 $0xFFFFF000  }
0x1d5: {  	s17 =	smin.u32 s28, $0x151;
	_ =	swait.ge [sflag:s21], $0x1000  }
0x1d6: {  	s15 =	sshll.u32 s17, $0x8;
	s23 =	rddreg [dreg:$0xc]  }
0x1d7: {  	s15 =	sadd.s32 s15, s23  }
0x1d8: {  	[sflag:s21] =	ssyncset.done $0x0;
	s15 =	sshrl.u32 s15, $0x3  }
0x1d9: {  	[sflag:s21] =	ssyncadd.s32 $0xFFFFF000;
	s17 =	sadd.s32 s4, s15  }
0x1da: {  	[tilespmem:s14], [sflag:$0x1] =	stream.linear.gather [hbm4b:s17+s14], $0x100, $0x38;
	[tilespmem:$0x11400] =	vst v63  }
0x1db: {  	s23 =	sadd.s32 s8, s15;
	s17 =	simm.s32 $0x800  }
0x1dc: {  	[tilespmem:s17], [sflag:$0x1] =	stream.linear.gather [hbm4b:s23+s14], $0x100, $0x38;
	[tilespmem:$0x11400] =	vst v63  }
0x1dd: {  	s23 =	sadd.s32 s5, s15  }
0x1de: {  	[tilespmem:s26], [sflag:$0x1] =	stream.linear.gather [hbm4b:s23+s14], $0x100, $0x38;
	[tilespmem:$0x11400] =	vst v63  }
0x1df: {  	s17 =	sadd.s32 s9, s15;
	s23 =	simm.s32 $0x900  }
0x1e0: {  	[tilespmem:s23], [sflag:$0x1] =	stream.linear.gather [hbm4b:s17+s14], $0x100, $0x38;
	[tilespmem:$0x11400] =	vst v63  }
0x1e1: {  	s23 =	sadd.s32 s6, s15  }
0x1e2: {  	[tilespmem:s29], [sflag:$0x1] =	stream.linear.gather [hbm4b:s23+s14], $0x100, $0x38;
	[tilespmem:$0x11400] =	vst v63  }
0x1e3: {  	s17 =	sadd.s32 s10, s15;
	s23 =	simm.s32 $0xA00  }
0x1e4: {  	[tilespmem:s23], [sflag:$0x1] =	stream.linear.gather [hbm4b:s17+s14], $0x100, $0x38;
	[tilespmem:$0x11400] =	vst v63  }
0x1e5: {  	s17 =	sadd.s32 s7, s15  }
0x1e6: {  	[tilespmem:s31], [sflag:$0x1] =	stream.linear.gather [hbm4b:s17+s14], $0x100, $0x38;
	[tilespmem:$0x11400] =	vst v63  }
0x1e7: {  	s15 =	sadd.s32 s11, s15;
	s23 =	simm.s32 $0xB00;
	s17 =	simm.s32 $0xE00  }
0x1e8: {  	[tilespmem:s23], [sflag:$0x1] =	stream.linear.gather [hbm4b:s15+s14], $0x100, $0x38;
	[tilespmem:$0x11400] =	vst v63  }
0x1e9: {  	v0 =	vld [tilespmem:s17+$0x100]  }
0x1ea: {  	v1 =	vld [tilespmem:s17+$0x0]  }
0x1eb: {  	s23 =	simm.s32 $0x0;
	v3 =	vld [tilespmem:s17+$0xFFFFFE00]  }
0x1ec: {  	v4 =	vld [tilespmem:s23+$0x9000]  }
0x1ed: {  	v5 =	vld [tilespmem:s23+$0x9030]  }
0x1ee: {  	v6 =	vld [tilespmem:s23+$0x9010]  }
0x1ef: {  	v7 =	vld [tilespmem:s23+$0x9020]  }
0x1f0: {  	v2 =	vld [tilespmem:s17+$0xFFFFFF00];
	v8 =	vbroadcast v3, $0x0  }
0x1f1: {  	v9 =	vld [tilespmem:s23+$0x9040]  }
0x1f2: {  	v11 =	vld [tilespmem:s23+$0x9050];
	v10 =	vbroadcast v3, $0x1;
	v4 =	vmul.f32 v8, v4  }
0x1f3: {  	v35 =	vld [tilespmem:s23+$0x9060];
	v6 =	vmul.f32 v6, v8  }
0x1f4: {  	v12 =	vld [tilespmem:s23+$0x9070];
	v13 =	vbroadcast v3, $0x2;
	v7 =	vmul.f32 v7, v10;
	v4 =	vadd.f32 $0.0e+00, v4  }
0x1f5: {  	v36 =	vld [tilespmem:s23+$0x9080];
	v5 =	vmul.f32 v5, v10;
	v6 =	vadd.f32 $0.0e+00, v6  }
0x1f6: {  	v14 =	vld [tilespmem:s23+$0x9090];
	v15 =	vbroadcast v3, $0x3;
	v37 =	vmul.f32 v9, v13;
	v4 =	vadd.f32 v7, v4  }
0x1f7: {  	v39 =	vld [tilespmem:s23+$0x90A0];
	v38 =	vmul.f32 v11, v13;
	v5 =	vadd.f32 v5, v6  }
0x1f8: {  	v40 =	vld [tilespmem:s23+$0x90B0];
	v41 =	vbroadcast v3, $0x4;
	v42 =	vmul.f32 v35, v15;
	v4 =	vadd.f32 v37, v4  }
0x1f9: {  	v44 =	vld [tilespmem:s23+$0x90C0];
	v43 =	vmul.f32 v12, v15;
	v5 =	vadd.f32 v38, v5  }
0x1fa: {  	v45 =	vld [tilespmem:s23+$0x90D0];
	v46 =	vbroadcast v3, $0x5;
	v47 =	vmul.f32 v36, v41;
	v4 =	vadd.f32 v42, v4  }
0x1fb: {  	v49 =	vld [tilespmem:s23+$0x90E0];
	v48 =	vmul.f32 v14, v41;
	v5 =	vadd.f32 v43, v5  }
0x1fc: {  	v50 =	vld [tilespmem:s23+$0x90F0];
	v51 =	vbroadcast v3, $0x6;
	v6 =	vmul.f32 v39, v46;
	v4 =	vadd.f32 v47, v4  }
0x1fd: {  	v53 =	vld [tilespmem:s23+$0x9100];
	v52 =	vmul.f32 v40, v46;
	v5 =	vadd.f32 v48, v5  }
0x1fe: {  	v55 =	vld [tilespmem:s23+$0x9110];
	v54 =	vbroadcast v3, $0x7;
	v56 =	vmul.f32 v44, v51;
	v4 =	vadd.f32 v6, v4  }
0x1ff: {  	v58 =	vld [tilespmem:s23+$0x9120];
	v57 =	vmul.f32 v45, v51;
	v5 =	vadd.f32 v52, v5  }
0x200: {  	v60 =	vld [tilespmem:s23+$0x9130];
	v59 =	vbroadcast v3, $0x8;
	v61 =	vmul.f32 v49, v54;
	v4 =	vadd.f32 v56, v4  }
0x201: {  	v63 =	vld [tilespmem:s23+$0x9140];
	v62 =	vmul.f32 v50, v54;
	v5 =	vadd.f32 v57, v5  }
0x202: {  	v18 =	vld [tilespmem:s23+$0x9150];
	v17 =	vbroadcast v3, $0x9;
	v19 =	vmul.f32 v53, v59;
	v4 =	vadd.f32 v61, v4  }
0x203: {  	v21 =	vld [tilespmem:s23+$0x9160];
	v20 =	vmul.f32 v55, v59;
	v5 =	vadd.f32 v62, v5  }
0x204: {  	v22 =	vld [tilespmem:s23+$0x9170];
	v24 =	vbroadcast v3, $0xA;
	v23 =	vmul.f32 v58, v17;
	v4 =	vadd.f32 v19, v4  }
0x205: {  	v25 =	vld [tilespmem:s23+$0x9180];
	v11 =	vmul.f32 v60, v17;
	v5 =	vadd.f32 v20, v5  }
0x206: {  	v26 =	vld [tilespmem:s23+$0x9190];
	v27 =	vbroadcast v3, $0xB;
	v28 =	vmul.f32 v63, v24;
	v4 =	vadd.f32 v23, v4  }
0x207: {  	v29 =	vld [tilespmem:s23+$0x91A0];
	v7 =	vmul.f32 v18, v24;
	v5 =	vadd.f32 v11, v5  }
0x208: {  	v30 =	vld [tilespmem:s23+$0x91B0];
	v31 =	vbroadcast v3, $0xC;
	v32 =	vmul.f32 v21, v27;
	v4 =	vadd.f32 v28, v4  }
0x209: {  	v34 =	vld [tilespmem:s23+$0x91C0];
	v33 =	vmul.f32 v22, v27;
	v5 =	vadd.f32 v7, v5  }
0x20a: {  	v35 =	vld [tilespmem:s23+$0x91D0];
	v36 =	vbroadcast v3, $0xD;
	v37 =	vmul.f32 v25, v31;
	v4 =	vadd.f32 v32, v4  }
0x20b: {  	v39 =	vld [tilespmem:s23+$0x91E0];
	v38 =	vmul.f32 v26, v31;
	v5 =	vadd.f32 v33, v5  }
0x20c: {  	v40 =	vld [tilespmem:s23+$0x91F0];
	v41 =	vbroadcast v3, $0xE;
	v42 =	vmul.f32 v29, v36;
	v4 =	vadd.f32 v37, v4  }
0x20d: {  	v44 =	vld [tilespmem:s23+$0xB000];
	v43 =	vmul.f32 v30, v36;
	v5 =	vadd.f32 v38, v5  }
0x20e: {  	v3 =	vbroadcast v3, $0xF;
	v45 =	vld [tilespmem:s23+$0xB010];
	v46 =	vmul.f32 v34, v41;
	v4 =	vadd.f32 v42, v4  }
0x20f: {  	v47 =	vmul.f32 v35, v41;
	v48 =	vld [tilespmem:s23+$0xB020];
	v5 =	vadd.f32 v43, v5  }
0x210: {  	v49 =	vld [tilespmem:s23+$0xB030];
	v51 =	vbroadcast v2, $0x0;
	v50 =	vmul.f32 v39, v3;
	v4 =	vadd.f32 v46, v4  }
0x211: {  	v3 =	vmul.f32 v40, v3;
	v52 =	vld [tilespmem:s23+$0xB040];
	v5 =	vadd.f32 v47, v5  }
0x212: {  	v53 =	vbroadcast v2, $0x1;
	v54 =	vld [tilespmem:s23+$0xB050];
	v55 =	vmul.f32 v51, v44;
	v4 =	vadd.f32 v50, v4  }
0x213: {  	v8 =	vmul.f32 v45, v51;
	v56 =	vld [tilespmem:s23+$0xB060];
	v3 =	vadd.f32 v3, v5  }
0x214: {  	v58 =	vld [tilespmem:s23+$0xB070];
	v57 =	vbroadcast v2, $0x2;
	v59 =	vmul.f32 v48, v53;
	v4 =	vadd.f32 v55, v4  }
0x215: {  	v60 =	vmul.f32 v49, v53;
	v61 =	vld [tilespmem:s23+$0xB080];
	v3 =	vadd.f32 v8, v3  }
0x216: {  	v63 =	vld [tilespmem:s23+$0xB090];
	v62 =	vbroadcast v2, $0x3;
	v15 =	vmul.f32 v52, v57;
	v4 =	vadd.f32 v59, v4  }
0x217: {  	v17 =	vld [tilespmem:s23+$0xB0A0];
	v16 =	vmul.f32 v54, v57;
	v3 =	vadd.f32 v60, v3  }
0x218: {  	v18 =	vld [tilespmem:s23+$0xB0B0];
	v19 =	vbroadcast v2, $0x4;
	v5 =	vmul.f32 v56, v62;
	v4 =	vadd.f32 v15, v4  }
0x219: {  	v20 =	vld [tilespmem:s23+$0xB0C0];
	v11 =	vmul.f32 v58, v62;
	v3 =	vadd.f32 v16, v3  }
0x21a: {  	v21 =	vbroadcast v2, $0x5;
	v22 =	vld [tilespmem:s23+$0xB0D0];
	v23 =	vmul.f32 v61, v19;
	v4 =	vadd.f32 v5, v4  }
0x21b: {  	v24 =	vld [tilespmem:s23+$0xB0E0];
	v6 =	vmul.f32 v63, v19;
	v3 =	vadd.f32 v11, v3  }
0x21c: {  	v27 =	vbroadcast v2, $0x6;
	v25 =	vld [tilespmem:s23+$0xB0F0];
	v26 =	vmul.f32 v17, v21;
	v4 =	vadd.f32 v23, v4  }
0x21d: {  	v10 =	vmul.f32 v18, v21;
	v28 =	vld [tilespmem:s23+$0xB100];
	v3 =	vadd.f32 v6, v3  }
0x21e: {  	v29 =	vbroadcast v2, $0x7;
	v30 =	vld [tilespmem:s23+$0xB110];
	v31 =	vmul.f32 v20, v27;
	v4 =	vadd.f32 v26, v4  }
0x21f: {  	v32 =	vmul.f32 v22, v27;
	v33 =	vld [tilespmem:s23+$0xB120];
	v3 =	vadd.f32 v10, v3  }
0x220: {  	v34 =	vld [tilespmem:s23+$0xB130];
	v36 =	vbroadcast v2, $0x8;
	v35 =	vmul.f32 v24, v29;
	v4 =	vadd.f32 v31, v4  }
0x221: {  	v37 =	vld [tilespmem:s23+$0xB140];
	v11 =	vmul.f32 v25, v29;
	v3 =	vadd.f32 v32, v3  }
0x222: {  	v39 =	vld [tilespmem:s23+$0xB150];
	v38 =	vbroadcast v2, $0x9;
	v40 =	vmul.f32 v28, v36;
	v4 =	vadd.f32 v35, v4  }
0x223: {  	v41 =	vmul.f32 v30, v36;
	v42 =	vld [tilespmem:s23+$0xB160];
	v3 =	vadd.f32 v11, v3  }
0x224: {  	v45 =	vbroadcast v2, $0xA;
	v43 =	vld [tilespmem:s23+$0xB170];
	v44 =	vmul.f32 v33, v38;
	v4 =	vadd.f32 v40, v4  }
0x225: {  	v46 =	vld [tilespmem:s23+$0xB180];
	v10 =	vmul.f32 v34, v38;
	v3 =	vadd.f32 v41, v3  }
0x226: {  	v48 =	vbroadcast v2, $0xB;
	v47 =	vld [tilespmem:s23+$0xB190];
	v49 =	vmul.f32 v37, v45;
	v4 =	vadd.f32 v44, v4  }
0x227: {  	v51 =	vld [tilespmem:s23+$0xB1A0];
	v50 =	vmul.f32 v39, v45;
	v3 =	vadd.f32 v10, v3  }
0x228: {  	v53 =	vbroadcast v2, $0xC;
	v52 =	vld [tilespmem:s23+$0xB1B0];
	v54 =	vmul.f32 v42, v48;
	v4 =	vadd.f32 v49, v4  }
0x229: {  	v56 =	vld [tilespmem:s23+$0xB1C0];
	v55 =	vmul.f32 v43, v48;
	v3 =	vadd.f32 v50, v3  }
0x22a: {  	v57 =	vld [tilespmem:s23+$0xB1D0];
	v58 =	vbroadcast v2, $0xD;
	v59 =	vmul.f32 v46, v53;
	v4 =	vadd.f32 v54, v4  }
0x22b: {  	v61 =	vld [tilespmem:s23+$0xB1E0];
	v60 =	vmul.f32 v47, v53;
	v3 =	vadd.f32 v55, v3  }
0x22c: {  	v63 =	vbroadcast v2, $0xE;
	v62 =	vld [tilespmem:s23+$0xB1F0];
	v16 =	vmul.f32 v51, v58;
	v4 =	vadd.f32 v59, v4  }
0x22d: {  	v18 =	vld [tilespmem:s23+$0xD000];
	v17 =	vmul.f32 v52, v58;
	v3 =	vadd.f32 v60, v3  }
0x22e: {  	v19 =	vld [tilespmem:s23+$0xD010];
	v2 =	vbroadcast v2, $0xF;
	v20 =	vmul.f32 v56, v63;
	v4 =	vadd.f32 v16, v4  }
0x22f: {  	v21 =	vmul.f32 v57, v63;
	v22 =	vld [tilespmem:s23+$0xD020];
	v3 =	vadd.f32 v17, v3  }
0x230: {  	v24 =	vbroadcast v1, $0x0;
	v25 =	vmul.f32 v61, v2;
	v23 =	vld [tilespmem:s23+$0xD030];
	v4 =	vadd.f32 v20, v4  }
0x231: {  	v2 =	vmul.f32 v62, v2;
	v26 =	vld [tilespmem:s23+$0xD040];
	v3 =	vadd.f32 v21, v3  }
0x232: {  	v27 =	vld [tilespmem:s23+$0xD050];
	v28 =	vbroadcast v1, $0x1;
	v29 =	vmul.f32 v24, v18;
	v4 =	vadd.f32 v25, v4  }
0x233: {  	v30 =	vmul.f32 v19, v24;
	v2 =	vadd.f32 v2, v3;
	v3 =	vld [tilespmem:s23+$0xD060]  }
0x234: {  	v33 =	vmul.f32 v22, v28;
	v31 =	vld [tilespmem:s23+$0xD070];
	v32 =	vbroadcast v1, $0x2;
	v4 =	vadd.f32 v29, v4  }
0x235: {  	v34 =	vmul.f32 v23, v28;
	v35 =	vld [tilespmem:s23+$0xD080];
	v2 =	vadd.f32 v30, v2  }
0x236: {  	v36 =	vld [tilespmem:s23+$0xD090];
	v37 =	vbroadcast v1, $0x3;
	v38 =	vmul.f32 v26, v32;
	v4 =	vadd.f32 v33, v4  }
0x237: {  	v39 =	vmul.f32 v27, v32;
	v40 =	vld [tilespmem:s23+$0xD0A0];
	v2 =	vadd.f32 v34, v2  }
0x238: {  	v42 =	vbroadcast v1, $0x4;
	v41 =	vld [tilespmem:s23+$0xD0B0];
	v3 =	vmul.f32 v3, v37;
	v4 =	vadd.f32 v38, v4  }
0x239: {  	v43 =	vmul.f32 v31, v37;
	v44 =	vld [tilespmem:s23+$0xD0C0];
	v2 =	vadd.f32 v39, v2  }
0x23a: {  	v45 =	vld [tilespmem:s23+$0xD0D0];
	v46 =	vbroadcast v1, $0x5;
	v47 =	vmul.f32 v35, v42;
	v3 =	vadd.f32 v3, v4  }
0x23b: {  	v48 =	vmul.f32 v36, v42;
	v49 =	vld [tilespmem:s23+$0xD0E0];
	v2 =	vadd.f32 v43, v2  }
0x23c: {  	v51 =	vbroadcast v1, $0x6;
	v50 =	vld [tilespmem:s23+$0xD0F0];
	v52 =	vmul.f32 v40, v46;
	v3 =	vadd.f32 v47, v3  }
0x23d: {  	v53 =	vmul.f32 v41, v46;
	v54 =	vld [tilespmem:s23+$0xD100];
	v2 =	vadd.f32 v48, v2  }
0x23e: {  	v56 =	vbroadcast v1, $0x7;
	v55 =	vld [tilespmem:s23+$0xD110];
	v57 =	vmul.f32 v44, v51;
	v3 =	vadd.f32 v52, v3  }
0x23f: {  	v58 =	vmul.f32 v45, v51;
	v59 =	vld [tilespmem:s23+$0xD120];
	v2 =	vadd.f32 v53, v2  }
0x240: {  	v61 =	vbroadcast v1, $0x8;
	v60 =	vld [tilespmem:s23+$0xD130];
	v62 =	vmul.f32 v49, v56;
	v3 =	vadd.f32 v57, v3  }
0x241: {  	v63 =	vmul.f32 v50, v56;
	v16 =	vld [tilespmem:s23+$0xD140];
	v2 =	vadd.f32 v58, v2  }
0x242: {  	v18 =	vbroadcast v1, $0x9;
	v17 =	vld [tilespmem:s23+$0xD150];
	v19 =	vmul.f32 v54, v61;
	v3 =	vadd.f32 v62, v3  }
0x243: {  	v20 =	vmul.f32 v55, v61;
	v21 =	vld [tilespmem:s23+$0xD160];
	v2 =	vadd.f32 v63, v2  }
0x244: {  	v22 =	vld [tilespmem:s23+$0xD170];
	v23 =	vbroadcast v1, $0xA;
	v24 =	vmul.f32 v59, v18;
	v3 =	vadd.f32 v19, v3  }
0x245: {  	v26 =	vld [tilespmem:s23+$0xD180];
	v25 =	vmul.f32 v60, v18;
	v2 =	vadd.f32 v20, v2  }
0x246: {  	v28 =	vbroadcast v1, $0xB;
	v27 =	vld [tilespmem:s23+$0xD190];
	v29 =	vmul.f32 v16, v23;
	v3 =	vadd.f32 v24, v3  }
0x247: {  	v31 =	vld [tilespmem:s23+$0xD1A0];
	v30 =	vmul.f32 v17, v23;
	v2 =	vadd.f32 v25, v2  }
0x248: {  	v32 =	vld [tilespmem:s23+$0xD1B0];
	v33 =	vbroadcast v1, $0xC;
	v34 =	vmul.f32 v21, v28;
	v3 =	vadd.f32 v29, v3  }
0x249: {  	v36 =	vld [tilespmem:s23+$0xD1C0];
	v35 =	vmul.f32 v22, v28;
	v2 =	vadd.f32 v30, v2  }
0x24a: {  	v37 =	vld [tilespmem:s23+$0xD1D0];
	v38 =	vbroadcast v1, $0xD;
	v39 =	vmul.f32 v26, v33;
	v3 =	vadd.f32 v34, v3  }
0x24b: {  	v41 =	vld [tilespmem:s23+$0xD1E0];
	v40 =	vmul.f32 v27, v33;
	v2 =	vadd.f32 v35, v2  }
0x24c: {  	v42 =	vld [tilespmem:s23+$0xD1F0];
	v43 =	vbroadcast v1, $0xE;
	v44 =	vmul.f32 v31, v38;
	v3 =	vadd.f32 v39, v3  }
0x24d: {  	v46 =	vld [tilespmem:s23+$0xF000];
	v45 =	vmul.f32 v32, v38;
	v2 =	vadd.f32 v40, v2  }
0x24e: {  	v1 =	vbroadcast v1, $0xF;
	v47 =	vld [tilespmem:s23+$0xF010];
	v48 =	vmul.f32 v36, v43;
	v3 =	vadd.f32 v44, v3  }
0x24f: {  	v50 =	vld [tilespmem:s23+$0xF020];
	v49 =	vmul.f32 v37, v43;
	v2 =	vadd.f32 v45, v2  }
0x250: {  	v51 =	vld [tilespmem:s23+$0xF030];
	v52 =	vbroadcast v0, $0x0;
	v53 =	vmul.f32 v41, v1;
	v3 =	vadd.f32 v48, v3  }
0x251: {  	v54 =	vld [tilespmem:s23+$0xF040];
	v1 =	vmul.f32 v42, v1;
	v2 =	vadd.f32 v49, v2  }
0x252: {  	v56 =	vbroadcast v0, $0x1;
	v55 =	vld [tilespmem:s23+$0xF050];
	v57 =	vmul.f32 v52, v46;
	v3 =	vadd.f32 v53, v3  }
0x253: {  	v58 =	vmul.f32 v47, v52;
	v1 =	vadd.f32 v1, v2;
	v2 =	vld [tilespmem:s23+$0xF060]  }
0x254: {  	v59 =	vld [tilespmem:s23+$0xF070];
	v60 =	vbroadcast v0, $0x2;
	v61 =	vmul.f32 v50, v56;
	v3 =	vadd.f32 v57, v3  }
0x255: {  	v62 =	vmul.f32 v51, v56;
	v63 =	vld [tilespmem:s23+$0xF080];
	v1 =	vadd.f32 v58, v1  }
0x256: {  	v16 =	vld [tilespmem:s23+$0xF090];
	v17 =	vbroadcast v0, $0x3;
	v18 =	vmul.f32 v54, v60;
	v3 =	vadd.f32 v61, v3  }
0x257: {  	v19 =	vmul.f32 v55, v60;
	v20 =	vld [tilespmem:s23+$0xF0A0];
	v1 =	vadd.f32 v62, v1  }
0x258: {  	v22 =	vbroadcast v0, $0x4;
	v21 =	vld [tilespmem:s23+$0xF0B0];
	v2 =	vmul.f32 v2, v17;
	v3 =	vadd.f32 v18, v3  }
0x259: {  	v23 =	vmul.f32 v59, v17;
	v24 =	vld [tilespmem:s23+$0xF0C0];
	v1 =	vadd.f32 v19, v1  }
0x25a: {  	v26 =	vbroadcast v0, $0x5;
	v25 =	vld [tilespmem:s23+$0xF0D0];
	v2 =	vadd.f32 v2, v3;
	v3 =	vmul.f32 v63, v22  }
0x25b: {  	v28 =	vld [tilespmem:s23+$0xF0E0];
	v27 =	vmul.f32 v16, v22;
	v1 =	vadd.f32 v23, v1  }
0x25c: {  	v29 =	vld [tilespmem:s23+$0xF0F0];
	v30 =	vbroadcast v0, $0x6;
	v2 =	vadd.f32 v3, v2;
	v3 =	vmul.f32 v20, v26  }
0x25d: {  	v32 =	vld [tilespmem:s23+$0xF100];
	v31 =	vmul.f32 v21, v26;
	v1 =	vadd.f32 v27, v1  }
0x25e: {  	v33 =	vld [tilespmem:s23+$0xF110];
	v34 =	vbroadcast v0, $0x7;
	v2 =	vadd.f32 v3, v2;
	v3 =	vmul.f32 v24, v30  }
0x25f: {  	v36 =	vld [tilespmem:s23+$0xF120];
	v35 =	vmul.f32 v25, v30;
	v1 =	vadd.f32 v31, v1  }
0x260: {  	v38 =	vbroadcast v0, $0x8;
	v37 =	vld [tilespmem:s23+$0xF130];
	v2 =	vadd.f32 v3, v2;
	v3 =	vmul.f32 v28, v34  }
0x261: {  	v40 =	vld [tilespmem:s23+$0xF140];
	v39 =	vmul.f32 v29, v34;
	v1 =	vadd.f32 v35, v1  }
0x262: {  	v41 =	vld [tilespmem:s23+$0xF150];
	v42 =	vbroadcast v0, $0x9;
	v2 =	vadd.f32 v3, v2;
	v3 =	vmul.f32 v32, v38  }
0x263: {  	v43 =	vmul.f32 v33, v38;
	v44 =	vld [tilespmem:s23+$0xF160];
	v1 =	vadd.f32 v39, v1  }
0x264: {  	v46 =	vbroadcast v0, $0xA;
	v45 =	vld [tilespmem:s23+$0xF170];
	v2 =	vadd.f32 v3, v2;
	v3 =	vmul.f32 v36, v42  }
0x265: {  	v47 =	vmul.f32 v37, v42;
	v48 =	vld [tilespmem:s23+$0xF180];
	v1 =	vadd.f32 v43, v1  }
0x266: {  	v50 =	vbroadcast v0, $0xB;
	v49 =	vld [tilespmem:s23+$0xF190];
	v2 =	vadd.f32 v3, v2;
	v3 =	vmul.f32 v40, v46  }
0x267: {  	v52 =	vld [tilespmem:s23+$0xF1A0];
	v51 =	vmul.f32 v41, v46;
	v1 =	vadd.f32 v47, v1  }
0x268: {  	v54 =	vbroadcast v0, $0xC;
	v53 =	vld [tilespmem:s23+$0xF1B0];
	v2 =	vadd.f32 v3, v2;
	v3 =	vmul.f32 v44, v50  }
0x269: {  	v56 =	vld [tilespmem:s23+$0xF1C0];
	v55 =	vmul.f32 v45, v50;
	v1 =	vadd.f32 v51, v1  }
0x26a: {  	v57 =	vld [tilespmem:s23+$0xF1D0];
	v58 =	vbroadcast v0, $0xD;
	v2 =	vadd.f32 v3, v2;
	v3 =	vmul.f32 v48, v54  }
0x26b: {  	v60 =	vld [tilespmem:s23+$0xF1F0];
	v59 =	vmul.f32 v49, v54;
	v1 =	vadd.f32 v55, v1  }
0x26c: {  	v61 =	vbroadcast v0, $0xE;
	v62 =	vld [tilespmem:s23+$0xF1E0];
	v2 =	vadd.f32 v3, v2;
	v3 =	vmul.f32 v52, v58  }
0x26d: {  	v63 =	vmul.f32 v53, v58;
	v1 =	vadd.f32 v59, v1  }
0x26e: {  	v2 =	vadd.f32 v3, v2;
	v3 =	vmul.f32 v56, v61  }
0x26f: {  	v0 =	vbroadcast v0, $0xF;
	v4 =	vmul.f32 v57, v61;
	v1 =	vadd.f32 v63, v1  }
0x270: {  	v2 =	vadd.f32 v3, v2  }
0x271: {  	v3 =	vmul.f32 v62, v0;
	v0 =	vmul.f32 v60, v0;
	v4 =	vadd.f32 v4, v1  }
0x272: {  	s16 =	simm.s32 $0x800  }
0x273: {  	s28 =	simm.s32 $0x11210;
	s17 =	simm.s32 $0xE10;
	s23 =	simm.s32 $0x11210;
	v1 =	vadd.f32 v3, v2;
	v0 =	vadd.f32 v0, v4  }
.LBB2_5:
0x274: {  	s14 =	smov.u32 s16  }
0x275: {  	s15 =	sshra.s32 s16, $0x2;
	[tilespmem:s28+$0xFFFFFFF0] =	vst v1;
	s23 =	sadd.s32 $0x20, s23;
	s14 =	sadd.s32 $0x800, s16  }
0x276: {  	p0 =	sne.s32 s16, $0x7800;
	[tilespmem:s28+$0x0] =	vst v0;
	s28 =	smov.u32 s23  }
0x277: {  	v0 =	vld [tilespmem:s17+$0x100]  }
0x278: {  	v1 =	vld [tilespmem:s17+$0x0]  }
0x279: {  	v3 =	vld [tilespmem:s15+$0x9000]  }
0x27a: {  	v6 =	vld [tilespmem:s17+$0xFFFFFE00]  }
0x27b: {  	v4 =	vld [tilespmem:s15+$0x9030]  }
0x27c: {  	v5 =	vld [tilespmem:s15+$0x9010]  }
0x27d: {  	v2 =	vld [tilespmem:s17+$0xFFFFFF00]  }
0x27e: {  	v7 =	vld [tilespmem:s15+$0x9020]  }
0x27f: {  	v8 =	vbroadcast v6, $0x0;
	v9 =	vbroadcast v6, $0x1;
	v10 =	vld [tilespmem:s15+$0x9050]  }
0x280: {  	v12 =	vbroadcast v6, $0x7;
	v13 =	vbroadcast v6, $0x8;
	v11 =	vld [tilespmem:s15+$0x9040]  }
0x281: {  	v3 =	vmul.f32 v8, v3;
	v4 =	vmul.f32 v4, v9;
	v14 =	vld [tilespmem:s15+$0x9070]  }
0x282: {  	v15 =	vbroadcast v6, $0x9;
	v5 =	vmul.f32 v5, v8;
	v8 =	vld [tilespmem:s15+$0x9060]  }
0x283: {  	v3 =	vadd.f32 $0.0e+00, v3;
	v7 =	vmul.f32 v7, v9;
	v9 =	vbroadcast v6, $0x2;
	v16 =	vld [tilespmem:s15+$0x9090]  }
0x284: {  	v17 =	vbroadcast v6, $0x3;
	v19 =	vbroadcast v6, $0xF;
	v5 =	vadd.f32 $0.0e+00, v5;
	v18 =	vld [tilespmem:s15+$0x9080]  }
0x285: {  	v3 =	vadd.f32 v7, v3;
	v7 =	vmul.f32 v11, v9;
	v9 =	vmul.f32 v10, v9;
	v10 =	vld [tilespmem:s15+$0x90B0]  }
0x286: {  	v4 =	vadd.f32 v4, v5;
	v11 =	vbroadcast v6, $0x4;
	v5 =	vbroadcast v2, $0x3;
	v20 =	vld [tilespmem:s15+$0x90A0]  }
0x287: {  	v3 =	vadd.f32 v7, v3;
	v7 =	vmul.f32 v8, v17;
	v8 =	vmul.f32 v14, v17;
	v14 =	vld [tilespmem:s15+$0x90D0]  }
0x288: {  	v21 =	vbroadcast v2, $0x1;
	v4 =	vadd.f32 v9, v4;
	v9 =	vbroadcast v6, $0x5;
	v17 =	vld [tilespmem:s15+$0x90C0]  }
0x289: {  	v3 =	vadd.f32 v7, v3;
	v7 =	vmul.f32 v18, v11;
	v11 =	vmul.f32 v16, v11;
	v16 =	vld [tilespmem:s15+$0x90F0]  }
0x28a: {  	v22 =	vbroadcast v2, $0x2;
	v4 =	vadd.f32 v8, v4;
	v8 =	vbroadcast v6, $0x6;
	v18 =	vld [tilespmem:s15+$0x90E0]  }
0x28b: {  	v3 =	vadd.f32 v7, v3;
	v7 =	vmul.f32 v20, v9;
	v9 =	vmul.f32 v10, v9;
	v10 =	vld [tilespmem:s15+$0x9110]  }
0x28c: {  	v11 =	vadd.f32 v11, v4;
	v4 =	vbroadcast v2, $0x7;
	v14 =	vmul.f32 v14, v8;
	v20 =	vld [tilespmem:s15+$0x9100]  }
0x28d: {  	v23 =	vbroadcast v2, $0x5;
	v7 =	vadd.f32 v7, v3;
	v8 =	vmul.f32 v17, v8;
	v17 =	vld [tilespmem:s15+$0x9130]  }
0x28e: {  	v9 =	vadd.f32 v9, v11;
	v3 =	vbroadcast v2, $0x9;
	v11 =	vmul.f32 v16, v12;
	v16 =	vld [tilespmem:s15+$0x9120]  }
0x28f: {  	v7 =	vadd.f32 v8, v7;
	v8 =	vmul.f32 v18, v12;
	v12 =	vld [tilespmem:s15+$0x9150]  }
0x290: {  	v9 =	vadd.f32 v14, v9;
	v10 =	vmul.f32 v10, v13;
	v14 =	vld [tilespmem:s15+$0x9140]  }
0x291: {  	v7 =	vadd.f32 v8, v7;
	v8 =	vmul.f32 v20, v13;
	v13 =	vld [tilespmem:s15+$0x9170]  }
0x292: {  	v9 =	vadd.f32 v11, v9;
	v11 =	vmul.f32 v17, v15;
	v17 =	vld [tilespmem:s15+$0x9160]  }
0x293: {  	v7 =	vadd.f32 v8, v7;
	v8 =	vmul.f32 v16, v15;
	v15 =	vbroadcast v6, $0xA;
	v16 =	vld [tilespmem:s15+$0x9190]  }
0x294: {  	v9 =	vadd.f32 v10, v9;
	v10 =	vbroadcast v6, $0xB;
	v18 =	vld [tilespmem:s15+$0x9180]  }
0x295: {  	v7 =	vadd.f32 v8, v7;
	v8 =	vmul.f32 v14, v15;
	v12 =	vmul.f32 v12, v15;
	v14 =	vld [tilespmem:s15+$0x91B0]  }
0x296: {  	v9 =	vadd.f32 v11, v9;
	v11 =	vbroadcast v6, $0xC;
	v15 =	vld [tilespmem:s15+$0x91A0]  }
0x297: {  	v7 =	vadd.f32 v8, v7;
	v8 =	vmul.f32 v17, v10;
	v10 =	vmul.f32 v13, v10;
	v13 =	vld [tilespmem:s15+$0x91D0]  }
0x298: {  	v9 =	vadd.f32 v12, v9;
	v12 =	vbroadcast v6, $0xD;
	v17 =	vld [tilespmem:s15+$0x91C0]  }
0x299: {  	v7 =	vadd.f32 v8, v7;
	v8 =	vmul.f32 v18, v11;
	v11 =	vmul.f32 v16, v11;
	v16 =	vld [tilespmem:s15+$0x91F0]  }
0x29a: {  	v6 =	vbroadcast v6, $0xE;
	v9 =	vadd.f32 v10, v9;
	v10 =	vld [tilespmem:s15+$0x91E0]  }
0x29b: {  	v7 =	vadd.f32 v8, v7;
	v8 =	vmul.f32 v15, v12;
	v12 =	vmul.f32 v14, v12;
	v14 =	vld [tilespmem:s15+$0xB010]  }
0x29c: {  	v9 =	vadd.f32 v11, v9;
	v11 =	vld [tilespmem:s15+$0xB000]  }
0x29d: {  	v7 =	vadd.f32 v8, v7;
	v8 =	vmul.f32 v17, v6;
	v6 =	vmul.f32 v13, v6;
	v13 =	vld [tilespmem:s15+$0xB030]  }
0x29e: {  	v9 =	vadd.f32 v12, v9;
	v12 =	vmul.f32 v16, v19;
	v15 =	vld [tilespmem:s15+$0xB020]  }
0x29f: {  	v7 =	vadd.f32 v8, v7;
	v8 =	vmul.f32 v10, v19;
	v10 =	vbroadcast v2, $0x0;
	v16 =	vld [tilespmem:s15+$0xB050]  }
0x2a0: {  	v6 =	vadd.f32 v6, v9;
	v9 =	vld [tilespmem:s15+$0xB040]  }
0x2a1: {  	v7 =	vadd.f32 v8, v7;
	v8 =	vmul.f32 v10, v11;
	v10 =	vmul.f32 v14, v10;
	v11 =	vld [tilespmem:s15+$0xB070]  }
0x2a2: {  	v6 =	vadd.f32 v12, v6;
	v12 =	vmul.f32 v13, v21;
	v13 =	vld [tilespmem:s15+$0xB060]  }
0x2a3: {  	v7 =	vadd.f32 v8, v7;
	v8 =	vmul.f32 v15, v21;
	v14 =	vld [tilespmem:s15+$0xB090]  }
0x2a4: {  	v6 =	vadd.f32 v10, v6;
	v10 =	vmul.f32 v16, v22;
	v15 =	vld [tilespmem:s15+$0xB080]  }
0x2a5: {  	v7 =	vadd.f32 v8, v7;
	v8 =	vmul.f32 v9, v22;
	v9 =	vld [tilespmem:s15+$0xB0B0]  }
0x2a6: {  	v6 =	vadd.f32 v12, v6;
	v11 =	vmul.f32 v11, v5;
	v12 =	vld [tilespmem:s15+$0xB0A0]  }
0x2a7: {  	v7 =	vadd.f32 v8, v7;
	v5 =	vmul.f32 v13, v5;
	v8 =	vbroadcast v2, $0x4;
	v13 =	vld [tilespmem:s15+$0xB0D0]  }
0x2a8: {  	v6 =	vadd.f32 v10, v6;
	v10 =	vld [tilespmem:s15+$0xB0C0]  }
0x2a9: {  	v5 =	vadd.f32 v5, v7;
	v7 =	vmul.f32 v15, v8;
	v8 =	vmul.f32 v14, v8;
	v14 =	vld [tilespmem:s15+$0xB0F0]  }
0x2aa: {  	v6 =	vadd.f32 v11, v6;
	v9 =	vmul.f32 v9, v23;
	v11 =	vld [tilespmem:s15+$0xB0E0]  }
0x2ab: {  	v5 =	vadd.f32 v7, v5;
	v7 =	vmul.f32 v12, v23;
	v12 =	vbroadcast v2, $0x6;
	v15 =	vld [tilespmem:s15+$0xB110]  }
0x2ac: {  	v6 =	vadd.f32 v8, v6;
	v8 =	vld [tilespmem:s15+$0xB100]  }
0x2ad: {  	v5 =	vadd.f32 v7, v5;
	v7 =	vmul.f32 v10, v12;
	v10 =	vmul.f32 v13, v12;
	v12 =	vld [tilespmem:s15+$0xB130]  }
0x2ae: {  	v6 =	vadd.f32 v9, v6;
	v9 =	vmul.f32 v14, v4;
	v13 =	vld [tilespmem:s15+$0xB120]  }
0x2af: {  	v5 =	vadd.f32 v7, v5;
	v4 =	vmul.f32 v11, v4;
	v7 =	vbroadcast v2, $0x8;
	v11 =	vld [tilespmem:s15+$0xB150]  }
0x2b0: {  	v6 =	vadd.f32 v10, v6;
	v10 =	vld [tilespmem:s15+$0xB140]  }
0x2b1: {  	v4 =	vadd.f32 v4, v5;
	v5 =	vmul.f32 v8, v7;
	v7 =	vmul.f32 v15, v7;
	v8 =	vld [tilespmem:s15+$0xB170]  }
0x2b2: {  	v6 =	vadd.f32 v9, v6;
	v9 =	vmul.f32 v12, v3;
	v12 =	vld [tilespmem:s15+$0xB160]  }
0x2b3: {  	v4 =	vadd.f32 v5, v4;
	v3 =	vmul.f32 v13, v3;
	v5 =	vbroadcast v2, $0xA;
	v13 =	vld [tilespmem:s15+$0xB190]  }
0x2b4: {  	v6 =	vadd.f32 v7, v6;
	v7 =	vbroadcast v2, $0xB;
	v14 =	vld [tilespmem:s15+$0xB180]  }
0x2b5: {  	v3 =	vadd.f32 v3, v4;
	v4 =	vmul.f32 v10, v5;
	v5 =	vmul.f32 v11, v5;
	v10 =	vld [tilespmem:s15+$0xB1B0]  }
0x2b6: {  	v6 =	vadd.f32 v9, v6;
	v9 =	vbroadcast v2, $0xC;
	v11 =	vld [tilespmem:s15+$0xB1A0]  }
0x2b7: {  	v3 =	vadd.f32 v4, v3;
	v4 =	vmul.f32 v12, v7;
	v7 =	vmul.f32 v8, v7;
	v8 =	vld [tilespmem:s15+$0xB1D0]  }
0x2b8: {  	v5 =	vadd.f32 v5, v6;
	v6 =	vbroadcast v2, $0xD;
	v12 =	vld [tilespmem:s15+$0xB1C0]  }
0x2b9: {  	v3 =	vadd.f32 v4, v3;
	v4 =	vmul.f32 v14, v9;
	v9 =	vmul.f32 v13, v9;
	v13 =	vld [tilespmem:s15+$0xB1F0]  }
0x2ba: {  	v5 =	vadd.f32 v7, v5;
	v7 =	vbroadcast v2, $0xE;
	v14 =	vld [tilespmem:s15+$0xB1E0]  }
0x2bb: {  	v3 =	vadd.f32 v4, v3;
	v4 =	vmul.f32 v11, v6;
	v6 =	vmul.f32 v10, v6;
	v10 =	vld [tilespmem:s15+$0xD010]  }
0x2bc: {  	v2 =	vbroadcast v2, $0xF;
	v5 =	vadd.f32 v9, v5;
	v9 =	vld [tilespmem:s15+$0xD000]  }
0x2bd: {  	v3 =	vadd.f32 v4, v3;
	v4 =	vmul.f32 v12, v7;
	v7 =	vmul.f32 v8, v7;
	v8 =	vld [tilespmem:s15+$0xD030]  }
0x2be: {  	v5 =	vadd.f32 v6, v5;
	v6 =	vbroadcast v1, $0x0;
	v11 =	vld [tilespmem:s15+$0xD020]  }
0x2bf: {  	v3 =	vadd.f32 v4, v3;
	v4 =	vmul.f32 v14, v2;
	v2 =	vmul.f32 v13, v2;
	v12 =	vld [tilespmem:s15+$0xD050]  }
0x2c0: {  	v5 =	vadd.f32 v7, v5;
	v7 =	vbroadcast v1, $0x1;
	v13 =	vld [tilespmem:s15+$0xD040]  }
0x2c1: {  	v3 =	vadd.f32 v4, v3;
	v4 =	vmul.f32 v6, v9;
	v6 =	vmul.f32 v10, v6;
	v9 =	vld [tilespmem:s15+$0xD070]  }
0x2c2: {  	v2 =	vadd.f32 v2, v5;
	v5 =	vbroadcast v1, $0x2;
	v10 =	vld [tilespmem:s15+$0xD060]  }
0x2c3: {  	v3 =	vadd.f32 v4, v3;
	v4 =	vmul.f32 v11, v7;
	v7 =	vmul.f32 v8, v7;
	v8 =	vld [tilespmem:s15+$0xD090]  }
0x2c4: {  	v2 =	vadd.f32 v6, v2;
	v6 =	vbroadcast v1, $0x3;
	v11 =	vld [tilespmem:s15+$0xD080]  }
0x2c5: {  	v3 =	vadd.f32 v4, v3;
	v4 =	vmul.f32 v13, v5;
	v5 =	vmul.f32 v12, v5;
	v12 =	vld [tilespmem:s15+$0xD0B0]  }
0x2c6: {  	v2 =	vadd.f32 v7, v2;
	v7 =	vbroadcast v1, $0x4;
	v13 =	vld [tilespmem:s15+$0xD0A0]  }
0x2c7: {  	v3 =	vadd.f32 v4, v3;
	v4 =	vmul.f32 v10, v6;
	v6 =	vmul.f32 v9, v6;
	v9 =	vld [tilespmem:s15+$0xD0D0]  }
0x2c8: {  	v2 =	vadd.f32 v5, v2;
	v5 =	vbroadcast v1, $0x5;
	v10 =	vld [tilespmem:s15+$0xD0C0]  }
0x2c9: {  	v3 =	vadd.f32 v4, v3;
	v4 =	vmul.f32 v11, v7;
	v7 =	vmul.f32 v8, v7;
	v8 =	vld [tilespmem:s15+$0xD0F0]  }
0x2ca: {  	v2 =	vadd.f32 v6, v2;
	v6 =	vbroadcast v1, $0x6;
	v11 =	vld [tilespmem:s15+$0xD0E0]  }
0x2cb: {  	v3 =	vadd.f32 v4, v3;
	v4 =	vmul.f32 v13, v5;
	v5 =	vmul.f32 v12, v5;
	v12 =	vld [tilespmem:s15+$0xD110]  }
0x2cc: {  	v2 =	vadd.f32 v7, v2;
	v7 =	vbroadcast v1, $0x7;
	v13 =	vld [tilespmem:s15+$0xD100]  }
0x2cd: {  	v3 =	vadd.f32 v4, v3;
	v4 =	vmul.f32 v10, v6;
	v6 =	vmul.f32 v9, v6;
	v9 =	vld [tilespmem:s15+$0xD130]  }
0x2ce: {  	v2 =	vadd.f32 v5, v2;
	v5 =	vbroadcast v1, $0x8;
	v10 =	vld [tilespmem:s15+$0xD120]  }
0x2cf: {  	v3 =	vadd.f32 v4, v3;
	v4 =	vmul.f32 v11, v7;
	v7 =	vmul.f32 v8, v7;
	v8 =	vld [tilespmem:s15+$0xD150]  }
0x2d0: {  	v2 =	vadd.f32 v6, v2;
	v6 =	vbroadcast v1, $0x9;
	v11 =	vld [tilespmem:s15+$0xD140]  }
0x2d1: {  	v3 =	vadd.f32 v4, v3;
	v4 =	vmul.f32 v13, v5;
	v5 =	vmul.f32 v12, v5;
	v12 =	vld [tilespmem:s15+$0xD170]  }
0x2d2: {  	v2 =	vadd.f32 v7, v2;
	v7 =	vbroadcast v1, $0xA;
	v13 =	vld [tilespmem:s15+$0xD160]  }
0x2d3: {  	v3 =	vadd.f32 v4, v3;
	v4 =	vmul.f32 v10, v6;
	v6 =	vmul.f32 v9, v6;
	v9 =	vld [tilespmem:s15+$0xD190]  }
0x2d4: {  	v2 =	vadd.f32 v5, v2;
	v5 =	vbroadcast v1, $0xB;
	v10 =	vld [tilespmem:s15+$0xD180]  }
0x2d5: {  	v3 =	vadd.f32 v4, v3;
	v4 =	vmul.f32 v11, v7;
	v7 =	vmul.f32 v8, v7;
	v8 =	vld [tilespmem:s15+$0xD1B0]  }
0x2d6: {  	v2 =	vadd.f32 v6, v2;
	v6 =	vbroadcast v1, $0xC;
	v11 =	vld [tilespmem:s15+$0xD1A0]  }
0x2d7: {  	v3 =	vadd.f32 v4, v3;
	v4 =	vmul.f32 v13, v5;
	v5 =	vmul.f32 v12, v5;
	v12 =	vld [tilespmem:s15+$0xD1D0]  }
0x2d8: {  	v2 =	vadd.f32 v7, v2;
	v7 =	vbroadcast v1, $0xD;
	v13 =	vld [tilespmem:s15+$0xD1C0]  }
0x2d9: {  	v3 =	vadd.f32 v4, v3;
	v4 =	vmul.f32 v10, v6;
	v6 =	vmul.f32 v9, v6;
	v9 =	vld [tilespmem:s15+$0xD1F0]  }
0x2da: {  	v2 =	vadd.f32 v5, v2;
	v5 =	vbroadcast v1, $0xE;
	v10 =	vld [tilespmem:s15+$0xD1E0]  }
0x2db: {  	v3 =	vadd.f32 v4, v3;
	v4 =	vmul.f32 v11, v7;
	v7 =	vmul.f32 v8, v7;
	v8 =	vld [tilespmem:s15+$0xF010]  }
0x2dc: {  	v1 =	vbroadcast v1, $0xF;
	v2 =	vadd.f32 v6, v2;
	v6 =	vld [tilespmem:s15+$0xF000]  }
0x2dd: {  	v3 =	vadd.f32 v4, v3;
	v4 =	vmul.f32 v13, v5;
	v5 =	vmul.f32 v12, v5;
	v11 =	vld [tilespmem:s15+$0xF030]  }
0x2de: {  	v2 =	vadd.f32 v7, v2;
	v7 =	vbroadcast v0, $0x0;
	v12 =	vld [tilespmem:s15+$0xF020]  }
0x2df: {  	v3 =	vadd.f32 v4, v3;
	v4 =	vmul.f32 v10, v1;
	v1 =	vmul.f32 v9, v1;
	v9 =	vld [tilespmem:s15+$0xF050]  }
0x2e0: {  	v2 =	vadd.f32 v5, v2;
	v5 =	vbroadcast v0, $0x1;
	v10 =	vld [tilespmem:s15+$0xF040]  }
0x2e1: {  	v3 =	vadd.f32 v4, v3;
	v4 =	vmul.f32 v7, v6;
	v6 =	vmul.f32 v8, v7;
	v7 =	vld [tilespmem:s15+$0xF070]  }
0x2e2: {  	v1 =	vadd.f32 v1, v2;
	v2 =	vbroadcast v0, $0x2;
	v8 =	vld [tilespmem:s15+$0xF060]  }
0x2e3: {  	v3 =	vadd.f32 v4, v3;
	v4 =	vmul.f32 v12, v5;
	v5 =	vmul.f32 v11, v5;
	v11 =	vld [tilespmem:s15+$0xF090]  }
0x2e4: {  	v1 =	vadd.f32 v6, v1;
	v6 =	vbroadcast v0, $0x3;
	v12 =	vld [tilespmem:s15+$0xF080]  }
0x2e5: {  	v3 =	vadd.f32 v4, v3;
	v4 =	vmul.f32 v10, v2;
	v2 =	vmul.f32 v9, v2;
	v9 =	vld [tilespmem:s15+$0xF0B0]  }
0x2e6: {  	v1 =	vadd.f32 v5, v1;
	v5 =	vbroadcast v0, $0x4;
	v10 =	vld [tilespmem:s15+$0xF0A0]  }
0x2e7: {  	v3 =	vadd.f32 v4, v3;
	v4 =	vmul.f32 v8, v6;
	v6 =	vmul.f32 v7, v6;
	v7 =	vld [tilespmem:s15+$0xF0D0]  }
0x2e8: {  	v1 =	vadd.f32 v2, v1;
	v2 =	vbroadcast v0, $0x5;
	v8 =	vld [tilespmem:s15+$0xF0C0]  }
0x2e9: {  	v3 =	vadd.f32 v4, v3;
	v4 =	vmul.f32 v12, v5;
	v5 =	vmul.f32 v11, v5;
	v11 =	vld [tilespmem:s15+$0xF0F0]  }
0x2ea: {  	v1 =	vadd.f32 v6, v1;
	v6 =	vbroadcast v0, $0x6;
	v12 =	vld [tilespmem:s15+$0xF0E0]  }
0x2eb: {  	v3 =	vadd.f32 v4, v3;
	v4 =	vmul.f32 v10, v2;
	v2 =	vmul.f32 v9, v2;
	v9 =	vld [tilespmem:s15+$0xF110]  }
0x2ec: {  	v1 =	vadd.f32 v5, v1;
	v5 =	vbroadcast v0, $0x7;
	v10 =	vld [tilespmem:s15+$0xF100]  }
0x2ed: {  	v3 =	vadd.f32 v4, v3;
	v4 =	vmul.f32 v8, v6;
	v6 =	vmul.f32 v7, v6;
	v7 =	vld [tilespmem:s15+$0xF130]  }
0x2ee: {  	v1 =	vadd.f32 v2, v1;
	v2 =	vbroadcast v0, $0x8;
	v8 =	vld [tilespmem:s15+$0xF120]  }
0x2ef: {  	v3 =	vadd.f32 v4, v3;
	v4 =	vmul.f32 v12, v5;
	v5 =	vmul.f32 v11, v5;
	v11 =	vld [tilespmem:s15+$0xF150]  }
0x2f0: {  	v1 =	vadd.f32 v6, v1;
	v6 =	vbroadcast v0, $0x9;
	v12 =	vld [tilespmem:s15+$0xF140]  }
0x2f1: {  	v3 =	vadd.f32 v4, v3;
	v4 =	vmul.f32 v10, v2;
	v2 =	vmul.f32 v9, v2;
	v9 =	vld [tilespmem:s15+$0xF170]  }
0x2f2: {  	v1 =	vadd.f32 v5, v1;
	v5 =	vbroadcast v0, $0xA;
	v10 =	vld [tilespmem:s15+$0xF160]  }
0x2f3: {  	v3 =	vadd.f32 v4, v3;
	v4 =	vmul.f32 v8, v6;
	v6 =	vmul.f32 v7, v6;
	v7 =	vld [tilespmem:s15+$0xF190]  }
0x2f4: {  	v1 =	vadd.f32 v2, v1;
	v2 =	vbroadcast v0, $0xB;
	v8 =	vld [tilespmem:s15+$0xF180]  }
0x2f5: {  	v3 =	vadd.f32 v4, v3;
	v4 =	vmul.f32 v12, v5;
	v5 =	vmul.f32 v11, v5;
	v11 =	vld [tilespmem:s15+$0xF1B0]  }
0x2f6: {  	v1 =	vadd.f32 v6, v1;
	v6 =	vbroadcast v0, $0xC;
	v12 =	vld [tilespmem:s15+$0xF1A0]  }
0x2f7: {  	v3 =	vadd.f32 v4, v3;
	v4 =	vmul.f32 v10, v2;
	v2 =	vmul.f32 v9, v2;
	v9 =	vld [tilespmem:s15+$0xF1D0]  }
0x2f8: {  	v1 =	vadd.f32 v5, v1;
	v5 =	vbroadcast v0, $0xD;
	v10 =	vld [tilespmem:s15+$0xF1C0]  }
0x2f9: {  	v3 =	vadd.f32 v4, v3;
	v4 =	vmul.f32 v8, v6;
	v6 =	vmul.f32 v7, v6;
	v7 =	vld [tilespmem:s15+$0xF1F0]  }
0x2fa: {  	v1 =	vadd.f32 v2, v1;
	v2 =	vbroadcast v0, $0xE;
	v8 =	vld [tilespmem:s15+$0xF1E0]  }
0x2fb: {  	v3 =	vadd.f32 v4, v3;
	v4 =	vmul.f32 v12, v5;
	v5 =	vmul.f32 v11, v5  }
0x2fc: {  	v0 =	vbroadcast v0, $0xF;
	v1 =	vadd.f32 v6, v1  }
0x2fd: {  	v3 =	vadd.f32 v4, v3;
	v4 =	vmul.f32 v10, v2;
	v2 =	vmul.f32 v9, v2  }
.Ltmp1:
0x2fe: {  	v1 =	vadd.f32 v5, v1;
	(pc) =	sbr.rel @p0 .LBB2_5-.Ltmp1, $4  }
0x2ff: {  	v3 =	vadd.f32 v4, v3;
	v4 =	vmul.f32 v8, v0;
	v0 =	vmul.f32 v7, v0  }
0x300: {  	v2 =	vadd.f32 v2, v1  }
0x301: {  	v1 =	vadd.f32 v4, v3  }
0x302: {  	s16 =	smov.u32 s14;
	s17 =	sadd.s32 $0x10, s17;
	v0 =	vadd.f32 v0, v2  }
0x303: {  	s14 =	sshll.u32 s25, $0x9  }
0x304: {  	s14 =	sadd.s32 s22, s14  }
0x305: {  	[tilespmem:s28+$0xFFFFFFF0] =	vst v1;
	s14 =	sshrl.u32 s14, $0x3  }
0x306: {  	s15 =	simm.s32 $0x11200;
	[tilespmem:s28+$0x0] =	vst v0;
	s14 =	sadd.s32 s12, s14  }
0x307: {  	[hbm4b:s14+s2] =	stream.linear.scatter [tilespmem:s15], [sflag:$0x5], $0x200, $0x38;
	[tilespmem:$0x11400] =	vst v63  }
0x308: {  	_ =	swait.ge [sflag:s19], $0x200  }
0x309: {  	[sflag:s19] =	ssyncset.done $0x0  }
0x30a: {  	[sflag:s19] =	ssyncadd.s32 $0xFFFFFE00  }
0x30b: {  	_ =	swait.ge [sflag:s3], $0x100  }
0x30c: {  	[sflag:s3] =	ssyncset.done $0x0  }
0x30d: {  	[sflag:s3] =	ssyncadd.s32 $0xFFFFFF00  }
0x30e: {  	_ =	swait.ge [sflag:s3], $0x100  }
0x30f: {  	[sflag:s3] =	ssyncset.done $0x0  }
0x310: {  	[sflag:s3] =	ssyncadd.s32 $0xFFFFFF00  }
0x311: {  	_ =	swait.ge [sflag:s3], $0x100  }
0x312: {  	[sflag:s3] =	ssyncset.done $0x0  }
0x313: {  	[sflag:s3] =	ssyncadd.s32 $0xFFFFFF00  }
0x314: {  	_ =	swait.ge [sflag:s3], $0x100  }
0x315: {  	[sflag:s3] =	ssyncset.done $0x0  }
0x316: {  	[sflag:s3] =	ssyncadd.s32 $0xFFFFFF00  }
0x317: {  	_ =	swait.ge [sflag:s3], $0x100  }
0x318: {  	[sflag:s3] =	ssyncset.done $0x0  }
0x319: {  	[sflag:s3] =	ssyncadd.s32 $0xFFFFFF00  }
0x31a: {  	_ =	swait.ge [sflag:s3], $0x100  }
0x31b: {  	[sflag:s3] =	ssyncset.done $0x0  }
0x31c: {  	[sflag:s3] =	ssyncadd.s32 $0xFFFFFF00  }
0x31d: {  	_ =	swait.ge [sflag:s3], $0x100  }
0x31e: {  	[sflag:s3] =	ssyncset.done $0x0  }
0x31f: {  	[sflag:s3] =	ssyncadd.s32 $0xFFFFFF00  }
0x320: {  	_ =	swait.ge [sflag:s3], $0x100  }
0x321: {  	[sflag:s3] =	ssyncset.done $0x0  }
0x322: {  	s16 =	simm.s32 $0x1000;
	[sflag:s3] =	ssyncadd.s32 $0xFFFFFF00  }
0x323: {  	[tilespmem:s16], [sflag:$0x3] =	stream.indirect.gather [hbm4b:s1+s13], $0x20, s2, s13, $0xb8;
	[tilespmem:$0x11400] =	vst v63  }
0x324: {  	s17 =	simm.s32 $0x2000  }
0x325: {  	[tilespmem:s17], [sflag:$0x3] =	stream.indirect.gather [hbm4b:s1+s13], $0x20, s13, s13, $0xb8;
	[tilespmem:$0x11400] =	vst v63  }
0x326: {  	s23 =	simm.s32 $0x3000  }
0x327: {  	[tilespmem:s23], [sflag:$0x3] =	stream.indirect.gather [hbm4b:s1+s13], $0x20, s26, s13, $0xb8;
	[tilespmem:$0x11400] =	vst v63  }
0x328: {  	s25 =	simm.s32 $0x180;
	s28 =	simm.s32 $0x4000  }
0x329: {  	[tilespmem:s28], [sflag:$0x3] =	stream.indirect.gather [hbm4b:s1+s13], $0x20, s25, s13, $0xb8;
	[tilespmem:$0x11400] =	vst v63  }
0x32a: {  	s24 =	sadd.s32 $0x1, s24;
	s15 =	simm.s32 $0x5000  }
0x32b: {  	[tilespmem:s15], [sflag:$0x3] =	stream.indirect.gather [hbm4b:s1+s13], $0x20, s29, s13, $0xb8;
	[tilespmem:$0x11400] =	vst v63  }
0x32c: {  	p0 =	sne.s32 s24, $0xAA;
	s16 =	simm.s32 $0x280;
	s17 =	simm.s32 $0x6000  }
0x32d: {  	[tilespmem:s17], [sflag:$0x3] =	stream.indirect.gather [hbm4b:s1+s13], $0x20, s16, s13, $0xb8;
	[tilespmem:$0x11400] =	vst v63  }
.Ltmp2:
0x32e: {  	_ = 	snop;
	(pc) =	sbr.rel @p0 .LBB2_2-.Ltmp2, $4  }
0x32f: {  	s23 =	simm.s32 $0x7000  }
0x330: {  	[tilespmem:s23], [sflag:$0x3] =	stream.indirect.gather [hbm4b:s1+s13], $0x20, s31, s13, $0xb8;
	[tilespmem:$0x11400] =	vst v63  }
0x331: {  	s25 =	simm.s32 $0x380;
	s28 =	simm.s32 $0x8000  }
0x332: {  	[tilespmem:s28], [sflag:$0x3] =	stream.indirect.gather [hbm4b:s1+s13], $0x20, s25, s13, $0xb8;
	[tilespmem:$0x11400] =	vst v63  }
0x333: {  	_ =	swait.ge [sflag:s0], $0x1000  }
0x334: {  	[sflag:s0] =	ssyncset.done $0x0  }
0x335: {  	[sflag:s0] =	ssyncadd.s32 $0xFFFFF000  }
0x336: {  	_ =	swait.ge [sflag:s0], $0x1000  }
0x337: {  	[sflag:s0] =	ssyncset.done $0x0  }
0x338: {  	[sflag:s0] =	ssyncadd.s32 $0xFFFFF000  }
0x339: {  	_ =	swait.ge [sflag:s0], $0x1000  }
0x33a: {  	[sflag:s0] =	ssyncset.done $0x0  }
0x33b: {  	[sflag:s0] =	ssyncadd.s32 $0xFFFFF000  }
0x33c: {  	_ =	swait.ge [sflag:s0], $0x1000  }
0x33d: {  	[sflag:s0] =	ssyncset.done $0x0  }
0x33e: {  	[sflag:s0] =	ssyncadd.s32 $0xFFFFF000  }
0x33f: {  	_ =	swait.ge [sflag:s0], $0x1000  }
0x340: {  	[sflag:s0] =	ssyncset.done $0x0  }
0x341: {  	[sflag:s0] =	ssyncadd.s32 $0xFFFFF000  }
0x342: {  	_ =	swait.ge [sflag:s0], $0x1000  }
0x343: {  	[sflag:s0] =	ssyncset.done $0x0  }
0x344: {  	[sflag:s0] =	ssyncadd.s32 $0xFFFFF000  }
0x345: {  	_ =	swait.ge [sflag:s0], $0x1000  }
0x346: {  	[sflag:s0] =	ssyncset.done $0x0  }
0x347: {  	[sflag:s0] =	ssyncadd.s32 $0xFFFFF000  }
0x348: {  	_ =	swait.ge [sflag:s0], $0x1000  }
0x349: {  	s15 =	rddreg [dreg:$0xe]  }
0x34a: {  	s14 =	rddreg [dreg:$0xd];
	s15 =	sadd.s32 $0x1, s15  }
0x34b: {  	p0 =	sne.s32 s15, s14  }
.Ltmp3:
0x34c: {  	_ = 	snop;
	(pc) =	sbr.rel @p0 .LBB2_1-.Ltmp3, $3  }
0x34d: {  	_ =	sdelay $0x1  }
0x34e: {  	[sflag:s0] =	ssyncset.done $0x0  }
0x34f: {  	[sflag:s0] =	ssyncadd.s32 $0xFFFFF000  }
0x350: {  	_ =	sfence.sel $0x180000  }
0x351: {  	[bflag:$0x0] =	sbarrier.arrive $0xFFFF  }
0x352: {  	_ =	strace $0x90000047  }
0x353: {  	s0 =	stileid.u32;
	[bflag:$0x2] =	sbarrier.arrive $0xFFFF  }
0x354: {  	p0 =	sne.s32 s0, $0x0;
	s0 =	rddreg [dreg:$0x2]  }
0x355: {  	s0 =	sadd.s32 @!p0 $0x100000, s0  }
0x356: {  	[sflag:s0] =	ssyncadd.tile.s32 @!p0 $0x1;
	_ =	shalt  }
.Lfunc_end2:
_tile_overlayer_lowered:
.L_overlay_start_2:
0x357: {  	(tag) =	ssettag $0x2  }
0x358: {  	s0 =	rddreg [dreg:$0x0];
	s2 =	stileid.u32  }
0x359: {  	s1 =	rddreg [dreg:$0x1];
	p0 =	sne.s32 s2, $0x0  }
0x35a: {  	s3 =	rddreg [dreg:$0x2];
	[bflag:$0x3] =	sbarrier.arrive $0xFFFF;
	s2 =	simm.s32 @!p0 $0x1C05  }
0x35b: {  	[timem:s3], [sflag:s2] =	dma.local @!p0 [hbm:s0], s1  }
0x35c: {  	s0 =	simm.s32 @!p0 $0x5  }
0x35d: {  	_ =	swait.ge @!p0 [sflag:s0], s1  }
0x35e: {  	s1 =	ssub.s32 @!p0 $0x0, s1;
	[sflag:s0] =	ssyncset.done @!p0 $0x0  }
0x35f: {  	[sflag:s0] =	ssyncadd.s32 @!p0 s1  }
0x360: {  	[bflag:$0x3] =	sbarrier.arrive $0xFFFF  }
0x361: {  	_ =	shalt  }

</sc_bundles>
